<compile_context>
chip_gen: v7x
topology: tpu7x:2x2x1
jax: 0.10.2.dev20260603
libtpu: 0.0.44.dev20260713+nightly
codegen_flags: <defaults>
</compile_context>

<pallas_src>
import functools

import jax
import jax.numpy as jnp
from jax import lax
from jax.experimental import pallas as pl
from jax.experimental.pallas import tpu as pltpu
from jax.experimental.pallas import tpu_sc as plsc

N_NODES = 10000
N_EDGES = 320000
D = 128

NUM_CORES = 2
NUM_SUBCORES = 16
NUM_TILES = NUM_CORES * NUM_SUBCORES

CHUNK = 128
BC = 16
BLOCKS = 5
CHUNKS_PER_TILE = BC * BLOCKS
TOTAL_CHUNKS = CHUNKS_PER_TILE * NUM_TILES
E_PAD = TOTAL_CHUNKS * CHUNK
B0 = 9
B1 = 1
CORE0_CHUNKS = NUM_SUBCORES * B0 * BC
ACC_ROWS = 10112
ZROWS = ACC_ROWS // NUM_SUBCORES
DEG_W = 16

_mesh = plsc.VectorSubcoreMesh(core_axis_name="c", subcore_axis_name="s")



@functools.partial(
    pl.kernel,
    out_type=jax.ShapeDtypeStruct((NUM_CORES, ACC_ROWS, D), jnp.float32),
    mesh=_mesh,
    scratch_types=[
        pltpu.VMEM((CHUNKS_PER_TILE, CHUNK), jnp.int32),
        pltpu.VMEM((CHUNK, D), jnp.float32),
        pltpu.VMEM_SHARED((ACC_ROWS, D), jnp.float32),
    ],
)
def _sc_degree(dstp_hbm, zrows_hbm, ones_hbm, out_hbm, dst_v, ones_v, deg_sh):
    cid = lax.axis_index("c")
    sid = lax.axis_index("s")
    wid = cid * NUM_SUBCORES + sid
    zbase = sid * ZROWS
    pltpu.sync_copy(zrows_hbm, deg_sh.at[pl.ds(zbase, ZROWS)])
    pltpu.sync_copy(ones_hbm, ones_v)
    pltpu.sync_copy(dstp_hbm.at[pl.ds(wid * CHUNKS_PER_TILE, CHUNKS_PER_TILE)],
                    dst_v)
    plsc.subcore_barrier()

    def body(j, carry):
        pltpu.sync_copy(ones_v, deg_sh.at[dst_v.at[j]], add=True)
        return carry

    lax.fori_loop(0, CHUNKS_PER_TILE, body, 0)
    plsc.subcore_barrier()
    pltpu.sync_copy(deg_sh.at[pl.ds(zbase, ZROWS)],
                    out_hbm.at[cid, pl.ds(zbase, ZROWS)])


@functools.partial(
    pl.kernel,
    out_type=jax.ShapeDtypeStruct((NUM_CORES, ACC_ROWS, D), jnp.float32),
    mesh=_mesh,
    scratch_types=[
        pltpu.VMEM((BC, CHUNK), jnp.int32),
        pltpu.VMEM((BC, CHUNK), jnp.int32),
        pltpu.VMEM((BC, CHUNK), jnp.int32),
        pltpu.VMEM((BC, CHUNK), jnp.int32),
        pltpu.VMEM((CHUNK, D), jnp.float32),
        pltpu.VMEM((CHUNK, D), jnp.float32),
        pltpu.VMEM_SHARED((ACC_ROWS, D), jnp.float32),
        pltpu.SemaphoreType.DMA,
        pltpu.SemaphoreType.DMA,
        pltpu.SemaphoreType.DMA,
        pltpu.SemaphoreType.DMA,
        pltpu.SemaphoreType.DMA,
    ],
)
def _sc_segsum(y_hbm, srcp_hbm, dstp_hbm, zrows_hbm, out_hbm,
               src_e, src_o, dst_e, dst_o, rows_e, rows_o, acc_sh,
               sem_idx, sem_ge, sem_go, sem_se, sem_so):
    cid = lax.axis_index("c")
    sid = lax.axis_index("s")
    zbase = sid * ZROWS
    pltpu.sync_copy(zrows_hbm, acc_sh.at[pl.ds(zbase, ZROWS)])

    def run_tile(cbase, nblocks):
        pltpu.sync_copy(srcp_hbm.at[pl.ds(cbase, BC)], src_e)
        pltpu.sync_copy(dstp_hbm.at[pl.ds(cbase, BC)], dst_e)
        for b in range(nblocks):
            src_blk, dst_blk = (src_e, dst_e) if b % 2 == 0 else (src_o, dst_o)
            src_nxt, dst_nxt = (src_o, dst_o) if b % 2 == 0 else (src_e, dst_e)
            if b + 1 < nblocks:
                pltpu.async_copy(srcp_hbm.at[pl.ds(cbase + (b + 1) * BC, BC)],
                                 src_nxt, sem_idx)
                pltpu.async_copy(dstp_hbm.at[pl.ds(cbase + (b + 1) * BC, BC)],
                                 dst_nxt, sem_idx)
            pltpu.async_copy(y_hbm.at[src_blk.at[0]], rows_e, sem_ge)

            def body(j, carry):
                @pl.when(j % 2 == 0)
                def _():
                    pltpu.make_async_copy(y_hbm.at[src_blk.at[j]], rows_e,
                                          sem_ge).wait()

                    @pl.when(j + 1 < BC)
                    def _():
                        @pl.when(j > 0)
                        def _():
                            pltpu.make_async_copy(
                                rows_o, acc_sh.at[dst_blk.at[j - 1]],
                                sem_so).wait()
                        pltpu.async_copy(y_hbm.at[src_blk.at[j + 1]], rows_o,
                                         sem_go)
                    pltpu.async_copy(rows_e, acc_sh.at[dst_blk.at[j]], sem_se,
                                     add=True)

                @pl.when(j % 2 == 1)
                def _():
                    pltpu.make_async_copy(y_hbm.at[src_blk.at[j]], rows_o,
                                          sem_go).wait()

                    @pl.when(j + 1 < BC)
                    def _():
                        pltpu.make_async_copy(rows_e,
                                              acc_sh.at[dst_blk.at[j - 1]],
                                              sem_se).wait()
                        pltpu.async_copy(y_hbm.at[src_blk.at[j + 1]], rows_e,
                                         sem_ge)
                    pltpu.async_copy(rows_o, acc_sh.at[dst_blk.at[j]], sem_so,
                                     add=True)

                return carry

            lax.fori_loop(0, BC, body, 0)
            pltpu.make_async_copy(rows_e, acc_sh.at[dst_blk.at[BC - 2]],
                                  sem_se).wait()
            pltpu.make_async_copy(rows_o, acc_sh.at[dst_blk.at[BC - 1]],
                                  sem_so).wait()
            if b + 1 < nblocks:
                pltpu.make_async_copy(
                    srcp_hbm.at[pl.ds(cbase + (b + 1) * BC, BC)],
                    src_nxt, sem_idx).wait()
                pltpu.make_async_copy(
                    dstp_hbm.at[pl.ds(cbase + (b + 1) * BC, BC)],
                    dst_nxt, sem_idx).wait()

    @pl.when(cid == 0)
    def _():
        run_tile(sid * B0 * BC, B0)

    @pl.when(cid == 1)
    def _():
        run_tile(CORE0_CHUNKS + sid * B1 * BC, B1)

    plsc.subcore_barrier()
    pltpu.sync_copy(acc_sh.at[pl.ds(zbase, ZROWS)],
                    out_hbm.at[cid, pl.ds(zbase, ZROWS)])



_R = 1000


def _tc_scale_matmul_body(degp_ref, x_ref, w_ref, o_ref):
    dis = lax.rsqrt(degp_ref[0] + degp_ref[1] + 1.0)
    o_ref[...] = dis * jnp.dot(x_ref[...], w_ref[...],
                               preferred_element_type=jnp.float32)


def _tc_combine_relu_matmul_body(acc_ref, y_ref, degp_ref, b_ref, w_ref, o_ref):
    dis = lax.rsqrt(degp_ref[0] + degp_ref[1] + 1.0)
    h = dis * (acc_ref[0] + acc_ref[1] + y_ref[...]) + b_ref[...]
    h = jnp.maximum(h, 0.0)
    o_ref[...] = dis * jnp.dot(h, w_ref[...],
                               preferred_element_type=jnp.float32)


def _tc_combine_body(acc_ref, y_ref, degp_ref, b_ref, o_ref):
    dis = lax.rsqrt(degp_ref[0] + degp_ref[1] + 1.0)
    o_ref[...] = dis * (acc_ref[0] + acc_ref[1] + y_ref[...]) + b_ref[...]


_DEG_SPEC = pl.BlockSpec((NUM_CORES, _R, 1), lambda i: (0, i, 0))
_ROW_SPEC = pl.BlockSpec((_R, D), lambda i: (i, 0))
_ACC_SPEC = pl.BlockSpec((NUM_CORES, _R, D), lambda i: (0, i, 0))
_W_SPEC = pl.BlockSpec((D, D), lambda i: (0, 0))
_B_SPEC = pl.BlockSpec((1, D), lambda i: (0, 0))
_OUT_ROWS = jax.ShapeDtypeStruct((N_NODES, D), jnp.float32)


def _tc_scale_matmul(degp, x, w):
    return pl.pallas_call(
        _tc_scale_matmul_body,
        grid=(N_NODES // _R,),
        in_specs=[_DEG_SPEC, _ROW_SPEC, _W_SPEC],
        out_specs=_ROW_SPEC,
        out_shape=_OUT_ROWS,
    )(degp, x, w)


def _tc_combine_relu_matmul(acc, y, degp, b, w):
    return pl.pallas_call(
        _tc_combine_relu_matmul_body,
        grid=(N_NODES // _R,),
        in_specs=[_ACC_SPEC, _ROW_SPEC, _DEG_SPEC, _B_SPEC, _W_SPEC],
        out_specs=_ROW_SPEC,
        out_shape=_OUT_ROWS,
    )(acc, y, degp, b, w)


def _tc_combine(acc, y, degp, b):
    return pl.pallas_call(
        _tc_combine_body,
        grid=(N_NODES // _R,),
        in_specs=[_ACC_SPEC, _ROW_SPEC, _DEG_SPEC, _B_SPEC],
        out_specs=_ROW_SPEC,
        out_shape=_OUT_ROWS,
    )(acc, y, degp, b)



def kernel(x, train_pos_edge_index, W1, b1, W2, b2):
    src = train_pos_edge_index[0].astype(jnp.int32)
    dst = train_pos_edge_index[1].astype(jnp.int32)
    npad = E_PAD - N_EDGES
    srcp = jnp.concatenate([src, jnp.zeros((npad,), jnp.int32)])
    dst_sink = N_NODES + (jnp.arange(npad, dtype=jnp.int32)
                          % (ACC_ROWS - N_NODES))
    dstp = jnp.concatenate([dst, dst_sink])
    srcp = srcp.reshape(TOTAL_CHUNKS, CHUNK)
    dstp = dstp.reshape(TOTAL_CHUNKS, CHUNK)

    zrows = jnp.zeros((ZROWS, D), jnp.float32)
    ones_rows = jnp.ones((CHUNK, D), jnp.float32)
    b1r = b1.reshape(1, D)
    b2r = b2.reshape(1, D)

    degp = _sc_degree(dstp, zrows, ones_rows)[:, :, :1]
    y1 = _tc_scale_matmul(degp, x, W1)
    acc1 = _sc_segsum(y1, srcp, dstp, zrows)
    y2 = _tc_combine_relu_matmul(acc1, y1, degp, b1r, W2)
    acc2 = _sc_segsum(y2, srcp, dstp, zrows)
    z = _tc_combine(acc2, y2, degp, b2r)
    return z

# --- scband reference (transcript-rebuilt; emitter-appended) ---
"""Pipeline reference for scband-concept-gae-18408229830962 (READ-ONLY COPY).

The authoritative reference and input builder live on the scoring server;
editing this copy changes nothing except your own understanding.
"""

import jax, jax.numpy as jnp
import numpy as np

N_NODES = 10000
N_EDGES = 320000
D_IN = 128
D_HID = 128
D_OUT = 128


def _gcn_conv(x, src, dst, W, b, num_nodes):
    # GCN: D^{-1/2} (A + I) D^{-1/2} X W + b, with self-loops already appended to src/dst
    deg = jnp.zeros((num_nodes,), dtype=x.dtype).at[dst].add(1.0)
    deg_inv_sqrt = jnp.power(deg, -0.5)
    norm = deg_inv_sqrt[src] * deg_inv_sqrt[dst]
    xw = x @ W
    msgs = xw[src] * norm[:, None]
    out = jnp.zeros((num_nodes, W.shape[1]), dtype=x.dtype).at[dst].add(msgs)
    return out + b


def setup_inputs(seed: int = 0):
    key = jax.random.key(seed)
    k1, k2, k3, k4, k5, k6 = jax.random.split(key, 6)
    x = jax.random.normal(k1, (N_NODES, D_IN), dtype=jnp.float32)
    train_pos_edge_index = jax.random.randint(k2, (2, N_EDGES), 0, N_NODES)
    W1 = jax.random.normal(k3, (D_IN, D_HID), dtype=jnp.float32) * (1.0 / np.sqrt(D_IN))
    b1 = jnp.zeros((D_HID,), dtype=jnp.float32)
    W2 = jax.random.normal(k4, (D_HID, D_OUT), dtype=jnp.float32) * (1.0 / np.sqrt(D_HID))
    b2 = jnp.zeros((D_OUT,), dtype=jnp.float32)
    return {"x": x, "train_pos_edge_index": train_pos_edge_index, "W1": W1, "b1": b1, "W2": W2, "b2": b2}


def reference(x, train_pos_edge_index, W1, b1, W2, b2):
    # mode='base' path: x passed straight to GAE encoder (2-layer GCN)
    num_nodes = x.shape[0]
    loops = jnp.arange(num_nodes, dtype=train_pos_edge_index.dtype)
    src = jnp.concatenate([train_pos_edge_index[0], loops])
    dst = jnp.concatenate([train_pos_edge_index[1], loops])
    h = _gcn_conv(x, src, dst, W1, b1, num_nodes)
    h = jax.nn.relu(h)
    z = _gcn_conv(h, src, dst, W2, b2, num_nodes)
    return z

if __name__ == "__main__":
    import jax
    _d = setup_inputs()
    print(jax.jit(kernel)(*tuple(_d.values())))

</pallas_src>

<mosaic_0001>
#map = affine_map<(d0, d1) -> (0, 0)>
#map1 = affine_map<(d0, d1) -> (0, 0, 0)>
module attributes {stable_mosaic.version = 14 : i64} {
  func.func @_sc_segsum(%arg0: i32, %arg1: i32, %arg2: memref<10000x128xf32, #tpu.memory_space<hbm>>, %arg3: memref<2560x128xi32, #tpu.memory_space<hbm>>, %arg4: memref<2560x128xi32, #tpu.memory_space<hbm>>, %arg5: memref<632x128xf32, #tpu.memory_space<hbm>>, %arg6: memref<2x10112x128xf32, #tpu.memory_space<hbm>>, %arg7: memref<16x128xi32, #tpu.memory_space<vmem>>, %arg8: memref<16x128xi32, #tpu.memory_space<vmem>>, %arg9: memref<16x128xi32, #tpu.memory_space<vmem>>, %arg10: memref<16x128xi32, #tpu.memory_space<vmem>>, %arg11: memref<128x128xf32, #tpu.memory_space<vmem>>, %arg12: memref<128x128xf32, #tpu.memory_space<vmem>>, %arg13: memref<10112x128xf32, #tpu.memory_space<vmem_shared>>, %arg14: memref<!tpu.dma_semaphore, #tpu.memory_space<semaphore_mem>>, %arg15: memref<!tpu.dma_semaphore, #tpu.memory_space<semaphore_mem>>, %arg16: memref<!tpu.dma_semaphore, #tpu.memory_space<semaphore_mem>>, %arg17: memref<!tpu.dma_semaphore, #tpu.memory_space<semaphore_mem>>, %arg18: memref<!tpu.dma_semaphore, #tpu.memory_space<semaphore_mem>>) attributes {dimension_semantics = [#tpu.dimension_semantics<core_parallel>, #tpu.dimension_semantics<subcore_parallel>], iteration_bounds = array<i64: 2, 16>, scalar_prefetch = 0 : i64, scratch_operands = 12 : i64, tpu.core_type = #tpu.core_type<sc_vector_subcore>, window_params = [{transform_indices = #map}, {transform_indices = #map}, {transform_indices = #map}, {transform_indices = #map}, {transform_indices = #map1}]} {
    %mul3A = arith.constant 632 : i32
    %mul3A_0 = arith.muli %arg1, %mul3A : i32
    "tpu.region"() ({
      %run_scoped3A = tpu.sem_alloc : memref<!tpu.dma_semaphore, #tpu.memory_space<semaphore_mem>>
      %dma_start3A = arith.constant 0 : i32
      %dma_start3A_8 = tpu.memref_slice %arg13[%mul3A_0, %dma_start3A] : memref<10112x128xf32, #tpu.memory_space<vmem_shared>> -> memref<632x128xf32, #tpu.memory_space<vmem_shared>>
      tpu.enqueue_dma source(%arg5 : memref<632x128xf32, #tpu.memory_space<hbm>>) target(%dma_start3A_8 : memref<632x128xf32, #tpu.memory_space<vmem_shared>>) target_semaphore(%run_scoped3A : memref<!tpu.dma_semaphore, #tpu.memory_space<semaphore_mem>>)
      %dma_wait3A = arith.constant 0 : i32
      %dma_wait3A_9 = tpu.memref_slice %arg13[%mul3A_0, %dma_wait3A] : memref<10112x128xf32, #tpu.memory_space<vmem_shared>> -> memref<632x128xf32, #tpu.memory_space<vmem_shared>>
      tpu.wait_dma2 semaphore(%run_scoped3A : memref<!tpu.dma_semaphore, #tpu.memory_space<semaphore_mem>>) src(%arg5 : memref<632x128xf32, #tpu.memory_space<hbm>>) dst(%dma_wait3A_9 : memref<632x128xf32, #tpu.memory_space<vmem_shared>>)
      tpu.yield
    }) : () -> ()
    %eq3A = arith.constant 0 : i32
    %eq3A_1 = arith.cmpi eq, %arg0, %eq3A : i32
    %convert_element_type3A = arith.extui %eq3A_1 : i1 to i32
    %cond3A = arith.constant 0 : i32
    %cond3A_2 = arith.cmpi ne, %convert_element_type3A, %cond3A : i32
    scf.if %cond3A_2 {
      %mul3A_8 = arith.constant 9 : i32
      %mul3A_9 = arith.muli %arg1, %mul3A_8 : i32
      %mul3A_10 = arith.constant 16 : i32
      %mul3A_11 = arith.muli %mul3A_9, %mul3A_10 : i32
      "tpu.region"() ({
        %run_scoped3A = tpu.sem_alloc : memref<!tpu.dma_semaphore, #tpu.memory_space<semaphore_mem>>
        %dma_start3A_443 = arith.constant 0 : i32
        %dma_start3A_444 = tpu.memref_slice %arg3[%mul3A_11, %dma_start3A_443] : memref<2560x128xi32, #tpu.memory_space<hbm>> -> memref<16x128xi32, #tpu.memory_space<hbm>>
        %dma_start3A_445 = arith.constant 0 : i32
        %dma_start3A_446 = tpu.memref_slice %arg3[%mul3A_11, %dma_start3A_445] : memref<2560x128xi32, #tpu.memory_space<hbm>> -> memref<16x128xi32, #tpu.memory_space<hbm>>
        tpu.enqueue_dma source(%dma_start3A_446 : memref<16x128xi32, #tpu.memory_space<hbm>>) target(%arg7 : memref<16x128xi32, #tpu.memory_space<vmem>>) target_semaphore(%run_scoped3A : memref<!tpu.dma_semaphore, #tpu.memory_space<semaphore_mem>>)
        %dma_wait3A_447 = arith.constant 0 : i32
        %dma_wait3A_448 = tpu.memref_slice %arg3[%mul3A_11, %dma_wait3A_447] : memref<2560x128xi32, #tpu.memory_space<hbm>> -> memref<16x128xi32, #tpu.memory_space<hbm>>
        %dma_wait3A_449 = arith.constant 0 : i32
        %dma_wait3A_450 = tpu.memref_slice %arg3[%mul3A_11, %dma_wait3A_449] : memref<2560x128xi32, #tpu.memory_space<hbm>> -> memref<16x128xi32, #tpu.memory_space<hbm>>
        tpu.wait_dma2 semaphore(%run_scoped3A : memref<!tpu.dma_semaphore, #tpu.memory_space<semaphore_mem>>) src(%dma_wait3A_450 : memref<16x128xi32, #tpu.memory_space<hbm>>) dst(%arg7 : memref<16x128xi32, #tpu.memory_space<vmem>>)
        tpu.yield
      }) : () -> ()
      "tpu.region"() ({
        %run_scoped3A = tpu.sem_alloc : memref<!tpu.dma_semaphore, #tpu.memory_space<semaphore_mem>>
        %dma_start3A_443 = arith.constant 0 : i32
        %dma_start3A_444 = tpu.memref_slice %arg4[%mul3A_11, %dma_start3A_443] : memref<2560x128xi32, #tpu.memory_space<hbm>> -> memref<16x128xi32, #tpu.memory_space<hbm>>
        %dma_start3A_445 = arith.constant 0 : i32
        %dma_start3A_446 = tpu.memref_slice %arg4[%mul3A_11, %dma_start3A_445] : memref<2560x128xi32, #tpu.memory_space<hbm>> -> memref<16x128xi32, #tpu.memory_space<hbm>>
        tpu.enqueue_dma source(%dma_start3A_446 : memref<16x128xi32, #tpu.memory_space<hbm>>) target(%arg9 : memref<16x128xi32, #tpu.memory_space<vmem>>) target_semaphore(%run_scoped3A : memref<!tpu.dma_semaphore, #tpu.memory_space<semaphore_mem>>)
        %dma_wait3A_447 = arith.constant 0 : i32
        %dma_wait3A_448 = tpu.memref_slice %arg4[%mul3A_11, %dma_wait3A_447] : memref<2560x128xi32, #tpu.memory_space<hbm>> -> memref<16x128xi32, #tpu.memory_space<hbm>>
        %dma_wait3A_449 = arith.constant 0 : i32
        %dma_wait3A_450 = tpu.memref_slice %arg4[%mul3A_11, %dma_wait3A_449] : memref<2560x128xi32, #tpu.memory_space<hbm>> -> memref<16x128xi32, #tpu.memory_space<hbm>>
        tpu.wait_dma2 semaphore(%run_scoped3A : memref<!tpu.dma_semaphore, #tpu.memory_space<semaphore_mem>>) src(%dma_wait3A_450 : memref<16x128xi32, #tpu.memory_space<hbm>>) dst(%arg9 : memref<16x128xi32, #tpu.memory_space<vmem>>)
        tpu.yield
      }) : () -> ()
      %add3A = arith.constant 16 : i32
      %add3A_12 = arith.addi %mul3A_11, %add3A : i32
      %dma_start3A = arith.constant 0 : i32
      %dma_start3A_13 = tpu.memref_slice %arg3[%add3A_12, %dma_start3A] : memref<2560x128xi32, #tpu.memory_space<hbm>> -> memref<16x128xi32, #tpu.memory_space<hbm>>
      %dma_start3A_14 = arith.constant 0 : i32
      %dma_start3A_15 = tpu.memref_slice %arg3[%add3A_12, %dma_start3A_14] : memref<2560x128xi32, #tpu.memory_space<hbm>> -> memref<16x128xi32, #tpu.memory_space<hbm>>
      tpu.enqueue_dma source(%dma_start3A_15 : memref<16x128xi32, #tpu.memory_space<hbm>>) target(%arg8 : memref<16x128xi32, #tpu.memory_space<vmem>>) target_semaphore(%arg14 : memref<!tpu.dma_semaphore, #tpu.memory_space<semaphore_mem>>)
      %add3A_16 = arith.constant 16 : i32
      %add3A_17 = arith.addi %mul3A_11, %add3A_16 : i32
      %dma_start3A_18 = arith.constant 0 : i32
      %dma_start3A_19 = tpu.memref_slice %arg4[%add3A_17, %dma_start3A_18] : memref<2560x128xi32, #tpu.memory_space<hbm>> -> memref<16x128xi32, #tpu.memory_space<hbm>>
      %dma_start3A_20 = arith.constant 0 : i32
      %dma_start3A_21 = tpu.memref_slice %arg4[%add3A_17, %dma_start3A_20] : memref<2560x128xi32, #tpu.memory_space<hbm>> -> memref<16x128xi32, #tpu.memory_space<hbm>>
      tpu.enqueue_dma source(%dma_start3A_21 : memref<16x128xi32, #tpu.memory_space<hbm>>) target(%arg10 : memref<16x128xi32, #tpu.memory_space<vmem>>) target_semaphore(%arg14 : memref<!tpu.dma_semaphore, #tpu.memory_space<semaphore_mem>>)
      %dma_start3A_22 = arith.constant 0 : i32
      %dma_start3A_23 = arith.constant 0 : i32
      %dma_start3A_24 = tpu.memref_slice %arg7[%dma_start3A_22, %dma_start3A_23] : memref<16x128xi32, #tpu.memory_space<vmem>> -> memref<1x128xi32, #tpu.memory_space<vmem>>
      %dma_start3A_25 = tpu.memref_squeeze %dma_start3A_24 : memref<1x128xi32, #tpu.memory_space<vmem>> -> memref<128xi32, #tpu.memory_space<vmem>>
      %dma_start3A_26 = arith.constant 0 : i32
      %dma_start3A_27 = arith.constant 0 : i32
      %dma_start3A_28 = tpu.memref_slice %arg2[%dma_start3A_26, %dma_start3A_27] : memref<10000x128xf32, #tpu.memory_space<hbm>> -> memref<10000x128xf32, #tpu.memory_space<hbm>>
      tpu.enqueue_indirect_dma source(%dma_start3A_28 : memref<10000x128xf32, #tpu.memory_space<hbm>>) target(%arg11 : memref<128x128xf32, #tpu.memory_space<vmem>>) offsets(%dma_start3A_25 : memref<128xi32, #tpu.memory_space<vmem>>) semaphore(%arg15 : memref<!tpu.dma_semaphore, #tpu.memory_space<semaphore_mem>>)
      %scan3A = arith.constant 0 : i32
      %scan3A_29 = arith.constant 0 : i32
      %scan3A_30 = arith.constant 16 : i32
      %scan3A_31 = arith.addi %scan3A_29, %scan3A_30 : i32
      %scan3A_32 = arith.constant 1 : i32
      scf.for %scan3A_443 = %scan3A_29 to %scan3A_31 step %scan3A_32  : i32 {
        %jit3A = arith.constant 2 : i32
        %eq3A_444 = arith.constant 0 : i32
        %eq3A_445 = arith.cmpi eq, %jit3A, %eq3A_444 : i32
        %jit3A_446 = arith.constant 1 : i32
        %select_n3A = arith.select %eq3A_445, %jit3A_446, %jit3A : i32
        %rem3A = arith.remsi %scan3A_443, %select_n3A : i32
        %ne3A = arith.constant 0 : i32
        %ne3A_447 = arith.cmpi ne, %rem3A, %ne3A : i32
        %lt3A = arith.constant 0 : i32
        %lt3A_448 = arith.cmpi slt, %rem3A, %lt3A : i32
        %lt3A_449 = arith.constant 0 : i32
        %lt3A_450 = arith.cmpi slt, %select_n3A, %lt3A_449 : i32
        %ne3A_451 = arith.xori %lt3A_448, %lt3A_450 : i1
        %and3A = arith.andi %ne3A_451, %ne3A_447 : i1
        %add3A_452 = arith.addi %rem3A, %select_n3A : i32
        %select_n3A_453 = arith.select %and3A, %add3A_452, %rem3A : i32
        %eq3A_454 = arith.constant 0 : i32
        %eq3A_455 = arith.cmpi eq, %select_n3A_453, %eq3A_454 : i32
        %convert_element_type3A_456 = arith.extui %eq3A_455 : i1 to i32
        %cond3A_457 = arith.constant 0 : i32
        %cond3A_458 = arith.cmpi ne, %convert_element_type3A_456, %cond3A_457 : i32
        scf.if %cond3A_458 {
          %dma_wait3A_480 = arith.constant 0 : i32
          %dma_wait3A_481 = tpu.memref_slice %arg7[%scan3A_443, %dma_wait3A_480] : memref<16x128xi32, #tpu.memory_space<vmem>> -> memref<1x128xi32, #tpu.memory_space<vmem>>
          %dma_wait3A_482 = tpu.memref_squeeze %dma_wait3A_481 : memref<1x128xi32, #tpu.memory_space<vmem>> -> memref<128xi32, #tpu.memory_space<vmem>>
          %dma_wait3A_483 = arith.constant 0 : i32
          %dma_wait3A_484 = arith.constant 0 : i32
          %dma_wait3A_485 = tpu.memref_slice %arg2[%dma_wait3A_483, %dma_wait3A_484] : memref<10000x128xf32, #tpu.memory_space<hbm>> -> memref<10000x128xf32, #tpu.memory_space<hbm>>
          tpu.wait_indirect_dma semaphore(%arg15 : memref<!tpu.dma_semaphore, #tpu.memory_space<semaphore_mem>>) src(%dma_wait3A_485 : memref<10000x128xf32, #tpu.memory_space<hbm>>) dst(%arg11 : memref<128x128xf32, #tpu.memory_space<vmem>>)
          %add3A_486 = arith.constant 1 : i32
          %add3A_487 = arith.addi %scan3A_443, %add3A_486 : i32
          %lt3A_488 = arith.constant 16 : i32
          %lt3A_489 = arith.cmpi slt, %add3A_487, %lt3A_488 : i32
          %convert_element_type3A_490 = arith.extui %lt3A_489 : i1 to i32
          %cond3A_491 = arith.constant 0 : i32
          %cond3A_492 = arith.cmpi ne, %convert_element_type3A_490, %cond3A_491 : i32
          scf.if %cond3A_492 {
            %gt3A = arith.constant 0 : i32
            %gt3A_499 = arith.cmpi sgt, %scan3A_443, %gt3A : i32
            %convert_element_type3A_500 = arith.extui %gt3A_499 : i1 to i32
            %cond3A_501 = arith.constant 0 : i32
            %cond3A_502 = arith.cmpi ne, %convert_element_type3A_500, %cond3A_501 : i32
            scf.if %cond3A_502 {
              %sub3A = arith.constant 1 : i32
              %sub3A_511 = arith.subi %scan3A_443, %sub3A : i32
              %dma_wait3A_512 = arith.constant 0 : i32
              %dma_wait3A_513 = tpu.memref_slice %arg9[%sub3A_511, %dma_wait3A_512] : memref<16x128xi32, #tpu.memory_space<vmem>> -> memref<1x128xi32, #tpu.memory_space<vmem>>
              %dma_wait3A_514 = tpu.memref_squeeze %dma_wait3A_513 : memref<1x128xi32, #tpu.memory_space<vmem>> -> memref<128xi32, #tpu.memory_space<vmem>>
              %dma_wait3A_515 = arith.constant 0 : i32
              %dma_wait3A_516 = arith.constant 0 : i32
              %dma_wait3A_517 = tpu.memref_slice %arg13[%dma_wait3A_515, %dma_wait3A_516] : memref<10112x128xf32, #tpu.memory_space<vmem_shared>> -> memref<10112x128xf32, #tpu.memory_space<vmem_shared>>
              tpu.wait_indirect_dma semaphore(%arg18 : memref<!tpu.dma_semaphore, #tpu.memory_space<semaphore_mem>>) src(%arg12 : memref<128x128xf32, #tpu.memory_space<vmem>>) dst(%dma_wait3A_517 : memref<10112x128xf32, #tpu.memory_space<vmem_shared>>)
            } else {
            }
            %add3A_503 = arith.constant 1 : i32
            %add3A_504 = arith.addi %scan3A_443, %add3A_503 : i32
            %dma_start3A_505 = arith.constant 0 : i32
            %dma_start3A_506 = tpu.memref_slice %arg7[%add3A_504, %dma_start3A_505] : memref<16x128xi32, #tpu.memory_space<vmem>> -> memref<1x128xi32, #tpu.memory_space<vmem>>
            %dma_start3A_507 = tpu.memref_squeeze %dma_start3A_506 : memref<1x128xi32, #tpu.memory_space<vmem>> -> memref<128xi32, #tpu.memory_space<vmem>>
            %dma_start3A_508 = arith.constant 0 : i32
            %dma_start3A_509 = arith.constant 0 : i32
            %dma_start3A_510 = tpu.memref_slice %arg2[%dma_start3A_508, %dma_start3A_509] : memref<10000x128xf32, #tpu.memory_space<hbm>> -> memref<10000x128xf32, #tpu.memory_space<hbm>>
            tpu.enqueue_indirect_dma source(%dma_start3A_510 : memref<10000x128xf32, #tpu.memory_space<hbm>>) target(%arg12 : memref<128x128xf32, #tpu.memory_space<vmem>>) offsets(%dma_start3A_507 : memref<128xi32, #tpu.memory_space<vmem>>) semaphore(%arg16 : memref<!tpu.dma_semaphore, #tpu.memory_space<semaphore_mem>>)
          } else {
          }
          %dma_start3A_493 = arith.constant 0 : i32
          %dma_start3A_494 = tpu.memref_slice %arg9[%scan3A_443, %dma_start3A_493] : memref<16x128xi32, #tpu.memory_space<vmem>> -> memref<1x128xi32, #tpu.memory_space<vmem>>
          %dma_start3A_495 = tpu.memref_squeeze %dma_start3A_494 : memref<1x128xi32, #tpu.memory_space<vmem>> -> memref<128xi32, #tpu.memory_space<vmem>>
          %dma_start3A_496 = arith.constant 0 : i32
          %dma_start3A_497 = arith.constant 0 : i32
          %dma_start3A_498 = tpu.memref_slice %arg13[%dma_start3A_496, %dma_start3A_497] : memref<10112x128xf32, #tpu.memory_space<vmem_shared>> -> memref<10112x128xf32, #tpu.memory_space<vmem_shared>>
          tpu.enqueue_indirect_dma source(%arg11 : memref<128x128xf32, #tpu.memory_space<vmem>>) target(%dma_start3A_498 : memref<10112x128xf32, #tpu.memory_space<vmem_shared>>) offsets(%dma_start3A_495 : memref<128xi32, #tpu.memory_space<vmem>>) semaphore(%arg17 : memref<!tpu.dma_semaphore, #tpu.memory_space<semaphore_mem>>) {add = true}
        } else {
        }
        %jit3A_459 = arith.constant 2 : i32
        %eq3A_460 = arith.constant 0 : i32
        %eq3A_461 = arith.cmpi eq, %jit3A_459, %eq3A_460 : i32
        %jit3A_462 = arith.constant 1 : i32
        %select_n3A_463 = arith.select %eq3A_461, %jit3A_462, %jit3A_459 : i32
        %rem3A_464 = arith.remsi %scan3A_443, %select_n3A_463 : i32
        %ne3A_465 = arith.constant 0 : i32
        %ne3A_466 = arith.cmpi ne, %rem3A_464, %ne3A_465 : i32
        %lt3A_467 = arith.constant 0 : i32
        %lt3A_468 = arith.cmpi slt, %rem3A_464, %lt3A_467 : i32
        %lt3A_469 = arith.constant 0 : i32
        %lt3A_470 = arith.cmpi slt, %select_n3A_463, %lt3A_469 : i32
        %ne3A_471 = arith.xori %lt3A_468, %lt3A_470 : i1
        %and3A_472 = arith.andi %ne3A_471, %ne3A_466 : i1
        %add3A_473 = arith.addi %rem3A_464, %select_n3A_463 : i32
        %select_n3A_474 = arith.select %and3A_472, %add3A_473, %rem3A_464 : i32
        %eq3A_475 = arith.constant 1 : i32
        %eq3A_476 = arith.cmpi eq, %select_n3A_474, %eq3A_475 : i32
        %convert_element_type3A_477 = arith.extui %eq3A_476 : i1 to i32
        %cond3A_478 = arith.constant 0 : i32
        %cond3A_479 = arith.cmpi ne, %convert_element_type3A_477, %cond3A_478 : i32
        scf.if %cond3A_479 {
          %dma_wait3A_480 = arith.constant 0 : i32
          %dma_wait3A_481 = tpu.memref_slice %arg7[%scan3A_443, %dma_wait3A_480] : memref<16x128xi32, #tpu.memory_space<vmem>> -> memref<1x128xi32, #tpu.memory_space<vmem>>
          %dma_wait3A_482 = tpu.memref_squeeze %dma_wait3A_481 : memref<1x128xi32, #tpu.memory_space<vmem>> -> memref<128xi32, #tpu.memory_space<vmem>>
          %dma_wait3A_483 = arith.constant 0 : i32
          %dma_wait3A_484 = arith.constant 0 : i32
          %dma_wait3A_485 = tpu.memref_slice %arg2[%dma_wait3A_483, %dma_wait3A_484] : memref<10000x128xf32, #tpu.memory_space<hbm>> -> memref<10000x128xf32, #tpu.memory_space<hbm>>
          tpu.wait_indirect_dma semaphore(%arg16 : memref<!tpu.dma_semaphore, #tpu.memory_space<semaphore_mem>>) src(%dma_wait3A_485 : memref<10000x128xf32, #tpu.memory_space<hbm>>) dst(%arg12 : memref<128x128xf32, #tpu.memory_space<vmem>>)
          %add3A_486 = arith.constant 1 : i32
          %add3A_487 = arith.addi %scan3A_443, %add3A_486 : i32
          %lt3A_488 = arith.constant 16 : i32
          %lt3A_489 = arith.cmpi slt, %add3A_487, %lt3A_488 : i32
          %convert_element_type3A_490 = arith.extui %lt3A_489 : i1 to i32
          %cond3A_491 = arith.constant 0 : i32
          %cond3A_492 = arith.cmpi ne, %convert_element_type3A_490, %cond3A_491 : i32
          scf.if %cond3A_492 {
            %sub3A = arith.constant 1 : i32
            %sub3A_499 = arith.subi %scan3A_443, %sub3A : i32
            %dma_wait3A_500 = arith.constant 0 : i32
            %dma_wait3A_501 = tpu.memref_slice %arg9[%sub3A_499, %dma_wait3A_500] : memref<16x128xi32, #tpu.memory_space<vmem>> -> memref<1x128xi32, #tpu.memory_space<vmem>>
            %dma_wait3A_502 = tpu.memref_squeeze %dma_wait3A_501 : memref<1x128xi32, #tpu.memory_space<vmem>> -> memref<128xi32, #tpu.memory_space<vmem>>
            %dma_wait3A_503 = arith.constant 0 : i32
            %dma_wait3A_504 = arith.constant 0 : i32
            %dma_wait3A_505 = tpu.memref_slice %arg13[%dma_wait3A_503, %dma_wait3A_504] : memref<10112x128xf32, #tpu.memory_space<vmem_shared>> -> memref<10112x128xf32, #tpu.memory_space<vmem_shared>>
            tpu.wait_indirect_dma semaphore(%arg17 : memref<!tpu.dma_semaphore, #tpu.memory_space<semaphore_mem>>) src(%arg11 : memref<128x128xf32, #tpu.memory_space<vmem>>) dst(%dma_wait3A_505 : memref<10112x128xf32, #tpu.memory_space<vmem_shared>>)
            %add3A_506 = arith.constant 1 : i32
            %add3A_507 = arith.addi %scan3A_443, %add3A_506 : i32
            %dma_start3A_508 = arith.constant 0 : i32
            %dma_start3A_509 = tpu.memref_slice %arg7[%add3A_507, %dma_start3A_508] : memref<16x128xi32, #tpu.memory_space<vmem>> -> memref<1x128xi32, #tpu.memory_space<vmem>>
            %dma_start3A_510 = tpu.memref_squeeze %dma_start3A_509 : memref<1x128xi32, #tpu.memory_space<vmem>> -> memref<128xi32, #tpu.memory_space<vmem>>
            %dma_start3A_511 = arith.constant 0 : i32
            %dma_start3A_512 = arith.constant 0 : i32
            %dma_start3A_513 = tpu.memref_slice %arg2[%dma_start3A_511, %dma_start3A_512] : memref<10000x128xf32, #tpu.memory_space<hbm>> -> memref<10000x128xf32, #tpu.memory_space<hbm>>
            tpu.enqueue_indirect_dma source(%dma_start3A_513 : memref<10000x128xf32, #tpu.memory_space<hbm>>) target(%arg11 : memref<128x128xf32, #tpu.memory_space<vmem>>) offsets(%dma_start3A_510 : memref<128xi32, #tpu.memory_space<vmem>>) semaphore(%arg15 : memref<!tpu.dma_semaphore, #tpu.memory_space<semaphore_mem>>)
          } else {
          }
          %dma_start3A_493 = arith.constant 0 : i32
          %dma_start3A_494 = tpu.memref_slice %arg9[%scan3A_443, %dma_start3A_493] : memref<16x128xi32, #tpu.memory_space<vmem>> -> memref<1x128xi32, #tpu.memory_space<vmem>>
          %dma_start3A_495 = tpu.memref_squeeze %dma_start3A_494 : memref<1x128xi32, #tpu.memory_space<vmem>> -> memref<128xi32, #tpu.memory_space<vmem>>
          %dma_start3A_496 = arith.constant 0 : i32
          %dma_start3A_497 = arith.constant 0 : i32
          %dma_start3A_498 = tpu.memref_slice %arg13[%dma_start3A_496, %dma_start3A_497] : memref<10112x128xf32, #tpu.memory_space<vmem_shared>> -> memref<10112x128xf32, #tpu.memory_space<vmem_shared>>
          tpu.enqueue_indirect_dma source(%arg12 : memref<128x128xf32, #tpu.memory_space<vmem>>) target(%dma_start3A_498 : memref<10112x128xf32, #tpu.memory_space<vmem_shared>>) offsets(%dma_start3A_495 : memref<128xi32, #tpu.memory_space<vmem>>) semaphore(%arg18 : memref<!tpu.dma_semaphore, #tpu.memory_space<semaphore_mem>>) {add = true}
        } else {
        }
      }
      %scan3A_33 = arith.constant 16 : i32
      %dma_wait3A = arith.constant 14 : i32
      %dma_wait3A_34 = arith.constant 0 : i32
      %dma_wait3A_35 = tpu.memref_slice %arg9[%dma_wait3A, %dma_wait3A_34] : memref<16x128xi32, #tpu.memory_space<vmem>> -> memref<1x128xi32, #tpu.memory_space<vmem>>
      %dma_wait3A_36 = tpu.memref_squeeze %dma_wait3A_35 : memref<1x128xi32, #tpu.memory_space<vmem>> -> memref<128xi32, #tpu.memory_space<vmem>>
      %dma_wait3A_37 = arith.constant 0 : i32
      %dma_wait3A_38 = arith.constant 0 : i32
      %dma_wait3A_39 = tpu.memref_slice %arg13[%dma_wait3A_37, %dma_wait3A_38] : memref<10112x128xf32, #tpu.memory_space<vmem_shared>> -> memref<10112x128xf32, #tpu.memory_space<vmem_shared>>
      tpu.wait_indirect_dma semaphore(%arg17 : memref<!tpu.dma_semaphore, #tpu.memory_space<semaphore_mem>>) src(%arg11 : memref<128x128xf32, #tpu.memory_space<vmem>>) dst(%dma_wait3A_39 : memref<10112x128xf32, #tpu.memory_space<vmem_shared>>)
      %dma_wait3A_40 = arith.constant 15 : i32
      %dma_wait3A_41 = arith.constant 0 : i32
      %dma_wait3A_42 = tpu.memref_slice %arg9[%dma_wait3A_40, %dma_wait3A_41] : memref<16x128xi32, #tpu.memory_space<vmem>> -> memref<1x128xi32, #tpu.memory_space<vmem>>
      %dma_wait3A_43 = tpu.memref_squeeze %dma_wait3A_42 : memref<1x128xi32, #tpu.memory_space<vmem>> -> memref<128xi32, #tpu.memory_space<vmem>>
      %dma_wait3A_44 = arith.constant 0 : i32
      %dma_wait3A_45 = arith.constant 0 : i32
      %dma_wait3A_46 = tpu.memref_slice %arg13[%dma_wait3A_44, %dma_wait3A_45] : memref<10112x128xf32, #tpu.memory_space<vmem_shared>> -> memref<10112x128xf32, #tpu.memory_space<vmem_shared>>
      tpu.wait_indirect_dma semaphore(%arg18 : memref<!tpu.dma_semaphore, #tpu.memory_space<semaphore_mem>>) src(%arg12 : memref<128x128xf32, #tpu.memory_space<vmem>>) dst(%dma_wait3A_46 : memref<10112x128xf32, #tpu.memory_space<vmem_shared>>)
      %add3A_47 = arith.constant 16 : i32
      %add3A_48 = arith.addi %mul3A_11, %add3A_47 : i32
      %dma_wait3A_49 = arith.constant 0 : i32
      %dma_wait3A_50 = tpu.memref_slice %arg3[%add3A_48, %dma_wait3A_49] : memref<2560x128xi32, #tpu.memory_space<hbm>> -> memref<16x128xi32, #tpu.memory_space<hbm>>
      %dma_wait3A_51 = arith.constant 0 : i32
      %dma_wait3A_52 = tpu.memref_slice %arg3[%add3A_48, %dma_wait3A_51] : memref<2560x128xi32, #tpu.memory_space<hbm>> -> memref<16x128xi32, #tpu.memory_space<hbm>>
      tpu.wait_dma2 semaphore(%arg14 : memref<!tpu.dma_semaphore, #tpu.memory_space<semaphore_mem>>) src(%dma_wait3A_52 : memref<16x128xi32, #tpu.memory_space<hbm>>) dst(%arg8 : memref<16x128xi32, #tpu.memory_space<vmem>>)
      %add3A_53 = arith.constant 16 : i32
      %add3A_54 = arith.addi %mul3A_11, %add3A_53 : i32
      %dma_wait3A_55 = arith.constant 0 : i32
      %dma_wait3A_56 = tpu.memref_slice %arg4[%add3A_54, %dma_wait3A_55] : memref<2560x128xi32, #tpu.memory_space<hbm>> -> memref<16x128xi32, #tpu.memory_space<hbm>>
      %dma_wait3A_57 = arith.constant 0 : i32
      %dma_wait3A_58 = tpu.memref_slice %arg4[%add3A_54, %dma_wait3A_57] : memref<2560x128xi32, #tpu.memory_space<hbm>> -> memref<16x128xi32, #tpu.memory_space<hbm>>
      tpu.wait_dma2 semaphore(%arg14 : memref<!tpu.dma_semaphore, #tpu.memory_space<semaphore_mem>>) src(%dma_wait3A_58 : memref<16x128xi32, #tpu.memory_space<hbm>>) dst(%arg10 : memref<16x128xi32, #tpu.memory_space<vmem>>)
      %add3A_59 = arith.constant 32 : i32
      %add3A_60 = arith.addi %mul3A_11, %add3A_59 : i32
      %dma_start3A_61 = arith.constant 0 : i32
      %dma_start3A_62 = tpu.memref_slice %arg3[%add3A_60, %dma_start3A_61] : memref<2560x128xi32, #tpu.memory_space<hbm>> -> memref<16x128xi32, #tpu.memory_space<hbm>>
      %dma_start3A_63 = arith.constant 0 : i32
      %dma_start3A_64 = tpu.memref_slice %arg3[%add3A_60, %dma_start3A_63] : memref<2560x128xi32, #tpu.memory_space<hbm>> -> memref<16x128xi32, #tpu.memory_space<hbm>>
      tpu.enqueue_dma source(%dma_start3A_64 : memref<16x128xi32, #tpu.memory_space<hbm>>) target(%arg7 : memref<16x128xi32, #tpu.memory_space<vmem>>) target_semaphore(%arg14 : memref<!tpu.dma_semaphore, #tpu.memory_space<semaphore_mem>>)
      %add3A_65 = arith.constant 32 : i32
      %add3A_66 = arith.addi %mul3A_11, %add3A_65 : i32
      %dma_start3A_67 = arith.constant 0 : i32
      %dma_start3A_68 = tpu.memref_slice %arg4[%add3A_66, %dma_start3A_67] : memref<2560x128xi32, #tpu.memory_space<hbm>> -> memref<16x128xi32, #tpu.memory_space<hbm>>
      %dma_start3A_69 = arith.constant 0 : i32
      %dma_start3A_70 = tpu.memref_slice %arg4[%add3A_66, %dma_start3A_69] : memref<2560x128xi32, #tpu.memory_space<hbm>> -> memref<16x128xi32, #tpu.memory_space<hbm>>
      tpu.enqueue_dma source(%dma_start3A_70 : memref<16x128xi32, #tpu.memory_space<hbm>>) target(%arg9 : memref<16x128xi32, #tpu.memory_space<vmem>>) target_semaphore(%arg14 : memref<!tpu.dma_semaphore, #tpu.memory_space<semaphore_mem>>)
      %dma_start3A_71 = arith.constant 0 : i32
      %dma_start3A_72 = arith.constant 0 : i32
      %dma_start3A_73 = tpu.memref_slice %arg8[%dma_start3A_71, %dma_start3A_72] : memref<16x128xi32, #tpu.memory_space<vmem>> -> memref<1x128xi32, #tpu.memory_space<vmem>>
      %dma_start3A_74 = tpu.memref_squeeze %dma_start3A_73 : memref<1x128xi32, #tpu.memory_space<vmem>> -> memref<128xi32, #tpu.memory_space<vmem>>
      %dma_start3A_75 = arith.constant 0 : i32
      %dma_start3A_76 = arith.constant 0 : i32
      %dma_start3A_77 = tpu.memref_slice %arg2[%dma_start3A_75, %dma_start3A_76] : memref<10000x128xf32, #tpu.memory_space<hbm>> -> memref<10000x128xf32, #tpu.memory_space<hbm>>
      tpu.enqueue_indirect_dma source(%dma_start3A_77 : memref<10000x128xf32, #tpu.memory_space<hbm>>) target(%arg11 : memref<128x128xf32, #tpu.memory_space<vmem>>) offsets(%dma_start3A_74 : memref<128xi32, #tpu.memory_space<vmem>>) semaphore(%arg15 : memref<!tpu.dma_semaphore, #tpu.memory_space<semaphore_mem>>)
      %scan3A_78 = arith.constant 0 : i32
      %scan3A_79 = arith.constant 0 : i32
      %scan3A_80 = arith.constant 16 : i32
      %scan3A_81 = arith.addi %scan3A_79, %scan3A_80 : i32
      %scan3A_82 = arith.constant 1 : i32
      scf.for %scan3A_443 = %scan3A_79 to %scan3A_81 step %scan3A_82  : i32 {
        %jit3A = arith.constant 2 : i32
        %eq3A_444 = arith.constant 0 : i32
        %eq3A_445 = arith.cmpi eq, %jit3A, %eq3A_444 : i32
        %jit3A_446 = arith.constant 1 : i32
        %select_n3A = arith.select %eq3A_445, %jit3A_446, %jit3A : i32
        %rem3A = arith.remsi %scan3A_443, %select_n3A : i32
        %ne3A = arith.constant 0 : i32
        %ne3A_447 = arith.cmpi ne, %rem3A, %ne3A : i32
        %lt3A = arith.constant 0 : i32
        %lt3A_448 = arith.cmpi slt, %rem3A, %lt3A : i32
        %lt3A_449 = arith.constant 0 : i32
        %lt3A_450 = arith.cmpi slt, %select_n3A, %lt3A_449 : i32
        %ne3A_451 = arith.xori %lt3A_448, %lt3A_450 : i1
        %and3A = arith.andi %ne3A_451, %ne3A_447 : i1
        %add3A_452 = arith.addi %rem3A, %select_n3A : i32
        %select_n3A_453 = arith.select %and3A, %add3A_452, %rem3A : i32
        %eq3A_454 = arith.constant 0 : i32
        %eq3A_455 = arith.cmpi eq, %select_n3A_453, %eq3A_454 : i32
        %convert_element_type3A_456 = arith.extui %eq3A_455 : i1 to i32
        %cond3A_457 = arith.constant 0 : i32
        %cond3A_458 = arith.cmpi ne, %convert_element_type3A_456, %cond3A_457 : i32
        scf.if %cond3A_458 {
          %dma_wait3A_480 = arith.constant 0 : i32
          %dma_wait3A_481 = tpu.memref_slice %arg8[%scan3A_443, %dma_wait3A_480] : memref<16x128xi32, #tpu.memory_space<vmem>> -> memref<1x128xi32, #tpu.memory_space<vmem>>
          %dma_wait3A_482 = tpu.memref_squeeze %dma_wait3A_481 : memref<1x128xi32, #tpu.memory_space<vmem>> -> memref<128xi32, #tpu.memory_space<vmem>>
          %dma_wait3A_483 = arith.constant 0 : i32
          %dma_wait3A_484 = arith.constant 0 : i32
          %dma_wait3A_485 = tpu.memref_slice %arg2[%dma_wait3A_483, %dma_wait3A_484] : memref<10000x128xf32, #tpu.memory_space<hbm>> -> memref<10000x128xf32, #tpu.memory_space<hbm>>
          tpu.wait_indirect_dma semaphore(%arg15 : memref<!tpu.dma_semaphore, #tpu.memory_space<semaphore_mem>>) src(%dma_wait3A_485 : memref<10000x128xf32, #tpu.memory_space<hbm>>) dst(%arg11 : memref<128x128xf32, #tpu.memory_space<vmem>>)
          %add3A_486 = arith.constant 1 : i32
          %add3A_487 = arith.addi %scan3A_443, %add3A_486 : i32
          %lt3A_488 = arith.constant 16 : i32
          %lt3A_489 = arith.cmpi slt, %add3A_487, %lt3A_488 : i32
          %convert_element_type3A_490 = arith.extui %lt3A_489 : i1 to i32
          %cond3A_491 = arith.constant 0 : i32
          %cond3A_492 = arith.cmpi ne, %convert_element_type3A_490, %cond3A_491 : i32
          scf.if %cond3A_492 {
            %gt3A = arith.constant 0 : i32
            %gt3A_499 = arith.cmpi sgt, %scan3A_443, %gt3A : i32
            %convert_element_type3A_500 = arith.extui %gt3A_499 : i1 to i32
            %cond3A_501 = arith.constant 0 : i32
            %cond3A_502 = arith.cmpi ne, %convert_element_type3A_500, %cond3A_501 : i32
            scf.if %cond3A_502 {
              %sub3A = arith.constant 1 : i32
              %sub3A_511 = arith.subi %scan3A_443, %sub3A : i32
              %dma_wait3A_512 = arith.constant 0 : i32
              %dma_wait3A_513 = tpu.memref_slice %arg10[%sub3A_511, %dma_wait3A_512] : memref<16x128xi32, #tpu.memory_space<vmem>> -> memref<1x128xi32, #tpu.memory_space<vmem>>
              %dma_wait3A_514 = tpu.memref_squeeze %dma_wait3A_513 : memref<1x128xi32, #tpu.memory_space<vmem>> -> memref<128xi32, #tpu.memory_space<vmem>>
              %dma_wait3A_515 = arith.constant 0 : i32
              %dma_wait3A_516 = arith.constant 0 : i32
              %dma_wait3A_517 = tpu.memref_slice %arg13[%dma_wait3A_515, %dma_wait3A_516] : memref<10112x128xf32, #tpu.memory_space<vmem_shared>> -> memref<10112x128xf32, #tpu.memory_space<vmem_shared>>
              tpu.wait_indirect_dma semaphore(%arg18 : memref<!tpu.dma_semaphore, #tpu.memory_space<semaphore_mem>>) src(%arg12 : memref<128x128xf32, #tpu.memory_space<vmem>>) dst(%dma_wait3A_517 : memref<10112x128xf32, #tpu.memory_space<vmem_shared>>)
            } else {
            }
            %add3A_503 = arith.constant 1 : i32
            %add3A_504 = arith.addi %scan3A_443, %add3A_503 : i32
            %dma_start3A_505 = arith.constant 0 : i32
            %dma_start3A_506 = tpu.memref_slice %arg8[%add3A_504, %dma_start3A_505] : memref<16x128xi32, #tpu.memory_space<vmem>> -> memref<1x128xi32, #tpu.memory_space<vmem>>
            %dma_start3A_507 = tpu.memref_squeeze %dma_start3A_506 : memref<1x128xi32, #tpu.memory_space<vmem>> -> memref<128xi32, #tpu.memory_space<vmem>>
            %dma_start3A_508 = arith.constant 0 : i32
            %dma_start3A_509 = arith.constant 0 : i32
            %dma_start3A_510 = tpu.memref_slice %arg2[%dma_start3A_508, %dma_start3A_509] : memref<10000x128xf32, #tpu.memory_space<hbm>> -> memref<10000x128xf32, #tpu.memory_space<hbm>>
            tpu.enqueue_indirect_dma source(%dma_start3A_510 : memref<10000x128xf32, #tpu.memory_space<hbm>>) target(%arg12 : memref<128x128xf32, #tpu.memory_space<vmem>>) offsets(%dma_start3A_507 : memref<128xi32, #tpu.memory_space<vmem>>) semaphore(%arg16 : memref<!tpu.dma_semaphore, #tpu.memory_space<semaphore_mem>>)
          } else {
          }
          %dma_start3A_493 = arith.constant 0 : i32
          %dma_start3A_494 = tpu.memref_slice %arg10[%scan3A_443, %dma_start3A_493] : memref<16x128xi32, #tpu.memory_space<vmem>> -> memref<1x128xi32, #tpu.memory_space<vmem>>
          %dma_start3A_495 = tpu.memref_squeeze %dma_start3A_494 : memref<1x128xi32, #tpu.memory_space<vmem>> -> memref<128xi32, #tpu.memory_space<vmem>>
          %dma_start3A_496 = arith.constant 0 : i32
          %dma_start3A_497 = arith.constant 0 : i32
          %dma_start3A_498 = tpu.memref_slice %arg13[%dma_start3A_496, %dma_start3A_497] : memref<10112x128xf32, #tpu.memory_space<vmem_shared>> -> memref<10112x128xf32, #tpu.memory_space<vmem_shared>>
          tpu.enqueue_indirect_dma source(%arg11 : memref<128x128xf32, #tpu.memory_space<vmem>>) target(%dma_start3A_498 : memref<10112x128xf32, #tpu.memory_space<vmem_shared>>) offsets(%dma_start3A_495 : memref<128xi32, #tpu.memory_space<vmem>>) semaphore(%arg17 : memref<!tpu.dma_semaphore, #tpu.memory_space<semaphore_mem>>) {add = true}
        } else {
        }
        %jit3A_459 = arith.constant 2 : i32
        %eq3A_460 = arith.constant 0 : i32
        %eq3A_461 = arith.cmpi eq, %jit3A_459, %eq3A_460 : i32
        %jit3A_462 = arith.constant 1 : i32
        %select_n3A_463 = arith.select %eq3A_461, %jit3A_462, %jit3A_459 : i32
        %rem3A_464 = arith.remsi %scan3A_443, %select_n3A_463 : i32
        %ne3A_465 = arith.constant 0 : i32
        %ne3A_466 = arith.cmpi ne, %rem3A_464, %ne3A_465 : i32
        %lt3A_467 = arith.constant 0 : i32
        %lt3A_468 = arith.cmpi slt, %rem3A_464, %lt3A_467 : i32
        %lt3A_469 = arith.constant 0 : i32
        %lt3A_470 = arith.cmpi slt, %select_n3A_463, %lt3A_469 : i32
        %ne3A_471 = arith.xori %lt3A_468, %lt3A_470 : i1
        %and3A_472 = arith.andi %ne3A_471, %ne3A_466 : i1
        %add3A_473 = arith.addi %rem3A_464, %select_n3A_463 : i32
        %select_n3A_474 = arith.select %and3A_472, %add3A_473, %rem3A_464 : i32
        %eq3A_475 = arith.constant 1 : i32
        %eq3A_476 = arith.cmpi eq, %select_n3A_474, %eq3A_475 : i32
        %convert_element_type3A_477 = arith.extui %eq3A_476 : i1 to i32
        %cond3A_478 = arith.constant 0 : i32
        %cond3A_479 = arith.cmpi ne, %convert_element_type3A_477, %cond3A_478 : i32
        scf.if %cond3A_479 {
          %dma_wait3A_480 = arith.constant 0 : i32
          %dma_wait3A_481 = tpu.memref_slice %arg8[%scan3A_443, %dma_wait3A_480] : memref<16x128xi32, #tpu.memory_space<vmem>> -> memref<1x128xi32, #tpu.memory_space<vmem>>
          %dma_wait3A_482 = tpu.memref_squeeze %dma_wait3A_481 : memref<1x128xi32, #tpu.memory_space<vmem>> -> memref<128xi32, #tpu.memory_space<vmem>>
          %dma_wait3A_483 = arith.constant 0 : i32
          %dma_wait3A_484 = arith.constant 0 : i32
          %dma_wait3A_485 = tpu.memref_slice %arg2[%dma_wait3A_483, %dma_wait3A_484] : memref<10000x128xf32, #tpu.memory_space<hbm>> -> memref<10000x128xf32, #tpu.memory_space<hbm>>
          tpu.wait_indirect_dma semaphore(%arg16 : memref<!tpu.dma_semaphore, #tpu.memory_space<semaphore_mem>>) src(%dma_wait3A_485 : memref<10000x128xf32, #tpu.memory_space<hbm>>) dst(%arg12 : memref<128x128xf32, #tpu.memory_space<vmem>>)
          %add3A_486 = arith.constant 1 : i32
          %add3A_487 = arith.addi %scan3A_443, %add3A_486 : i32
          %lt3A_488 = arith.constant 16 : i32
          %lt3A_489 = arith.cmpi slt, %add3A_487, %lt3A_488 : i32
          %convert_element_type3A_490 = arith.extui %lt3A_489 : i1 to i32
          %cond3A_491 = arith.constant 0 : i32
          %cond3A_492 = arith.cmpi ne, %convert_element_type3A_490, %cond3A_491 : i32
          scf.if %cond3A_492 {
            %sub3A = arith.constant 1 : i32
            %sub3A_499 = arith.subi %scan3A_443, %sub3A : i32
            %dma_wait3A_500 = arith.constant 0 : i32
            %dma_wait3A_501 = tpu.memref_slice %arg10[%sub3A_499, %dma_wait3A_500] : memref<16x128xi32, #tpu.memory_space<vmem>> -> memref<1x128xi32, #tpu.memory_space<vmem>>
            %dma_wait3A_502 = tpu.memref_squeeze %dma_wait3A_501 : memref<1x128xi32, #tpu.memory_space<vmem>> -> memref<128xi32, #tpu.memory_space<vmem>>
            %dma_wait3A_503 = arith.constant 0 : i32
            %dma_wait3A_504 = arith.constant 0 : i32
            %dma_wait3A_505 = tpu.memref_slice %arg13[%dma_wait3A_503, %dma_wait3A_504] : memref<10112x128xf32, #tpu.memory_space<vmem_shared>> -> memref<10112x128xf32, #tpu.memory_space<vmem_shared>>
            tpu.wait_indirect_dma semaphore(%arg17 : memref<!tpu.dma_semaphore, #tpu.memory_space<semaphore_mem>>) src(%arg11 : memref<128x128xf32, #tpu.memory_space<vmem>>) dst(%dma_wait3A_505 : memref<10112x128xf32, #tpu.memory_space<vmem_shared>>)
            %add3A_506 = arith.constant 1 : i32
            %add3A_507 = arith.addi %scan3A_443, %add3A_506 : i32
            %dma_start3A_508 = arith.constant 0 : i32
            %dma_start3A_509 = tpu.memref_slice %arg8[%add3A_507, %dma_start3A_508] : memref<16x128xi32, #tpu.memory_space<vmem>> -> memref<1x128xi32, #tpu.memory_space<vmem>>
            %dma_start3A_510 = tpu.memref_squeeze %dma_start3A_509 : memref<1x128xi32, #tpu.memory_space<vmem>> -> memref<128xi32, #tpu.memory_space<vmem>>
            %dma_start3A_511 = arith.constant 0 : i32
            %dma_start3A_512 = arith.constant 0 : i32
            %dma_start3A_513 = tpu.memref_slice %arg2[%dma_start3A_511, %dma_start3A_512] : memref<10000x128xf32, #tpu.memory_space<hbm>> -> memref<10000x128xf32, #tpu.memory_space<hbm>>
            tpu.enqueue_indirect_dma source(%dma_start3A_513 : memref<10000x128xf32, #tpu.memory_space<hbm>>) target(%arg11 : memref<128x128xf32, #tpu.memory_space<vmem>>) offsets(%dma_start3A_510 : memref<128xi32, #tpu.memory_space<vmem>>) semaphore(%arg15 : memref<!tpu.dma_semaphore, #tpu.memory_space<semaphore_mem>>)
          } else {
          }
          %dma_start3A_493 = arith.constant 0 : i32
          %dma_start3A_494 = tpu.memref_slice %arg10[%scan3A_443, %dma_start3A_493] : memref<16x128xi32, #tpu.memory_space<vmem>> -> memref<1x128xi32, #tpu.memory_space<vmem>>
          %dma_start3A_495 = tpu.memref_squeeze %dma_start3A_494 : memref<1x128xi32, #tpu.memory_space<vmem>> -> memref<128xi32, #tpu.memory_space<vmem>>
          %dma_start3A_496 = arith.constant 0 : i32
          %dma_start3A_497 = arith.constant 0 : i32
          %dma_start3A_498 = tpu.memref_slice %arg13[%dma_start3A_496, %dma_start3A_497] : memref<10112x128xf32, #tpu.memory_space<vmem_shared>> -> memref<10112x128xf32, #tpu.memory_space<vmem_shared>>
          tpu.enqueue_indirect_dma source(%arg12 : memref<128x128xf32, #tpu.memory_space<vmem>>) target(%dma_start3A_498 : memref<10112x128xf32, #tpu.memory_space<vmem_shared>>) offsets(%dma_start3A_495 : memref<128xi32, #tpu.memory_space<vmem>>) semaphore(%arg18 : memref<!tpu.dma_semaphore, #tpu.memory_space<semaphore_mem>>) {add = true}
        } else {
        }
      }
      %scan3A_83 = arith.constant 16 : i32
      %dma_wait3A_84 = arith.constant 14 : i32
      %dma_wait3A_85 = arith.constant 0 : i32
      %dma_wait3A_86 = tpu.memref_slice %arg10[%dma_wait3A_84, %dma_wait3A_85] : memref<16x128xi32, #tpu.memory_space<vmem>> -> memref<1x128xi32, #tpu.memory_space<vmem>>
      %dma_wait3A_87 = tpu.memref_squeeze %dma_wait3A_86 : memref<1x128xi32, #tpu.memory_space<vmem>> -> memref<128xi32, #tpu.memory_space<vmem>>
      %dma_wait3A_88 = arith.constant 0 : i32
      %dma_wait3A_89 = arith.constant 0 : i32
      %dma_wait3A_90 = tpu.memref_slice %arg13[%dma_wait3A_88, %dma_wait3A_89] : memref<10112x128xf32, #tpu.memory_space<vmem_shared>> -> memref<10112x128xf32, #tpu.memory_space<vmem_shared>>
      tpu.wait_indirect_dma semaphore(%arg17 : memref<!tpu.dma_semaphore, #tpu.memory_space<semaphore_mem>>) src(%arg11 : memref<128x128xf32, #tpu.memory_space<vmem>>) dst(%dma_wait3A_90 : memref<10112x128xf32, #tpu.memory_space<vmem_shared>>)
      %dma_wait3A_91 = arith.constant 15 : i32
      %dma_wait3A_92 = arith.constant 0 : i32
      %dma_wait3A_93 = tpu.memref_slice %arg10[%dma_wait3A_91, %dma_wait3A_92] : memref<16x128xi32, #tpu.memory_space<vmem>> -> memref<1x128xi32, #tpu.memory_space<vmem>>
      %dma_wait3A_94 = tpu.memref_squeeze %dma_wait3A_93 : memref<1x128xi32, #tpu.memory_space<vmem>> -> memref<128xi32, #tpu.memory_space<vmem>>
      %dma_wait3A_95 = arith.constant 0 : i32
      %dma_wait3A_96 = arith.constant 0 : i32
      %dma_wait3A_97 = tpu.memref_slice %arg13[%dma_wait3A_95, %dma_wait3A_96] : memref<10112x128xf32, #tpu.memory_space<vmem_shared>> -> memref<10112x128xf32, #tpu.memory_space<vmem_shared>>
      tpu.wait_indirect_dma semaphore(%arg18 : memref<!tpu.dma_semaphore, #tpu.memory_space<semaphore_mem>>) src(%arg12 : memref<128x128xf32, #tpu.memory_space<vmem>>) dst(%dma_wait3A_97 : memref<10112x128xf32, #tpu.memory_space<vmem_shared>>)
      %add3A_98 = arith.constant 32 : i32
      %add3A_99 = arith.addi %mul3A_11, %add3A_98 : i32
      %dma_wait3A_100 = arith.constant 0 : i32
      %dma_wait3A_101 = tpu.memref_slice %arg3[%add3A_99, %dma_wait3A_100] : memref<2560x128xi32, #tpu.memory_space<hbm>> -> memref<16x128xi32, #tpu.memory_space<hbm>>
      %dma_wait3A_102 = arith.constant 0 : i32
      %dma_wait3A_103 = tpu.memref_slice %arg3[%add3A_99, %dma_wait3A_102] : memref<2560x128xi32, #tpu.memory_space<hbm>> -> memref<16x128xi32, #tpu.memory_space<hbm>>
      tpu.wait_dma2 semaphore(%arg14 : memref<!tpu.dma_semaphore, #tpu.memory_space<semaphore_mem>>) src(%dma_wait3A_103 : memref<16x128xi32, #tpu.memory_space<hbm>>) dst(%arg7 : memref<16x128xi32, #tpu.memory_space<vmem>>)
      %add3A_104 = arith.constant 32 : i32
      %add3A_105 = arith.addi %mul3A_11, %add3A_104 : i32
      %dma_wait3A_106 = arith.constant 0 : i32
      %dma_wait3A_107 = tpu.memref_slice %arg4[%add3A_105, %dma_wait3A_106] : memref<2560x128xi32, #tpu.memory_space<hbm>> -> memref<16x128xi32, #tpu.memory_space<hbm>>
      %dma_wait3A_108 = arith.constant 0 : i32
      %dma_wait3A_109 = tpu.memref_slice %arg4[%add3A_105, %dma_wait3A_108] : memref<2560x128xi32, #tpu.memory_space<hbm>> -> memref<16x128xi32, #tpu.memory_space<hbm>>
      tpu.wait_dma2 semaphore(%arg14 : memref<!tpu.dma_semaphore, #tpu.memory_space<semaphore_mem>>) src(%dma_wait3A_109 : memref<16x128xi32, #tpu.memory_space<hbm>>) dst(%arg9 : memref<16x128xi32, #tpu.memory_space<vmem>>)
      %add3A_110 = arith.constant 48 : i32
      %add3A_111 = arith.addi %mul3A_11, %add3A_110 : i32
      %dma_start3A_112 = arith.constant 0 : i32
      %dma_start3A_113 = tpu.memref_slice %arg3[%add3A_111, %dma_start3A_112] : memref<2560x128xi32, #tpu.memory_space<hbm>> -> memref<16x128xi32, #tpu.memory_space<hbm>>
      %dma_start3A_114 = arith.constant 0 : i32
      %dma_start3A_115 = tpu.memref_slice %arg3[%add3A_111, %dma_start3A_114] : memref<2560x128xi32, #tpu.memory_space<hbm>> -> memref<16x128xi32, #tpu.memory_space<hbm>>
      tpu.enqueue_dma source(%dma_start3A_115 : memref<16x128xi32, #tpu.memory_space<hbm>>) target(%arg8 : memref<16x128xi32, #tpu.memory_space<vmem>>) target_semaphore(%arg14 : memref<!tpu.dma_semaphore, #tpu.memory_space<semaphore_mem>>)
      %add3A_116 = arith.constant 48 : i32
      %add3A_117 = arith.addi %mul3A_11, %add3A_116 : i32
      %dma_start3A_118 = arith.constant 0 : i32
      %dma_start3A_119 = tpu.memref_slice %arg4[%add3A_117, %dma_start3A_118] : memref<2560x128xi32, #tpu.memory_space<hbm>> -> memref<16x128xi32, #tpu.memory_space<hbm>>
      %dma_start3A_120 = arith.constant 0 : i32
      %dma_start3A_121 = tpu.memref_slice %arg4[%add3A_117, %dma_start3A_120] : memref<2560x128xi32, #tpu.memory_space<hbm>> -> memref<16x128xi32, #tpu.memory_space<hbm>>
      tpu.enqueue_dma source(%dma_start3A_121 : memref<16x128xi32, #tpu.memory_space<hbm>>) target(%arg10 : memref<16x128xi32, #tpu.memory_space<vmem>>) target_semaphore(%arg14 : memref<!tpu.dma_semaphore, #tpu.memory_space<semaphore_mem>>)
      %dma_start3A_122 = arith.constant 0 : i32
      %dma_start3A_123 = arith.constant 0 : i32
      %dma_start3A_124 = tpu.memref_slice %arg7[%dma_start3A_122, %dma_start3A_123] : memref<16x128xi32, #tpu.memory_space<vmem>> -> memref<1x128xi32, #tpu.memory_space<vmem>>
      %dma_start3A_125 = tpu.memref_squeeze %dma_start3A_124 : memref<1x128xi32, #tpu.memory_space<vmem>> -> memref<128xi32, #tpu.memory_space<vmem>>
      %dma_start3A_126 = arith.constant 0 : i32
      %dma_start3A_127 = arith.constant 0 : i32
      %dma_start3A_128 = tpu.memref_slice %arg2[%dma_start3A_126, %dma_start3A_127] : memref<10000x128xf32, #tpu.memory_space<hbm>> -> memref<10000x128xf32, #tpu.memory_space<hbm>>
      tpu.enqueue_indirect_dma source(%dma_start3A_128 : memref<10000x128xf32, #tpu.memory_space<hbm>>) target(%arg11 : memref<128x128xf32, #tpu.memory_space<vmem>>) offsets(%dma_start3A_125 : memref<128xi32, #tpu.memory_space<vmem>>) semaphore(%arg15 : memref<!tpu.dma_semaphore, #tpu.memory_space<semaphore_mem>>)
      %scan3A_129 = arith.constant 0 : i32
      %scan3A_130 = arith.constant 0 : i32
      %scan3A_131 = arith.constant 16 : i32
      %scan3A_132 = arith.addi %scan3A_130, %scan3A_131 : i32
      %scan3A_133 = arith.constant 1 : i32
      scf.for %scan3A_443 = %scan3A_130 to %scan3A_132 step %scan3A_133  : i32 {
        %jit3A = arith.constant 2 : i32
        %eq3A_444 = arith.constant 0 : i32
        %eq3A_445 = arith.cmpi eq, %jit3A, %eq3A_444 : i32
        %jit3A_446 = arith.constant 1 : i32
        %select_n3A = arith.select %eq3A_445, %jit3A_446, %jit3A : i32
        %rem3A = arith.remsi %scan3A_443, %select_n3A : i32
        %ne3A = arith.constant 0 : i32
        %ne3A_447 = arith.cmpi ne, %rem3A, %ne3A : i32
        %lt3A = arith.constant 0 : i32
        %lt3A_448 = arith.cmpi slt, %rem3A, %lt3A : i32
        %lt3A_449 = arith.constant 0 : i32
        %lt3A_450 = arith.cmpi slt, %select_n3A, %lt3A_449 : i32
        %ne3A_451 = arith.xori %lt3A_448, %lt3A_450 : i1
        %and3A = arith.andi %ne3A_451, %ne3A_447 : i1
        %add3A_452 = arith.addi %rem3A, %select_n3A : i32
        %select_n3A_453 = arith.select %and3A, %add3A_452, %rem3A : i32
        %eq3A_454 = arith.constant 0 : i32
        %eq3A_455 = arith.cmpi eq, %select_n3A_453, %eq3A_454 : i32
        %convert_element_type3A_456 = arith.extui %eq3A_455 : i1 to i32
        %cond3A_457 = arith.constant 0 : i32
        %cond3A_458 = arith.cmpi ne, %convert_element_type3A_456, %cond3A_457 : i32
        scf.if %cond3A_458 {
          %dma_wait3A_480 = arith.constant 0 : i32
          %dma_wait3A_481 = tpu.memref_slice %arg7[%scan3A_443, %dma_wait3A_480] : memref<16x128xi32, #tpu.memory_space<vmem>> -> memref<1x128xi32, #tpu.memory_space<vmem>>
          %dma_wait3A_482 = tpu.memref_squeeze %dma_wait3A_481 : memref<1x128xi32, #tpu.memory_space<vmem>> -> memref<128xi32, #tpu.memory_space<vmem>>
          %dma_wait3A_483 = arith.constant 0 : i32
          %dma_wait3A_484 = arith.constant 0 : i32
          %dma_wait3A_485 = tpu.memref_slice %arg2[%dma_wait3A_483, %dma_wait3A_484] : memref<10000x128xf32, #tpu.memory_space<hbm>> -> memref<10000x128xf32, #tpu.memory_space<hbm>>
          tpu.wait_indirect_dma semaphore(%arg15 : memref<!tpu.dma_semaphore, #tpu.memory_space<semaphore_mem>>) src(%dma_wait3A_485 : memref<10000x128xf32, #tpu.memory_space<hbm>>) dst(%arg11 : memref<128x128xf32, #tpu.memory_space<vmem>>)
          %add3A_486 = arith.constant 1 : i32
          %add3A_487 = arith.addi %scan3A_443, %add3A_486 : i32
          %lt3A_488 = arith.constant 16 : i32
          %lt3A_489 = arith.cmpi slt, %add3A_487, %lt3A_488 : i32
          %convert_element_type3A_490 = arith.extui %lt3A_489 : i1 to i32
          %cond3A_491 = arith.constant 0 : i32
          %cond3A_492 = arith.cmpi ne, %convert_element_type3A_490, %cond3A_491 : i32
          scf.if %cond3A_492 {
            %gt3A = arith.constant 0 : i32
            %gt3A_499 = arith.cmpi sgt, %scan3A_443, %gt3A : i32
            %convert_element_type3A_500 = arith.extui %gt3A_499 : i1 to i32
            %cond3A_501 = arith.constant 0 : i32
            %cond3A_502 = arith.cmpi ne, %convert_element_type3A_500, %cond3A_501 : i32
            scf.if %cond3A_502 {
              %sub3A = arith.constant 1 : i32
              %sub3A_511 = arith.subi %scan3A_443, %sub3A : i32
              %dma_wait3A_512 = arith.constant 0 : i32
              %dma_wait3A_513 = tpu.memref_slice %arg9[%sub3A_511, %dma_wait3A_512] : memref<16x128xi32, #tpu.memory_space<vmem>> -> memref<1x128xi32, #tpu.memory_space<vmem>>
              %dma_wait3A_514 = tpu.memref_squeeze %dma_wait3A_513 : memref<1x128xi32, #tpu.memory_space<vmem>> -> memref<128xi32, #tpu.memory_space<vmem>>
              %dma_wait3A_515 = arith.constant 0 : i32
              %dma_wait3A_516 = arith.constant 0 : i32
              %dma_wait3A_517 = tpu.memref_slice %arg13[%dma_wait3A_515, %dma_wait3A_516] : memref<10112x128xf32, #tpu.memory_space<vmem_shared>> -> memref<10112x128xf32, #tpu.memory_space<vmem_shared>>
              tpu.wait_indirect_dma semaphore(%arg18 : memref<!tpu.dma_semaphore, #tpu.memory_space<semaphore_mem>>) src(%arg12 : memref<128x128xf32, #tpu.memory_space<vmem>>) dst(%dma_wait3A_517 : memref<10112x128xf32, #tpu.memory_space<vmem_shared>>)
            } else {
            }
            %add3A_503 = arith.constant 1 : i32
            %add3A_504 = arith.addi %scan3A_443, %add3A_503 : i32
            %dma_start3A_505 = arith.constant 0 : i32
            %dma_start3A_506 = tpu.memref_slice %arg7[%add3A_504, %dma_start3A_505] : memref<16x128xi32, #tpu.memory_space<vmem>> -> memref<1x128xi32, #tpu.memory_space<vmem>>
            %dma_start3A_507 = tpu.memref_squeeze %dma_start3A_506 : memref<1x128xi32, #tpu.memory_space<vmem>> -> memref<128xi32, #tpu.memory_space<vmem>>
            %dma_start3A_508 = arith.constant 0 : i32
            %dma_start3A_509 = arith.constant 0 : i32
            %dma_start3A_510 = tpu.memref_slice %arg2[%dma_start3A_508, %dma_start3A_509] : memref<10000x128xf32, #tpu.memory_space<hbm>> -> memref<10000x128xf32, #tpu.memory_space<hbm>>
            tpu.enqueue_indirect_dma source(%dma_start3A_510 : memref<10000x128xf32, #tpu.memory_space<hbm>>) target(%arg12 : memref<128x128xf32, #tpu.memory_space<vmem>>) offsets(%dma_start3A_507 : memref<128xi32, #tpu.memory_space<vmem>>) semaphore(%arg16 : memref<!tpu.dma_semaphore, #tpu.memory_space<semaphore_mem>>)
          } else {
          }
          %dma_start3A_493 = arith.constant 0 : i32
          %dma_start3A_494 = tpu.memref_slice %arg9[%scan3A_443, %dma_start3A_493] : memref<16x128xi32, #tpu.memory_space<vmem>> -> memref<1x128xi32, #tpu.memory_space<vmem>>
          %dma_start3A_495 = tpu.memref_squeeze %dma_start3A_494 : memref<1x128xi32, #tpu.memory_space<vmem>> -> memref<128xi32, #tpu.memory_space<vmem>>
          %dma_start3A_496 = arith.constant 0 : i32
          %dma_start3A_497 = arith.constant 0 : i32
          %dma_start3A_498 = tpu.memref_slice %arg13[%dma_start3A_496, %dma_start3A_497] : memref<10112x128xf32, #tpu.memory_space<vmem_shared>> -> memref<10112x128xf32, #tpu.memory_space<vmem_shared>>
          tpu.enqueue_indirect_dma source(%arg11 : memref<128x128xf32, #tpu.memory_space<vmem>>) target(%dma_start3A_498 : memref<10112x128xf32, #tpu.memory_space<vmem_shared>>) offsets(%dma_start3A_495 : memref<128xi32, #tpu.memory_space<vmem>>) semaphore(%arg17 : memref<!tpu.dma_semaphore, #tpu.memory_space<semaphore_mem>>) {add = true}
        } else {
        }
        %jit3A_459 = arith.constant 2 : i32
        %eq3A_460 = arith.constant 0 : i32
        %eq3A_461 = arith.cmpi eq, %jit3A_459, %eq3A_460 : i32
        %jit3A_462 = arith.constant 1 : i32
        %select_n3A_463 = arith.select %eq3A_461, %jit3A_462, %jit3A_459 : i32
        %rem3A_464 = arith.remsi %scan3A_443, %select_n3A_463 : i32
        %ne3A_465 = arith.constant 0 : i32
        %ne3A_466 = arith.cmpi ne, %rem3A_464, %ne3A_465 : i32
        %lt3A_467 = arith.constant 0 : i32
        %lt3A_468 = arith.cmpi slt, %rem3A_464, %lt3A_467 : i32
        %lt3A_469 = arith.constant 0 : i32
        %lt3A_470 = arith.cmpi slt, %select_n3A_463, %lt3A_469 : i32
        %ne3A_471 = arith.xori %lt3A_468, %lt3A_470 : i1
        %and3A_472 = arith.andi %ne3A_471, %ne3A_466 : i1
        %add3A_473 = arith.addi %rem3A_464, %select_n3A_463 : i32
        %select_n3A_474 = arith.select %and3A_472, %add3A_473, %rem3A_464 : i32
        %eq3A_475 = arith.constant 1 : i32
        %eq3A_476 = arith.cmpi eq, %select_n3A_474, %eq3A_475 : i32
        %convert_element_type3A_477 = arith.extui %eq3A_476 : i1 to i32
        %cond3A_478 = arith.constant 0 : i32
        %cond3A_479 = arith.cmpi ne, %convert_element_type3A_477, %cond3A_478 : i32
        scf.if %cond3A_479 {
          %dma_wait3A_480 = arith.constant 0 : i32
          %dma_wait3A_481 = tpu.memref_slice %arg7[%scan3A_443, %dma_wait3A_480] : memref<16x128xi32, #tpu.memory_space<vmem>> -> memref<1x128xi32, #tpu.memory_space<vmem>>
          %dma_wait3A_482 = tpu.memref_squeeze %dma_wait3A_481 : memref<1x128xi32, #tpu.memory_space<vmem>> -> memref<128xi32, #tpu.memory_space<vmem>>
          %dma_wait3A_483 = arith.constant 0 : i32
          %dma_wait3A_484 = arith.constant 0 : i32
          %dma_wait3A_485 = tpu.memref_slice %arg2[%dma_wait3A_483, %dma_wait3A_484] : memref<10000x128xf32, #tpu.memory_space<hbm>> -> memref<10000x128xf32, #tpu.memory_space<hbm>>
          tpu.wait_indirect_dma semaphore(%arg16 : memref<!tpu.dma_semaphore, #tpu.memory_space<semaphore_mem>>) src(%dma_wait3A_485 : memref<10000x128xf32, #tpu.memory_space<hbm>>) dst(%arg12 : memref<128x128xf32, #tpu.memory_space<vmem>>)
          %add3A_486 = arith.constant 1 : i32
          %add3A_487 = arith.addi %scan3A_443, %add3A_486 : i32
          %lt3A_488 = arith.constant 16 : i32
          %lt3A_489 = arith.cmpi slt, %add3A_487, %lt3A_488 : i32
          %convert_element_type3A_490 = arith.extui %lt3A_489 : i1 to i32
          %cond3A_491 = arith.constant 0 : i32
          %cond3A_492 = arith.cmpi ne, %convert_element_type3A_490, %cond3A_491 : i32
          scf.if %cond3A_492 {
            %sub3A = arith.constant 1 : i32
            %sub3A_499 = arith.subi %scan3A_443, %sub3A : i32
            %dma_wait3A_500 = arith.constant 0 : i32
            %dma_wait3A_501 = tpu.memref_slice %arg9[%sub3A_499, %dma_wait3A_500] : memref<16x128xi32, #tpu.memory_space<vmem>> -> memref<1x128xi32, #tpu.memory_space<vmem>>
            %dma_wait3A_502 = tpu.memref_squeeze %dma_wait3A_501 : memref<1x128xi32, #tpu.memory_space<vmem>> -> memref<128xi32, #tpu.memory_space<vmem>>
            %dma_wait3A_503 = arith.constant 0 : i32
            %dma_wait3A_504 = arith.constant 0 : i32
            %dma_wait3A_505 = tpu.memref_slice %arg13[%dma_wait3A_503, %dma_wait3A_504] : memref<10112x128xf32, #tpu.memory_space<vmem_shared>> -> memref<10112x128xf32, #tpu.memory_space<vmem_shared>>
            tpu.wait_indirect_dma semaphore(%arg17 : memref<!tpu.dma_semaphore, #tpu.memory_space<semaphore_mem>>) src(%arg11 : memref<128x128xf32, #tpu.memory_space<vmem>>) dst(%dma_wait3A_505 : memref<10112x128xf32, #tpu.memory_space<vmem_shared>>)
            %add3A_506 = arith.constant 1 : i32
            %add3A_507 = arith.addi %scan3A_443, %add3A_506 : i32
            %dma_start3A_508 = arith.constant 0 : i32
            %dma_start3A_509 = tpu.memref_slice %arg7[%add3A_507, %dma_start3A_508] : memref<16x128xi32, #tpu.memory_space<vmem>> -> memref<1x128xi32, #tpu.memory_space<vmem>>
            %dma_start3A_510 = tpu.memref_squeeze %dma_start3A_509 : memref<1x128xi32, #tpu.memory_space<vmem>> -> memref<128xi32, #tpu.memory_space<vmem>>
            %dma_start3A_511 = arith.constant 0 : i32
            %dma_start3A_512 = arith.constant 0 : i32
            %dma_start3A_513 = tpu.memref_slice %arg2[%dma_start3A_511, %dma_start3A_512] : memref<10000x128xf32, #tpu.memory_space<hbm>> -> memref<10000x128xf32, #tpu.memory_space<hbm>>
            tpu.enqueue_indirect_dma source(%dma_start3A_513 : memref<10000x128xf32, #tpu.memory_space<hbm>>) target(%arg11 : memref<128x128xf32, #tpu.memory_space<vmem>>) offsets(%dma_start3A_510 : memref<128xi32, #tpu.memory_space<vmem>>) semaphore(%arg15 : memref<!tpu.dma_semaphore, #tpu.memory_space<semaphore_mem>>)
          } else {
          }
          %dma_start3A_493 = arith.constant 0 : i32
          %dma_start3A_494 = tpu.memref_slice %arg9[%scan3A_443, %dma_start3A_493] : memref<16x128xi32, #tpu.memory_space<vmem>> -> memref<1x128xi32, #tpu.memory_space<vmem>>
          %dma_start3A_495 = tpu.memref_squeeze %dma_start3A_494 : memref<1x128xi32, #tpu.memory_space<vmem>> -> memref<128xi32, #tpu.memory_space<vmem>>
          %dma_start3A_496 = arith.constant 0 : i32
          %dma_start3A_497 = arith.constant 0 : i32
          %dma_start3A_498 = tpu.memref_slice %arg13[%dma_start3A_496, %dma_start3A_497] : memref<10112x128xf32, #tpu.memory_space<vmem_shared>> -> memref<10112x128xf32, #tpu.memory_space<vmem_shared>>
          tpu.enqueue_indirect_dma source(%arg12 : memref<128x128xf32, #tpu.memory_space<vmem>>) target(%dma_start3A_498 : memref<10112x128xf32, #tpu.memory_space<vmem_shared>>) offsets(%dma_start3A_495 : memref<128xi32, #tpu.memory_space<vmem>>) semaphore(%arg18 : memref<!tpu.dma_semaphore, #tpu.memory_space<semaphore_mem>>) {add = true}
        } else {
        }
      }
      %scan3A_134 = arith.constant 16 : i32
      %dma_wait3A_135 = arith.constant 14 : i32
      %dma_wait3A_136 = arith.constant 0 : i32
      %dma_wait3A_137 = tpu.memref_slice %arg9[%dma_wait3A_135, %dma_wait3A_136] : memref<16x128xi32, #tpu.memory_space<vmem>> -> memref<1x128xi32, #tpu.memory_space<vmem>>
      %dma_wait3A_138 = tpu.memref_squeeze %dma_wait3A_137 : memref<1x128xi32, #tpu.memory_space<vmem>> -> memref<128xi32, #tpu.memory_space<vmem>>
      %dma_wait3A_139 = arith.constant 0 : i32
      %dma_wait3A_140 = arith.constant 0 : i32
      %dma_wait3A_141 = tpu.memref_slice %arg13[%dma_wait3A_139, %dma_wait3A_140] : memref<10112x128xf32, #tpu.memory_space<vmem_shared>> -> memref<10112x128xf32, #tpu.memory_space<vmem_shared>>
      tpu.wait_indirect_dma semaphore(%arg17 : memref<!tpu.dma_semaphore, #tpu.memory_space<semaphore_mem>>) src(%arg11 : memref<128x128xf32, #tpu.memory_space<vmem>>) dst(%dma_wait3A_141 : memref<10112x128xf32, #tpu.memory_space<vmem_shared>>)
      %dma_wait3A_142 = arith.constant 15 : i32
      %dma_wait3A_143 = arith.constant 0 : i32
      %dma_wait3A_144 = tpu.memref_slice %arg9[%dma_wait3A_142, %dma_wait3A_143] : memref<16x128xi32, #tpu.memory_space<vmem>> -> memref<1x128xi32, #tpu.memory_space<vmem>>
      %dma_wait3A_145 = tpu.memref_squeeze %dma_wait3A_144 : memref<1x128xi32, #tpu.memory_space<vmem>> -> memref<128xi32, #tpu.memory_space<vmem>>
      %dma_wait3A_146 = arith.constant 0 : i32
      %dma_wait3A_147 = arith.constant 0 : i32
      %dma_wait3A_148 = tpu.memref_slice %arg13[%dma_wait3A_146, %dma_wait3A_147] : memref<10112x128xf32, #tpu.memory_space<vmem_shared>> -> memref<10112x128xf32, #tpu.memory_space<vmem_shared>>
      tpu.wait_indirect_dma semaphore(%arg18 : memref<!tpu.dma_semaphore, #tpu.memory_space<semaphore_mem>>) src(%arg12 : memref<128x128xf32, #tpu.memory_space<vmem>>) dst(%dma_wait3A_148 : memref<10112x128xf32, #tpu.memory_space<vmem_shared>>)
      %add3A_149 = arith.constant 48 : i32
      %add3A_150 = arith.addi %mul3A_11, %add3A_149 : i32
      %dma_wait3A_151 = arith.constant 0 : i32
      %dma_wait3A_152 = tpu.memref_slice %arg3[%add3A_150, %dma_wait3A_151] : memref<2560x128xi32, #tpu.memory_space<hbm>> -> memref<16x128xi32, #tpu.memory_space<hbm>>
      %dma_wait3A_153 = arith.constant 0 : i32
      %dma_wait3A_154 = tpu.memref_slice %arg3[%add3A_150, %dma_wait3A_153] : memref<2560x128xi32, #tpu.memory_space<hbm>> -> memref<16x128xi32, #tpu.memory_space<hbm>>
      tpu.wait_dma2 semaphore(%arg14 : memref<!tpu.dma_semaphore, #tpu.memory_space<semaphore_mem>>) src(%dma_wait3A_154 : memref<16x128xi32, #tpu.memory_space<hbm>>) dst(%arg8 : memref<16x128xi32, #tpu.memory_space<vmem>>)
      %add3A_155 = arith.constant 48 : i32
      %add3A_156 = arith.addi %mul3A_11, %add3A_155 : i32
      %dma_wait3A_157 = arith.constant 0 : i32
      %dma_wait3A_158 = tpu.memref_slice %arg4[%add3A_156, %dma_wait3A_157] : memref<2560x128xi32, #tpu.memory_space<hbm>> -> memref<16x128xi32, #tpu.memory_space<hbm>>
      %dma_wait3A_159 = arith.constant 0 : i32
      %dma_wait3A_160 = tpu.memref_slice %arg4[%add3A_156, %dma_wait3A_159] : memref<2560x128xi32, #tpu.memory_space<hbm>> -> memref<16x128xi32, #tpu.memory_space<hbm>>
      tpu.wait_dma2 semaphore(%arg14 : memref<!tpu.dma_semaphore, #tpu.memory_space<semaphore_mem>>) src(%dma_wait3A_160 : memref<16x128xi32, #tpu.memory_space<hbm>>) dst(%arg10 : memref<16x128xi32, #tpu.memory_space<vmem>>)
      %add3A_161 = arith.constant 64 : i32
      %add3A_162 = arith.addi %mul3A_11, %add3A_161 : i32
      %dma_start3A_163 = arith.constant 0 : i32
      %dma_start3A_164 = tpu.memref_slice %arg3[%add3A_162, %dma_start3A_163] : memref<2560x128xi32, #tpu.memory_space<hbm>> -> memref<16x128xi32, #tpu.memory_space<hbm>>
      %dma_start3A_165 = arith.constant 0 : i32
      %dma_start3A_166 = tpu.memref_slice %arg3[%add3A_162, %dma_start3A_165] : memref<2560x128xi32, #tpu.memory_space<hbm>> -> memref<16x128xi32, #tpu.memory_space<hbm>>
      tpu.enqueue_dma source(%dma_start3A_166 : memref<16x128xi32, #tpu.memory_space<hbm>>) target(%arg7 : memref<16x128xi32, #tpu.memory_space<vmem>>) target_semaphore(%arg14 : memref<!tpu.dma_semaphore, #tpu.memory_space<semaphore_mem>>)
      %add3A_167 = arith.constant 64 : i32
      %add3A_168 = arith.addi %mul3A_11, %add3A_167 : i32
      %dma_start3A_169 = arith.constant 0 : i32
      %dma_start3A_170 = tpu.memref_slice %arg4[%add3A_168, %dma_start3A_169] : memref<2560x128xi32, #tpu.memory_space<hbm>> -> memref<16x128xi32, #tpu.memory_space<hbm>>
      %dma_start3A_171 = arith.constant 0 : i32
      %dma_start3A_172 = tpu.memref_slice %arg4[%add3A_168, %dma_start3A_171] : memref<2560x128xi32, #tpu.memory_space<hbm>> -> memref<16x128xi32, #tpu.memory_space<hbm>>
      tpu.enqueue_dma source(%dma_start3A_172 : memref<16x128xi32, #tpu.memory_space<hbm>>) target(%arg9 : memref<16x128xi32, #tpu.memory_space<vmem>>) target_semaphore(%arg14 : memref<!tpu.dma_semaphore, #tpu.memory_space<semaphore_mem>>)
      %dma_start3A_173 = arith.constant 0 : i32
      %dma_start3A_174 = arith.constant 0 : i32
      %dma_start3A_175 = tpu.memref_slice %arg8[%dma_start3A_173, %dma_start3A_174] : memref<16x128xi32, #tpu.memory_space<vmem>> -> memref<1x128xi32, #tpu.memory_space<vmem>>
      %dma_start3A_176 = tpu.memref_squeeze %dma_start3A_175 : memref<1x128xi32, #tpu.memory_space<vmem>> -> memref<128xi32, #tpu.memory_space<vmem>>
      %dma_start3A_177 = arith.constant 0 : i32
      %dma_start3A_178 = arith.constant 0 : i32
      %dma_start3A_179 = tpu.memref_slice %arg2[%dma_start3A_177, %dma_start3A_178] : memref<10000x128xf32, #tpu.memory_space<hbm>> -> memref<10000x128xf32, #tpu.memory_space<hbm>>
      tpu.enqueue_indirect_dma source(%dma_start3A_179 : memref<10000x128xf32, #tpu.memory_space<hbm>>) target(%arg11 : memref<128x128xf32, #tpu.memory_space<vmem>>) offsets(%dma_start3A_176 : memref<128xi32, #tpu.memory_space<vmem>>) semaphore(%arg15 : memref<!tpu.dma_semaphore, #tpu.memory_space<semaphore_mem>>)
      %scan3A_180 = arith.constant 0 : i32
      %scan3A_181 = arith.constant 0 : i32
      %scan3A_182 = arith.constant 16 : i32
      %scan3A_183 = arith.addi %scan3A_181, %scan3A_182 : i32
      %scan3A_184 = arith.constant 1 : i32
      scf.for %scan3A_443 = %scan3A_181 to %scan3A_183 step %scan3A_184  : i32 {
        %jit3A = arith.constant 2 : i32
        %eq3A_444 = arith.constant 0 : i32
        %eq3A_445 = arith.cmpi eq, %jit3A, %eq3A_444 : i32
        %jit3A_446 = arith.constant 1 : i32
        %select_n3A = arith.select %eq3A_445, %jit3A_446, %jit3A : i32
        %rem3A = arith.remsi %scan3A_443, %select_n3A : i32
        %ne3A = arith.constant 0 : i32
        %ne3A_447 = arith.cmpi ne, %rem3A, %ne3A : i32
        %lt3A = arith.constant 0 : i32
        %lt3A_448 = arith.cmpi slt, %rem3A, %lt3A : i32
        %lt3A_449 = arith.constant 0 : i32
        %lt3A_450 = arith.cmpi slt, %select_n3A, %lt3A_449 : i32
        %ne3A_451 = arith.xori %lt3A_448, %lt3A_450 : i1
        %and3A = arith.andi %ne3A_451, %ne3A_447 : i1
        %add3A_452 = arith.addi %rem3A, %select_n3A : i32
        %select_n3A_453 = arith.select %and3A, %add3A_452, %rem3A : i32
        %eq3A_454 = arith.constant 0 : i32
        %eq3A_455 = arith.cmpi eq, %select_n3A_453, %eq3A_454 : i32
        %convert_element_type3A_456 = arith.extui %eq3A_455 : i1 to i32
        %cond3A_457 = arith.constant 0 : i32
        %cond3A_458 = arith.cmpi ne, %convert_element_type3A_456, %cond3A_457 : i32
        scf.if %cond3A_458 {
          %dma_wait3A_480 = arith.constant 0 : i32
          %dma_wait3A_481 = tpu.memref_slice %arg8[%scan3A_443, %dma_wait3A_480] : memref<16x128xi32, #tpu.memory_space<vmem>> -> memref<1x128xi32, #tpu.memory_space<vmem>>
          %dma_wait3A_482 = tpu.memref_squeeze %dma_wait3A_481 : memref<1x128xi32, #tpu.memory_space<vmem>> -> memref<128xi32, #tpu.memory_space<vmem>>
          %dma_wait3A_483 = arith.constant 0 : i32
          %dma_wait3A_484 = arith.constant 0 : i32
          %dma_wait3A_485 = tpu.memref_slice %arg2[%dma_wait3A_483, %dma_wait3A_484] : memref<10000x128xf32, #tpu.memory_space<hbm>> -> memref<10000x128xf32, #tpu.memory_space<hbm>>
          tpu.wait_indirect_dma semaphore(%arg15 : memref<!tpu.dma_semaphore, #tpu.memory_space<semaphore_mem>>) src(%dma_wait3A_485 : memref<10000x128xf32, #tpu.memory_space<hbm>>) dst(%arg11 : memref<128x128xf32, #tpu.memory_space<vmem>>)
          %add3A_486 = arith.constant 1 : i32
          %add3A_487 = arith.addi %scan3A_443, %add3A_486 : i32
          %lt3A_488 = arith.constant 16 : i32
          %lt3A_489 = arith.cmpi slt, %add3A_487, %lt3A_488 : i32
          %convert_element_type3A_490 = arith.extui %lt3A_489 : i1 to i32
          %cond3A_491 = arith.constant 0 : i32
          %cond3A_492 = arith.cmpi ne, %convert_element_type3A_490, %cond3A_491 : i32
          scf.if %cond3A_492 {
            %gt3A = arith.constant 0 : i32
            %gt3A_499 = arith.cmpi sgt, %scan3A_443, %gt3A : i32
            %convert_element_type3A_500 = arith.extui %gt3A_499 : i1 to i32
            %cond3A_501 = arith.constant 0 : i32
            %cond3A_502 = arith.cmpi ne, %convert_element_type3A_500, %cond3A_501 : i32
            scf.if %cond3A_502 {
              %sub3A = arith.constant 1 : i32
              %sub3A_511 = arith.subi %scan3A_443, %sub3A : i32
              %dma_wait3A_512 = arith.constant 0 : i32
              %dma_wait3A_513 = tpu.memref_slice %arg10[%sub3A_511, %dma_wait3A_512] : memref<16x128xi32, #tpu.memory_space<vmem>> -> memref<1x128xi32, #tpu.memory_space<vmem>>
              %dma_wait3A_514 = tpu.memref_squeeze %dma_wait3A_513 : memref<1x128xi32, #tpu.memory_space<vmem>> -> memref<128xi32, #tpu.memory_space<vmem>>
              %dma_wait3A_515 = arith.constant 0 : i32
              %dma_wait3A_516 = arith.constant 0 : i32
              %dma_wait3A_517 = tpu.memref_slice %arg13[%dma_wait3A_515, %dma_wait3A_516] : memref<10112x128xf32, #tpu.memory_space<vmem_shared>> -> memref<10112x128xf32, #tpu.memory_space<vmem_shared>>
              tpu.wait_indirect_dma semaphore(%arg18 : memref<!tpu.dma_semaphore, #tpu.memory_space<semaphore_mem>>) src(%arg12 : memref<128x128xf32, #tpu.memory_space<vmem>>) dst(%dma_wait3A_517 : memref<10112x128xf32, #tpu.memory_space<vmem_shared>>)
            } else {
            }
            %add3A_503 = arith.constant 1 : i32
            %add3A_504 = arith.addi %scan3A_443, %add3A_503 : i32
            %dma_start3A_505 = arith.constant 0 : i32
            %dma_start3A_506 = tpu.memref_slice %arg8[%add3A_504, %dma_start3A_505] : memref<16x128xi32, #tpu.memory_space<vmem>> -> memref<1x128xi32, #tpu.memory_space<vmem>>
            %dma_start3A_507 = tpu.memref_squeeze %dma_start3A_506 : memref<1x128xi32, #tpu.memory_space<vmem>> -> memref<128xi32, #tpu.memory_space<vmem>>
            %dma_start3A_508 = arith.constant 0 : i32
            %dma_start3A_509 = arith.constant 0 : i32
            %dma_start3A_510 = tpu.memref_slice %arg2[%dma_start3A_508, %dma_start3A_509] : memref<10000x128xf32, #tpu.memory_space<hbm>> -> memref<10000x128xf32, #tpu.memory_space<hbm>>
            tpu.enqueue_indirect_dma source(%dma_start3A_510 : memref<10000x128xf32, #tpu.memory_space<hbm>>) target(%arg12 : memref<128x128xf32, #tpu.memory_space<vmem>>) offsets(%dma_start3A_507 : memref<128xi32, #tpu.memory_space<vmem>>) semaphore(%arg16 : memref<!tpu.dma_semaphore, #tpu.memory_space<semaphore_mem>>)
          } else {
          }
          %dma_start3A_493 = arith.constant 0 : i32
          %dma_start3A_494 = tpu.memref_slice %arg10[%scan3A_443, %dma_start3A_493] : memref<16x128xi32, #tpu.memory_space<vmem>> -> memref<1x128xi32, #tpu.memory_space<vmem>>
          %dma_start3A_495 = tpu.memref_squeeze %dma_start3A_494 : memref<1x128xi32, #tpu.memory_space<vmem>> -> memref<128xi32, #tpu.memory_space<vmem>>
          %dma_start3A_496 = arith.constant 0 : i32
          %dma_start3A_497 = arith.constant 0 : i32
          %dma_start3A_498 = tpu.memref_slice %arg13[%dma_start3A_496, %dma_start3A_497] : memref<10112x128xf32, #tpu.memory_space<vmem_shared>> -> memref<10112x128xf32, #tpu.memory_space<vmem_shared>>
          tpu.enqueue_indirect_dma source(%arg11 : memref<128x128xf32, #tpu.memory_space<vmem>>) target(%dma_start3A_498 : memref<10112x128xf32, #tpu.memory_space<vmem_shared>>) offsets(%dma_start3A_495 : memref<128xi32, #tpu.memory_space<vmem>>) semaphore(%arg17 : memref<!tpu.dma_semaphore, #tpu.memory_space<semaphore_mem>>) {add = true}
        } else {
        }
        %jit3A_459 = arith.constant 2 : i32
        %eq3A_460 = arith.constant 0 : i32
        %eq3A_461 = arith.cmpi eq, %jit3A_459, %eq3A_460 : i32
        %jit3A_462 = arith.constant 1 : i32
        %select_n3A_463 = arith.select %eq3A_461, %jit3A_462, %jit3A_459 : i32
        %rem3A_464 = arith.remsi %scan3A_443, %select_n3A_463 : i32
        %ne3A_465 = arith.constant 0 : i32
        %ne3A_466 = arith.cmpi ne, %rem3A_464, %ne3A_465 : i32
        %lt3A_467 = arith.constant 0 : i32
        %lt3A_468 = arith.cmpi slt, %rem3A_464, %lt3A_467 : i32
        %lt3A_469 = arith.constant 0 : i32
        %lt3A_470 = arith.cmpi slt, %select_n3A_463, %lt3A_469 : i32
        %ne3A_471 = arith.xori %lt3A_468, %lt3A_470 : i1
        %and3A_472 = arith.andi %ne3A_471, %ne3A_466 : i1
        %add3A_473 = arith.addi %rem3A_464, %select_n3A_463 : i32
        %select_n3A_474 = arith.select %and3A_472, %add3A_473, %rem3A_464 : i32
        %eq3A_475 = arith.constant 1 : i32
        %eq3A_476 = arith.cmpi eq, %select_n3A_474, %eq3A_475 : i32
        %convert_element_type3A_477 = arith.extui %eq3A_476 : i1 to i32
        %cond3A_478 = arith.constant 0 : i32
        %cond3A_479 = arith.cmpi ne, %convert_element_type3A_477, %cond3A_478 : i32
        scf.if %cond3A_479 {
          %dma_wait3A_480 = arith.constant 0 : i32
          %dma_wait3A_481 = tpu.memref_slice %arg8[%scan3A_443, %dma_wait3A_480] : memref<16x128xi32, #tpu.memory_space<vmem>> -> memref<1x128xi32, #tpu.memory_space<vmem>>
          %dma_wait3A_482 = tpu.memref_squeeze %dma_wait3A_481 : memref<1x128xi32, #tpu.memory_space<vmem>> -> memref<128xi32, #tpu.memory_space<vmem>>
          %dma_wait3A_483 = arith.constant 0 : i32
          %dma_wait3A_484 = arith.constant 0 : i32
          %dma_wait3A_485 = tpu.memref_slice %arg2[%dma_wait3A_483, %dma_wait3A_484] : memref<10000x128xf32, #tpu.memory_space<hbm>> -> memref<10000x128xf32, #tpu.memory_space<hbm>>
          tpu.wait_indirect_dma semaphore(%arg16 : memref<!tpu.dma_semaphore, #tpu.memory_space<semaphore_mem>>) src(%dma_wait3A_485 : memref<10000x128xf32, #tpu.memory_space<hbm>>) dst(%arg12 : memref<128x128xf32, #tpu.memory_space<vmem>>)
          %add3A_486 = arith.constant 1 : i32
          %add3A_487 = arith.addi %scan3A_443, %add3A_486 : i32
          %lt3A_488 = arith.constant 16 : i32
          %lt3A_489 = arith.cmpi slt, %add3A_487, %lt3A_488 : i32
          %convert_element_type3A_490 = arith.extui %lt3A_489 : i1 to i32
          %cond3A_491 = arith.constant 0 : i32
          %cond3A_492 = arith.cmpi ne, %convert_element_type3A_490, %cond3A_491 : i32
          scf.if %cond3A_492 {
            %sub3A = arith.constant 1 : i32
            %sub3A_499 = arith.subi %scan3A_443, %sub3A : i32
            %dma_wait3A_500 = arith.constant 0 : i32
            %dma_wait3A_501 = tpu.memref_slice %arg10[%sub3A_499, %dma_wait3A_500] : memref<16x128xi32, #tpu.memory_space<vmem>> -> memref<1x128xi32, #tpu.memory_space<vmem>>
            %dma_wait3A_502 = tpu.memref_squeeze %dma_wait3A_501 : memref<1x128xi32, #tpu.memory_space<vmem>> -> memref<128xi32, #tpu.memory_space<vmem>>
            %dma_wait3A_503 = arith.constant 0 : i32
            %dma_wait3A_504 = arith.constant 0 : i32
            %dma_wait3A_505 = tpu.memref_slice %arg13[%dma_wait3A_503, %dma_wait3A_504] : memref<10112x128xf32, #tpu.memory_space<vmem_shared>> -> memref<10112x128xf32, #tpu.memory_space<vmem_shared>>
            tpu.wait_indirect_dma semaphore(%arg17 : memref<!tpu.dma_semaphore, #tpu.memory_space<semaphore_mem>>) src(%arg11 : memref<128x128xf32, #tpu.memory_space<vmem>>) dst(%dma_wait3A_505 : memref<10112x128xf32, #tpu.memory_space<vmem_shared>>)
            %add3A_506 = arith.constant 1 : i32
            %add3A_507 = arith.addi %scan3A_443, %add3A_506 : i32
            %dma_start3A_508 = arith.constant 0 : i32
            %dma_start3A_509 = tpu.memref_slice %arg8[%add3A_507, %dma_start3A_508] : memref<16x128xi32, #tpu.memory_space<vmem>> -> memref<1x128xi32, #tpu.memory_space<vmem>>
            %dma_start3A_510 = tpu.memref_squeeze %dma_start3A_509 : memref<1x128xi32, #tpu.memory_space<vmem>> -> memref<128xi32, #tpu.memory_space<vmem>>
            %dma_start3A_511 = arith.constant 0 : i32
            %dma_start3A_512 = arith.constant 0 : i32
            %dma_start3A_513 = tpu.memref_slice %arg2[%dma_start3A_511, %dma_start3A_512] : memref<10000x128xf32, #tpu.memory_space<hbm>> -> memref<10000x128xf32, #tpu.memory_space<hbm>>
            tpu.enqueue_indirect_dma source(%dma_start3A_513 : memref<10000x128xf32, #tpu.memory_space<hbm>>) target(%arg11 : memref<128x128xf32, #tpu.memory_space<vmem>>) offsets(%dma_start3A_510 : memref<128xi32, #tpu.memory_space<vmem>>) semaphore(%arg15 : memref<!tpu.dma_semaphore, #tpu.memory_space<semaphore_mem>>)
          } else {
          }
          %dma_start3A_493 = arith.constant 0 : i32
          %dma_start3A_494 = tpu.memref_slice %arg10[%scan3A_443, %dma_start3A_493] : memref<16x128xi32, #tpu.memory_space<vmem>> -> memref<1x128xi32, #tpu.memory_space<vmem>>
          %dma_start3A_495 = tpu.memref_squeeze %dma_start3A_494 : memref<1x128xi32, #tpu.memory_space<vmem>> -> memref<128xi32, #tpu.memory_space<vmem>>
          %dma_start3A_496 = arith.constant 0 : i32
          %dma_start3A_497 = arith.constant 0 : i32
          %dma_start3A_498 = tpu.memref_slice %arg13[%dma_start3A_496, %dma_start3A_497] : memref<10112x128xf32, #tpu.memory_space<vmem_shared>> -> memref<10112x128xf32, #tpu.memory_space<vmem_shared>>
          tpu.enqueue_indirect_dma source(%arg12 : memref<128x128xf32, #tpu.memory_space<vmem>>) target(%dma_start3A_498 : memref<10112x128xf32, #tpu.memory_space<vmem_shared>>) offsets(%dma_start3A_495 : memref<128xi32, #tpu.memory_space<vmem>>) semaphore(%arg18 : memref<!tpu.dma_semaphore, #tpu.memory_space<semaphore_mem>>) {add = true}
        } else {
        }
      }
      %scan3A_185 = arith.constant 16 : i32
      %dma_wait3A_186 = arith.constant 14 : i32
      %dma_wait3A_187 = arith.constant 0 : i32
      %dma_wait3A_188 = tpu.memref_slice %arg10[%dma_wait3A_186, %dma_wait3A_187] : memref<16x128xi32, #tpu.memory_space<vmem>> -> memref<1x128xi32, #tpu.memory_space<vmem>>
      %dma_wait3A_189 = tpu.memref_squeeze %dma_wait3A_188 : memref<1x128xi32, #tpu.memory_space<vmem>> -> memref<128xi32, #tpu.memory_space<vmem>>
      %dma_wait3A_190 = arith.constant 0 : i32
      %dma_wait3A_191 = arith.constant 0 : i32
      %dma_wait3A_192 = tpu.memref_slice %arg13[%dma_wait3A_190, %dma_wait3A_191] : memref<10112x128xf32, #tpu.memory_space<vmem_shared>> -> memref<10112x128xf32, #tpu.memory_space<vmem_shared>>
      tpu.wait_indirect_dma semaphore(%arg17 : memref<!tpu.dma_semaphore, #tpu.memory_space<semaphore_mem>>) src(%arg11 : memref<128x128xf32, #tpu.memory_space<vmem>>) dst(%dma_wait3A_192 : memref<10112x128xf32, #tpu.memory_space<vmem_shared>>)
      %dma_wait3A_193 = arith.constant 15 : i32
      %dma_wait3A_194 = arith.constant 0 : i32
      %dma_wait3A_195 = tpu.memref_slice %arg10[%dma_wait3A_193, %dma_wait3A_194] : memref<16x128xi32, #tpu.memory_space<vmem>> -> memref<1x128xi32, #tpu.memory_space<vmem>>
      %dma_wait3A_196 = tpu.memref_squeeze %dma_wait3A_195 : memref<1x128xi32, #tpu.memory_space<vmem>> -> memref<128xi32, #tpu.memory_space<vmem>>
      %dma_wait3A_197 = arith.constant 0 : i32
      %dma_wait3A_198 = arith.constant 0 : i32
      %dma_wait3A_199 = tpu.memref_slice %arg13[%dma_wait3A_197, %dma_wait3A_198] : memref<10112x128xf32, #tpu.memory_space<vmem_shared>> -> memref<10112x128xf32, #tpu.memory_space<vmem_shared>>
      tpu.wait_indirect_dma semaphore(%arg18 : memref<!tpu.dma_semaphore, #tpu.memory_space<semaphore_mem>>) src(%arg12 : memref<128x128xf32, #tpu.memory_space<vmem>>) dst(%dma_wait3A_199 : memref<10112x128xf32, #tpu.memory_space<vmem_shared>>)
      %add3A_200 = arith.constant 64 : i32
      %add3A_201 = arith.addi %mul3A_11, %add3A_200 : i32
      %dma_wait3A_202 = arith.constant 0 : i32
      %dma_wait3A_203 = tpu.memref_slice %arg3[%add3A_201, %dma_wait3A_202] : memref<2560x128xi32, #tpu.memory_space<hbm>> -> memref<16x128xi32, #tpu.memory_space<hbm>>
      %dma_wait3A_204 = arith.constant 0 : i32
      %dma_wait3A_205 = tpu.memref_slice %arg3[%add3A_201, %dma_wait3A_204] : memref<2560x128xi32, #tpu.memory_space<hbm>> -> memref<16x128xi32, #tpu.memory_space<hbm>>
      tpu.wait_dma2 semaphore(%arg14 : memref<!tpu.dma_semaphore, #tpu.memory_space<semaphore_mem>>) src(%dma_wait3A_205 : memref<16x128xi32, #tpu.memory_space<hbm>>) dst(%arg7 : memref<16x128xi32, #tpu.memory_space<vmem>>)
      %add3A_206 = arith.constant 64 : i32
      %add3A_207 = arith.addi %mul3A_11, %add3A_206 : i32
      %dma_wait3A_208 = arith.constant 0 : i32
      %dma_wait3A_209 = tpu.memref_slice %arg4[%add3A_207, %dma_wait3A_208] : memref<2560x128xi32, #tpu.memory_space<hbm>> -> memref<16x128xi32, #tpu.memory_space<hbm>>
      %dma_wait3A_210 = arith.constant 0 : i32
      %dma_wait3A_211 = tpu.memref_slice %arg4[%add3A_207, %dma_wait3A_210] : memref<2560x128xi32, #tpu.memory_space<hbm>> -> memref<16x128xi32, #tpu.memory_space<hbm>>
      tpu.wait_dma2 semaphore(%arg14 : memref<!tpu.dma_semaphore, #tpu.memory_space<semaphore_mem>>) src(%dma_wait3A_211 : memref<16x128xi32, #tpu.memory_space<hbm>>) dst(%arg9 : memref<16x128xi32, #tpu.memory_space<vmem>>)
      %add3A_212 = arith.constant 80 : i32
      %add3A_213 = arith.addi %mul3A_11, %add3A_212 : i32
      %dma_start3A_214 = arith.constant 0 : i32
      %dma_start3A_215 = tpu.memref_slice %arg3[%add3A_213, %dma_start3A_214] : memref<2560x128xi32, #tpu.memory_space<hbm>> -> memref<16x128xi32, #tpu.memory_space<hbm>>
      %dma_start3A_216 = arith.constant 0 : i32
      %dma_start3A_217 = tpu.memref_slice %arg3[%add3A_213, %dma_start3A_216] : memref<2560x128xi32, #tpu.memory_space<hbm>> -> memref<16x128xi32, #tpu.memory_space<hbm>>
      tpu.enqueue_dma source(%dma_start3A_217 : memref<16x128xi32, #tpu.memory_space<hbm>>) target(%arg8 : memref<16x128xi32, #tpu.memory_space<vmem>>) target_semaphore(%arg14 : memref<!tpu.dma_semaphore, #tpu.memory_space<semaphore_mem>>)
      %add3A_218 = arith.constant 80 : i32
      %add3A_219 = arith.addi %mul3A_11, %add3A_218 : i32
      %dma_start3A_220 = arith.constant 0 : i32
      %dma_start3A_221 = tpu.memref_slice %arg4[%add3A_219, %dma_start3A_220] : memref<2560x128xi32, #tpu.memory_space<hbm>> -> memref<16x128xi32, #tpu.memory_space<hbm>>
      %dma_start3A_222 = arith.constant 0 : i32
      %dma_start3A_223 = tpu.memref_slice %arg4[%add3A_219, %dma_start3A_222] : memref<2560x128xi32, #tpu.memory_space<hbm>> -> memref<16x128xi32, #tpu.memory_space<hbm>>
      tpu.enqueue_dma source(%dma_start3A_223 : memref<16x128xi32, #tpu.memory_space<hbm>>) target(%arg10 : memref<16x128xi32, #tpu.memory_space<vmem>>) target_semaphore(%arg14 : memref<!tpu.dma_semaphore, #tpu.memory_space<semaphore_mem>>)
      %dma_start3A_224 = arith.constant 0 : i32
      %dma_start3A_225 = arith.constant 0 : i32
      %dma_start3A_226 = tpu.memref_slice %arg7[%dma_start3A_224, %dma_start3A_225] : memref<16x128xi32, #tpu.memory_space<vmem>> -> memref<1x128xi32, #tpu.memory_space<vmem>>
      %dma_start3A_227 = tpu.memref_squeeze %dma_start3A_226 : memref<1x128xi32, #tpu.memory_space<vmem>> -> memref<128xi32, #tpu.memory_space<vmem>>
      %dma_start3A_228 = arith.constant 0 : i32
      %dma_start3A_229 = arith.constant 0 : i32
      %dma_start3A_230 = tpu.memref_slice %arg2[%dma_start3A_228, %dma_start3A_229] : memref<10000x128xf32, #tpu.memory_space<hbm>> -> memref<10000x128xf32, #tpu.memory_space<hbm>>
      tpu.enqueue_indirect_dma source(%dma_start3A_230 : memref<10000x128xf32, #tpu.memory_space<hbm>>) target(%arg11 : memref<128x128xf32, #tpu.memory_space<vmem>>) offsets(%dma_start3A_227 : memref<128xi32, #tpu.memory_space<vmem>>) semaphore(%arg15 : memref<!tpu.dma_semaphore, #tpu.memory_space<semaphore_mem>>)
      %scan3A_231 = arith.constant 0 : i32
      %scan3A_232 = arith.constant 0 : i32
      %scan3A_233 = arith.constant 16 : i32
      %scan3A_234 = arith.addi %scan3A_232, %scan3A_233 : i32
      %scan3A_235 = arith.constant 1 : i32
      scf.for %scan3A_443 = %scan3A_232 to %scan3A_234 step %scan3A_235  : i32 {
        %jit3A = arith.constant 2 : i32
        %eq3A_444 = arith.constant 0 : i32
        %eq3A_445 = arith.cmpi eq, %jit3A, %eq3A_444 : i32
        %jit3A_446 = arith.constant 1 : i32
        %select_n3A = arith.select %eq3A_445, %jit3A_446, %jit3A : i32
        %rem3A = arith.remsi %scan3A_443, %select_n3A : i32
        %ne3A = arith.constant 0 : i32
        %ne3A_447 = arith.cmpi ne, %rem3A, %ne3A : i32
        %lt3A = arith.constant 0 : i32
        %lt3A_448 = arith.cmpi slt, %rem3A, %lt3A : i32
        %lt3A_449 = arith.constant 0 : i32
        %lt3A_450 = arith.cmpi slt, %select_n3A, %lt3A_449 : i32
        %ne3A_451 = arith.xori %lt3A_448, %lt3A_450 : i1
        %and3A = arith.andi %ne3A_451, %ne3A_447 : i1
        %add3A_452 = arith.addi %rem3A, %select_n3A : i32
        %select_n3A_453 = arith.select %and3A, %add3A_452, %rem3A : i32
        %eq3A_454 = arith.constant 0 : i32
        %eq3A_455 = arith.cmpi eq, %select_n3A_453, %eq3A_454 : i32
        %convert_element_type3A_456 = arith.extui %eq3A_455 : i1 to i32
        %cond3A_457 = arith.constant 0 : i32
        %cond3A_458 = arith.cmpi ne, %convert_element_type3A_456, %cond3A_457 : i32
        scf.if %cond3A_458 {
          %dma_wait3A_480 = arith.constant 0 : i32
          %dma_wait3A_481 = tpu.memref_slice %arg7[%scan3A_443, %dma_wait3A_480] : memref<16x128xi32, #tpu.memory_space<vmem>> -> memref<1x128xi32, #tpu.memory_space<vmem>>
          %dma_wait3A_482 = tpu.memref_squeeze %dma_wait3A_481 : memref<1x128xi32, #tpu.memory_space<vmem>> -> memref<128xi32, #tpu.memory_space<vmem>>
          %dma_wait3A_483 = arith.constant 0 : i32
          %dma_wait3A_484 = arith.constant 0 : i32
          %dma_wait3A_485 = tpu.memref_slice %arg2[%dma_wait3A_483, %dma_wait3A_484] : memref<10000x128xf32, #tpu.memory_space<hbm>> -> memref<10000x128xf32, #tpu.memory_space<hbm>>
          tpu.wait_indirect_dma semaphore(%arg15 : memref<!tpu.dma_semaphore, #tpu.memory_space<semaphore_mem>>) src(%dma_wait3A_485 : memref<10000x128xf32, #tpu.memory_space<hbm>>) dst(%arg11 : memref<128x128xf32, #tpu.memory_space<vmem>>)
          %add3A_486 = arith.constant 1 : i32
          %add3A_487 = arith.addi %scan3A_443, %add3A_486 : i32
          %lt3A_488 = arith.constant 16 : i32
          %lt3A_489 = arith.cmpi slt, %add3A_487, %lt3A_488 : i32
          %convert_element_type3A_490 = arith.extui %lt3A_489 : i1 to i32
          %cond3A_491 = arith.constant 0 : i32
          %cond3A_492 = arith.cmpi ne, %convert_element_type3A_490, %cond3A_491 : i32
          scf.if %cond3A_492 {
            %gt3A = arith.constant 0 : i32
            %gt3A_499 = arith.cmpi sgt, %scan3A_443, %gt3A : i32
            %convert_element_type3A_500 = arith.extui %gt3A_499 : i1 to i32
            %cond3A_501 = arith.constant 0 : i32
            %cond3A_502 = arith.cmpi ne, %convert_element_type3A_500, %cond3A_501 : i32
            scf.if %cond3A_502 {
              %sub3A = arith.constant 1 : i32
              %sub3A_511 = arith.subi %scan3A_443, %sub3A : i32
              %dma_wait3A_512 = arith.constant 0 : i32
              %dma_wait3A_513 = tpu.memref_slice %arg9[%sub3A_511, %dma_wait3A_512] : memref<16x128xi32, #tpu.memory_space<vmem>> -> memref<1x128xi32, #tpu.memory_space<vmem>>
              %dma_wait3A_514 = tpu.memref_squeeze %dma_wait3A_513 : memref<1x128xi32, #tpu.memory_space<vmem>> -> memref<128xi32, #tpu.memory_space<vmem>>
              %dma_wait3A_515 = arith.constant 0 : i32
              %dma_wait3A_516 = arith.constant 0 : i32
              %dma_wait3A_517 = tpu.memref_slice %arg13[%dma_wait3A_515, %dma_wait3A_516] : memref<10112x128xf32, #tpu.memory_space<vmem_shared>> -> memref<10112x128xf32, #tpu.memory_space<vmem_shared>>
              tpu.wait_indirect_dma semaphore(%arg18 : memref<!tpu.dma_semaphore, #tpu.memory_space<semaphore_mem>>) src(%arg12 : memref<128x128xf32, #tpu.memory_space<vmem>>) dst(%dma_wait3A_517 : memref<10112x128xf32, #tpu.memory_space<vmem_shared>>)
            } else {
            }
            %add3A_503 = arith.constant 1 : i32
            %add3A_504 = arith.addi %scan3A_443, %add3A_503 : i32
            %dma_start3A_505 = arith.constant 0 : i32
            %dma_start3A_506 = tpu.memref_slice %arg7[%add3A_504, %dma_start3A_505] : memref<16x128xi32, #tpu.memory_space<vmem>> -> memref<1x128xi32, #tpu.memory_space<vmem>>
            %dma_start3A_507 = tpu.memref_squeeze %dma_start3A_506 : memref<1x128xi32, #tpu.memory_space<vmem>> -> memref<128xi32, #tpu.memory_space<vmem>>
            %dma_start3A_508 = arith.constant 0 : i32
            %dma_start3A_509 = arith.constant 0 : i32
            %dma_start3A_510 = tpu.memref_slice %arg2[%dma_start3A_508, %dma_start3A_509] : memref<10000x128xf32, #tpu.memory_space<hbm>> -> memref<10000x128xf32, #tpu.memory_space<hbm>>
            tpu.enqueue_indirect_dma source(%dma_start3A_510 : memref<10000x128xf32, #tpu.memory_space<hbm>>) target(%arg12 : memref<128x128xf32, #tpu.memory_space<vmem>>) offsets(%dma_start3A_507 : memref<128xi32, #tpu.memory_space<vmem>>) semaphore(%arg16 : memref<!tpu.dma_semaphore, #tpu.memory_space<semaphore_mem>>)
          } else {
          }
          %dma_start3A_493 = arith.constant 0 : i32
          %dma_start3A_494 = tpu.memref_slice %arg9[%scan3A_443, %dma_start3A_493] : memref<16x128xi32, #tpu.memory_space<vmem>> -> memref<1x128xi32, #tpu.memory_space<vmem>>
          %dma_start3A_495 = tpu.memref_squeeze %dma_start3A_494 : memref<1x128xi32, #tpu.memory_space<vmem>> -> memref<128xi32, #tpu.memory_space<vmem>>
          %dma_start3A_496 = arith.constant 0 : i32
          %dma_start3A_497 = arith.constant 0 : i32
          %dma_start3A_498 = tpu.memref_slice %arg13[%dma_start3A_496, %dma_start3A_497] : memref<10112x128xf32, #tpu.memory_space<vmem_shared>> -> memref<10112x128xf32, #tpu.memory_space<vmem_shared>>
          tpu.enqueue_indirect_dma source(%arg11 : memref<128x128xf32, #tpu.memory_space<vmem>>) target(%dma_start3A_498 : memref<10112x128xf32, #tpu.memory_space<vmem_shared>>) offsets(%dma_start3A_495 : memref<128xi32, #tpu.memory_space<vmem>>) semaphore(%arg17 : memref<!tpu.dma_semaphore, #tpu.memory_space<semaphore_mem>>) {add = true}
        } else {
        }
        %jit3A_459 = arith.constant 2 : i32
        %eq3A_460 = arith.constant 0 : i32
        %eq3A_461 = arith.cmpi eq, %jit3A_459, %eq3A_460 : i32
        %jit3A_462 = arith.constant 1 : i32
        %select_n3A_463 = arith.select %eq3A_461, %jit3A_462, %jit3A_459 : i32
        %rem3A_464 = arith.remsi %scan3A_443, %select_n3A_463 : i32
        %ne3A_465 = arith.constant 0 : i32
        %ne3A_466 = arith.cmpi ne, %rem3A_464, %ne3A_465 : i32
        %lt3A_467 = arith.constant 0 : i32
        %lt3A_468 = arith.cmpi slt, %rem3A_464, %lt3A_467 : i32
        %lt3A_469 = arith.constant 0 : i32
        %lt3A_470 = arith.cmpi slt, %select_n3A_463, %lt3A_469 : i32
        %ne3A_471 = arith.xori %lt3A_468, %lt3A_470 : i1
        %and3A_472 = arith.andi %ne3A_471, %ne3A_466 : i1
        %add3A_473 = arith.addi %rem3A_464, %select_n3A_463 : i32
        %select_n3A_474 = arith.select %and3A_472, %add3A_473, %rem3A_464 : i32
        %eq3A_475 = arith.constant 1 : i32
        %eq3A_476 = arith.cmpi eq, %select_n3A_474, %eq3A_475 : i32
        %convert_element_type3A_477 = arith.extui %eq3A_476 : i1 to i32
        %cond3A_478 = arith.constant 0 : i32
        %cond3A_479 = arith.cmpi ne, %convert_element_type3A_477, %cond3A_478 : i32
        scf.if %cond3A_479 {
          %dma_wait3A_480 = arith.constant 0 : i32
          %dma_wait3A_481 = tpu.memref_slice %arg7[%scan3A_443, %dma_wait3A_480] : memref<16x128xi32, #tpu.memory_space<vmem>> -> memref<1x128xi32, #tpu.memory_space<vmem>>
          %dma_wait3A_482 = tpu.memref_squeeze %dma_wait3A_481 : memref<1x128xi32, #tpu.memory_space<vmem>> -> memref<128xi32, #tpu.memory_space<vmem>>
          %dma_wait3A_483 = arith.constant 0 : i32
          %dma_wait3A_484 = arith.constant 0 : i32
          %dma_wait3A_485 = tpu.memref_slice %arg2[%dma_wait3A_483, %dma_wait3A_484] : memref<10000x128xf32, #tpu.memory_space<hbm>> -> memref<10000x128xf32, #tpu.memory_space<hbm>>
          tpu.wait_indirect_dma semaphore(%arg16 : memref<!tpu.dma_semaphore, #tpu.memory_space<semaphore_mem>>) src(%dma_wait3A_485 : memref<10000x128xf32, #tpu.memory_space<hbm>>) dst(%arg12 : memref<128x128xf32, #tpu.memory_space<vmem>>)
          %add3A_486 = arith.constant 1 : i32
          %add3A_487 = arith.addi %scan3A_443, %add3A_486 : i32
          %lt3A_488 = arith.constant 16 : i32
          %lt3A_489 = arith.cmpi slt, %add3A_487, %lt3A_488 : i32
          %convert_element_type3A_490 = arith.extui %lt3A_489 : i1 to i32
          %cond3A_491 = arith.constant 0 : i32
          %cond3A_492 = arith.cmpi ne, %convert_element_type3A_490, %cond3A_491 : i32
          scf.if %cond3A_492 {
            %sub3A = arith.constant 1 : i32
            %sub3A_499 = arith.subi %scan3A_443, %sub3A : i32
            %dma_wait3A_500 = arith.constant 0 : i32
            %dma_wait3A_501 = tpu.memref_slice %arg9[%sub3A_499, %dma_wait3A_500] : memref<16x128xi32, #tpu.memory_space<vmem>> -> memref<1x128xi32, #tpu.memory_space<vmem>>
            %dma_wait3A_502 = tpu.memref_squeeze %dma_wait3A_501 : memref<1x128xi32, #tpu.memory_space<vmem>> -> memref<128xi32, #tpu.memory_space<vmem>>
            %dma_wait3A_503 = arith.constant 0 : i32
            %dma_wait3A_504 = arith.constant 0 : i32
            %dma_wait3A_505 = tpu.memref_slice %arg13[%dma_wait3A_503, %dma_wait3A_504] : memref<10112x128xf32, #tpu.memory_space<vmem_shared>> -> memref<10112x128xf32, #tpu.memory_space<vmem_shared>>
            tpu.wait_indirect_dma semaphore(%arg17 : memref<!tpu.dma_semaphore, #tpu.memory_space<semaphore_mem>>) src(%arg11 : memref<128x128xf32, #tpu.memory_space<vmem>>) dst(%dma_wait3A_505 : memref<10112x128xf32, #tpu.memory_space<vmem_shared>>)
            %add3A_506 = arith.constant 1 : i32
            %add3A_507 = arith.addi %scan3A_443, %add3A_506 : i32
            %dma_start3A_508 = arith.constant 0 : i32
            %dma_start3A_509 = tpu.memref_slice %arg7[%add3A_507, %dma_start3A_508] : memref<16x128xi32, #tpu.memory_space<vmem>> -> memref<1x128xi32, #tpu.memory_space<vmem>>
            %dma_start3A_510 = tpu.memref_squeeze %dma_start3A_509 : memref<1x128xi32, #tpu.memory_space<vmem>> -> memref<128xi32, #tpu.memory_space<vmem>>
            %dma_start3A_511 = arith.constant 0 : i32
            %dma_start3A_512 = arith.constant 0 : i32
            %dma_start3A_513 = tpu.memref_slice %arg2[%dma_start3A_511, %dma_start3A_512] : memref<10000x128xf32, #tpu.memory_space<hbm>> -> memref<10000x128xf32, #tpu.memory_space<hbm>>
            tpu.enqueue_indirect_dma source(%dma_start3A_513 : memref<10000x128xf32, #tpu.memory_space<hbm>>) target(%arg11 : memref<128x128xf32, #tpu.memory_space<vmem>>) offsets(%dma_start3A_510 : memref<128xi32, #tpu.memory_space<vmem>>) semaphore(%arg15 : memref<!tpu.dma_semaphore, #tpu.memory_space<semaphore_mem>>)
          } else {
          }
          %dma_start3A_493 = arith.constant 0 : i32
          %dma_start3A_494 = tpu.memref_slice %arg9[%scan3A_443, %dma_start3A_493] : memref<16x128xi32, #tpu.memory_space<vmem>> -> memref<1x128xi32, #tpu.memory_space<vmem>>
          %dma_start3A_495 = tpu.memref_squeeze %dma_start3A_494 : memref<1x128xi32, #tpu.memory_space<vmem>> -> memref<128xi32, #tpu.memory_space<vmem>>
          %dma_start3A_496 = arith.constant 0 : i32
          %dma_start3A_497 = arith.constant 0 : i32
          %dma_start3A_498 = tpu.memref_slice %arg13[%dma_start3A_496, %dma_start3A_497] : memref<10112x128xf32, #tpu.memory_space<vmem_shared>> -> memref<10112x128xf32, #tpu.memory_space<vmem_shared>>
          tpu.enqueue_indirect_dma source(%arg12 : memref<128x128xf32, #tpu.memory_space<vmem>>) target(%dma_start3A_498 : memref<10112x128xf32, #tpu.memory_space<vmem_shared>>) offsets(%dma_start3A_495 : memref<128xi32, #tpu.memory_space<vmem>>) semaphore(%arg18 : memref<!tpu.dma_semaphore, #tpu.memory_space<semaphore_mem>>) {add = true}
        } else {
        }
      }
      %scan3A_236 = arith.constant 16 : i32
      %dma_wait3A_237 = arith.constant 14 : i32
      %dma_wait3A_238 = arith.constant 0 : i32
      %dma_wait3A_239 = tpu.memref_slice %arg9[%dma_wait3A_237, %dma_wait3A_238] : memref<16x128xi32, #tpu.memory_space<vmem>> -> memref<1x128xi32, #tpu.memory_space<vmem>>
      %dma_wait3A_240 = tpu.memref_squeeze %dma_wait3A_239 : memref<1x128xi32, #tpu.memory_space<vmem>> -> memref<128xi32, #tpu.memory_space<vmem>>
      %dma_wait3A_241 = arith.constant 0 : i32
      %dma_wait3A_242 = arith.constant 0 : i32
      %dma_wait3A_243 = tpu.memref_slice %arg13[%dma_wait3A_241, %dma_wait3A_242] : memref<10112x128xf32, #tpu.memory_space<vmem_shared>> -> memref<10112x128xf32, #tpu.memory_space<vmem_shared>>
      tpu.wait_indirect_dma semaphore(%arg17 : memref<!tpu.dma_semaphore, #tpu.memory_space<semaphore_mem>>) src(%arg11 : memref<128x128xf32, #tpu.memory_space<vmem>>) dst(%dma_wait3A_243 : memref<10112x128xf32, #tpu.memory_space<vmem_shared>>)
      %dma_wait3A_244 = arith.constant 15 : i32
      %dma_wait3A_245 = arith.constant 0 : i32
      %dma_wait3A_246 = tpu.memref_slice %arg9[%dma_wait3A_244, %dma_wait3A_245] : memref<16x128xi32, #tpu.memory_space<vmem>> -> memref<1x128xi32, #tpu.memory_space<vmem>>
      %dma_wait3A_247 = tpu.memref_squeeze %dma_wait3A_246 : memref<1x128xi32, #tpu.memory_space<vmem>> -> memref<128xi32, #tpu.memory_space<vmem>>
      %dma_wait3A_248 = arith.constant 0 : i32
      %dma_wait3A_249 = arith.constant 0 : i32
      %dma_wait3A_250 = tpu.memref_slice %arg13[%dma_wait3A_248, %dma_wait3A_249] : memref<10112x128xf32, #tpu.memory_space<vmem_shared>> -> memref<10112x128xf32, #tpu.memory_space<vmem_shared>>
      tpu.wait_indirect_dma semaphore(%arg18 : memref<!tpu.dma_semaphore, #tpu.memory_space<semaphore_mem>>) src(%arg12 : memref<128x128xf32, #tpu.memory_space<vmem>>) dst(%dma_wait3A_250 : memref<10112x128xf32, #tpu.memory_space<vmem_shared>>)
      %add3A_251 = arith.constant 80 : i32
      %add3A_252 = arith.addi %mul3A_11, %add3A_251 : i32
      %dma_wait3A_253 = arith.constant 0 : i32
      %dma_wait3A_254 = tpu.memref_slice %arg3[%add3A_252, %dma_wait3A_253] : memref<2560x128xi32, #tpu.memory_space<hbm>> -> memref<16x128xi32, #tpu.memory_space<hbm>>
      %dma_wait3A_255 = arith.constant 0 : i32
      %dma_wait3A_256 = tpu.memref_slice %arg3[%add3A_252, %dma_wait3A_255] : memref<2560x128xi32, #tpu.memory_space<hbm>> -> memref<16x128xi32, #tpu.memory_space<hbm>>
      tpu.wait_dma2 semaphore(%arg14 : memref<!tpu.dma_semaphore, #tpu.memory_space<semaphore_mem>>) src(%dma_wait3A_256 : memref<16x128xi32, #tpu.memory_space<hbm>>) dst(%arg8 : memref<16x128xi32, #tpu.memory_space<vmem>>)
      %add3A_257 = arith.constant 80 : i32
      %add3A_258 = arith.addi %mul3A_11, %add3A_257 : i32
      %dma_wait3A_259 = arith.constant 0 : i32
      %dma_wait3A_260 = tpu.memref_slice %arg4[%add3A_258, %dma_wait3A_259] : memref<2560x128xi32, #tpu.memory_space<hbm>> -> memref<16x128xi32, #tpu.memory_space<hbm>>
      %dma_wait3A_261 = arith.constant 0 : i32
      %dma_wait3A_262 = tpu.memref_slice %arg4[%add3A_258, %dma_wait3A_261] : memref<2560x128xi32, #tpu.memory_space<hbm>> -> memref<16x128xi32, #tpu.memory_space<hbm>>
      tpu.wait_dma2 semaphore(%arg14 : memref<!tpu.dma_semaphore, #tpu.memory_space<semaphore_mem>>) src(%dma_wait3A_262 : memref<16x128xi32, #tpu.memory_space<hbm>>) dst(%arg10 : memref<16x128xi32, #tpu.memory_space<vmem>>)
      %add3A_263 = arith.constant 96 : i32
      %add3A_264 = arith.addi %mul3A_11, %add3A_263 : i32
      %dma_start3A_265 = arith.constant 0 : i32
      %dma_start3A_266 = tpu.memref_slice %arg3[%add3A_264, %dma_start3A_265] : memref<2560x128xi32, #tpu.memory_space<hbm>> -> memref<16x128xi32, #tpu.memory_space<hbm>>
      %dma_start3A_267 = arith.constant 0 : i32
      %dma_start3A_268 = tpu.memref_slice %arg3[%add3A_264, %dma_start3A_267] : memref<2560x128xi32, #tpu.memory_space<hbm>> -> memref<16x128xi32, #tpu.memory_space<hbm>>
      tpu.enqueue_dma source(%dma_start3A_268 : memref<16x128xi32, #tpu.memory_space<hbm>>) target(%arg7 : memref<16x128xi32, #tpu.memory_space<vmem>>) target_semaphore(%arg14 : memref<!tpu.dma_semaphore, #tpu.memory_space<semaphore_mem>>)
      %add3A_269 = arith.constant 96 : i32
      %add3A_270 = arith.addi %mul3A_11, %add3A_269 : i32
      %dma_start3A_271 = arith.constant 0 : i32
      %dma_start3A_272 = tpu.memref_slice %arg4[%add3A_270, %dma_start3A_271] : memref<2560x128xi32, #tpu.memory_space<hbm>> -> memref<16x128xi32, #tpu.memory_space<hbm>>
      %dma_start3A_273 = arith.constant 0 : i32
      %dma_start3A_274 = tpu.memref_slice %arg4[%add3A_270, %dma_start3A_273] : memref<2560x128xi32, #tpu.memory_space<hbm>> -> memref<16x128xi32, #tpu.memory_space<hbm>>
      tpu.enqueue_dma source(%dma_start3A_274 : memref<16x128xi32, #tpu.memory_space<hbm>>) target(%arg9 : memref<16x128xi32, #tpu.memory_space<vmem>>) target_semaphore(%arg14 : memref<!tpu.dma_semaphore, #tpu.memory_space<semaphore_mem>>)
      %dma_start3A_275 = arith.constant 0 : i32
      %dma_start3A_276 = arith.constant 0 : i32
      %dma_start3A_277 = tpu.memref_slice %arg8[%dma_start3A_275, %dma_start3A_276] : memref<16x128xi32, #tpu.memory_space<vmem>> -> memref<1x128xi32, #tpu.memory_space<vmem>>
      %dma_start3A_278 = tpu.memref_squeeze %dma_start3A_277 : memref<1x128xi32, #tpu.memory_space<vmem>> -> memref<128xi32, #tpu.memory_space<vmem>>
      %dma_start3A_279 = arith.constant 0 : i32
      %dma_start3A_280 = arith.constant 0 : i32
      %dma_start3A_281 = tpu.memref_slice %arg2[%dma_start3A_279, %dma_start3A_280] : memref<10000x128xf32, #tpu.memory_space<hbm>> -> memref<10000x128xf32, #tpu.memory_space<hbm>>
      tpu.enqueue_indirect_dma source(%dma_start3A_281 : memref<10000x128xf32, #tpu.memory_space<hbm>>) target(%arg11 : memref<128x128xf32, #tpu.memory_space<vmem>>) offsets(%dma_start3A_278 : memref<128xi32, #tpu.memory_space<vmem>>) semaphore(%arg15 : memref<!tpu.dma_semaphore, #tpu.memory_space<semaphore_mem>>)
      %scan3A_282 = arith.constant 0 : i32
      %scan3A_283 = arith.constant 0 : i32
      %scan3A_284 = arith.constant 16 : i32
      %scan3A_285 = arith.addi %scan3A_283, %scan3A_284 : i32
      %scan3A_286 = arith.constant 1 : i32
      scf.for %scan3A_443 = %scan3A_283 to %scan3A_285 step %scan3A_286  : i32 {
        %jit3A = arith.constant 2 : i32
        %eq3A_444 = arith.constant 0 : i32
        %eq3A_445 = arith.cmpi eq, %jit3A, %eq3A_444 : i32
        %jit3A_446 = arith.constant 1 : i32
        %select_n3A = arith.select %eq3A_445, %jit3A_446, %jit3A : i32
        %rem3A = arith.remsi %scan3A_443, %select_n3A : i32
        %ne3A = arith.constant 0 : i32
        %ne3A_447 = arith.cmpi ne, %rem3A, %ne3A : i32
        %lt3A = arith.constant 0 : i32
        %lt3A_448 = arith.cmpi slt, %rem3A, %lt3A : i32
        %lt3A_449 = arith.constant 0 : i32
        %lt3A_450 = arith.cmpi slt, %select_n3A, %lt3A_449 : i32
        %ne3A_451 = arith.xori %lt3A_448, %lt3A_450 : i1
        %and3A = arith.andi %ne3A_451, %ne3A_447 : i1
        %add3A_452 = arith.addi %rem3A, %select_n3A : i32
        %select_n3A_453 = arith.select %and3A, %add3A_452, %rem3A : i32
        %eq3A_454 = arith.constant 0 : i32
        %eq3A_455 = arith.cmpi eq, %select_n3A_453, %eq3A_454 : i32
        %convert_element_type3A_456 = arith.extui %eq3A_455 : i1 to i32
        %cond3A_457 = arith.constant 0 : i32
        %cond3A_458 = arith.cmpi ne, %convert_element_type3A_456, %cond3A_457 : i32
        scf.if %cond3A_458 {
          %dma_wait3A_480 = arith.constant 0 : i32
          %dma_wait3A_481 = tpu.memref_slice %arg8[%scan3A_443, %dma_wait3A_480] : memref<16x128xi32, #tpu.memory_space<vmem>> -> memref<1x128xi32, #tpu.memory_space<vmem>>
          %dma_wait3A_482 = tpu.memref_squeeze %dma_wait3A_481 : memref<1x128xi32, #tpu.memory_space<vmem>> -> memref<128xi32, #tpu.memory_space<vmem>>
          %dma_wait3A_483 = arith.constant 0 : i32
          %dma_wait3A_484 = arith.constant 0 : i32
          %dma_wait3A_485 = tpu.memref_slice %arg2[%dma_wait3A_483, %dma_wait3A_484] : memref<10000x128xf32, #tpu.memory_space<hbm>> -> memref<10000x128xf32, #tpu.memory_space<hbm>>
          tpu.wait_indirect_dma semaphore(%arg15 : memref<!tpu.dma_semaphore, #tpu.memory_space<semaphore_mem>>) src(%dma_wait3A_485 : memref<10000x128xf32, #tpu.memory_space<hbm>>) dst(%arg11 : memref<128x128xf32, #tpu.memory_space<vmem>>)
          %add3A_486 = arith.constant 1 : i32
          %add3A_487 = arith.addi %scan3A_443, %add3A_486 : i32
          %lt3A_488 = arith.constant 16 : i32
          %lt3A_489 = arith.cmpi slt, %add3A_487, %lt3A_488 : i32
          %convert_element_type3A_490 = arith.extui %lt3A_489 : i1 to i32
          %cond3A_491 = arith.constant 0 : i32
          %cond3A_492 = arith.cmpi ne, %convert_element_type3A_490, %cond3A_491 : i32
          scf.if %cond3A_492 {
            %gt3A = arith.constant 0 : i32
            %gt3A_499 = arith.cmpi sgt, %scan3A_443, %gt3A : i32
            %convert_element_type3A_500 = arith.extui %gt3A_499 : i1 to i32
            %cond3A_501 = arith.constant 0 : i32
            %cond3A_502 = arith.cmpi ne, %convert_element_type3A_500, %cond3A_501 : i32
            scf.if %cond3A_502 {
              %sub3A = arith.constant 1 : i32
              %sub3A_511 = arith.subi %scan3A_443, %sub3A : i32
              %dma_wait3A_512 = arith.constant 0 : i32
              %dma_wait3A_513 = tpu.memref_slice %arg10[%sub3A_511, %dma_wait3A_512] : memref<16x128xi32, #tpu.memory_space<vmem>> -> memref<1x128xi32, #tpu.memory_space<vmem>>
              %dma_wait3A_514 = tpu.memref_squeeze %dma_wait3A_513 : memref<1x128xi32, #tpu.memory_space<vmem>> -> memref<128xi32, #tpu.memory_space<vmem>>
              %dma_wait3A_515 = arith.constant 0 : i32
              %dma_wait3A_516 = arith.constant 0 : i32
              %dma_wait3A_517 = tpu.memref_slice %arg13[%dma_wait3A_515, %dma_wait3A_516] : memref<10112x128xf32, #tpu.memory_space<vmem_shared>> -> memref<10112x128xf32, #tpu.memory_space<vmem_shared>>
              tpu.wait_indirect_dma semaphore(%arg18 : memref<!tpu.dma_semaphore, #tpu.memory_space<semaphore_mem>>) src(%arg12 : memref<128x128xf32, #tpu.memory_space<vmem>>) dst(%dma_wait3A_517 : memref<10112x128xf32, #tpu.memory_space<vmem_shared>>)
            } else {
            }
            %add3A_503 = arith.constant 1 : i32
            %add3A_504 = arith.addi %scan3A_443, %add3A_503 : i32
            %dma_start3A_505 = arith.constant 0 : i32
            %dma_start3A_506 = tpu.memref_slice %arg8[%add3A_504, %dma_start3A_505] : memref<16x128xi32, #tpu.memory_space<vmem>> -> memref<1x128xi32, #tpu.memory_space<vmem>>
            %dma_start3A_507 = tpu.memref_squeeze %dma_start3A_506 : memref<1x128xi32, #tpu.memory_space<vmem>> -> memref<128xi32, #tpu.memory_space<vmem>>
            %dma_start3A_508 = arith.constant 0 : i32
            %dma_start3A_509 = arith.constant 0 : i32
            %dma_start3A_510 = tpu.memref_slice %arg2[%dma_start3A_508, %dma_start3A_509] : memref<10000x128xf32, #tpu.memory_space<hbm>> -> memref<10000x128xf32, #tpu.memory_space<hbm>>
            tpu.enqueue_indirect_dma source(%dma_start3A_510 : memref<10000x128xf32, #tpu.memory_space<hbm>>) target(%arg12 : memref<128x128xf32, #tpu.memory_space<vmem>>) offsets(%dma_start3A_507 : memref<128xi32, #tpu.memory_space<vmem>>) semaphore(%arg16 : memref<!tpu.dma_semaphore, #tpu.memory_space<semaphore_mem>>)
          } else {
          }
          %dma_start3A_493 = arith.constant 0 : i32
          %dma_start3A_494 = tpu.memref_slice %arg10[%scan3A_443, %dma_start3A_493] : memref<16x128xi32, #tpu.memory_space<vmem>> -> memref<1x128xi32, #tpu.memory_space<vmem>>
          %dma_start3A_495 = tpu.memref_squeeze %dma_start3A_494 : memref<1x128xi32, #tpu.memory_space<vmem>> -> memref<128xi32, #tpu.memory_space<vmem>>
          %dma_start3A_496 = arith.constant 0 : i32
          %dma_start3A_497 = arith.constant 0 : i32
          %dma_start3A_498 = tpu.memref_slice %arg13[%dma_start3A_496, %dma_start3A_497] : memref<10112x128xf32, #tpu.memory_space<vmem_shared>> -> memref<10112x128xf32, #tpu.memory_space<vmem_shared>>
          tpu.enqueue_indirect_dma source(%arg11 : memref<128x128xf32, #tpu.memory_space<vmem>>) target(%dma_start3A_498 : memref<10112x128xf32, #tpu.memory_space<vmem_shared>>) offsets(%dma_start3A_495 : memref<128xi32, #tpu.memory_space<vmem>>) semaphore(%arg17 : memref<!tpu.dma_semaphore, #tpu.memory_space<semaphore_mem>>) {add = true}
        } else {
        }
        %jit3A_459 = arith.constant 2 : i32
        %eq3A_460 = arith.constant 0 : i32
        %eq3A_461 = arith.cmpi eq, %jit3A_459, %eq3A_460 : i32
        %jit3A_462 = arith.constant 1 : i32
        %select_n3A_463 = arith.select %eq3A_461, %jit3A_462, %jit3A_459 : i32
        %rem3A_464 = arith.remsi %scan3A_443, %select_n3A_463 : i32
        %ne3A_465 = arith.constant 0 : i32
        %ne3A_466 = arith.cmpi ne, %rem3A_464, %ne3A_465 : i32
        %lt3A_467 = arith.constant 0 : i32
        %lt3A_468 = arith.cmpi slt, %rem3A_464, %lt3A_467 : i32
        %lt3A_469 = arith.constant 0 : i32
        %lt3A_470 = arith.cmpi slt, %select_n3A_463, %lt3A_469 : i32
        %ne3A_471 = arith.xori %lt3A_468, %lt3A_470 : i1
        %and3A_472 = arith.andi %ne3A_471, %ne3A_466 : i1
        %add3A_473 = arith.addi %rem3A_464, %select_n3A_463 : i32
        %select_n3A_474 = arith.select %and3A_472, %add3A_473, %rem3A_464 : i32
        %eq3A_475 = arith.constant 1 : i32
        %eq3A_476 = arith.cmpi eq, %select_n3A_474, %eq3A_475 : i32
        %convert_element_type3A_477 = arith.extui %eq3A_476 : i1 to i32
        %cond3A_478 = arith.constant 0 : i32
        %cond3A_479 = arith.cmpi ne, %convert_element_type3A_477, %cond3A_478 : i32
        scf.if %cond3A_479 {
          %dma_wait3A_480 = arith.constant 0 : i32
          %dma_wait3A_481 = tpu.memref_slice %arg8[%scan3A_443, %dma_wait3A_480] : memref<16x128xi32, #tpu.memory_space<vmem>> -> memref<1x128xi32, #tpu.memory_space<vmem>>
          %dma_wait3A_482 = tpu.memref_squeeze %dma_wait3A_481 : memref<1x128xi32, #tpu.memory_space<vmem>> -> memref<128xi32, #tpu.memory_space<vmem>>
          %dma_wait3A_483 = arith.constant 0 : i32
          %dma_wait3A_484 = arith.constant 0 : i32
          %dma_wait3A_485 = tpu.memref_slice %arg2[%dma_wait3A_483, %dma_wait3A_484] : memref<10000x128xf32, #tpu.memory_space<hbm>> -> memref<10000x128xf32, #tpu.memory_space<hbm>>
          tpu.wait_indirect_dma semaphore(%arg16 : memref<!tpu.dma_semaphore, #tpu.memory_space<semaphore_mem>>) src(%dma_wait3A_485 : memref<10000x128xf32, #tpu.memory_space<hbm>>) dst(%arg12 : memref<128x128xf32, #tpu.memory_space<vmem>>)
          %add3A_486 = arith.constant 1 : i32
          %add3A_487 = arith.addi %scan3A_443, %add3A_486 : i32
          %lt3A_488 = arith.constant 16 : i32
          %lt3A_489 = arith.cmpi slt, %add3A_487, %lt3A_488 : i32
          %convert_element_type3A_490 = arith.extui %lt3A_489 : i1 to i32
          %cond3A_491 = arith.constant 0 : i32
          %cond3A_492 = arith.cmpi ne, %convert_element_type3A_490, %cond3A_491 : i32
          scf.if %cond3A_492 {
            %sub3A = arith.constant 1 : i32
            %sub3A_499 = arith.subi %scan3A_443, %sub3A : i32
            %dma_wait3A_500 = arith.constant 0 : i32
            %dma_wait3A_501 = tpu.memref_slice %arg10[%sub3A_499, %dma_wait3A_500] : memref<16x128xi32, #tpu.memory_space<vmem>> -> memref<1x128xi32, #tpu.memory_space<vmem>>
            %dma_wait3A_502 = tpu.memref_squeeze %dma_wait3A_501 : memref<1x128xi32, #tpu.memory_space<vmem>> -> memref<128xi32, #tpu.memory_space<vmem>>
            %dma_wait3A_503 = arith.constant 0 : i32
            %dma_wait3A_504 = arith.constant 0 : i32
            %dma_wait3A_505 = tpu.memref_slice %arg13[%dma_wait3A_503, %dma_wait3A_504] : memref<10112x128xf32, #tpu.memory_space<vmem_shared>> -> memref<10112x128xf32, #tpu.memory_space<vmem_shared>>
            tpu.wait_indirect_dma semaphore(%arg17 : memref<!tpu.dma_semaphore, #tpu.memory_space<semaphore_mem>>) src(%arg11 : memref<128x128xf32, #tpu.memory_space<vmem>>) dst(%dma_wait3A_505 : memref<10112x128xf32, #tpu.memory_space<vmem_shared>>)
            %add3A_506 = arith.constant 1 : i32
            %add3A_507 = arith.addi %scan3A_443, %add3A_506 : i32
            %dma_start3A_508 = arith.constant 0 : i32
            %dma_start3A_509 = tpu.memref_slice %arg8[%add3A_507, %dma_start3A_508] : memref<16x128xi32, #tpu.memory_space<vmem>> -> memref<1x128xi32, #tpu.memory_space<vmem>>
            %dma_start3A_510 = tpu.memref_squeeze %dma_start3A_509 : memref<1x128xi32, #tpu.memory_space<vmem>> -> memref<128xi32, #tpu.memory_space<vmem>>
            %dma_start3A_511 = arith.constant 0 : i32
            %dma_start3A_512 = arith.constant 0 : i32
            %dma_start3A_513 = tpu.memref_slice %arg2[%dma_start3A_511, %dma_start3A_512] : memref<10000x128xf32, #tpu.memory_space<hbm>> -> memref<10000x128xf32, #tpu.memory_space<hbm>>
            tpu.enqueue_indirect_dma source(%dma_start3A_513 : memref<10000x128xf32, #tpu.memory_space<hbm>>) target(%arg11 : memref<128x128xf32, #tpu.memory_space<vmem>>) offsets(%dma_start3A_510 : memref<128xi32, #tpu.memory_space<vmem>>) semaphore(%arg15 : memref<!tpu.dma_semaphore, #tpu.memory_space<semaphore_mem>>)
          } else {
          }
          %dma_start3A_493 = arith.constant 0 : i32
          %dma_start3A_494 = tpu.memref_slice %arg10[%scan3A_443, %dma_start3A_493] : memref<16x128xi32, #tpu.memory_space<vmem>> -> memref<1x128xi32, #tpu.memory_space<vmem>>
          %dma_start3A_495 = tpu.memref_squeeze %dma_start3A_494 : memref<1x128xi32, #tpu.memory_space<vmem>> -> memref<128xi32, #tpu.memory_space<vmem>>
          %dma_start3A_496 = arith.constant 0 : i32
          %dma_start3A_497 = arith.constant 0 : i32
          %dma_start3A_498 = tpu.memref_slice %arg13[%dma_start3A_496, %dma_start3A_497] : memref<10112x128xf32, #tpu.memory_space<vmem_shared>> -> memref<10112x128xf32, #tpu.memory_space<vmem_shared>>
          tpu.enqueue_indirect_dma source(%arg12 : memref<128x128xf32, #tpu.memory_space<vmem>>) target(%dma_start3A_498 : memref<10112x128xf32, #tpu.memory_space<vmem_shared>>) offsets(%dma_start3A_495 : memref<128xi32, #tpu.memory_space<vmem>>) semaphore(%arg18 : memref<!tpu.dma_semaphore, #tpu.memory_space<semaphore_mem>>) {add = true}
        } else {
        }
      }
      %scan3A_287 = arith.constant 16 : i32
      %dma_wait3A_288 = arith.constant 14 : i32
      %dma_wait3A_289 = arith.constant 0 : i32
      %dma_wait3A_290 = tpu.memref_slice %arg10[%dma_wait3A_288, %dma_wait3A_289] : memref<16x128xi32, #tpu.memory_space<vmem>> -> memref<1x128xi32, #tpu.memory_space<vmem>>
      %dma_wait3A_291 = tpu.memref_squeeze %dma_wait3A_290 : memref<1x128xi32, #tpu.memory_space<vmem>> -> memref<128xi32, #tpu.memory_space<vmem>>
      %dma_wait3A_292 = arith.constant 0 : i32
      %dma_wait3A_293 = arith.constant 0 : i32
      %dma_wait3A_294 = tpu.memref_slice %arg13[%dma_wait3A_292, %dma_wait3A_293] : memref<10112x128xf32, #tpu.memory_space<vmem_shared>> -> memref<10112x128xf32, #tpu.memory_space<vmem_shared>>
      tpu.wait_indirect_dma semaphore(%arg17 : memref<!tpu.dma_semaphore, #tpu.memory_space<semaphore_mem>>) src(%arg11 : memref<128x128xf32, #tpu.memory_space<vmem>>) dst(%dma_wait3A_294 : memref<10112x128xf32, #tpu.memory_space<vmem_shared>>)
      %dma_wait3A_295 = arith.constant 15 : i32
      %dma_wait3A_296 = arith.constant 0 : i32
      %dma_wait3A_297 = tpu.memref_slice %arg10[%dma_wait3A_295, %dma_wait3A_296] : memref<16x128xi32, #tpu.memory_space<vmem>> -> memref<1x128xi32, #tpu.memory_space<vmem>>
      %dma_wait3A_298 = tpu.memref_squeeze %dma_wait3A_297 : memref<1x128xi32, #tpu.memory_space<vmem>> -> memref<128xi32, #tpu.memory_space<vmem>>
      %dma_wait3A_299 = arith.constant 0 : i32
      %dma_wait3A_300 = arith.constant 0 : i32
      %dma_wait3A_301 = tpu.memref_slice %arg13[%dma_wait3A_299, %dma_wait3A_300] : memref<10112x128xf32, #tpu.memory_space<vmem_shared>> -> memref<10112x128xf32, #tpu.memory_space<vmem_shared>>
      tpu.wait_indirect_dma semaphore(%arg18 : memref<!tpu.dma_semaphore, #tpu.memory_space<semaphore_mem>>) src(%arg12 : memref<128x128xf32, #tpu.memory_space<vmem>>) dst(%dma_wait3A_301 : memref<10112x128xf32, #tpu.memory_space<vmem_shared>>)
      %add3A_302 = arith.constant 96 : i32
      %add3A_303 = arith.addi %mul3A_11, %add3A_302 : i32
      %dma_wait3A_304 = arith.constant 0 : i32
      %dma_wait3A_305 = tpu.memref_slice %arg3[%add3A_303, %dma_wait3A_304] : memref<2560x128xi32, #tpu.memory_space<hbm>> -> memref<16x128xi32, #tpu.memory_space<hbm>>
      %dma_wait3A_306 = arith.constant 0 : i32
      %dma_wait3A_307 = tpu.memref_slice %arg3[%add3A_303, %dma_wait3A_306] : memref<2560x128xi32, #tpu.memory_space<hbm>> -> memref<16x128xi32, #tpu.memory_space<hbm>>
      tpu.wait_dma2 semaphore(%arg14 : memref<!tpu.dma_semaphore, #tpu.memory_space<semaphore_mem>>) src(%dma_wait3A_307 : memref<16x128xi32, #tpu.memory_space<hbm>>) dst(%arg7 : memref<16x128xi32, #tpu.memory_space<vmem>>)
      %add3A_308 = arith.constant 96 : i32
      %add3A_309 = arith.addi %mul3A_11, %add3A_308 : i32
      %dma_wait3A_310 = arith.constant 0 : i32
      %dma_wait3A_311 = tpu.memref_slice %arg4[%add3A_309, %dma_wait3A_310] : memref<2560x128xi32, #tpu.memory_space<hbm>> -> memref<16x128xi32, #tpu.memory_space<hbm>>
      %dma_wait3A_312 = arith.constant 0 : i32
      %dma_wait3A_313 = tpu.memref_slice %arg4[%add3A_309, %dma_wait3A_312] : memref<2560x128xi32, #tpu.memory_space<hbm>> -> memref<16x128xi32, #tpu.memory_space<hbm>>
      tpu.wait_dma2 semaphore(%arg14 : memref<!tpu.dma_semaphore, #tpu.memory_space<semaphore_mem>>) src(%dma_wait3A_313 : memref<16x128xi32, #tpu.memory_space<hbm>>) dst(%arg9 : memref<16x128xi32, #tpu.memory_space<vmem>>)
      %add3A_314 = arith.constant 112 : i32
      %add3A_315 = arith.addi %mul3A_11, %add3A_314 : i32
      %dma_start3A_316 = arith.constant 0 : i32
      %dma_start3A_317 = tpu.memref_slice %arg3[%add3A_315, %dma_start3A_316] : memref<2560x128xi32, #tpu.memory_space<hbm>> -> memref<16x128xi32, #tpu.memory_space<hbm>>
      %dma_start3A_318 = arith.constant 0 : i32
      %dma_start3A_319 = tpu.memref_slice %arg3[%add3A_315, %dma_start3A_318] : memref<2560x128xi32, #tpu.memory_space<hbm>> -> memref<16x128xi32, #tpu.memory_space<hbm>>
      tpu.enqueue_dma source(%dma_start3A_319 : memref<16x128xi32, #tpu.memory_space<hbm>>) target(%arg8 : memref<16x128xi32, #tpu.memory_space<vmem>>) target_semaphore(%arg14 : memref<!tpu.dma_semaphore, #tpu.memory_space<semaphore_mem>>)
      %add3A_320 = arith.constant 112 : i32
      %add3A_321 = arith.addi %mul3A_11, %add3A_320 : i32
      %dma_start3A_322 = arith.constant 0 : i32
      %dma_start3A_323 = tpu.memref_slice %arg4[%add3A_321, %dma_start3A_322] : memref<2560x128xi32, #tpu.memory_space<hbm>> -> memref<16x128xi32, #tpu.memory_space<hbm>>
      %dma_start3A_324 = arith.constant 0 : i32
      %dma_start3A_325 = tpu.memref_slice %arg4[%add3A_321, %dma_start3A_324] : memref<2560x128xi32, #tpu.memory_space<hbm>> -> memref<16x128xi32, #tpu.memory_space<hbm>>
      tpu.enqueue_dma source(%dma_start3A_325 : memref<16x128xi32, #tpu.memory_space<hbm>>) target(%arg10 : memref<16x128xi32, #tpu.memory_space<vmem>>) target_semaphore(%arg14 : memref<!tpu.dma_semaphore, #tpu.memory_space<semaphore_mem>>)
      %dma_start3A_326 = arith.constant 0 : i32
      %dma_start3A_327 = arith.constant 0 : i32
      %dma_start3A_328 = tpu.memref_slice %arg7[%dma_start3A_326, %dma_start3A_327] : memref<16x128xi32, #tpu.memory_space<vmem>> -> memref<1x128xi32, #tpu.memory_space<vmem>>
      %dma_start3A_329 = tpu.memref_squeeze %dma_start3A_328 : memref<1x128xi32, #tpu.memory_space<vmem>> -> memref<128xi32, #tpu.memory_space<vmem>>
      %dma_start3A_330 = arith.constant 0 : i32
      %dma_start3A_331 = arith.constant 0 : i32
      %dma_start3A_332 = tpu.memref_slice %arg2[%dma_start3A_330, %dma_start3A_331] : memref<10000x128xf32, #tpu.memory_space<hbm>> -> memref<10000x128xf32, #tpu.memory_space<hbm>>
      tpu.enqueue_indirect_dma source(%dma_start3A_332 : memref<10000x128xf32, #tpu.memory_space<hbm>>) target(%arg11 : memref<128x128xf32, #tpu.memory_space<vmem>>) offsets(%dma_start3A_329 : memref<128xi32, #tpu.memory_space<vmem>>) semaphore(%arg15 : memref<!tpu.dma_semaphore, #tpu.memory_space<semaphore_mem>>)
      %scan3A_333 = arith.constant 0 : i32
      %scan3A_334 = arith.constant 0 : i32
      %scan3A_335 = arith.constant 16 : i32
      %scan3A_336 = arith.addi %scan3A_334, %scan3A_335 : i32
      %scan3A_337 = arith.constant 1 : i32
      scf.for %scan3A_443 = %scan3A_334 to %scan3A_336 step %scan3A_337  : i32 {
        %jit3A = arith.constant 2 : i32
        %eq3A_444 = arith.constant 0 : i32
        %eq3A_445 = arith.cmpi eq, %jit3A, %eq3A_444 : i32
        %jit3A_446 = arith.constant 1 : i32
        %select_n3A = arith.select %eq3A_445, %jit3A_446, %jit3A : i32
        %rem3A = arith.remsi %scan3A_443, %select_n3A : i32
        %ne3A = arith.constant 0 : i32
        %ne3A_447 = arith.cmpi ne, %rem3A, %ne3A : i32
        %lt3A = arith.constant 0 : i32
        %lt3A_448 = arith.cmpi slt, %rem3A, %lt3A : i32
        %lt3A_449 = arith.constant 0 : i32
        %lt3A_450 = arith.cmpi slt, %select_n3A, %lt3A_449 : i32
        %ne3A_451 = arith.xori %lt3A_448, %lt3A_450 : i1
        %and3A = arith.andi %ne3A_451, %ne3A_447 : i1
        %add3A_452 = arith.addi %rem3A, %select_n3A : i32
        %select_n3A_453 = arith.select %and3A, %add3A_452, %rem3A : i32
        %eq3A_454 = arith.constant 0 : i32
        %eq3A_455 = arith.cmpi eq, %select_n3A_453, %eq3A_454 : i32
        %convert_element_type3A_456 = arith.extui %eq3A_455 : i1 to i32
        %cond3A_457 = arith.constant 0 : i32
        %cond3A_458 = arith.cmpi ne, %convert_element_type3A_456, %cond3A_457 : i32
        scf.if %cond3A_458 {
          %dma_wait3A_480 = arith.constant 0 : i32
          %dma_wait3A_481 = tpu.memref_slice %arg7[%scan3A_443, %dma_wait3A_480] : memref<16x128xi32, #tpu.memory_space<vmem>> -> memref<1x128xi32, #tpu.memory_space<vmem>>
          %dma_wait3A_482 = tpu.memref_squeeze %dma_wait3A_481 : memref<1x128xi32, #tpu.memory_space<vmem>> -> memref<128xi32, #tpu.memory_space<vmem>>
          %dma_wait3A_483 = arith.constant 0 : i32
          %dma_wait3A_484 = arith.constant 0 : i32
          %dma_wait3A_485 = tpu.memref_slice %arg2[%dma_wait3A_483, %dma_wait3A_484] : memref<10000x128xf32, #tpu.memory_space<hbm>> -> memref<10000x128xf32, #tpu.memory_space<hbm>>
          tpu.wait_indirect_dma semaphore(%arg15 : memref<!tpu.dma_semaphore, #tpu.memory_space<semaphore_mem>>) src(%dma_wait3A_485 : memref<10000x128xf32, #tpu.memory_space<hbm>>) dst(%arg11 : memref<128x128xf32, #tpu.memory_space<vmem>>)
          %add3A_486 = arith.constant 1 : i32
          %add3A_487 = arith.addi %scan3A_443, %add3A_486 : i32
          %lt3A_488 = arith.constant 16 : i32
          %lt3A_489 = arith.cmpi slt, %add3A_487, %lt3A_488 : i32
          %convert_element_type3A_490 = arith.extui %lt3A_489 : i1 to i32
          %cond3A_491 = arith.constant 0 : i32
          %cond3A_492 = arith.cmpi ne, %convert_element_type3A_490, %cond3A_491 : i32
          scf.if %cond3A_492 {
            %gt3A = arith.constant 0 : i32
            %gt3A_499 = arith.cmpi sgt, %scan3A_443, %gt3A : i32
            %convert_element_type3A_500 = arith.extui %gt3A_499 : i1 to i32
            %cond3A_501 = arith.constant 0 : i32
            %cond3A_502 = arith.cmpi ne, %convert_element_type3A_500, %cond3A_501 : i32
            scf.if %cond3A_502 {
              %sub3A = arith.constant 1 : i32
              %sub3A_511 = arith.subi %scan3A_443, %sub3A : i32
              %dma_wait3A_512 = arith.constant 0 : i32
              %dma_wait3A_513 = tpu.memref_slice %arg9[%sub3A_511, %dma_wait3A_512] : memref<16x128xi32, #tpu.memory_space<vmem>> -> memref<1x128xi32, #tpu.memory_space<vmem>>
              %dma_wait3A_514 = tpu.memref_squeeze %dma_wait3A_513 : memref<1x128xi32, #tpu.memory_space<vmem>> -> memref<128xi32, #tpu.memory_space<vmem>>
              %dma_wait3A_515 = arith.constant 0 : i32
              %dma_wait3A_516 = arith.constant 0 : i32
              %dma_wait3A_517 = tpu.memref_slice %arg13[%dma_wait3A_515, %dma_wait3A_516] : memref<10112x128xf32, #tpu.memory_space<vmem_shared>> -> memref<10112x128xf32, #tpu.memory_space<vmem_shared>>
              tpu.wait_indirect_dma semaphore(%arg18 : memref<!tpu.dma_semaphore, #tpu.memory_space<semaphore_mem>>) src(%arg12 : memref<128x128xf32, #tpu.memory_space<vmem>>) dst(%dma_wait3A_517 : memref<10112x128xf32, #tpu.memory_space<vmem_shared>>)
            } else {
            }
            %add3A_503 = arith.constant 1 : i32
            %add3A_504 = arith.addi %scan3A_443, %add3A_503 : i32
            %dma_start3A_505 = arith.constant 0 : i32
            %dma_start3A_506 = tpu.memref_slice %arg7[%add3A_504, %dma_start3A_505] : memref<16x128xi32, #tpu.memory_space<vmem>> -> memref<1x128xi32, #tpu.memory_space<vmem>>
            %dma_start3A_507 = tpu.memref_squeeze %dma_start3A_506 : memref<1x128xi32, #tpu.memory_space<vmem>> -> memref<128xi32, #tpu.memory_space<vmem>>
            %dma_start3A_508 = arith.constant 0 : i32
            %dma_start3A_509 = arith.constant 0 : i32
            %dma_start3A_510 = tpu.memref_slice %arg2[%dma_start3A_508, %dma_start3A_509] : memref<10000x128xf32, #tpu.memory_space<hbm>> -> memref<10000x128xf32, #tpu.memory_space<hbm>>
            tpu.enqueue_indirect_dma source(%dma_start3A_510 : memref<10000x128xf32, #tpu.memory_space<hbm>>) target(%arg12 : memref<128x128xf32, #tpu.memory_space<vmem>>) offsets(%dma_start3A_507 : memref<128xi32, #tpu.memory_space<vmem>>) semaphore(%arg16 : memref<!tpu.dma_semaphore, #tpu.memory_space<semaphore_mem>>)
          } else {
          }
          %dma_start3A_493 = arith.constant 0 : i32
          %dma_start3A_494 = tpu.memref_slice %arg9[%scan3A_443, %dma_start3A_493] : memref<16x128xi32, #tpu.memory_space<vmem>> -> memref<1x128xi32, #tpu.memory_space<vmem>>
          %dma_start3A_495 = tpu.memref_squeeze %dma_start3A_494 : memref<1x128xi32, #tpu.memory_space<vmem>> -> memref<128xi32, #tpu.memory_space<vmem>>
          %dma_start3A_496 = arith.constant 0 : i32
          %dma_start3A_497 = arith.constant 0 : i32
          %dma_start3A_498 = tpu.memref_slice %arg13[%dma_start3A_496, %dma_start3A_497] : memref<10112x128xf32, #tpu.memory_space<vmem_shared>> -> memref<10112x128xf32, #tpu.memory_space<vmem_shared>>
          tpu.enqueue_indirect_dma source(%arg11 : memref<128x128xf32, #tpu.memory_space<vmem>>) target(%dma_start3A_498 : memref<10112x128xf32, #tpu.memory_space<vmem_shared>>) offsets(%dma_start3A_495 : memref<128xi32, #tpu.memory_space<vmem>>) semaphore(%arg17 : memref<!tpu.dma_semaphore, #tpu.memory_space<semaphore_mem>>) {add = true}
        } else {
        }
        %jit3A_459 = arith.constant 2 : i32
        %eq3A_460 = arith.constant 0 : i32
        %eq3A_461 = arith.cmpi eq, %jit3A_459, %eq3A_460 : i32
        %jit3A_462 = arith.constant 1 : i32
        %select_n3A_463 = arith.select %eq3A_461, %jit3A_462, %jit3A_459 : i32
        %rem3A_464 = arith.remsi %scan3A_443, %select_n3A_463 : i32
        %ne3A_465 = arith.constant 0 : i32
        %ne3A_466 = arith.cmpi ne, %rem3A_464, %ne3A_465 : i32
        %lt3A_467 = arith.constant 0 : i32
        %lt3A_468 = arith.cmpi slt, %rem3A_464, %lt3A_467 : i32
        %lt3A_469 = arith.constant 0 : i32
        %lt3A_470 = arith.cmpi slt, %select_n3A_463, %lt3A_469 : i32
        %ne3A_471 = arith.xori %lt3A_468, %lt3A_470 : i1
        %and3A_472 = arith.andi %ne3A_471, %ne3A_466 : i1
        %add3A_473 = arith.addi %rem3A_464, %select_n3A_463 : i32
        %select_n3A_474 = arith.select %and3A_472, %add3A_473, %rem3A_464 : i32
        %eq3A_475 = arith.constant 1 : i32
        %eq3A_476 = arith.cmpi eq, %select_n3A_474, %eq3A_475 : i32
        %convert_element_type3A_477 = arith.extui %eq3A_476 : i1 to i32
        %cond3A_478 = arith.constant 0 : i32
        %cond3A_479 = arith.cmpi ne, %convert_element_type3A_477, %cond3A_478 : i32
        scf.if %cond3A_479 {
          %dma_wait3A_480 = arith.constant 0 : i32
          %dma_wait3A_481 = tpu.memref_slice %arg7[%scan3A_443, %dma_wait3A_480] : memref<16x128xi32, #tpu.memory_space<vmem>> -> memref<1x128xi32, #tpu.memory_space<vmem>>
          %dma_wait3A_482 = tpu.memref_squeeze %dma_wait3A_481 : memref<1x128xi32, #tpu.memory_space<vmem>> -> memref<128xi32, #tpu.memory_space<vmem>>
          %dma_wait3A_483 = arith.constant 0 : i32
          %dma_wait3A_484 = arith.constant 0 : i32
          %dma_wait3A_485 = tpu.memref_slice %arg2[%dma_wait3A_483, %dma_wait3A_484] : memref<10000x128xf32, #tpu.memory_space<hbm>> -> memref<10000x128xf32, #tpu.memory_space<hbm>>
          tpu.wait_indirect_dma semaphore(%arg16 : memref<!tpu.dma_semaphore, #tpu.memory_space<semaphore_mem>>) src(%dma_wait3A_485 : memref<10000x128xf32, #tpu.memory_space<hbm>>) dst(%arg12 : memref<128x128xf32, #tpu.memory_space<vmem>>)
          %add3A_486 = arith.constant 1 : i32
          %add3A_487 = arith.addi %scan3A_443, %add3A_486 : i32
          %lt3A_488 = arith.constant 16 : i32
          %lt3A_489 = arith.cmpi slt, %add3A_487, %lt3A_488 : i32
          %convert_element_type3A_490 = arith.extui %lt3A_489 : i1 to i32
          %cond3A_491 = arith.constant 0 : i32
          %cond3A_492 = arith.cmpi ne, %convert_element_type3A_490, %cond3A_491 : i32
          scf.if %cond3A_492 {
            %sub3A = arith.constant 1 : i32
            %sub3A_499 = arith.subi %scan3A_443, %sub3A : i32
            %dma_wait3A_500 = arith.constant 0 : i32
            %dma_wait3A_501 = tpu.memref_slice %arg9[%sub3A_499, %dma_wait3A_500] : memref<16x128xi32, #tpu.memory_space<vmem>> -> memref<1x128xi32, #tpu.memory_space<vmem>>
            %dma_wait3A_502 = tpu.memref_squeeze %dma_wait3A_501 : memref<1x128xi32, #tpu.memory_space<vmem>> -> memref<128xi32, #tpu.memory_space<vmem>>
            %dma_wait3A_503 = arith.constant 0 : i32
            %dma_wait3A_504 = arith.constant 0 : i32
            %dma_wait3A_505 = tpu.memref_slice %arg13[%dma_wait3A_503, %dma_wait3A_504] : memref<10112x128xf32, #tpu.memory_space<vmem_shared>> -> memref<10112x128xf32, #tpu.memory_space<vmem_shared>>
            tpu.wait_indirect_dma semaphore(%arg17 : memref<!tpu.dma_semaphore, #tpu.memory_space<semaphore_mem>>) src(%arg11 : memref<128x128xf32, #tpu.memory_space<vmem>>) dst(%dma_wait3A_505 : memref<10112x128xf32, #tpu.memory_space<vmem_shared>>)
            %add3A_506 = arith.constant 1 : i32
            %add3A_507 = arith.addi %scan3A_443, %add3A_506 : i32
            %dma_start3A_508 = arith.constant 0 : i32
            %dma_start3A_509 = tpu.memref_slice %arg7[%add3A_507, %dma_start3A_508] : memref<16x128xi32, #tpu.memory_space<vmem>> -> memref<1x128xi32, #tpu.memory_space<vmem>>
            %dma_start3A_510 = tpu.memref_squeeze %dma_start3A_509 : memref<1x128xi32, #tpu.memory_space<vmem>> -> memref<128xi32, #tpu.memory_space<vmem>>
            %dma_start3A_511 = arith.constant 0 : i32
            %dma_start3A_512 = arith.constant 0 : i32
            %dma_start3A_513 = tpu.memref_slice %arg2[%dma_start3A_511, %dma_start3A_512] : memref<10000x128xf32, #tpu.memory_space<hbm>> -> memref<10000x128xf32, #tpu.memory_space<hbm>>
            tpu.enqueue_indirect_dma source(%dma_start3A_513 : memref<10000x128xf32, #tpu.memory_space<hbm>>) target(%arg11 : memref<128x128xf32, #tpu.memory_space<vmem>>) offsets(%dma_start3A_510 : memref<128xi32, #tpu.memory_space<vmem>>) semaphore(%arg15 : memref<!tpu.dma_semaphore, #tpu.memory_space<semaphore_mem>>)
          } else {
          }
          %dma_start3A_493 = arith.constant 0 : i32
          %dma_start3A_494 = tpu.memref_slice %arg9[%scan3A_443, %dma_start3A_493] : memref<16x128xi32, #tpu.memory_space<vmem>> -> memref<1x128xi32, #tpu.memory_space<vmem>>
          %dma_start3A_495 = tpu.memref_squeeze %dma_start3A_494 : memref<1x128xi32, #tpu.memory_space<vmem>> -> memref<128xi32, #tpu.memory_space<vmem>>
          %dma_start3A_496 = arith.constant 0 : i32
          %dma_start3A_497 = arith.constant 0 : i32
          %dma_start3A_498 = tpu.memref_slice %arg13[%dma_start3A_496, %dma_start3A_497] : memref<10112x128xf32, #tpu.memory_space<vmem_shared>> -> memref<10112x128xf32, #tpu.memory_space<vmem_shared>>
          tpu.enqueue_indirect_dma source(%arg12 : memref<128x128xf32, #tpu.memory_space<vmem>>) target(%dma_start3A_498 : memref<10112x128xf32, #tpu.memory_space<vmem_shared>>) offsets(%dma_start3A_495 : memref<128xi32, #tpu.memory_space<vmem>>) semaphore(%arg18 : memref<!tpu.dma_semaphore, #tpu.memory_space<semaphore_mem>>) {add = true}
        } else {
        }
      }
      %scan3A_338 = arith.constant 16 : i32
      %dma_wait3A_339 = arith.constant 14 : i32
      %dma_wait3A_340 = arith.constant 0 : i32
      %dma_wait3A_341 = tpu.memref_slice %arg9[%dma_wait3A_339, %dma_wait3A_340] : memref<16x128xi32, #tpu.memory_space<vmem>> -> memref<1x128xi32, #tpu.memory_space<vmem>>
      %dma_wait3A_342 = tpu.memref_squeeze %dma_wait3A_341 : memref<1x128xi32, #tpu.memory_space<vmem>> -> memref<128xi32, #tpu.memory_space<vmem>>
      %dma_wait3A_343 = arith.constant 0 : i32
      %dma_wait3A_344 = arith.constant 0 : i32
      %dma_wait3A_345 = tpu.memref_slice %arg13[%dma_wait3A_343, %dma_wait3A_344] : memref<10112x128xf32, #tpu.memory_space<vmem_shared>> -> memref<10112x128xf32, #tpu.memory_space<vmem_shared>>
      tpu.wait_indirect_dma semaphore(%arg17 : memref<!tpu.dma_semaphore, #tpu.memory_space<semaphore_mem>>) src(%arg11 : memref<128x128xf32, #tpu.memory_space<vmem>>) dst(%dma_wait3A_345 : memref<10112x128xf32, #tpu.memory_space<vmem_shared>>)
      %dma_wait3A_346 = arith.constant 15 : i32
      %dma_wait3A_347 = arith.constant 0 : i32
      %dma_wait3A_348 = tpu.memref_slice %arg9[%dma_wait3A_346, %dma_wait3A_347] : memref<16x128xi32, #tpu.memory_space<vmem>> -> memref<1x128xi32, #tpu.memory_space<vmem>>
      %dma_wait3A_349 = tpu.memref_squeeze %dma_wait3A_348 : memref<1x128xi32, #tpu.memory_space<vmem>> -> memref<128xi32, #tpu.memory_space<vmem>>
      %dma_wait3A_350 = arith.constant 0 : i32
      %dma_wait3A_351 = arith.constant 0 : i32
      %dma_wait3A_352 = tpu.memref_slice %arg13[%dma_wait3A_350, %dma_wait3A_351] : memref<10112x128xf32, #tpu.memory_space<vmem_shared>> -> memref<10112x128xf32, #tpu.memory_space<vmem_shared>>
      tpu.wait_indirect_dma semaphore(%arg18 : memref<!tpu.dma_semaphore, #tpu.memory_space<semaphore_mem>>) src(%arg12 : memref<128x128xf32, #tpu.memory_space<vmem>>) dst(%dma_wait3A_352 : memref<10112x128xf32, #tpu.memory_space<vmem_shared>>)
      %add3A_353 = arith.constant 112 : i32
      %add3A_354 = arith.addi %mul3A_11, %add3A_353 : i32
      %dma_wait3A_355 = arith.constant 0 : i32
      %dma_wait3A_356 = tpu.memref_slice %arg3[%add3A_354, %dma_wait3A_355] : memref<2560x128xi32, #tpu.memory_space<hbm>> -> memref<16x128xi32, #tpu.memory_space<hbm>>
      %dma_wait3A_357 = arith.constant 0 : i32
      %dma_wait3A_358 = tpu.memref_slice %arg3[%add3A_354, %dma_wait3A_357] : memref<2560x128xi32, #tpu.memory_space<hbm>> -> memref<16x128xi32, #tpu.memory_space<hbm>>
      tpu.wait_dma2 semaphore(%arg14 : memref<!tpu.dma_semaphore, #tpu.memory_space<semaphore_mem>>) src(%dma_wait3A_358 : memref<16x128xi32, #tpu.memory_space<hbm>>) dst(%arg8 : memref<16x128xi32, #tpu.memory_space<vmem>>)
      %add3A_359 = arith.constant 112 : i32
      %add3A_360 = arith.addi %mul3A_11, %add3A_359 : i32
      %dma_wait3A_361 = arith.constant 0 : i32
      %dma_wait3A_362 = tpu.memref_slice %arg4[%add3A_360, %dma_wait3A_361] : memref<2560x128xi32, #tpu.memory_space<hbm>> -> memref<16x128xi32, #tpu.memory_space<hbm>>
      %dma_wait3A_363 = arith.constant 0 : i32
      %dma_wait3A_364 = tpu.memref_slice %arg4[%add3A_360, %dma_wait3A_363] : memref<2560x128xi32, #tpu.memory_space<hbm>> -> memref<16x128xi32, #tpu.memory_space<hbm>>
      tpu.wait_dma2 semaphore(%arg14 : memref<!tpu.dma_semaphore, #tpu.memory_space<semaphore_mem>>) src(%dma_wait3A_364 : memref<16x128xi32, #tpu.memory_space<hbm>>) dst(%arg10 : memref<16x128xi32, #tpu.memory_space<vmem>>)
      %add3A_365 = arith.constant 128 : i32
      %add3A_366 = arith.addi %mul3A_11, %add3A_365 : i32
      %dma_start3A_367 = arith.constant 0 : i32
      %dma_start3A_368 = tpu.memref_slice %arg3[%add3A_366, %dma_start3A_367] : memref<2560x128xi32, #tpu.memory_space<hbm>> -> memref<16x128xi32, #tpu.memory_space<hbm>>
      %dma_start3A_369 = arith.constant 0 : i32
      %dma_start3A_370 = tpu.memref_slice %arg3[%add3A_366, %dma_start3A_369] : memref<2560x128xi32, #tpu.memory_space<hbm>> -> memref<16x128xi32, #tpu.memory_space<hbm>>
      tpu.enqueue_dma source(%dma_start3A_370 : memref<16x128xi32, #tpu.memory_space<hbm>>) target(%arg7 : memref<16x128xi32, #tpu.memory_space<vmem>>) target_semaphore(%arg14 : memref<!tpu.dma_semaphore, #tpu.memory_space<semaphore_mem>>)
      %add3A_371 = arith.constant 128 : i32
      %add3A_372 = arith.addi %mul3A_11, %add3A_371 : i32
      %dma_start3A_373 = arith.constant 0 : i32
      %dma_start3A_374 = tpu.memref_slice %arg4[%add3A_372, %dma_start3A_373] : memref<2560x128xi32, #tpu.memory_space<hbm>> -> memref<16x128xi32, #tpu.memory_space<hbm>>
      %dma_start3A_375 = arith.constant 0 : i32
      %dma_start3A_376 = tpu.memref_slice %arg4[%add3A_372, %dma_start3A_375] : memref<2560x128xi32, #tpu.memory_space<hbm>> -> memref<16x128xi32, #tpu.memory_space<hbm>>
      tpu.enqueue_dma source(%dma_start3A_376 : memref<16x128xi32, #tpu.memory_space<hbm>>) target(%arg9 : memref<16x128xi32, #tpu.memory_space<vmem>>) target_semaphore(%arg14 : memref<!tpu.dma_semaphore, #tpu.memory_space<semaphore_mem>>)
      %dma_start3A_377 = arith.constant 0 : i32
      %dma_start3A_378 = arith.constant 0 : i32
      %dma_start3A_379 = tpu.memref_slice %arg8[%dma_start3A_377, %dma_start3A_378] : memref<16x128xi32, #tpu.memory_space<vmem>> -> memref<1x128xi32, #tpu.memory_space<vmem>>
      %dma_start3A_380 = tpu.memref_squeeze %dma_start3A_379 : memref<1x128xi32, #tpu.memory_space<vmem>> -> memref<128xi32, #tpu.memory_space<vmem>>
      %dma_start3A_381 = arith.constant 0 : i32
      %dma_start3A_382 = arith.constant 0 : i32
      %dma_start3A_383 = tpu.memref_slice %arg2[%dma_start3A_381, %dma_start3A_382] : memref<10000x128xf32, #tpu.memory_space<hbm>> -> memref<10000x128xf32, #tpu.memory_space<hbm>>
      tpu.enqueue_indirect_dma source(%dma_start3A_383 : memref<10000x128xf32, #tpu.memory_space<hbm>>) target(%arg11 : memref<128x128xf32, #tpu.memory_space<vmem>>) offsets(%dma_start3A_380 : memref<128xi32, #tpu.memory_space<vmem>>) semaphore(%arg15 : memref<!tpu.dma_semaphore, #tpu.memory_space<semaphore_mem>>)
      %scan3A_384 = arith.constant 0 : i32
      %scan3A_385 = arith.constant 0 : i32
      %scan3A_386 = arith.constant 16 : i32
      %scan3A_387 = arith.addi %scan3A_385, %scan3A_386 : i32
      %scan3A_388 = arith.constant 1 : i32
      scf.for %scan3A_443 = %scan3A_385 to %scan3A_387 step %scan3A_388  : i32 {
        %jit3A = arith.constant 2 : i32
        %eq3A_444 = arith.constant 0 : i32
        %eq3A_445 = arith.cmpi eq, %jit3A, %eq3A_444 : i32
        %jit3A_446 = arith.constant 1 : i32
        %select_n3A = arith.select %eq3A_445, %jit3A_446, %jit3A : i32
        %rem3A = arith.remsi %scan3A_443, %select_n3A : i32
        %ne3A = arith.constant 0 : i32
        %ne3A_447 = arith.cmpi ne, %rem3A, %ne3A : i32
        %lt3A = arith.constant 0 : i32
        %lt3A_448 = arith.cmpi slt, %rem3A, %lt3A : i32
        %lt3A_449 = arith.constant 0 : i32
        %lt3A_450 = arith.cmpi slt, %select_n3A, %lt3A_449 : i32
        %ne3A_451 = arith.xori %lt3A_448, %lt3A_450 : i1
        %and3A = arith.andi %ne3A_451, %ne3A_447 : i1
        %add3A_452 = arith.addi %rem3A, %select_n3A : i32
        %select_n3A_453 = arith.select %and3A, %add3A_452, %rem3A : i32
        %eq3A_454 = arith.constant 0 : i32
        %eq3A_455 = arith.cmpi eq, %select_n3A_453, %eq3A_454 : i32
        %convert_element_type3A_456 = arith.extui %eq3A_455 : i1 to i32
        %cond3A_457 = arith.constant 0 : i32
        %cond3A_458 = arith.cmpi ne, %convert_element_type3A_456, %cond3A_457 : i32
        scf.if %cond3A_458 {
          %dma_wait3A_480 = arith.constant 0 : i32
          %dma_wait3A_481 = tpu.memref_slice %arg8[%scan3A_443, %dma_wait3A_480] : memref<16x128xi32, #tpu.memory_space<vmem>> -> memref<1x128xi32, #tpu.memory_space<vmem>>
          %dma_wait3A_482 = tpu.memref_squeeze %dma_wait3A_481 : memref<1x128xi32, #tpu.memory_space<vmem>> -> memref<128xi32, #tpu.memory_space<vmem>>
          %dma_wait3A_483 = arith.constant 0 : i32
          %dma_wait3A_484 = arith.constant 0 : i32
          %dma_wait3A_485 = tpu.memref_slice %arg2[%dma_wait3A_483, %dma_wait3A_484] : memref<10000x128xf32, #tpu.memory_space<hbm>> -> memref<10000x128xf32, #tpu.memory_space<hbm>>
          tpu.wait_indirect_dma semaphore(%arg15 : memref<!tpu.dma_semaphore, #tpu.memory_space<semaphore_mem>>) src(%dma_wait3A_485 : memref<10000x128xf32, #tpu.memory_space<hbm>>) dst(%arg11 : memref<128x128xf32, #tpu.memory_space<vmem>>)
          %add3A_486 = arith.constant 1 : i32
          %add3A_487 = arith.addi %scan3A_443, %add3A_486 : i32
          %lt3A_488 = arith.constant 16 : i32
          %lt3A_489 = arith.cmpi slt, %add3A_487, %lt3A_488 : i32
          %convert_element_type3A_490 = arith.extui %lt3A_489 : i1 to i32
          %cond3A_491 = arith.constant 0 : i32
          %cond3A_492 = arith.cmpi ne, %convert_element_type3A_490, %cond3A_491 : i32
          scf.if %cond3A_492 {
            %gt3A = arith.constant 0 : i32
            %gt3A_499 = arith.cmpi sgt, %scan3A_443, %gt3A : i32
            %convert_element_type3A_500 = arith.extui %gt3A_499 : i1 to i32
            %cond3A_501 = arith.constant 0 : i32
            %cond3A_502 = arith.cmpi ne, %convert_element_type3A_500, %cond3A_501 : i32
            scf.if %cond3A_502 {
              %sub3A = arith.constant 1 : i32
              %sub3A_511 = arith.subi %scan3A_443, %sub3A : i32
              %dma_wait3A_512 = arith.constant 0 : i32
              %dma_wait3A_513 = tpu.memref_slice %arg10[%sub3A_511, %dma_wait3A_512] : memref<16x128xi32, #tpu.memory_space<vmem>> -> memref<1x128xi32, #tpu.memory_space<vmem>>
              %dma_wait3A_514 = tpu.memref_squeeze %dma_wait3A_513 : memref<1x128xi32, #tpu.memory_space<vmem>> -> memref<128xi32, #tpu.memory_space<vmem>>
              %dma_wait3A_515 = arith.constant 0 : i32
              %dma_wait3A_516 = arith.constant 0 : i32
              %dma_wait3A_517 = tpu.memref_slice %arg13[%dma_wait3A_515, %dma_wait3A_516] : memref<10112x128xf32, #tpu.memory_space<vmem_shared>> -> memref<10112x128xf32, #tpu.memory_space<vmem_shared>>
              tpu.wait_indirect_dma semaphore(%arg18 : memref<!tpu.dma_semaphore, #tpu.memory_space<semaphore_mem>>) src(%arg12 : memref<128x128xf32, #tpu.memory_space<vmem>>) dst(%dma_wait3A_517 : memref<10112x128xf32, #tpu.memory_space<vmem_shared>>)
            } else {
            }
            %add3A_503 = arith.constant 1 : i32
            %add3A_504 = arith.addi %scan3A_443, %add3A_503 : i32
            %dma_start3A_505 = arith.constant 0 : i32
            %dma_start3A_506 = tpu.memref_slice %arg8[%add3A_504, %dma_start3A_505] : memref<16x128xi32, #tpu.memory_space<vmem>> -> memref<1x128xi32, #tpu.memory_space<vmem>>
            %dma_start3A_507 = tpu.memref_squeeze %dma_start3A_506 : memref<1x128xi32, #tpu.memory_space<vmem>> -> memref<128xi32, #tpu.memory_space<vmem>>
            %dma_start3A_508 = arith.constant 0 : i32
            %dma_start3A_509 = arith.constant 0 : i32
            %dma_start3A_510 = tpu.memref_slice %arg2[%dma_start3A_508, %dma_start3A_509] : memref<10000x128xf32, #tpu.memory_space<hbm>> -> memref<10000x128xf32, #tpu.memory_space<hbm>>
            tpu.enqueue_indirect_dma source(%dma_start3A_510 : memref<10000x128xf32, #tpu.memory_space<hbm>>) target(%arg12 : memref<128x128xf32, #tpu.memory_space<vmem>>) offsets(%dma_start3A_507 : memref<128xi32, #tpu.memory_space<vmem>>) semaphore(%arg16 : memref<!tpu.dma_semaphore, #tpu.memory_space<semaphore_mem>>)
          } else {
          }
          %dma_start3A_493 = arith.constant 0 : i32
          %dma_start3A_494 = tpu.memref_slice %arg10[%scan3A_443, %dma_start3A_493] : memref<16x128xi32, #tpu.memory_space<vmem>> -> memref<1x128xi32, #tpu.memory_space<vmem>>
          %dma_start3A_495 = tpu.memref_squeeze %dma_start3A_494 : memref<1x128xi32, #tpu.memory_space<vmem>> -> memref<128xi32, #tpu.memory_space<vmem>>
          %dma_start3A_496 = arith.constant 0 : i32
          %dma_start3A_497 = arith.constant 0 : i32
          %dma_start3A_498 = tpu.memref_slice %arg13[%dma_start3A_496, %dma_start3A_497] : memref<10112x128xf32, #tpu.memory_space<vmem_shared>> -> memref<10112x128xf32, #tpu.memory_space<vmem_shared>>
          tpu.enqueue_indirect_dma source(%arg11 : memref<128x128xf32, #tpu.memory_space<vmem>>) target(%dma_start3A_498 : memref<10112x128xf32, #tpu.memory_space<vmem_shared>>) offsets(%dma_start3A_495 : memref<128xi32, #tpu.memory_space<vmem>>) semaphore(%arg17 : memref<!tpu.dma_semaphore, #tpu.memory_space<semaphore_mem>>) {add = true}
        } else {
        }
        %jit3A_459 = arith.constant 2 : i32
        %eq3A_460 = arith.constant 0 : i32
        %eq3A_461 = arith.cmpi eq, %jit3A_459, %eq3A_460 : i32
        %jit3A_462 = arith.constant 1 : i32
        %select_n3A_463 = arith.select %eq3A_461, %jit3A_462, %jit3A_459 : i32
        %rem3A_464 = arith.remsi %scan3A_443, %select_n3A_463 : i32
        %ne3A_465 = arith.constant 0 : i32
        %ne3A_466 = arith.cmpi ne, %rem3A_464, %ne3A_465 : i32
        %lt3A_467 = arith.constant 0 : i32
        %lt3A_468 = arith.cmpi slt, %rem3A_464, %lt3A_467 : i32
        %lt3A_469 = arith.constant 0 : i32
        %lt3A_470 = arith.cmpi slt, %select_n3A_463, %lt3A_469 : i32
        %ne3A_471 = arith.xori %lt3A_468, %lt3A_470 : i1
        %and3A_472 = arith.andi %ne3A_471, %ne3A_466 : i1
        %add3A_473 = arith.addi %rem3A_464, %select_n3A_463 : i32
        %select_n3A_474 = arith.select %and3A_472, %add3A_473, %rem3A_464 : i32
        %eq3A_475 = arith.constant 1 : i32
        %eq3A_476 = arith.cmpi eq, %select_n3A_474, %eq3A_475 : i32
        %convert_element_type3A_477 = arith.extui %eq3A_476 : i1 to i32
        %cond3A_478 = arith.constant 0 : i32
        %cond3A_479 = arith.cmpi ne, %convert_element_type3A_477, %cond3A_478 : i32
        scf.if %cond3A_479 {
          %dma_wait3A_480 = arith.constant 0 : i32
          %dma_wait3A_481 = tpu.memref_slice %arg8[%scan3A_443, %dma_wait3A_480] : memref<16x128xi32, #tpu.memory_space<vmem>> -> memref<1x128xi32, #tpu.memory_space<vmem>>
          %dma_wait3A_482 = tpu.memref_squeeze %dma_wait3A_481 : memref<1x128xi32, #tpu.memory_space<vmem>> -> memref<128xi32, #tpu.memory_space<vmem>>
          %dma_wait3A_483 = arith.constant 0 : i32
          %dma_wait3A_484 = arith.constant 0 : i32
          %dma_wait3A_485 = tpu.memref_slice %arg2[%dma_wait3A_483, %dma_wait3A_484] : memref<10000x128xf32, #tpu.memory_space<hbm>> -> memref<10000x128xf32, #tpu.memory_space<hbm>>
          tpu.wait_indirect_dma semaphore(%arg16 : memref<!tpu.dma_semaphore, #tpu.memory_space<semaphore_mem>>) src(%dma_wait3A_485 : memref<10000x128xf32, #tpu.memory_space<hbm>>) dst(%arg12 : memref<128x128xf32, #tpu.memory_space<vmem>>)
          %add3A_486 = arith.constant 1 : i32
          %add3A_487 = arith.addi %scan3A_443, %add3A_486 : i32
          %lt3A_488 = arith.constant 16 : i32
          %lt3A_489 = arith.cmpi slt, %add3A_487, %lt3A_488 : i32
          %convert_element_type3A_490 = arith.extui %lt3A_489 : i1 to i32
          %cond3A_491 = arith.constant 0 : i32
          %cond3A_492 = arith.cmpi ne, %convert_element_type3A_490, %cond3A_491 : i32
          scf.if %cond3A_492 {
            %sub3A = arith.constant 1 : i32
            %sub3A_499 = arith.subi %scan3A_443, %sub3A : i32
            %dma_wait3A_500 = arith.constant 0 : i32
            %dma_wait3A_501 = tpu.memref_slice %arg10[%sub3A_499, %dma_wait3A_500] : memref<16x128xi32, #tpu.memory_space<vmem>> -> memref<1x128xi32, #tpu.memory_space<vmem>>
            %dma_wait3A_502 = tpu.memref_squeeze %dma_wait3A_501 : memref<1x128xi32, #tpu.memory_space<vmem>> -> memref<128xi32, #tpu.memory_space<vmem>>
            %dma_wait3A_503 = arith.constant 0 : i32
            %dma_wait3A_504 = arith.constant 0 : i32
            %dma_wait3A_505 = tpu.memref_slice %arg13[%dma_wait3A_503, %dma_wait3A_504] : memref<10112x128xf32, #tpu.memory_space<vmem_shared>> -> memref<10112x128xf32, #tpu.memory_space<vmem_shared>>
            tpu.wait_indirect_dma semaphore(%arg17 : memref<!tpu.dma_semaphore, #tpu.memory_space<semaphore_mem>>) src(%arg11 : memref<128x128xf32, #tpu.memory_space<vmem>>) dst(%dma_wait3A_505 : memref<10112x128xf32, #tpu.memory_space<vmem_shared>>)
            %add3A_506 = arith.constant 1 : i32
            %add3A_507 = arith.addi %scan3A_443, %add3A_506 : i32
            %dma_start3A_508 = arith.constant 0 : i32
            %dma_start3A_509 = tpu.memref_slice %arg8[%add3A_507, %dma_start3A_508] : memref<16x128xi32, #tpu.memory_space<vmem>> -> memref<1x128xi32, #tpu.memory_space<vmem>>
            %dma_start3A_510 = tpu.memref_squeeze %dma_start3A_509 : memref<1x128xi32, #tpu.memory_space<vmem>> -> memref<128xi32, #tpu.memory_space<vmem>>
            %dma_start3A_511 = arith.constant 0 : i32
            %dma_start3A_512 = arith.constant 0 : i32
            %dma_start3A_513 = tpu.memref_slice %arg2[%dma_start3A_511, %dma_start3A_512] : memref<10000x128xf32, #tpu.memory_space<hbm>> -> memref<10000x128xf32, #tpu.memory_space<hbm>>
            tpu.enqueue_indirect_dma source(%dma_start3A_513 : memref<10000x128xf32, #tpu.memory_space<hbm>>) target(%arg11 : memref<128x128xf32, #tpu.memory_space<vmem>>) offsets(%dma_start3A_510 : memref<128xi32, #tpu.memory_space<vmem>>) semaphore(%arg15 : memref<!tpu.dma_semaphore, #tpu.memory_space<semaphore_mem>>)
          } else {
          }
          %dma_start3A_493 = arith.constant 0 : i32
          %dma_start3A_494 = tpu.memref_slice %arg10[%scan3A_443, %dma_start3A_493] : memref<16x128xi32, #tpu.memory_space<vmem>> -> memref<1x128xi32, #tpu.memory_space<vmem>>
          %dma_start3A_495 = tpu.memref_squeeze %dma_start3A_494 : memref<1x128xi32, #tpu.memory_space<vmem>> -> memref<128xi32, #tpu.memory_space<vmem>>
          %dma_start3A_496 = arith.constant 0 : i32
          %dma_start3A_497 = arith.constant 0 : i32
          %dma_start3A_498 = tpu.memref_slice %arg13[%dma_start3A_496, %dma_start3A_497] : memref<10112x128xf32, #tpu.memory_space<vmem_shared>> -> memref<10112x128xf32, #tpu.memory_space<vmem_shared>>
          tpu.enqueue_indirect_dma source(%arg12 : memref<128x128xf32, #tpu.memory_space<vmem>>) target(%dma_start3A_498 : memref<10112x128xf32, #tpu.memory_space<vmem_shared>>) offsets(%dma_start3A_495 : memref<128xi32, #tpu.memory_space<vmem>>) semaphore(%arg18 : memref<!tpu.dma_semaphore, #tpu.memory_space<semaphore_mem>>) {add = true}
        } else {
        }
      }
      %scan3A_389 = arith.constant 16 : i32
      %dma_wait3A_390 = arith.constant 14 : i32
      %dma_wait3A_391 = arith.constant 0 : i32
      %dma_wait3A_392 = tpu.memref_slice %arg10[%dma_wait3A_390, %dma_wait3A_391] : memref<16x128xi32, #tpu.memory_space<vmem>> -> memref<1x128xi32, #tpu.memory_space<vmem>>
      %dma_wait3A_393 = tpu.memref_squeeze %dma_wait3A_392 : memref<1x128xi32, #tpu.memory_space<vmem>> -> memref<128xi32, #tpu.memory_space<vmem>>
      %dma_wait3A_394 = arith.constant 0 : i32
      %dma_wait3A_395 = arith.constant 0 : i32
      %dma_wait3A_396 = tpu.memref_slice %arg13[%dma_wait3A_394, %dma_wait3A_395] : memref<10112x128xf32, #tpu.memory_space<vmem_shared>> -> memref<10112x128xf32, #tpu.memory_space<vmem_shared>>
      tpu.wait_indirect_dma semaphore(%arg17 : memref<!tpu.dma_semaphore, #tpu.memory_space<semaphore_mem>>) src(%arg11 : memref<128x128xf32, #tpu.memory_space<vmem>>) dst(%dma_wait3A_396 : memref<10112x128xf32, #tpu.memory_space<vmem_shared>>)
      %dma_wait3A_397 = arith.constant 15 : i32
      %dma_wait3A_398 = arith.constant 0 : i32
      %dma_wait3A_399 = tpu.memref_slice %arg10[%dma_wait3A_397, %dma_wait3A_398] : memref<16x128xi32, #tpu.memory_space<vmem>> -> memref<1x128xi32, #tpu.memory_space<vmem>>
      %dma_wait3A_400 = tpu.memref_squeeze %dma_wait3A_399 : memref<1x128xi32, #tpu.memory_space<vmem>> -> memref<128xi32, #tpu.memory_space<vmem>>
      %dma_wait3A_401 = arith.constant 0 : i32
      %dma_wait3A_402 = arith.constant 0 : i32
      %dma_wait3A_403 = tpu.memref_slice %arg13[%dma_wait3A_401, %dma_wait3A_402] : memref<10112x128xf32, #tpu.memory_space<vmem_shared>> -> memref<10112x128xf32, #tpu.memory_space<vmem_shared>>
      tpu.wait_indirect_dma semaphore(%arg18 : memref<!tpu.dma_semaphore, #tpu.memory_space<semaphore_mem>>) src(%arg12 : memref<128x128xf32, #tpu.memory_space<vmem>>) dst(%dma_wait3A_403 : memref<10112x128xf32, #tpu.memory_space<vmem_shared>>)
      %add3A_404 = arith.constant 128 : i32
      %add3A_405 = arith.addi %mul3A_11, %add3A_404 : i32
      %dma_wait3A_406 = arith.constant 0 : i32
      %dma_wait3A_407 = tpu.memref_slice %arg3[%add3A_405, %dma_wait3A_406] : memref<2560x128xi32, #tpu.memory_space<hbm>> -> memref<16x128xi32, #tpu.memory_space<hbm>>
      %dma_wait3A_408 = arith.constant 0 : i32
      %dma_wait3A_409 = tpu.memref_slice %arg3[%add3A_405, %dma_wait3A_408] : memref<2560x128xi32, #tpu.memory_space<hbm>> -> memref<16x128xi32, #tpu.memory_space<hbm>>
      tpu.wait_dma2 semaphore(%arg14 : memref<!tpu.dma_semaphore, #tpu.memory_space<semaphore_mem>>) src(%dma_wait3A_409 : memref<16x128xi32, #tpu.memory_space<hbm>>) dst(%arg7 : memref<16x128xi32, #tpu.memory_space<vmem>>)
      %add3A_410 = arith.constant 128 : i32
      %add3A_411 = arith.addi %mul3A_11, %add3A_410 : i32
      %dma_wait3A_412 = arith.constant 0 : i32
      %dma_wait3A_413 = tpu.memref_slice %arg4[%add3A_411, %dma_wait3A_412] : memref<2560x128xi32, #tpu.memory_space<hbm>> -> memref<16x128xi32, #tpu.memory_space<hbm>>
      %dma_wait3A_414 = arith.constant 0 : i32
      %dma_wait3A_415 = tpu.memref_slice %arg4[%add3A_411, %dma_wait3A_414] : memref<2560x128xi32, #tpu.memory_space<hbm>> -> memref<16x128xi32, #tpu.memory_space<hbm>>
      tpu.wait_dma2 semaphore(%arg14 : memref<!tpu.dma_semaphore, #tpu.memory_space<semaphore_mem>>) src(%dma_wait3A_415 : memref<16x128xi32, #tpu.memory_space<hbm>>) dst(%arg9 : memref<16x128xi32, #tpu.memory_space<vmem>>)
      %dma_start3A_416 = arith.constant 0 : i32
      %dma_start3A_417 = arith.constant 0 : i32
      %dma_start3A_418 = tpu.memref_slice %arg7[%dma_start3A_416, %dma_start3A_417] : memref<16x128xi32, #tpu.memory_space<vmem>> -> memref<1x128xi32, #tpu.memory_space<vmem>>
      %dma_start3A_419 = tpu.memref_squeeze %dma_start3A_418 : memref<1x128xi32, #tpu.memory_space<vmem>> -> memref<128xi32, #tpu.memory_space<vmem>>
      %dma_start3A_420 = arith.constant 0 : i32
      %dma_start3A_421 = arith.constant 0 : i32
      %dma_start3A_422 = tpu.memref_slice %arg2[%dma_start3A_420, %dma_start3A_421] : memref<10000x128xf32, #tpu.memory_space<hbm>> -> memref<10000x128xf32, #tpu.memory_space<hbm>>
      tpu.enqueue_indirect_dma source(%dma_start3A_422 : memref<10000x128xf32, #tpu.memory_space<hbm>>) target(%arg11 : memref<128x128xf32, #tpu.memory_space<vmem>>) offsets(%dma_start3A_419 : memref<128xi32, #tpu.memory_space<vmem>>) semaphore(%arg15 : memref<!tpu.dma_semaphore, #tpu.memory_space<semaphore_mem>>)
      %scan3A_423 = arith.constant 0 : i32
      %scan3A_424 = arith.constant 0 : i32
      %scan3A_425 = arith.constant 16 : i32
      %scan3A_426 = arith.addi %scan3A_424, %scan3A_425 : i32
      %scan3A_427 = arith.constant 1 : i32
      scf.for %scan3A_443 = %scan3A_424 to %scan3A_426 step %scan3A_427  : i32 {
        %jit3A = arith.constant 2 : i32
        %eq3A_444 = arith.constant 0 : i32
        %eq3A_445 = arith.cmpi eq, %jit3A, %eq3A_444 : i32
        %jit3A_446 = arith.constant 1 : i32
        %select_n3A = arith.select %eq3A_445, %jit3A_446, %jit3A : i32
        %rem3A = arith.remsi %scan3A_443, %select_n3A : i32
        %ne3A = arith.constant 0 : i32
        %ne3A_447 = arith.cmpi ne, %rem3A, %ne3A : i32
        %lt3A = arith.constant 0 : i32
        %lt3A_448 = arith.cmpi slt, %rem3A, %lt3A : i32
        %lt3A_449 = arith.constant 0 : i32
        %lt3A_450 = arith.cmpi slt, %select_n3A, %lt3A_449 : i32
        %ne3A_451 = arith.xori %lt3A_448, %lt3A_450 : i1
        %and3A = arith.andi %ne3A_451, %ne3A_447 : i1
        %add3A_452 = arith.addi %rem3A, %select_n3A : i32
        %select_n3A_453 = arith.select %and3A, %add3A_452, %rem3A : i32
        %eq3A_454 = arith.constant 0 : i32
        %eq3A_455 = arith.cmpi eq, %select_n3A_453, %eq3A_454 : i32
        %convert_element_type3A_456 = arith.extui %eq3A_455 : i1 to i32
        %cond3A_457 = arith.constant 0 : i32
        %cond3A_458 = arith.cmpi ne, %convert_element_type3A_456, %cond3A_457 : i32
        scf.if %cond3A_458 {
          %dma_wait3A_480 = arith.constant 0 : i32
          %dma_wait3A_481 = tpu.memref_slice %arg7[%scan3A_443, %dma_wait3A_480] : memref<16x128xi32, #tpu.memory_space<vmem>> -> memref<1x128xi32, #tpu.memory_space<vmem>>
          %dma_wait3A_482 = tpu.memref_squeeze %dma_wait3A_481 : memref<1x128xi32, #tpu.memory_space<vmem>> -> memref<128xi32, #tpu.memory_space<vmem>>
          %dma_wait3A_483 = arith.constant 0 : i32
          %dma_wait3A_484 = arith.constant 0 : i32
          %dma_wait3A_485 = tpu.memref_slice %arg2[%dma_wait3A_483, %dma_wait3A_484] : memref<10000x128xf32, #tpu.memory_space<hbm>> -> memref<10000x128xf32, #tpu.memory_space<hbm>>
          tpu.wait_indirect_dma semaphore(%arg15 : memref<!tpu.dma_semaphore, #tpu.memory_space<semaphore_mem>>) src(%dma_wait3A_485 : memref<10000x128xf32, #tpu.memory_space<hbm>>) dst(%arg11 : memref<128x128xf32, #tpu.memory_space<vmem>>)
          %add3A_486 = arith.constant 1 : i32
          %add3A_487 = arith.addi %scan3A_443, %add3A_486 : i32
          %lt3A_488 = arith.constant 16 : i32
          %lt3A_489 = arith.cmpi slt, %add3A_487, %lt3A_488 : i32
          %convert_element_type3A_490 = arith.extui %lt3A_489 : i1 to i32
          %cond3A_491 = arith.constant 0 : i32
          %cond3A_492 = arith.cmpi ne, %convert_element_type3A_490, %cond3A_491 : i32
          scf.if %cond3A_492 {
            %gt3A = arith.constant 0 : i32
            %gt3A_499 = arith.cmpi sgt, %scan3A_443, %gt3A : i32
            %convert_element_type3A_500 = arith.extui %gt3A_499 : i1 to i32
            %cond3A_501 = arith.constant 0 : i32
            %cond3A_502 = arith.cmpi ne, %convert_element_type3A_500, %cond3A_501 : i32
            scf.if %cond3A_502 {
              %sub3A = arith.constant 1 : i32
              %sub3A_511 = arith.subi %scan3A_443, %sub3A : i32
              %dma_wait3A_512 = arith.constant 0 : i32
              %dma_wait3A_513 = tpu.memref_slice %arg9[%sub3A_511, %dma_wait3A_512] : memref<16x128xi32, #tpu.memory_space<vmem>> -> memref<1x128xi32, #tpu.memory_space<vmem>>
              %dma_wait3A_514 = tpu.memref_squeeze %dma_wait3A_513 : memref<1x128xi32, #tpu.memory_space<vmem>> -> memref<128xi32, #tpu.memory_space<vmem>>
              %dma_wait3A_515 = arith.constant 0 : i32
              %dma_wait3A_516 = arith.constant 0 : i32
              %dma_wait3A_517 = tpu.memref_slice %arg13[%dma_wait3A_515, %dma_wait3A_516] : memref<10112x128xf32, #tpu.memory_space<vmem_shared>> -> memref<10112x128xf32, #tpu.memory_space<vmem_shared>>
              tpu.wait_indirect_dma semaphore(%arg18 : memref<!tpu.dma_semaphore, #tpu.memory_space<semaphore_mem>>) src(%arg12 : memref<128x128xf32, #tpu.memory_space<vmem>>) dst(%dma_wait3A_517 : memref<10112x128xf32, #tpu.memory_space<vmem_shared>>)
            } else {
            }
            %add3A_503 = arith.constant 1 : i32
            %add3A_504 = arith.addi %scan3A_443, %add3A_503 : i32
            %dma_start3A_505 = arith.constant 0 : i32
            %dma_start3A_506 = tpu.memref_slice %arg7[%add3A_504, %dma_start3A_505] : memref<16x128xi32, #tpu.memory_space<vmem>> -> memref<1x128xi32, #tpu.memory_space<vmem>>
            %dma_start3A_507 = tpu.memref_squeeze %dma_start3A_506 : memref<1x128xi32, #tpu.memory_space<vmem>> -> memref<128xi32, #tpu.memory_space<vmem>>
            %dma_start3A_508 = arith.constant 0 : i32
            %dma_start3A_509 = arith.constant 0 : i32
            %dma_start3A_510 = tpu.memref_slice %arg2[%dma_start3A_508, %dma_start3A_509] : memref<10000x128xf32, #tpu.memory_space<hbm>> -> memref<10000x128xf32, #tpu.memory_space<hbm>>
            tpu.enqueue_indirect_dma source(%dma_start3A_510 : memref<10000x128xf32, #tpu.memory_space<hbm>>) target(%arg12 : memref<128x128xf32, #tpu.memory_space<vmem>>) offsets(%dma_start3A_507 : memref<128xi32, #tpu.memory_space<vmem>>) semaphore(%arg16 : memref<!tpu.dma_semaphore, #tpu.memory_space<semaphore_mem>>)
          } else {
          }
          %dma_start3A_493 = arith.constant 0 : i32
          %dma_start3A_494 = tpu.memref_slice %arg9[%scan3A_443, %dma_start3A_493] : memref<16x128xi32, #tpu.memory_space<vmem>> -> memref<1x128xi32, #tpu.memory_space<vmem>>
          %dma_start3A_495 = tpu.memref_squeeze %dma_start3A_494 : memref<1x128xi32, #tpu.memory_space<vmem>> -> memref<128xi32, #tpu.memory_space<vmem>>
          %dma_start3A_496 = arith.constant 0 : i32
          %dma_start3A_497 = arith.constant 0 : i32
          %dma_start3A_498 = tpu.memref_slice %arg13[%dma_start3A_496, %dma_start3A_497] : memref<10112x128xf32, #tpu.memory_space<vmem_shared>> -> memref<10112x128xf32, #tpu.memory_space<vmem_shared>>
          tpu.enqueue_indirect_dma source(%arg11 : memref<128x128xf32, #tpu.memory_space<vmem>>) target(%dma_start3A_498 : memref<10112x128xf32, #tpu.memory_space<vmem_shared>>) offsets(%dma_start3A_495 : memref<128xi32, #tpu.memory_space<vmem>>) semaphore(%arg17 : memref<!tpu.dma_semaphore, #tpu.memory_space<semaphore_mem>>) {add = true}
        } else {
        }
        %jit3A_459 = arith.constant 2 : i32
        %eq3A_460 = arith.constant 0 : i32
        %eq3A_461 = arith.cmpi eq, %jit3A_459, %eq3A_460 : i32
        %jit3A_462 = arith.constant 1 : i32
        %select_n3A_463 = arith.select %eq3A_461, %jit3A_462, %jit3A_459 : i32
        %rem3A_464 = arith.remsi %scan3A_443, %select_n3A_463 : i32
        %ne3A_465 = arith.constant 0 : i32
        %ne3A_466 = arith.cmpi ne, %rem3A_464, %ne3A_465 : i32
        %lt3A_467 = arith.constant 0 : i32
        %lt3A_468 = arith.cmpi slt, %rem3A_464, %lt3A_467 : i32
        %lt3A_469 = arith.constant 0 : i32
        %lt3A_470 = arith.cmpi slt, %select_n3A_463, %lt3A_469 : i32
        %ne3A_471 = arith.xori %lt3A_468, %lt3A_470 : i1
        %and3A_472 = arith.andi %ne3A_471, %ne3A_466 : i1
        %add3A_473 = arith.addi %rem3A_464, %select_n3A_463 : i32
        %select_n3A_474 = arith.select %and3A_472, %add3A_473, %rem3A_464 : i32
        %eq3A_475 = arith.constant 1 : i32
        %eq3A_476 = arith.cmpi eq, %select_n3A_474, %eq3A_475 : i32
        %convert_element_type3A_477 = arith.extui %eq3A_476 : i1 to i32
        %cond3A_478 = arith.constant 0 : i32
        %cond3A_479 = arith.cmpi ne, %convert_element_type3A_477, %cond3A_478 : i32
        scf.if %cond3A_479 {
          %dma_wait3A_480 = arith.constant 0 : i32
          %dma_wait3A_481 = tpu.memref_slice %arg7[%scan3A_443, %dma_wait3A_480] : memref<16x128xi32, #tpu.memory_space<vmem>> -> memref<1x128xi32, #tpu.memory_space<vmem>>
          %dma_wait3A_482 = tpu.memref_squeeze %dma_wait3A_481 : memref<1x128xi32, #tpu.memory_space<vmem>> -> memref<128xi32, #tpu.memory_space<vmem>>
          %dma_wait3A_483 = arith.constant 0 : i32
          %dma_wait3A_484 = arith.constant 0 : i32
          %dma_wait3A_485 = tpu.memref_slice %arg2[%dma_wait3A_483, %dma_wait3A_484] : memref<10000x128xf32, #tpu.memory_space<hbm>> -> memref<10000x128xf32, #tpu.memory_space<hbm>>
          tpu.wait_indirect_dma semaphore(%arg16 : memref<!tpu.dma_semaphore, #tpu.memory_space<semaphore_mem>>) src(%dma_wait3A_485 : memref<10000x128xf32, #tpu.memory_space<hbm>>) dst(%arg12 : memref<128x128xf32, #tpu.memory_space<vmem>>)
          %add3A_486 = arith.constant 1 : i32
          %add3A_487 = arith.addi %scan3A_443, %add3A_486 : i32
          %lt3A_488 = arith.constant 16 : i32
          %lt3A_489 = arith.cmpi slt, %add3A_487, %lt3A_488 : i32
          %convert_element_type3A_490 = arith.extui %lt3A_489 : i1 to i32
          %cond3A_491 = arith.constant 0 : i32
          %cond3A_492 = arith.cmpi ne, %convert_element_type3A_490, %cond3A_491 : i32
          scf.if %cond3A_492 {
            %sub3A = arith.constant 1 : i32
            %sub3A_499 = arith.subi %scan3A_443, %sub3A : i32
            %dma_wait3A_500 = arith.constant 0 : i32
            %dma_wait3A_501 = tpu.memref_slice %arg9[%sub3A_499, %dma_wait3A_500] : memref<16x128xi32, #tpu.memory_space<vmem>> -> memref<1x128xi32, #tpu.memory_space<vmem>>
            %dma_wait3A_502 = tpu.memref_squeeze %dma_wait3A_501 : memref<1x128xi32, #tpu.memory_space<vmem>> -> memref<128xi32, #tpu.memory_space<vmem>>
            %dma_wait3A_503 = arith.constant 0 : i32
            %dma_wait3A_504 = arith.constant 0 : i32
            %dma_wait3A_505 = tpu.memref_slice %arg13[%dma_wait3A_503, %dma_wait3A_504] : memref<10112x128xf32, #tpu.memory_space<vmem_shared>> -> memref<10112x128xf32, #tpu.memory_space<vmem_shared>>
            tpu.wait_indirect_dma semaphore(%arg17 : memref<!tpu.dma_semaphore, #tpu.memory_space<semaphore_mem>>) src(%arg11 : memref<128x128xf32, #tpu.memory_space<vmem>>) dst(%dma_wait3A_505 : memref<10112x128xf32, #tpu.memory_space<vmem_shared>>)
            %add3A_506 = arith.constant 1 : i32
            %add3A_507 = arith.addi %scan3A_443, %add3A_506 : i32
            %dma_start3A_508 = arith.constant 0 : i32
            %dma_start3A_509 = tpu.memref_slice %arg7[%add3A_507, %dma_start3A_508] : memref<16x128xi32, #tpu.memory_space<vmem>> -> memref<1x128xi32, #tpu.memory_space<vmem>>
            %dma_start3A_510 = tpu.memref_squeeze %dma_start3A_509 : memref<1x128xi32, #tpu.memory_space<vmem>> -> memref<128xi32, #tpu.memory_space<vmem>>
            %dma_start3A_511 = arith.constant 0 : i32
            %dma_start3A_512 = arith.constant 0 : i32
            %dma_start3A_513 = tpu.memref_slice %arg2[%dma_start3A_511, %dma_start3A_512] : memref<10000x128xf32, #tpu.memory_space<hbm>> -> memref<10000x128xf32, #tpu.memory_space<hbm>>
            tpu.enqueue_indirect_dma source(%dma_start3A_513 : memref<10000x128xf32, #tpu.memory_space<hbm>>) target(%arg11 : memref<128x128xf32, #tpu.memory_space<vmem>>) offsets(%dma_start3A_510 : memref<128xi32, #tpu.memory_space<vmem>>) semaphore(%arg15 : memref<!tpu.dma_semaphore, #tpu.memory_space<semaphore_mem>>)
          } else {
          }
          %dma_start3A_493 = arith.constant 0 : i32
          %dma_start3A_494 = tpu.memref_slice %arg9[%scan3A_443, %dma_start3A_493] : memref<16x128xi32, #tpu.memory_space<vmem>> -> memref<1x128xi32, #tpu.memory_space<vmem>>
          %dma_start3A_495 = tpu.memref_squeeze %dma_start3A_494 : memref<1x128xi32, #tpu.memory_space<vmem>> -> memref<128xi32, #tpu.memory_space<vmem>>
          %dma_start3A_496 = arith.constant 0 : i32
          %dma_start3A_497 = arith.constant 0 : i32
          %dma_start3A_498 = tpu.memref_slice %arg13[%dma_start3A_496, %dma_start3A_497] : memref<10112x128xf32, #tpu.memory_space<vmem_shared>> -> memref<10112x128xf32, #tpu.memory_space<vmem_shared>>
          tpu.enqueue_indirect_dma source(%arg12 : memref<128x128xf32, #tpu.memory_space<vmem>>) target(%dma_start3A_498 : memref<10112x128xf32, #tpu.memory_space<vmem_shared>>) offsets(%dma_start3A_495 : memref<128xi32, #tpu.memory_space<vmem>>) semaphore(%arg18 : memref<!tpu.dma_semaphore, #tpu.memory_space<semaphore_mem>>) {add = true}
        } else {
        }
      }
      %scan3A_428 = arith.constant 16 : i32
      %dma_wait3A_429 = arith.constant 14 : i32
      %dma_wait3A_430 = arith.constant 0 : i32
      %dma_wait3A_431 = tpu.memref_slice %arg9[%dma_wait3A_429, %dma_wait3A_430] : memref<16x128xi32, #tpu.memory_space<vmem>> -> memref<1x128xi32, #tpu.memory_space<vmem>>
      %dma_wait3A_432 = tpu.memref_squeeze %dma_wait3A_431 : memref<1x128xi32, #tpu.memory_space<vmem>> -> memref<128xi32, #tpu.memory_space<vmem>>
      %dma_wait3A_433 = arith.constant 0 : i32
      %dma_wait3A_434 = arith.constant 0 : i32
      %dma_wait3A_435 = tpu.memref_slice %arg13[%dma_wait3A_433, %dma_wait3A_434] : memref<10112x128xf32, #tpu.memory_space<vmem_shared>> -> memref<10112x128xf32, #tpu.memory_space<vmem_shared>>
      tpu.wait_indirect_dma semaphore(%arg17 : memref<!tpu.dma_semaphore, #tpu.memory_space<semaphore_mem>>) src(%arg11 : memref<128x128xf32, #tpu.memory_space<vmem>>) dst(%dma_wait3A_435 : memref<10112x128xf32, #tpu.memory_space<vmem_shared>>)
      %dma_wait3A_436 = arith.constant 15 : i32
      %dma_wait3A_437 = arith.constant 0 : i32
      %dma_wait3A_438 = tpu.memref_slice %arg9[%dma_wait3A_436, %dma_wait3A_437] : memref<16x128xi32, #tpu.memory_space<vmem>> -> memref<1x128xi32, #tpu.memory_space<vmem>>
      %dma_wait3A_439 = tpu.memref_squeeze %dma_wait3A_438 : memref<1x128xi32, #tpu.memory_space<vmem>> -> memref<128xi32, #tpu.memory_space<vmem>>
      %dma_wait3A_440 = arith.constant 0 : i32
      %dma_wait3A_441 = arith.constant 0 : i32
      %dma_wait3A_442 = tpu.memref_slice %arg13[%dma_wait3A_440, %dma_wait3A_441] : memref<10112x128xf32, #tpu.memory_space<vmem_shared>> -> memref<10112x128xf32, #tpu.memory_space<vmem_shared>>
      tpu.wait_indirect_dma semaphore(%arg18 : memref<!tpu.dma_semaphore, #tpu.memory_space<semaphore_mem>>) src(%arg12 : memref<128x128xf32, #tpu.memory_space<vmem>>) dst(%dma_wait3A_442 : memref<10112x128xf32, #tpu.memory_space<vmem_shared>>)
    } else {
    }
    %eq3A_3 = arith.constant 1 : i32
    %eq3A_4 = arith.cmpi eq, %arg0, %eq3A_3 : i32
    %convert_element_type3A_5 = arith.extui %eq3A_4 : i1 to i32
    %cond3A_6 = arith.constant 0 : i32
    %cond3A_7 = arith.cmpi ne, %convert_element_type3A_5, %cond3A_6 : i32
    scf.if %cond3A_7 {
      %mul3A_8 = arith.constant 1 : i32
      %mul3A_9 = arith.muli %arg1, %mul3A_8 : i32
      %mul3A_10 = arith.constant 16 : i32
      %mul3A_11 = arith.muli %mul3A_9, %mul3A_10 : i32
      %add3A = arith.constant 2304 : i32
      %add3A_12 = arith.addi %add3A, %mul3A_11 : i32
      "tpu.region"() ({
        %run_scoped3A = tpu.sem_alloc : memref<!tpu.dma_semaphore, #tpu.memory_space<semaphore_mem>>
        %dma_start3A_37 = arith.constant 0 : i32
        %dma_start3A_38 = tpu.memref_slice %arg3[%add3A_12, %dma_start3A_37] : memref<2560x128xi32, #tpu.memory_space<hbm>> -> memref<16x128xi32, #tpu.memory_space<hbm>>
        %dma_start3A_39 = arith.constant 0 : i32
        %dma_start3A_40 = tpu.memref_slice %arg3[%add3A_12, %dma_start3A_39] : memref<2560x128xi32, #tpu.memory_space<hbm>> -> memref<16x128xi32, #tpu.memory_space<hbm>>
        tpu.enqueue_dma source(%dma_start3A_40 : memref<16x128xi32, #tpu.memory_space<hbm>>) target(%arg7 : memref<16x128xi32, #tpu.memory_space<vmem>>) target_semaphore(%run_scoped3A : memref<!tpu.dma_semaphore, #tpu.memory_space<semaphore_mem>>)
        %dma_wait3A_41 = arith.constant 0 : i32
        %dma_wait3A_42 = tpu.memref_slice %arg3[%add3A_12, %dma_wait3A_41] : memref<2560x128xi32, #tpu.memory_space<hbm>> -> memref<16x128xi32, #tpu.memory_space<hbm>>
        %dma_wait3A_43 = arith.constant 0 : i32
        %dma_wait3A_44 = tpu.memref_slice %arg3[%add3A_12, %dma_wait3A_43] : memref<2560x128xi32, #tpu.memory_space<hbm>> -> memref<16x128xi32, #tpu.memory_space<hbm>>
        tpu.wait_dma2 semaphore(%run_scoped3A : memref<!tpu.dma_semaphore, #tpu.memory_space<semaphore_mem>>) src(%dma_wait3A_44 : memref<16x128xi32, #tpu.memory_space<hbm>>) dst(%arg7 : memref<16x128xi32, #tpu.memory_space<vmem>>)
        tpu.yield
      }) : () -> ()
      "tpu.region"() ({
        %run_scoped3A = tpu.sem_alloc : memref<!tpu.dma_semaphore, #tpu.memory_space<semaphore_mem>>
        %dma_start3A_37 = arith.constant 0 : i32
        %dma_start3A_38 = tpu.memref_slice %arg4[%add3A_12, %dma_start3A_37] : memref<2560x128xi32, #tpu.memory_space<hbm>> -> memref<16x128xi32, #tpu.memory_space<hbm>>
        %dma_start3A_39 = arith.constant 0 : i32
        %dma_start3A_40 = tpu.memref_slice %arg4[%add3A_12, %dma_start3A_39] : memref<2560x128xi32, #tpu.memory_space<hbm>> -> memref<16x128xi32, #tpu.memory_space<hbm>>
        tpu.enqueue_dma source(%dma_start3A_40 : memref<16x128xi32, #tpu.memory_space<hbm>>) target(%arg9 : memref<16x128xi32, #tpu.memory_space<vmem>>) target_semaphore(%run_scoped3A : memref<!tpu.dma_semaphore, #tpu.memory_space<semaphore_mem>>)
        %dma_wait3A_41 = arith.constant 0 : i32
        %dma_wait3A_42 = tpu.memref_slice %arg4[%add3A_12, %dma_wait3A_41] : memref<2560x128xi32, #tpu.memory_space<hbm>> -> memref<16x128xi32, #tpu.memory_space<hbm>>
        %dma_wait3A_43 = arith.constant 0 : i32
        %dma_wait3A_44 = tpu.memref_slice %arg4[%add3A_12, %dma_wait3A_43] : memref<2560x128xi32, #tpu.memory_space<hbm>> -> memref<16x128xi32, #tpu.memory_space<hbm>>
        tpu.wait_dma2 semaphore(%run_scoped3A : memref<!tpu.dma_semaphore, #tpu.memory_space<semaphore_mem>>) src(%dma_wait3A_44 : memref<16x128xi32, #tpu.memory_space<hbm>>) dst(%arg9 : memref<16x128xi32, #tpu.memory_space<vmem>>)
        tpu.yield
      }) : () -> ()
      %dma_start3A = arith.constant 0 : i32
      %dma_start3A_13 = arith.constant 0 : i32
      %dma_start3A_14 = tpu.memref_slice %arg7[%dma_start3A, %dma_start3A_13] : memref<16x128xi32, #tpu.memory_space<vmem>> -> memref<1x128xi32, #tpu.memory_space<vmem>>
      %dma_start3A_15 = tpu.memref_squeeze %dma_start3A_14 : memref<1x128xi32, #tpu.memory_space<vmem>> -> memref<128xi32, #tpu.memory_space<vmem>>
      %dma_start3A_16 = arith.constant 0 : i32
      %dma_start3A_17 = arith.constant 0 : i32
      %dma_start3A_18 = tpu.memref_slice %arg2[%dma_start3A_16, %dma_start3A_17] : memref<10000x128xf32, #tpu.memory_space<hbm>> -> memref<10000x128xf32, #tpu.memory_space<hbm>>
      tpu.enqueue_indirect_dma source(%dma_start3A_18 : memref<10000x128xf32, #tpu.memory_space<hbm>>) target(%arg11 : memref<128x128xf32, #tpu.memory_space<vmem>>) offsets(%dma_start3A_15 : memref<128xi32, #tpu.memory_space<vmem>>) semaphore(%arg15 : memref<!tpu.dma_semaphore, #tpu.memory_space<semaphore_mem>>)
      %scan3A = arith.constant 0 : i32
      %scan3A_19 = arith.constant 0 : i32
      %scan3A_20 = arith.constant 16 : i32
      %scan3A_21 = arith.addi %scan3A_19, %scan3A_20 : i32
      %scan3A_22 = arith.constant 1 : i32
      scf.for %scan3A_37 = %scan3A_19 to %scan3A_21 step %scan3A_22  : i32 {
        %jit3A = arith.constant 2 : i32
        %eq3A_38 = arith.constant 0 : i32
        %eq3A_39 = arith.cmpi eq, %jit3A, %eq3A_38 : i32
        %jit3A_40 = arith.constant 1 : i32
        %select_n3A = arith.select %eq3A_39, %jit3A_40, %jit3A : i32
        %rem3A = arith.remsi %scan3A_37, %select_n3A : i32
        %ne3A = arith.constant 0 : i32
        %ne3A_41 = arith.cmpi ne, %rem3A, %ne3A : i32
        %lt3A = arith.constant 0 : i32
        %lt3A_42 = arith.cmpi slt, %rem3A, %lt3A : i32
        %lt3A_43 = arith.constant 0 : i32
        %lt3A_44 = arith.cmpi slt, %select_n3A, %lt3A_43 : i32
        %ne3A_45 = arith.xori %lt3A_42, %lt3A_44 : i1
        %and3A = arith.andi %ne3A_45, %ne3A_41 : i1
        %add3A_46 = arith.addi %rem3A, %select_n3A : i32
        %select_n3A_47 = arith.select %and3A, %add3A_46, %rem3A : i32
        %eq3A_48 = arith.constant 0 : i32
        %eq3A_49 = arith.cmpi eq, %select_n3A_47, %eq3A_48 : i32
        %convert_element_type3A_50 = arith.extui %eq3A_49 : i1 to i32
        %cond3A_51 = arith.constant 0 : i32
        %cond3A_52 = arith.cmpi ne, %convert_element_type3A_50, %cond3A_51 : i32
        scf.if %cond3A_52 {
          %dma_wait3A_74 = arith.constant 0 : i32
          %dma_wait3A_75 = tpu.memref_slice %arg7[%scan3A_37, %dma_wait3A_74] : memref<16x128xi32, #tpu.memory_space<vmem>> -> memref<1x128xi32, #tpu.memory_space<vmem>>
          %dma_wait3A_76 = tpu.memref_squeeze %dma_wait3A_75 : memref<1x128xi32, #tpu.memory_space<vmem>> -> memref<128xi32, #tpu.memory_space<vmem>>
          %dma_wait3A_77 = arith.constant 0 : i32
          %dma_wait3A_78 = arith.constant 0 : i32
          %dma_wait3A_79 = tpu.memref_slice %arg2[%dma_wait3A_77, %dma_wait3A_78] : memref<10000x128xf32, #tpu.memory_space<hbm>> -> memref<10000x128xf32, #tpu.memory_space<hbm>>
          tpu.wait_indirect_dma semaphore(%arg15 : memref<!tpu.dma_semaphore, #tpu.memory_space<semaphore_mem>>) src(%dma_wait3A_79 : memref<10000x128xf32, #tpu.memory_space<hbm>>) dst(%arg11 : memref<128x128xf32, #tpu.memory_space<vmem>>)
          %add3A_80 = arith.constant 1 : i32
          %add3A_81 = arith.addi %scan3A_37, %add3A_80 : i32
          %lt3A_82 = arith.constant 16 : i32
          %lt3A_83 = arith.cmpi slt, %add3A_81, %lt3A_82 : i32
          %convert_element_type3A_84 = arith.extui %lt3A_83 : i1 to i32
          %cond3A_85 = arith.constant 0 : i32
          %cond3A_86 = arith.cmpi ne, %convert_element_type3A_84, %cond3A_85 : i32
          scf.if %cond3A_86 {
            %gt3A = arith.constant 0 : i32
            %gt3A_93 = arith.cmpi sgt, %scan3A_37, %gt3A : i32
            %convert_element_type3A_94 = arith.extui %gt3A_93 : i1 to i32
            %cond3A_95 = arith.constant 0 : i32
            %cond3A_96 = arith.cmpi ne, %convert_element_type3A_94, %cond3A_95 : i32
            scf.if %cond3A_96 {
              %sub3A = arith.constant 1 : i32
              %sub3A_105 = arith.subi %scan3A_37, %sub3A : i32
              %dma_wait3A_106 = arith.constant 0 : i32
              %dma_wait3A_107 = tpu.memref_slice %arg9[%sub3A_105, %dma_wait3A_106] : memref<16x128xi32, #tpu.memory_space<vmem>> -> memref<1x128xi32, #tpu.memory_space<vmem>>
              %dma_wait3A_108 = tpu.memref_squeeze %dma_wait3A_107 : memref<1x128xi32, #tpu.memory_space<vmem>> -> memref<128xi32, #tpu.memory_space<vmem>>
              %dma_wait3A_109 = arith.constant 0 : i32
              %dma_wait3A_110 = arith.constant 0 : i32
              %dma_wait3A_111 = tpu.memref_slice %arg13[%dma_wait3A_109, %dma_wait3A_110] : memref<10112x128xf32, #tpu.memory_space<vmem_shared>> -> memref<10112x128xf32, #tpu.memory_space<vmem_shared>>
              tpu.wait_indirect_dma semaphore(%arg18 : memref<!tpu.dma_semaphore, #tpu.memory_space<semaphore_mem>>) src(%arg12 : memref<128x128xf32, #tpu.memory_space<vmem>>) dst(%dma_wait3A_111 : memref<10112x128xf32, #tpu.memory_space<vmem_shared>>)
            } else {
            }
            %add3A_97 = arith.constant 1 : i32
            %add3A_98 = arith.addi %scan3A_37, %add3A_97 : i32
            %dma_start3A_99 = arith.constant 0 : i32
            %dma_start3A_100 = tpu.memref_slice %arg7[%add3A_98, %dma_start3A_99] : memref<16x128xi32, #tpu.memory_space<vmem>> -> memref<1x128xi32, #tpu.memory_space<vmem>>
            %dma_start3A_101 = tpu.memref_squeeze %dma_start3A_100 : memref<1x128xi32, #tpu.memory_space<vmem>> -> memref<128xi32, #tpu.memory_space<vmem>>
            %dma_start3A_102 = arith.constant 0 : i32
            %dma_start3A_103 = arith.constant 0 : i32
            %dma_start3A_104 = tpu.memref_slice %arg2[%dma_start3A_102, %dma_start3A_103] : memref<10000x128xf32, #tpu.memory_space<hbm>> -> memref<10000x128xf32, #tpu.memory_space<hbm>>
            tpu.enqueue_indirect_dma source(%dma_start3A_104 : memref<10000x128xf32, #tpu.memory_space<hbm>>) target(%arg12 : memref<128x128xf32, #tpu.memory_space<vmem>>) offsets(%dma_start3A_101 : memref<128xi32, #tpu.memory_space<vmem>>) semaphore(%arg16 : memref<!tpu.dma_semaphore, #tpu.memory_space<semaphore_mem>>)
          } else {
          }
          %dma_start3A_87 = arith.constant 0 : i32
          %dma_start3A_88 = tpu.memref_slice %arg9[%scan3A_37, %dma_start3A_87] : memref<16x128xi32, #tpu.memory_space<vmem>> -> memref<1x128xi32, #tpu.memory_space<vmem>>
          %dma_start3A_89 = tpu.memref_squeeze %dma_start3A_88 : memref<1x128xi32, #tpu.memory_space<vmem>> -> memref<128xi32, #tpu.memory_space<vmem>>
          %dma_start3A_90 = arith.constant 0 : i32
          %dma_start3A_91 = arith.constant 0 : i32
          %dma_start3A_92 = tpu.memref_slice %arg13[%dma_start3A_90, %dma_start3A_91] : memref<10112x128xf32, #tpu.memory_space<vmem_shared>> -> memref<10112x128xf32, #tpu.memory_space<vmem_shared>>
          tpu.enqueue_indirect_dma source(%arg11 : memref<128x128xf32, #tpu.memory_space<vmem>>) target(%dma_start3A_92 : memref<10112x128xf32, #tpu.memory_space<vmem_shared>>) offsets(%dma_start3A_89 : memref<128xi32, #tpu.memory_space<vmem>>) semaphore(%arg17 : memref<!tpu.dma_semaphore, #tpu.memory_space<semaphore_mem>>) {add = true}
        } else {
        }
        %jit3A_53 = arith.constant 2 : i32
        %eq3A_54 = arith.constant 0 : i32
        %eq3A_55 = arith.cmpi eq, %jit3A_53, %eq3A_54 : i32
        %jit3A_56 = arith.constant 1 : i32
        %select_n3A_57 = arith.select %eq3A_55, %jit3A_56, %jit3A_53 : i32
        %rem3A_58 = arith.remsi %scan3A_37, %select_n3A_57 : i32
        %ne3A_59 = arith.constant 0 : i32
        %ne3A_60 = arith.cmpi ne, %rem3A_58, %ne3A_59 : i32
        %lt3A_61 = arith.constant 0 : i32
        %lt3A_62 = arith.cmpi slt, %rem3A_58, %lt3A_61 : i32
        %lt3A_63 = arith.constant 0 : i32
        %lt3A_64 = arith.cmpi slt, %select_n3A_57, %lt3A_63 : i32
        %ne3A_65 = arith.xori %lt3A_62, %lt3A_64 : i1
        %and3A_66 = arith.andi %ne3A_65, %ne3A_60 : i1
        %add3A_67 = arith.addi %rem3A_58, %select_n3A_57 : i32
        %select_n3A_68 = arith.select %and3A_66, %add3A_67, %rem3A_58 : i32
        %eq3A_69 = arith.constant 1 : i32
        %eq3A_70 = arith.cmpi eq, %select_n3A_68, %eq3A_69 : i32
        %convert_element_type3A_71 = arith.extui %eq3A_70 : i1 to i32
        %cond3A_72 = arith.constant 0 : i32
        %cond3A_73 = arith.cmpi ne, %convert_element_type3A_71, %cond3A_72 : i32
        scf.if %cond3A_73 {
          %dma_wait3A_74 = arith.constant 0 : i32
          %dma_wait3A_75 = tpu.memref_slice %arg7[%scan3A_37, %dma_wait3A_74] : memref<16x128xi32, #tpu.memory_space<vmem>> -> memref<1x128xi32, #tpu.memory_space<vmem>>
          %dma_wait3A_76 = tpu.memref_squeeze %dma_wait3A_75 : memref<1x128xi32, #tpu.memory_space<vmem>> -> memref<128xi32, #tpu.memory_space<vmem>>
          %dma_wait3A_77 = arith.constant 0 : i32
          %dma_wait3A_78 = arith.constant 0 : i32
          %dma_wait3A_79 = tpu.memref_slice %arg2[%dma_wait3A_77, %dma_wait3A_78] : memref<10000x128xf32, #tpu.memory_space<hbm>> -> memref<10000x128xf32, #tpu.memory_space<hbm>>
          tpu.wait_indirect_dma semaphore(%arg16 : memref<!tpu.dma_semaphore, #tpu.memory_space<semaphore_mem>>) src(%dma_wait3A_79 : memref<10000x128xf32, #tpu.memory_space<hbm>>) dst(%arg12 : memref<128x128xf32, #tpu.memory_space<vmem>>)
          %add3A_80 = arith.constant 1 : i32
          %add3A_81 = arith.addi %scan3A_37, %add3A_80 : i32
          %lt3A_82 = arith.constant 16 : i32
          %lt3A_83 = arith.cmpi slt, %add3A_81, %lt3A_82 : i32
          %convert_element_type3A_84 = arith.extui %lt3A_83 : i1 to i32
          %cond3A_85 = arith.constant 0 : i32
          %cond3A_86 = arith.cmpi ne, %convert_element_type3A_84, %cond3A_85 : i32
          scf.if %cond3A_86 {
            %sub3A = arith.constant 1 : i32
            %sub3A_93 = arith.subi %scan3A_37, %sub3A : i32
            %dma_wait3A_94 = arith.constant 0 : i32
            %dma_wait3A_95 = tpu.memref_slice %arg9[%sub3A_93, %dma_wait3A_94] : memref<16x128xi32, #tpu.memory_space<vmem>> -> memref<1x128xi32, #tpu.memory_space<vmem>>
            %dma_wait3A_96 = tpu.memref_squeeze %dma_wait3A_95 : memref<1x128xi32, #tpu.memory_space<vmem>> -> memref<128xi32, #tpu.memory_space<vmem>>
            %dma_wait3A_97 = arith.constant 0 : i32
            %dma_wait3A_98 = arith.constant 0 : i32
            %dma_wait3A_99 = tpu.memref_slice %arg13[%dma_wait3A_97, %dma_wait3A_98] : memref<10112x128xf32, #tpu.memory_space<vmem_shared>> -> memref<10112x128xf32, #tpu.memory_space<vmem_shared>>
            tpu.wait_indirect_dma semaphore(%arg17 : memref<!tpu.dma_semaphore, #tpu.memory_space<semaphore_mem>>) src(%arg11 : memref<128x128xf32, #tpu.memory_space<vmem>>) dst(%dma_wait3A_99 : memref<10112x128xf32, #tpu.memory_space<vmem_shared>>)
            %add3A_100 = arith.constant 1 : i32
            %add3A_101 = arith.addi %scan3A_37, %add3A_100 : i32
            %dma_start3A_102 = arith.constant 0 : i32
            %dma_start3A_103 = tpu.memref_slice %arg7[%add3A_101, %dma_start3A_102] : memref<16x128xi32, #tpu.memory_space<vmem>> -> memref<1x128xi32, #tpu.memory_space<vmem>>
            %dma_start3A_104 = tpu.memref_squeeze %dma_start3A_103 : memref<1x128xi32, #tpu.memory_space<vmem>> -> memref<128xi32, #tpu.memory_space<vmem>>
            %dma_start3A_105 = arith.constant 0 : i32
            %dma_start3A_106 = arith.constant 0 : i32
            %dma_start3A_107 = tpu.memref_slice %arg2[%dma_start3A_105, %dma_start3A_106] : memref<10000x128xf32, #tpu.memory_space<hbm>> -> memref<10000x128xf32, #tpu.memory_space<hbm>>
            tpu.enqueue_indirect_dma source(%dma_start3A_107 : memref<10000x128xf32, #tpu.memory_space<hbm>>) target(%arg11 : memref<128x128xf32, #tpu.memory_space<vmem>>) offsets(%dma_start3A_104 : memref<128xi32, #tpu.memory_space<vmem>>) semaphore(%arg15 : memref<!tpu.dma_semaphore, #tpu.memory_space<semaphore_mem>>)
          } else {
          }
          %dma_start3A_87 = arith.constant 0 : i32
          %dma_start3A_88 = tpu.memref_slice %arg9[%scan3A_37, %dma_start3A_87] : memref<16x128xi32, #tpu.memory_space<vmem>> -> memref<1x128xi32, #tpu.memory_space<vmem>>
          %dma_start3A_89 = tpu.memref_squeeze %dma_start3A_88 : memref<1x128xi32, #tpu.memory_space<vmem>> -> memref<128xi32, #tpu.memory_space<vmem>>
          %dma_start3A_90 = arith.constant 0 : i32
          %dma_start3A_91 = arith.constant 0 : i32
          %dma_start3A_92 = tpu.memref_slice %arg13[%dma_start3A_90, %dma_start3A_91] : memref<10112x128xf32, #tpu.memory_space<vmem_shared>> -> memref<10112x128xf32, #tpu.memory_space<vmem_shared>>
          tpu.enqueue_indirect_dma source(%arg12 : memref<128x128xf32, #tpu.memory_space<vmem>>) target(%dma_start3A_92 : memref<10112x128xf32, #tpu.memory_space<vmem_shared>>) offsets(%dma_start3A_89 : memref<128xi32, #tpu.memory_space<vmem>>) semaphore(%arg18 : memref<!tpu.dma_semaphore, #tpu.memory_space<semaphore_mem>>) {add = true}
        } else {
        }
      }
      %scan3A_23 = arith.constant 16 : i32
      %dma_wait3A = arith.constant 14 : i32
      %dma_wait3A_24 = arith.constant 0 : i32
      %dma_wait3A_25 = tpu.memref_slice %arg9[%dma_wait3A, %dma_wait3A_24] : memref<16x128xi32, #tpu.memory_space<vmem>> -> memref<1x128xi32, #tpu.memory_space<vmem>>
      %dma_wait3A_26 = tpu.memref_squeeze %dma_wait3A_25 : memref<1x128xi32, #tpu.memory_space<vmem>> -> memref<128xi32, #tpu.memory_space<vmem>>
      %dma_wait3A_27 = arith.constant 0 : i32
      %dma_wait3A_28 = arith.constant 0 : i32
      %dma_wait3A_29 = tpu.memref_slice %arg13[%dma_wait3A_27, %dma_wait3A_28] : memref<10112x128xf32, #tpu.memory_space<vmem_shared>> -> memref<10112x128xf32, #tpu.memory_space<vmem_shared>>
      tpu.wait_indirect_dma semaphore(%arg17 : memref<!tpu.dma_semaphore, #tpu.memory_space<semaphore_mem>>) src(%arg11 : memref<128x128xf32, #tpu.memory_space<vmem>>) dst(%dma_wait3A_29 : memref<10112x128xf32, #tpu.memory_space<vmem_shared>>)
      %dma_wait3A_30 = arith.constant 15 : i32
      %dma_wait3A_31 = arith.constant 0 : i32
      %dma_wait3A_32 = tpu.memref_slice %arg9[%dma_wait3A_30, %dma_wait3A_31] : memref<16x128xi32, #tpu.memory_space<vmem>> -> memref<1x128xi32, #tpu.memory_space<vmem>>
      %dma_wait3A_33 = tpu.memref_squeeze %dma_wait3A_32 : memref<1x128xi32, #tpu.memory_space<vmem>> -> memref<128xi32, #tpu.memory_space<vmem>>
      %dma_wait3A_34 = arith.constant 0 : i32
      %dma_wait3A_35 = arith.constant 0 : i32
      %dma_wait3A_36 = tpu.memref_slice %arg13[%dma_wait3A_34, %dma_wait3A_35] : memref<10112x128xf32, #tpu.memory_space<vmem_shared>> -> memref<10112x128xf32, #tpu.memory_space<vmem_shared>>
      tpu.wait_indirect_dma semaphore(%arg18 : memref<!tpu.dma_semaphore, #tpu.memory_space<semaphore_mem>>) src(%arg12 : memref<128x128xf32, #tpu.memory_space<vmem>>) dst(%dma_wait3A_36 : memref<10112x128xf32, #tpu.memory_space<vmem_shared>>)
    } else {
    }
    %barrier3A = arith.constant 0 : index
    tpu.barrier barrier_id(%barrier3A)
    "tpu.region"() ({
      %run_scoped3A = tpu.sem_alloc : memref<!tpu.dma_semaphore, #tpu.memory_space<semaphore_mem>>
      %dma_start3A = arith.constant 0 : i32
      %dma_start3A_8 = tpu.memref_slice %arg6[%arg0, %mul3A_0, %dma_start3A] : memref<2x10112x128xf32, #tpu.memory_space<hbm>> -> memref<1x632x128xf32, #tpu.memory_space<hbm>>
      %dma_start3A_9 = tpu.memref_squeeze %dma_start3A_8 : memref<1x632x128xf32, #tpu.memory_space<hbm>> -> memref<632x128xf32, #tpu.memory_space<hbm>>
      %dma_start3A_10 = arith.constant 0 : i32
      %dma_start3A_11 = tpu.memref_slice %arg13[%mul3A_0, %dma_start3A_10] : memref<10112x128xf32, #tpu.memory_space<vmem_shared>> -> memref<632x128xf32, #tpu.memory_space<vmem_shared>>
      tpu.enqueue_dma source(%dma_start3A_11 : memref<632x128xf32, #tpu.memory_space<vmem_shared>>) target(%dma_start3A_9 : memref<632x128xf32, #tpu.memory_space<hbm>>) target_semaphore(%run_scoped3A : memref<!tpu.dma_semaphore, #tpu.memory_space<semaphore_mem>>)
      %dma_wait3A = arith.constant 0 : i32
      %dma_wait3A_12 = tpu.memref_slice %arg6[%arg0, %mul3A_0, %dma_wait3A] : memref<2x10112x128xf32, #tpu.memory_space<hbm>> -> memref<1x632x128xf32, #tpu.memory_space<hbm>>
      %dma_wait3A_13 = tpu.memref_squeeze %dma_wait3A_12 : memref<1x632x128xf32, #tpu.memory_space<hbm>> -> memref<632x128xf32, #tpu.memory_space<hbm>>
      %dma_wait3A_14 = arith.constant 0 : i32
      %dma_wait3A_15 = tpu.memref_slice %arg13[%mul3A_0, %dma_wait3A_14] : memref<10112x128xf32, #tpu.memory_space<vmem_shared>> -> memref<632x128xf32, #tpu.memory_space<vmem_shared>>
      tpu.wait_dma2 semaphore(%run_scoped3A : memref<!tpu.dma_semaphore, #tpu.memory_space<semaphore_mem>>) src(%dma_wait3A_15 : memref<632x128xf32, #tpu.memory_space<vmem_shared>>) dst(%dma_wait3A_13 : memref<632x128xf32, #tpu.memory_space<hbm>>)
      tpu.yield
    }) : () -> ()
    return
  }
}

#map = affine_map<(d0, d1) -> (0, 0)>
#map1 = affine_map<(d0, d1) -> (0, 0, 0)>
module attributes {stable_mosaic.version = 14 : i64} {
  func.func @_sc_segsum(%arg0: i32, %arg1: i32, %arg2: memref<10000x128xf32, #tpu.memory_space<hbm>>, %arg3: memref<2560x128xi32, #tpu.memory_space<hbm>>, %arg4: memref<2560x128xi32, #tpu.memory_space<hbm>>, %arg5: memref<632x128xf32, #tpu.memory_space<hbm>>, %arg6: memref<2x10112x128xf32, #tpu.memory_space<hbm>>, %arg7: memref<16x128xi32, #tpu.memory_space<vmem>>, %arg8: memref<16x128xi32, #tpu.memory_space<vmem>>, %arg9: memref<16x128xi32, #tpu.memory_space<vmem>>, %arg10: memref<16x128xi32, #tpu.memory_space<vmem>>, %arg11: memref<128x128xf32, #tpu.memory_space<vmem>>, %arg12: memref<128x128xf32, #tpu.memory_space<vmem>>, %arg13: memref<10112x128xf32, #tpu.memory_space<vmem_shared>>, %arg14: memref<!tpu.dma_semaphore, #tpu.memory_space<semaphore_mem>>, %arg15: memref<!tpu.dma_semaphore, #tpu.memory_space<semaphore_mem>>, %arg16: memref<!tpu.dma_semaphore, #tpu.memory_space<semaphore_mem>>, %arg17: memref<!tpu.dma_semaphore, #tpu.memory_space<semaphore_mem>>, %arg18: memref<!tpu.dma_semaphore, #tpu.memory_space<semaphore_mem>>) attributes {dimension_semantics = [#tpu.dimension_semantics<core_parallel>, #tpu.dimension_semantics<subcore_parallel>], iteration_bounds = array<i64: 2, 16>, scalar_prefetch = 0 : i64, scratch_operands = 12 : i64, tpu.core_type = #tpu.core_type<sc_vector_subcore>, window_params = [{transform_indices = #map}, {transform_indices = #map}, {transform_indices = #map}, {transform_indices = #map}, {transform_indices = #map1}]} {
    %mul3A = arith.constant 632 : i32
    %mul3A_0 = arith.muli %arg1, %mul3A : i32
    "tpu.region"() ({
      %run_scoped3A = tpu.sem_alloc : memref<!tpu.dma_semaphore, #tpu.memory_space<semaphore_mem>>
      %dma_start3A = arith.constant 0 : i32
      %dma_start3A_8 = tpu.memref_slice %arg13[%mul3A_0, %dma_start3A] : memref<10112x128xf32, #tpu.memory_space<vmem_shared>> -> memref<632x128xf32, #tpu.memory_space<vmem_shared>>
      tpu.enqueue_dma source(%arg5 : memref<632x128xf32, #tpu.memory_space<hbm>>) target(%dma_start3A_8 : memref<632x128xf32, #tpu.memory_space<vmem_shared>>) target_semaphore(%run_scoped3A : memref<!tpu.dma_semaphore, #tpu.memory_space<semaphore_mem>>)
      %dma_wait3A = arith.constant 0 : i32
      %dma_wait3A_9 = tpu.memref_slice %arg13[%mul3A_0, %dma_wait3A] : memref<10112x128xf32, #tpu.memory_space<vmem_shared>> -> memref<632x128xf32, #tpu.memory_space<vmem_shared>>
      tpu.wait_dma2 semaphore(%run_scoped3A : memref<!tpu.dma_semaphore, #tpu.memory_space<semaphore_mem>>) src(%arg5 : memref<632x128xf32, #tpu.memory_space<hbm>>) dst(%dma_wait3A_9 : memref<632x128xf32, #tpu.memory_space<vmem_shared>>)
      tpu.yield
    }) : () -> ()
    %eq3A = arith.constant 0 : i32
    %eq3A_1 = arith.cmpi eq, %arg0, %eq3A : i32
    %convert_element_type3A = arith.extui %eq3A_1 : i1 to i32
    %cond3A = arith.constant 0 : i32
    %cond3A_2 = arith.cmpi ne, %convert_element_type3A, %cond3A : i32
    scf.if %cond3A_2 {
      %mul3A_8 = arith.constant 9 : i32
      %mul3A_9 = arith.muli %arg1, %mul3A_8 : i32
      %mul3A_10 = arith.constant 16 : i32
      %mul3A_11 = arith.muli %mul3A_9, %mul3A_10 : i32
      "tpu.region"() ({
        %run_scoped3A = tpu.sem_alloc : memref<!tpu.dma_semaphore, #tpu.memory_space<semaphore_mem>>
        %dma_start3A_443 = arith.constant 0 : i32
        %dma_start3A_444 = tpu.memref_slice %arg3[%mul3A_11, %dma_start3A_443] : memref<2560x128xi32, #tpu.memory_space<hbm>> -> memref<16x128xi32, #tpu.memory_space<hbm>>
        %dma_start3A_445 = arith.constant 0 : i32
        %dma_start3A_446 = tpu.memref_slice %arg3[%mul3A_11, %dma_start3A_445] : memref<2560x128xi32, #tpu.memory_space<hbm>> -> memref<16x128xi32, #tpu.memory_space<hbm>>
        tpu.enqueue_dma source(%dma_start3A_446 : memref<16x128xi32, #tpu.memory_space<hbm>>) target(%arg7 : memref<16x128xi32, #tpu.memory_space<vmem>>) target_semaphore(%run_scoped3A : memref<!tpu.dma_semaphore, #tpu.memory_space<semaphore_mem>>)
        %dma_wait3A_447 = arith.constant 0 : i32
        %dma_wait3A_448 = tpu.memref_slice %arg3[%mul3A_11, %dma_wait3A_447] : memref<2560x128xi32, #tpu.memory_space<hbm>> -> memref<16x128xi32, #tpu.memory_space<hbm>>
        %dma_wait3A_449 = arith.constant 0 : i32
        %dma_wait3A_450 = tpu.memref_slice %arg3[%mul3A_11, %dma_wait3A_449] : memref<2560x128xi32, #tpu.memory_space<hbm>> -> memref<16x128xi32, #tpu.memory_space<hbm>>
        tpu.wait_dma2 semaphore(%run_scoped3A : memref<!tpu.dma_semaphore, #tpu.memory_space<semaphore_mem>>) src(%dma_wait3A_450 : memref<16x128xi32, #tpu.memory_space<hbm>>) dst(%arg7 : memref<16x128xi32, #tpu.memory_space<vmem>>)
        tpu.yield
      }) : () -> ()
      "tpu.region"() ({
        %run_scoped3A = tpu.sem_alloc : memref<!tpu.dma_semaphore, #tpu.memory_space<semaphore_mem>>
        %dma_start3A_443 = arith.constant 0 : i32
        %dma_start3A_444 = tpu.memref_slice %arg4[%mul3A_11, %dma_start3A_443] : memref<2560x128xi32, #tpu.memory_space<hbm>> -> memref<16x128xi32, #tpu.memory_space<hbm>>
        %dma_start3A_445 = arith.constant 0 : i32
        %dma_start3A_446 = tpu.memref_slice %arg4[%mul3A_11, %dma_start3A_445] : memref<2560x128xi32, #tpu.memory_space<hbm>> -> memref<16x128xi32, #tpu.memory_space<hbm>>
        tpu.enqueue_dma source(%dma_start3A_446 : memref<16x128xi32, #tpu.memory_space<hbm>>) target(%arg9 : memref<16x128xi32, #tpu.memory_space<vmem>>) target_semaphore(%run_scoped3A : memref<!tpu.dma_semaphore, #tpu.memory_space<semaphore_mem>>)
        %dma_wait3A_447 = arith.constant 0 : i32
        %dma_wait3A_448 = tpu.memref_slice %arg4[%mul3A_11, %dma_wait3A_447] : memref<2560x128xi32, #tpu.memory_space<hbm>> -> memref<16x128xi32, #tpu.memory_space<hbm>>
        %dma_wait3A_449 = arith.constant 0 : i32
        %dma_wait3A_450 = tpu.memref_slice %arg4[%mul3A_11, %dma_wait3A_449] : memref<2560x128xi32, #tpu.memory_space<hbm>> -> memref<16x128xi32, #tpu.memory_space<hbm>>
        tpu.wait_dma2 semaphore(%run_scoped3A : memref<!tpu.dma_semaphore, #tpu.memory_space<semaphore_mem>>) src(%dma_wait3A_450 : memref<16x128xi32, #tpu.memory_space<hbm>>) dst(%arg9 : memref<16x128xi32, #tpu.memory_space<vmem>>)
        tpu.yield
      }) : () -> ()
      %add3A = arith.constant 16 : i32
      %add3A_12 = arith.addi %mul3A_11, %add3A : i32
      %dma_start3A = arith.constant 0 : i32
      %dma_start3A_13 = tpu.memref_slice %arg3[%add3A_12, %dma_start3A] : memref<2560x128xi32, #tpu.memory_space<hbm>> -> memref<16x128xi32, #tpu.memory_space<hbm>>
      %dma_start3A_14 = arith.constant 0 : i32
      %dma_start3A_15 = tpu.memref_slice %arg3[%add3A_12, %dma_start3A_14] : memref<2560x128xi32, #tpu.memory_space<hbm>> -> memref<16x128xi32, #tpu.memory_space<hbm>>
      tpu.enqueue_dma source(%dma_start3A_15 : memref<16x128xi32, #tpu.memory_space<hbm>>) target(%arg8 : memref<16x128xi32, #tpu.memory_space<vmem>>) target_semaphore(%arg14 : memref<!tpu.dma_semaphore, #tpu.memory_space<semaphore_mem>>)
      %add3A_16 = arith.constant 16 : i32
      %add3A_17 = arith.addi %mul3A_11, %add3A_16 : i32
      %dma_start3A_18 = arith.constant 0 : i32
      %dma_start3A_19 = tpu.memref_slice %arg4[%add3A_17, %dma_start3A_18] : memref<2560x128xi32, #tpu.memory_space<hbm>> -> memref<16x128xi32, #tpu.memory_space<hbm>>
      %dma_start3A_20 = arith.constant 0 : i32
      %dma_start3A_21 = tpu.memref_slice %arg4[%add3A_17, %dma_start3A_20] : memref<2560x128xi32, #tpu.memory_space<hbm>> -> memref<16x128xi32, #tpu.memory_space<hbm>>
      tpu.enqueue_dma source(%dma_start3A_21 : memref<16x128xi32, #tpu.memory_space<hbm>>) target(%arg10 : memref<16x128xi32, #tpu.memory_space<vmem>>) target_semaphore(%arg14 : memref<!tpu.dma_semaphore, #tpu.memory_space<semaphore_mem>>)
      %dma_start3A_22 = arith.constant 0 : i32
      %dma_start3A_23 = arith.constant 0 : i32
      %dma_start3A_24 = tpu.memref_slice %arg7[%dma_start3A_22, %dma_start3A_23] : memref<16x128xi32, #tpu.memory_space<vmem>> -> memref<1x128xi32, #tpu.memory_space<vmem>>
      %dma_start3A_25 = tpu.memref_squeeze %dma_start3A_24 : memref<1x128xi32, #tpu.memory_space<vmem>> -> memref<128xi32, #tpu.memory_space<vmem>>
      %dma_start3A_26 = arith.constant 0 : i32
      %dma_start3A_27 = arith.constant 0 : i32
      %dma_start3A_28 = tpu.memref_slice %arg2[%dma_start3A_26, %dma_start3A_27] : memref<10000x128xf32, #tpu.memory_space<hbm>> -> memref<10000x128xf32, #tpu.memory_space<hbm>>
      tpu.enqueue_indirect_dma source(%dma_start3A_28 : memref<10000x128xf32, #tpu.memory_space<hbm>>) target(%arg11 : memref<128x128xf32, #tpu.memory_space<vmem>>) offsets(%dma_start3A_25 : memref<128xi32, #tpu.memory_space<vmem>>) semaphore(%arg15 : memref<!tpu.dma_semaphore, #tpu.memory_space<semaphore_mem>>)
      %scan3A = arith.constant 0 : i32
      %scan3A_29 = arith.constant 0 : i32
      %scan3A_30 = arith.constant 16 : i32
      %scan3A_31 = arith.addi %scan3A_29, %scan3A_30 : i32
      %scan3A_32 = arith.constant 1 : i32
      scf.for %scan3A_443 = %scan3A_29 to %scan3A_31 step %scan3A_32  : i32 {
        %jit3A = arith.constant 2 : i32
        %eq3A_444 = arith.constant 0 : i32
        %eq3A_445 = arith.cmpi eq, %jit3A, %eq3A_444 : i32
        %jit3A_446 = arith.constant 1 : i32
        %select_n3A = arith.select %eq3A_445, %jit3A_446, %jit3A : i32
        %rem3A = arith.remsi %scan3A_443, %select_n3A : i32
        %ne3A = arith.constant 0 : i32
        %ne3A_447 = arith.cmpi ne, %rem3A, %ne3A : i32
        %lt3A = arith.constant 0 : i32
        %lt3A_448 = arith.cmpi slt, %rem3A, %lt3A : i32
        %lt3A_449 = arith.constant 0 : i32
        %lt3A_450 = arith.cmpi slt, %select_n3A, %lt3A_449 : i32
        %ne3A_451 = arith.xori %lt3A_448, %lt3A_450 : i1
        %and3A = arith.andi %ne3A_451, %ne3A_447 : i1
        %add3A_452 = arith.addi %rem3A, %select_n3A : i32
        %select_n3A_453 = arith.select %and3A, %add3A_452, %rem3A : i32
        %eq3A_454 = arith.constant 0 : i32
        %eq3A_455 = arith.cmpi eq, %select_n3A_453, %eq3A_454 : i32
        %convert_element_type3A_456 = arith.extui %eq3A_455 : i1 to i32
        %cond3A_457 = arith.constant 0 : i32
        %cond3A_458 = arith.cmpi ne, %convert_element_type3A_456, %cond3A_457 : i32
        scf.if %cond3A_458 {
          %dma_wait3A_480 = arith.constant 0 : i32
          %dma_wait3A_481 = tpu.memref_slice %arg7[%scan3A_443, %dma_wait3A_480] : memref<16x128xi32, #tpu.memory_space<vmem>> -> memref<1x128xi32, #tpu.memory_space<vmem>>
          %dma_wait3A_482 = tpu.memref_squeeze %dma_wait3A_481 : memref<1x128xi32, #tpu.memory_space<vmem>> -> memref<128xi32, #tpu.memory_space<vmem>>
          %dma_wait3A_483 = arith.constant 0 : i32
          %dma_wait3A_484 = arith.constant 0 : i32
          %dma_wait3A_485 = tpu.memref_slice %arg2[%dma_wait3A_483, %dma_wait3A_484] : memref<10000x128xf32, #tpu.memory_space<hbm>> -> memref<10000x128xf32, #tpu.memory_space<hbm>>
          tpu.wait_indirect_dma semaphore(%arg15 : memref<!tpu.dma_semaphore, #tpu.memory_space<semaphore_mem>>) src(%dma_wait3A_485 : memref<10000x128xf32, #tpu.memory_space<hbm>>) dst(%arg11 : memref<128x128xf32, #tpu.memory_space<vmem>>)
          %add3A_486 = arith.constant 1 : i32
          %add3A_487 = arith.addi %scan3A_443, %add3A_486 : i32
          %lt3A_488 = arith.constant 16 : i32
          %lt3A_489 = arith.cmpi slt, %add3A_487, %lt3A_488 : i32
          %convert_element_type3A_490 = arith.extui %lt3A_489 : i1 to i32
          %cond3A_491 = arith.constant 0 : i32
          %cond3A_492 = arith.cmpi ne, %convert_element_type3A_490, %cond3A_491 : i32
          scf.if %cond3A_492 {
            %gt3A = arith.constant 0 : i32
            %gt3A_499 = arith.cmpi sgt, %scan3A_443, %gt3A : i32
            %convert_element_type3A_500 = arith.extui %gt3A_499 : i1 to i32
            %cond3A_501 = arith.constant 0 : i32
            %cond3A_502 = arith.cmpi ne, %convert_element_type3A_500, %cond3A_501 : i32
            scf.if %cond3A_502 {
              %sub3A = arith.constant 1 : i32
              %sub3A_511 = arith.subi %scan3A_443, %sub3A : i32
              %dma_wait3A_512 = arith.constant 0 : i32
              %dma_wait3A_513 = tpu.memref_slice %arg9[%sub3A_511, %dma_wait3A_512] : memref<16x128xi32, #tpu.memory_space<vmem>> -> memref<1x128xi32, #tpu.memory_space<vmem>>
              %dma_wait3A_514 = tpu.memref_squeeze %dma_wait3A_513 : memref<1x128xi32, #tpu.memory_space<vmem>> -> memref<128xi32, #tpu.memory_space<vmem>>
              %dma_wait3A_515 = arith.constant 0 : i32
              %dma_wait3A_516 = arith.constant 0 : i32
              %dma_wait3A_517 = tpu.memref_slice %arg13[%dma_wait3A_515, %dma_wait3A_516] : memref<10112x128xf32, #tpu.memory_space<vmem_shared>> -> memref<10112x128xf32, #tpu.memory_space<vmem_shared>>
              tpu.wait_indirect_dma semaphore(%arg18 : memref<!tpu.dma_semaphore, #tpu.memory_space<semaphore_mem>>) src(%arg12 : memref<128x128xf32, #tpu.memory_space<vmem>>) dst(%dma_wait3A_517 : memref<10112x128xf32, #tpu.memory_space<vmem_shared>>)
            } else {
            }
            %add3A_503 = arith.constant 1 : i32
            %add3A_504 = arith.addi %scan3A_443, %add3A_503 : i32
            %dma_start3A_505 = arith.constant 0 : i32
            %dma_start3A_506 = tpu.memref_slice %arg7[%add3A_504, %dma_start3A_505] : memref<16x128xi32, #tpu.memory_space<vmem>> -> memref<1x128xi32, #tpu.memory_space<vmem>>
            %dma_start3A_507 = tpu.memref_squeeze %dma_start3A_506 : memref<1x128xi32, #tpu.memory_space<vmem>> -> memref<128xi32, #tpu.memory_space<vmem>>
            %dma_start3A_508 = arith.constant 0 : i32
            %dma_start3A_509 = arith.constant 0 : i32
            %dma_start3A_510 = tpu.memref_slice %arg2[%dma_start3A_508, %dma_start3A_509] : memref<10000x128xf32, #tpu.memory_space<hbm>> -> memref<10000x128xf32, #tpu.memory_space<hbm>>
            tpu.enqueue_indirect_dma source(%dma_start3A_510 : memref<10000x128xf32, #tpu.memory_space<hbm>>) target(%arg12 : memref<128x128xf32, #tpu.memory_space<vmem>>) offsets(%dma_start3A_507 : memref<128xi32, #tpu.memory_space<vmem>>) semaphore(%arg16 : memref<!tpu.dma_semaphore, #tpu.memory_space<semaphore_mem>>)
          } else {
          }
          %dma_start3A_493 = arith.constant 0 : i32
          %dma_start3A_494 = tpu.memref_slice %arg9[%scan3A_443, %dma_start3A_493] : memref<16x128xi32, #tpu.memory_space<vmem>> -> memref<1x128xi32, #tpu.memory_space<vmem>>
          %dma_start3A_495 = tpu.memref_squeeze %dma_start3A_494 : memref<1x128xi32, #tpu.memory_space<vmem>> -> memref<128xi32, #tpu.memory_space<vmem>>
          %dma_start3A_496 = arith.constant 0 : i32
          %dma_start3A_497 = arith.constant 0 : i32
          %dma_start3A_498 = tpu.memref_slice %arg13[%dma_start3A_496, %dma_start3A_497] : memref<10112x128xf32, #tpu.memory_space<vmem_shared>> -> memref<10112x128xf32, #tpu.memory_space<vmem_shared>>
          tpu.enqueue_indirect_dma source(%arg11 : memref<128x128xf32, #tpu.memory_space<vmem>>) target(%dma_start3A_498 : memref<10112x128xf32, #tpu.memory_space<vmem_shared>>) offsets(%dma_start3A_495 : memref<128xi32, #tpu.memory_space<vmem>>) semaphore(%arg17 : memref<!tpu.dma_semaphore, #tpu.memory_space<semaphore_mem>>) {add = true}
        } else {
        }
        %jit3A_459 = arith.constant 2 : i32
        %eq3A_460 = arith.constant 0 : i32
        %eq3A_461 = arith.cmpi eq, %jit3A_459, %eq3A_460 : i32
        %jit3A_462 = arith.constant 1 : i32
        %select_n3A_463 = arith.select %eq3A_461, %jit3A_462, %jit3A_459 : i32
        %rem3A_464 = arith.remsi %scan3A_443, %select_n3A_463 : i32
        %ne3A_465 = arith.constant 0 : i32
        %ne3A_466 = arith.cmpi ne, %rem3A_464, %ne3A_465 : i32
        %lt3A_467 = arith.constant 0 : i32
        %lt3A_468 = arith.cmpi slt, %rem3A_464, %lt3A_467 : i32
        %lt3A_469 = arith.constant 0 : i32
        %lt3A_470 = arith.cmpi slt, %select_n3A_463, %lt3A_469 : i32
        %ne3A_471 = arith.xori %lt3A_468, %lt3A_470 : i1
        %and3A_472 = arith.andi %ne3A_471, %ne3A_466 : i1
        %add3A_473 = arith.addi %rem3A_464, %select_n3A_463 : i32
        %select_n3A_474 = arith.select %and3A_472, %add3A_473, %rem3A_464 : i32
        %eq3A_475 = arith.constant 1 : i32
        %eq3A_476 = arith.cmpi eq, %select_n3A_474, %eq3A_475 : i32
        %convert_element_type3A_477 = arith.extui %eq3A_476 : i1 to i32
        %cond3A_478 = arith.constant 0 : i32
        %cond3A_479 = arith.cmpi ne, %convert_element_type3A_477, %cond3A_478 : i32
        scf.if %cond3A_479 {
          %dma_wait3A_480 = arith.constant 0 : i32
          %dma_wait3A_481 = tpu.memref_slice %arg7[%scan3A_443, %dma_wait3A_480] : memref<16x128xi32, #tpu.memory_space<vmem>> -> memref<1x128xi32, #tpu.memory_space<vmem>>
          %dma_wait3A_482 = tpu.memref_squeeze %dma_wait3A_481 : memref<1x128xi32, #tpu.memory_space<vmem>> -> memref<128xi32, #tpu.memory_space<vmem>>
          %dma_wait3A_483 = arith.constant 0 : i32
          %dma_wait3A_484 = arith.constant 0 : i32
          %dma_wait3A_485 = tpu.memref_slice %arg2[%dma_wait3A_483, %dma_wait3A_484] : memref<10000x128xf32, #tpu.memory_space<hbm>> -> memref<10000x128xf32, #tpu.memory_space<hbm>>
          tpu.wait_indirect_dma semaphore(%arg16 : memref<!tpu.dma_semaphore, #tpu.memory_space<semaphore_mem>>) src(%dma_wait3A_485 : memref<10000x128xf32, #tpu.memory_space<hbm>>) dst(%arg12 : memref<128x128xf32, #tpu.memory_space<vmem>>)
          %add3A_486 = arith.constant 1 : i32
          %add3A_487 = arith.addi %scan3A_443, %add3A_486 : i32
          %lt3A_488 = arith.constant 16 : i32
          %lt3A_489 = arith.cmpi slt, %add3A_487, %lt3A_488 : i32
          %convert_element_type3A_490 = arith.extui %lt3A_489 : i1 to i32
          %cond3A_491 = arith.constant 0 : i32
          %cond3A_492 = arith.cmpi ne, %convert_element_type3A_490, %cond3A_491 : i32
          scf.if %cond3A_492 {
            %sub3A = arith.constant 1 : i32
            %sub3A_499 = arith.subi %scan3A_443, %sub3A : i32
            %dma_wait3A_500 = arith.constant 0 : i32
            %dma_wait3A_501 = tpu.memref_slice %arg9[%sub3A_499, %dma_wait3A_500] : memref<16x128xi32, #tpu.memory_space<vmem>> -> memref<1x128xi32, #tpu.memory_space<vmem>>
            %dma_wait3A_502 = tpu.memref_squeeze %dma_wait3A_501 : memref<1x128xi32, #tpu.memory_space<vmem>> -> memref<128xi32, #tpu.memory_space<vmem>>
            %dma_wait3A_503 = arith.constant 0 : i32
            %dma_wait3A_504 = arith.constant 0 : i32
            %dma_wait3A_505 = tpu.memref_slice %arg13[%dma_wait3A_503, %dma_wait3A_504] : memref<10112x128xf32, #tpu.memory_space<vmem_shared>> -> memref<10112x128xf32, #tpu.memory_space<vmem_shared>>
            tpu.wait_indirect_dma semaphore(%arg17 : memref<!tpu.dma_semaphore, #tpu.memory_space<semaphore_mem>>) src(%arg11 : memref<128x128xf32, #tpu.memory_space<vmem>>) dst(%dma_wait3A_505 : memref<10112x128xf32, #tpu.memory_space<vmem_shared>>)
            %add3A_506 = arith.constant 1 : i32
            %add3A_507 = arith.addi %scan3A_443, %add3A_506 : i32
            %dma_start3A_508 = arith.constant 0 : i32
            %dma_start3A_509 = tpu.memref_slice %arg7[%add3A_507, %dma_start3A_508] : memref<16x128xi32, #tpu.memory_space<vmem>> -> memref<1x128xi32, #tpu.memory_space<vmem>>
            %dma_start3A_510 = tpu.memref_squeeze %dma_start3A_509 : memref<1x128xi32, #tpu.memory_space<vmem>> -> memref<128xi32, #tpu.memory_space<vmem>>
            %dma_start3A_511 = arith.constant 0 : i32
            %dma_start3A_512 = arith.constant 0 : i32
            %dma_start3A_513 = tpu.memref_slice %arg2[%dma_start3A_511, %dma_start3A_512] : memref<10000x128xf32, #tpu.memory_space<hbm>> -> memref<10000x128xf32, #tpu.memory_space<hbm>>
            tpu.enqueue_indirect_dma source(%dma_start3A_513 : memref<10000x128xf32, #tpu.memory_space<hbm>>) target(%arg11 : memref<128x128xf32, #tpu.memory_space<vmem>>) offsets(%dma_start3A_510 : memref<128xi32, #tpu.memory_space<vmem>>) semaphore(%arg15 : memref<!tpu.dma_semaphore, #tpu.memory_space<semaphore_mem>>)
          } else {
          }
          %dma_start3A_493 = arith.constant 0 : i32
          %dma_start3A_494 = tpu.memref_slice %arg9[%scan3A_443, %dma_start3A_493] : memref<16x128xi32, #tpu.memory_space<vmem>> -> memref<1x128xi32, #tpu.memory_space<vmem>>
          %dma_start3A_495 = tpu.memref_squeeze %dma_start3A_494 : memref<1x128xi32, #tpu.memory_space<vmem>> -> memref<128xi32, #tpu.memory_space<vmem>>
          %dma_start3A_496 = arith.constant 0 : i32
          %dma_start3A_497 = arith.constant 0 : i32
          %dma_start3A_498 = tpu.memref_slice %arg13[%dma_start3A_496, %dma_start3A_497] : memref<10112x128xf32, #tpu.memory_space<vmem_shared>> -> memref<10112x128xf32, #tpu.memory_space<vmem_shared>>
          tpu.enqueue_indirect_dma source(%arg12 : memref<128x128xf32, #tpu.memory_space<vmem>>) target(%dma_start3A_498 : memref<10112x128xf32, #tpu.memory_space<vmem_shared>>) offsets(%dma_start3A_495 : memref<128xi32, #tpu.memory_space<vmem>>) semaphore(%arg18 : memref<!tpu.dma_semaphore, #tpu.memory_space<semaphore_mem>>) {add = true}
        } else {
        }
      }
      %scan3A_33 = arith.constant 16 : i32
      %dma_wait3A = arith.constant 14 : i32
      %dma_wait3A_34 = arith.constant 0 : i32
      %dma_wait3A_35 = tpu.memref_slice %arg9[%dma_wait3A, %dma_wait3A_34] : memref<16x128xi32, #tpu.memory_space<vmem>> -> memref<1x128xi32, #tpu.memory_space<vmem>>
      %dma_wait3A_36 = tpu.memref_squeeze %dma_wait3A_35 : memref<1x128xi32, #tpu.memory_space<vmem>> -> memref<128xi32, #tpu.memory_space<vmem>>
      %dma_wait3A_37 = arith.constant 0 : i32
      %dma_wait3A_38 = arith.constant 0 : i32
      %dma_wait3A_39 = tpu.memref_slice %arg13[%dma_wait3A_37, %dma_wait3A_38] : memref<10112x128xf32, #tpu.memory_space<vmem_shared>> -> memref<10112x128xf32, #tpu.memory_space<vmem_shared>>
      tpu.wait_indirect_dma semaphore(%arg17 : memref<!tpu.dma_semaphore, #tpu.memory_space<semaphore_mem>>) src(%arg11 : memref<128x128xf32, #tpu.memory_space<vmem>>) dst(%dma_wait3A_39 : memref<10112x128xf32, #tpu.memory_space<vmem_shared>>)
      %dma_wait3A_40 = arith.constant 15 : i32
      %dma_wait3A_41 = arith.constant 0 : i32
      %dma_wait3A_42 = tpu.memref_slice %arg9[%dma_wait3A_40, %dma_wait3A_41] : memref<16x128xi32, #tpu.memory_space<vmem>> -> memref<1x128xi32, #tpu.memory_space<vmem>>
      %dma_wait3A_43 = tpu.memref_squeeze %dma_wait3A_42 : memref<1x128xi32, #tpu.memory_space<vmem>> -> memref<128xi32, #tpu.memory_space<vmem>>
      %dma_wait3A_44 = arith.constant 0 : i32
      %dma_wait3A_45 = arith.constant 0 : i32
      %dma_wait3A_46 = tpu.memref_slice %arg13[%dma_wait3A_44, %dma_wait3A_45] : memref<10112x128xf32, #tpu.memory_space<vmem_shared>> -> memref<10112x128xf32, #tpu.memory_space<vmem_shared>>
      tpu.wait_indirect_dma semaphore(%arg18 : memref<!tpu.dma_semaphore, #tpu.memory_space<semaphore_mem>>) src(%arg12 : memref<128x128xf32, #tpu.memory_space<vmem>>) dst(%dma_wait3A_46 : memref<10112x128xf32, #tpu.memory_space<vmem_shared>>)
      %add3A_47 = arith.constant 16 : i32
      %add3A_48 = arith.addi %mul3A_11, %add3A_47 : i32
      %dma_wait3A_49 = arith.constant 0 : i32
      %dma_wait3A_50 = tpu.memref_slice %arg3[%add3A_48, %dma_wait3A_49] : memref<2560x128xi32, #tpu.memory_space<hbm>> -> memref<16x128xi32, #tpu.memory_space<hbm>>
      %dma_wait3A_51 = arith.constant 0 : i32
      %dma_wait3A_52 = tpu.memref_slice %arg3[%add3A_48, %dma_wait3A_51] : memref<2560x128xi32, #tpu.memory_space<hbm>> -> memref<16x128xi32, #tpu.memory_space<hbm>>
      tpu.wait_dma2 semaphore(%arg14 : memref<!tpu.dma_semaphore, #tpu.memory_space<semaphore_mem>>) src(%dma_wait3A_52 : memref<16x128xi32, #tpu.memory_space<hbm>>) dst(%arg8 : memref<16x128xi32, #tpu.memory_space<vmem>>)
      %add3A_53 = arith.constant 16 : i32
      %add3A_54 = arith.addi %mul3A_11, %add3A_53 : i32
      %dma_wait3A_55 = arith.constant 0 : i32
      %dma_wait3A_56 = tpu.memref_slice %arg4[%add3A_54, %dma_wait3A_55] : memref<2560x128xi32, #tpu.memory_space<hbm>> -> memref<16x128xi32, #tpu.memory_space<hbm>>
      %dma_wait3A_57 = arith.constant 0 : i32
      %dma_wait3A_58 = tpu.memref_slice %arg4[%add3A_54, %dma_wait3A_57] : memref<2560x128xi32, #tpu.memory_space<hbm>> -> memref<16x128xi32, #tpu.memory_space<hbm>>
      tpu.wait_dma2 semaphore(%arg14 : memref<!tpu.dma_semaphore, #tpu.memory_space<semaphore_mem>>) src(%dma_wait3A_58 : memref<16x128xi32, #tpu.memory_space<hbm>>) dst(%arg10 : memref<16x128xi32, #tpu.memory_space<vmem>>)
      %add3A_59 = arith.constant 32 : i32
      %add3A_60 = arith.addi %mul3A_11, %add3A_59 : i32
      %dma_start3A_61 = arith.constant 0 : i32
      %dma_start3A_62 = tpu.memref_slice %arg3[%add3A_60, %dma_start3A_61] : memref<2560x128xi32, #tpu.memory_space<hbm>> -> memref<16x128xi32, #tpu.memory_space<hbm>>
      %dma_start3A_63 = arith.constant 0 : i32
      %dma_start3A_64 = tpu.memref_slice %arg3[%add3A_60, %dma_start3A_63] : memref<2560x128xi32, #tpu.memory_space<hbm>> -> memref<16x128xi32, #tpu.memory_space<hbm>>
      tpu.enqueue_dma source(%dma_start3A_64 : memref<16x128xi32, #tpu.memory_space<hbm>>) target(%arg7 : memref<16x128xi32, #tpu.memory_space<vmem>>) target_semaphore(%arg14 : memref<!tpu.dma_semaphore, #tpu.memory_space<semaphore_mem>>)
      %add3A_65 = arith.constant 32 : i32
      %add3A_66 = arith.addi %mul3A_11, %add3A_65 : i32
      %dma_start3A_67 = arith.constant 0 : i32
      %dma_start3A_68 = tpu.memref_slice %arg4[%add3A_66, %dma_start3A_67] : memref<2560x128xi32, #tpu.memory_space<hbm>> -> memref<16x128xi32, #tpu.memory_space<hbm>>
      %dma_start3A_69 = arith.constant 0 : i32
      %dma_start3A_70 = tpu.memref_slice %arg4[%add3A_66, %dma_start3A_69] : memref<2560x128xi32, #tpu.memory_space<hbm>> -> memref<16x128xi32, #tpu.memory_space<hbm>>
      tpu.enqueue_dma source(%dma_start3A_70 : memref<16x128xi32, #tpu.memory_space<hbm>>) target(%arg9 : memref<16x128xi32, #tpu.memory_space<vmem>>) target_semaphore(%arg14 : memref<!tpu.dma_semaphore, #tpu.memory_space<semaphore_mem>>)
      %dma_start3A_71 = arith.constant 0 : i32
      %dma_start3A_72 = arith.constant 0 : i32
      %dma_start3A_73 = tpu.memref_slice %arg8[%dma_start3A_71, %dma_start3A_72] : memref<16x128xi32, #tpu.memory_space<vmem>> -> memref<1x128xi32, #tpu.memory_space<vmem>>
      %dma_start3A_74 = tpu.memref_squeeze %dma_start3A_73 : memref<1x128xi32, #tpu.memory_space<vmem>> -> memref<128xi32, #tpu.memory_space<vmem>>
      %dma_start3A_75 = arith.constant 0 : i32
      %dma_start3A_76 = arith.constant 0 : i32
      %dma_start3A_77 = tpu.memref_slice %arg2[%dma_start3A_75, %dma_start3A_76] : memref<10000x128xf32, #tpu.memory_space<hbm>> -> memref<10000x128xf32, #tpu.memory_space<hbm>>
      tpu.enqueue_indirect_dma source(%dma_start3A_77 : memref<10000x128xf32, #tpu.memory_space<hbm>>) target(%arg11 : memref<128x128xf32, #tpu.memory_space<vmem>>) offsets(%dma_start3A_74 : memref<128xi32, #tpu.memory_space<vmem>>) semaphore(%arg15 : memref<!tpu.dma_semaphore, #tpu.memory_space<semaphore_mem>>)
      %scan3A_78 = arith.constant 0 : i32
      %scan3A_79 = arith.constant 0 : i32
      %scan3A_80 = arith.constant 16 : i32
      %scan3A_81 = arith.addi %scan3A_79, %scan3A_80 : i32
      %scan3A_82 = arith.constant 1 : i32
      scf.for %scan3A_443 = %scan3A_79 to %scan3A_81 step %scan3A_82  : i32 {
        %jit3A = arith.constant 2 : i32
        %eq3A_444 = arith.constant 0 : i32
        %eq3A_445 = arith.cmpi eq, %jit3A, %eq3A_444 : i32
        %jit3A_446 = arith.constant 1 : i32
        %select_n3A = arith.select %eq3A_445, %jit3A_446, %jit3A : i32
        %rem3A = arith.remsi %scan3A_443, %select_n3A : i32
        %ne3A = arith.constant 0 : i32
        %ne3A_447 = arith.cmpi ne, %rem3A, %ne3A : i32
        %lt3A = arith.constant 0 : i32
        %lt3A_448 = arith.cmpi slt, %rem3A, %lt3A : i32
        %lt3A_449 = arith.constant 0 : i32
        %lt3A_450 = arith.cmpi slt, %select_n3A, %lt3A_449 : i32
        %ne3A_451 = arith.xori %lt3A_448, %lt3A_450 : i1
        %and3A = arith.andi %ne3A_451, %ne3A_447 : i1
        %add3A_452 = arith.addi %rem3A, %select_n3A : i32
        %select_n3A_453 = arith.select %and3A, %add3A_452, %rem3A : i32
        %eq3A_454 = arith.constant 0 : i32
        %eq3A_455 = arith.cmpi eq, %select_n3A_453, %eq3A_454 : i32
        %convert_element_type3A_456 = arith.extui %eq3A_455 : i1 to i32
        %cond3A_457 = arith.constant 0 : i32
        %cond3A_458 = arith.cmpi ne, %convert_element_type3A_456, %cond3A_457 : i32
        scf.if %cond3A_458 {
          %dma_wait3A_480 = arith.constant 0 : i32
          %dma_wait3A_481 = tpu.memref_slice %arg8[%scan3A_443, %dma_wait3A_480] : memref<16x128xi32, #tpu.memory_space<vmem>> -> memref<1x128xi32, #tpu.memory_space<vmem>>
          %dma_wait3A_482 = tpu.memref_squeeze %dma_wait3A_481 : memref<1x128xi32, #tpu.memory_space<vmem>> -> memref<128xi32, #tpu.memory_space<vmem>>
          %dma_wait3A_483 = arith.constant 0 : i32
          %dma_wait3A_484 = arith.constant 0 : i32
          %dma_wait3A_485 = tpu.memref_slice %arg2[%dma_wait3A_483, %dma_wait3A_484] : memref<10000x128xf32, #tpu.memory_space<hbm>> -> memref<10000x128xf32, #tpu.memory_space<hbm>>
          tpu.wait_indirect_dma semaphore(%arg15 : memref<!tpu.dma_semaphore, #tpu.memory_space<semaphore_mem>>) src(%dma_wait3A_485 : memref<10000x128xf32, #tpu.memory_space<hbm>>) dst(%arg11 : memref<128x128xf32, #tpu.memory_space<vmem>>)
          %add3A_486 = arith.constant 1 : i32
          %add3A_487 = arith.addi %scan3A_443, %add3A_486 : i32
          %lt3A_488 = arith.constant 16 : i32
          %lt3A_489 = arith.cmpi slt, %add3A_487, %lt3A_488 : i32
          %convert_element_type3A_490 = arith.extui %lt3A_489 : i1 to i32
          %cond3A_491 = arith.constant 0 : i32
          %cond3A_492 = arith.cmpi ne, %convert_element_type3A_490, %cond3A_491 : i32
          scf.if %cond3A_492 {
            %gt3A = arith.constant 0 : i32
            %gt3A_499 = arith.cmpi sgt, %scan3A_443, %gt3A : i32
            %convert_element_type3A_500 = arith.extui %gt3A_499 : i1 to i32
            %cond3A_501 = arith.constant 0 : i32
            %cond3A_502 = arith.cmpi ne, %convert_element_type3A_500, %cond3A_501 : i32
            scf.if %cond3A_502 {
              %sub3A = arith.constant 1 : i32
              %sub3A_511 = arith.subi %scan3A_443, %sub3A : i32
              %dma_wait3A_512 = arith.constant 0 : i32
              %dma_wait3A_513 = tpu.memref_slice %arg10[%sub3A_511, %dma_wait3A_512] : memref<16x128xi32, #tpu.memory_space<vmem>> -> memref<1x128xi32, #tpu.memory_space<vmem>>
              %dma_wait3A_514 = tpu.memref_squeeze %dma_wait3A_513 : memref<1x128xi32, #tpu.memory_space<vmem>> -> memref<128xi32, #tpu.memory_space<vmem>>
              %dma_wait3A_515 = arith.constant 0 : i32
              %dma_wait3A_516 = arith.constant 0 : i32
              %dma_wait3A_517 = tpu.memref_slice %arg13[%dma_wait3A_515, %dma_wait3A_516] : memref<10112x128xf32, #tpu.memory_space<vmem_shared>> -> memref<10112x128xf32, #tpu.memory_space<vmem_shared>>
              tpu.wait_indirect_dma semaphore(%arg18 : memref<!tpu.dma_semaphore, #tpu.memory_space<semaphore_mem>>) src(%arg12 : memref<128x128xf32, #tpu.memory_space<vmem>>) dst(%dma_wait3A_517 : memref<10112x128xf32, #tpu.memory_space<vmem_shared>>)
            } else {
            }
            %add3A_503 = arith.constant 1 : i32
            %add3A_504 = arith.addi %scan3A_443, %add3A_503 : i32
            %dma_start3A_505 = arith.constant 0 : i32
            %dma_start3A_506 = tpu.memref_slice %arg8[%add3A_504, %dma_start3A_505] : memref<16x128xi32, #tpu.memory_space<vmem>> -> memref<1x128xi32, #tpu.memory_space<vmem>>
            %dma_start3A_507 = tpu.memref_squeeze %dma_start3A_506 : memref<1x128xi32, #tpu.memory_space<vmem>> -> memref<128xi32, #tpu.memory_space<vmem>>
            %dma_start3A_508 = arith.constant 0 : i32
            %dma_start3A_509 = arith.constant 0 : i32
            %dma_start3A_510 = tpu.memref_slice %arg2[%dma_start3A_508, %dma_start3A_509] : memref<10000x128xf32, #tpu.memory_space<hbm>> -> memref<10000x128xf32, #tpu.memory_space<hbm>>
            tpu.enqueue_indirect_dma source(%dma_start3A_510 : memref<10000x128xf32, #tpu.memory_space<hbm>>) target(%arg12 : memref<128x128xf32, #tpu.memory_space<vmem>>) offsets(%dma_start3A_507 : memref<128xi32, #tpu.memory_space<vmem>>) semaphore(%arg16 : memref<!tpu.dma_semaphore, #tpu.memory_space<semaphore_mem>>)
          } else {
          }
          %dma_start3A_493 = arith.constant 0 : i32
          %dma_start3A_494 = tpu.memref_slice %arg10[%scan3A_443, %dma_start3A_493] : memref<16x128xi32, #tpu.memory_space<vmem>> -> memref<1x128xi32, #tpu.memory_space<vmem>>
          %dma_start3A_495 = tpu.memref_squeeze %dma_start3A_494 : memref<1x128xi32, #tpu.memory_space<vmem>> -> memref<128xi32, #tpu.memory_space<vmem>>
          %dma_start3A_496 = arith.constant 0 : i32
          %dma_start3A_497 = arith.constant 0 : i32
          %dma_start3A_498 = tpu.memref_slice %arg13[%dma_start3A_496, %dma_start3A_497] : memref<10112x128xf32, #tpu.memory_space<vmem_shared>> -> memref<10112x128xf32, #tpu.memory_space<vmem_shared>>
          tpu.enqueue_indirect_dma source(%arg11 : memref<128x128xf32, #tpu.memory_space<vmem>>) target(%dma_start3A_498 : memref<10112x128xf32, #tpu.memory_space<vmem_shared>>) offsets(%dma_start3A_495 : memref<128xi32, #tpu.memory_space<vmem>>) semaphore(%arg17 : memref<!tpu.dma_semaphore, #tpu.memory_space<semaphore_mem>>) {add = true}
        } else {
        }
        %jit3A_459 = arith.constant 2 : i32
        %eq3A_460 = arith.constant 0 : i32
        %eq3A_461 = arith.cmpi eq, %jit3A_459, %eq3A_460 : i32
        %jit3A_462 = arith.constant 1 : i32
        %select_n3A_463 = arith.select %eq3A_461, %jit3A_462, %jit3A_459 : i32
        %rem3A_464 = arith.remsi %scan3A_443, %select_n3A_463 : i32
        %ne3A_465 = arith.constant 0 : i32
        %ne3A_466 = arith.cmpi ne, %rem3A_464, %ne3A_465 : i32
        %lt3A_467 = arith.constant 0 : i32
        %lt3A_468 = arith.cmpi slt, %rem3A_464, %lt3A_467 : i32
        %lt3A_469 = arith.constant 0 : i32
        %lt3A_470 = arith.cmpi slt, %select_n3A_463, %lt3A_469 : i32
        %ne3A_471 = arith.xori %lt3A_468, %lt3A_470 : i1
        %and3A_472 = arith.andi %ne3A_471, %ne3A_466 : i1
        %add3A_473 = arith.addi %rem3A_464, %select_n3A_463 : i32
        %select_n3A_474 = arith.select %and3A_472, %add3A_473, %rem3A_464 : i32
        %eq3A_475 = arith.constant 1 : i32
        %eq3A_476 = arith.cmpi eq, %select_n3A_474, %eq3A_475 : i32
        %convert_element_type3A_477 = arith.extui %eq3A_476 : i1 to i32
        %cond3A_478 = arith.constant 0 : i32
        %cond3A_479 = arith.cmpi ne, %convert_element_type3A_477, %cond3A_478 : i32
        scf.if %cond3A_479 {
          %dma_wait3A_480 = arith.constant 0 : i32
          %dma_wait3A_481 = tpu.memref_slice %arg8[%scan3A_443, %dma_wait3A_480] : memref<16x128xi32, #tpu.memory_space<vmem>> -> memref<1x128xi32, #tpu.memory_space<vmem>>
          %dma_wait3A_482 = tpu.memref_squeeze %dma_wait3A_481 : memref<1x128xi32, #tpu.memory_space<vmem>> -> memref<128xi32, #tpu.memory_space<vmem>>
          %dma_wait3A_483 = arith.constant 0 : i32
          %dma_wait3A_484 = arith.constant 0 : i32
          %dma_wait3A_485 = tpu.memref_slice %arg2[%dma_wait3A_483, %dma_wait3A_484] : memref<10000x128xf32, #tpu.memory_space<hbm>> -> memref<10000x128xf32, #tpu.memory_space<hbm>>
          tpu.wait_indirect_dma semaphore(%arg16 : memref<!tpu.dma_semaphore, #tpu.memory_space<semaphore_mem>>) src(%dma_wait3A_485 : memref<10000x128xf32, #tpu.memory_space<hbm>>) dst(%arg12 : memref<128x128xf32, #tpu.memory_space<vmem>>)
          %add3A_486 = arith.constant 1 : i32
          %add3A_487 = arith.addi %scan3A_443, %add3A_486 : i32
          %lt3A_488 = arith.constant 16 : i32
          %lt3A_489 = arith.cmpi slt, %add3A_487, %lt3A_488 : i32
          %convert_element_type3A_490 = arith.extui %lt3A_489 : i1 to i32
          %cond3A_491 = arith.constant 0 : i32
          %cond3A_492 = arith.cmpi ne, %convert_element_type3A_490, %cond3A_491 : i32
          scf.if %cond3A_492 {
            %sub3A = arith.constant 1 : i32
            %sub3A_499 = arith.subi %scan3A_443, %sub3A : i32
            %dma_wait3A_500 = arith.constant 0 : i32
            %dma_wait3A_501 = tpu.memref_slice %arg10[%sub3A_499, %dma_wait3A_500] : memref<16x128xi32, #tpu.memory_space<vmem>> -> memref<1x128xi32, #tpu.memory_space<vmem>>
            %dma_wait3A_502 = tpu.memref_squeeze %dma_wait3A_501 : memref<1x128xi32, #tpu.memory_space<vmem>> -> memref<128xi32, #tpu.memory_space<vmem>>
            %dma_wait3A_503 = arith.constant 0 : i32
            %dma_wait3A_504 = arith.constant 0 : i32
            %dma_wait3A_505 = tpu.memref_slice %arg13[%dma_wait3A_503, %dma_wait3A_504] : memref<10112x128xf32, #tpu.memory_space<vmem_shared>> -> memref<10112x128xf32, #tpu.memory_space<vmem_shared>>
            tpu.wait_indirect_dma semaphore(%arg17 : memref<!tpu.dma_semaphore, #tpu.memory_space<semaphore_mem>>) src(%arg11 : memref<128x128xf32, #tpu.memory_space<vmem>>) dst(%dma_wait3A_505 : memref<10112x128xf32, #tpu.memory_space<vmem_shared>>)
            %add3A_506 = arith.constant 1 : i32
            %add3A_507 = arith.addi %scan3A_443, %add3A_506 : i32
            %dma_start3A_508 = arith.constant 0 : i32
            %dma_start3A_509 = tpu.memref_slice %arg8[%add3A_507, %dma_start3A_508] : memref<16x128xi32, #tpu.memory_space<vmem>> -> memref<1x128xi32, #tpu.memory_space<vmem>>
            %dma_start3A_510 = tpu.memref_squeeze %dma_start3A_509 : memref<1x128xi32, #tpu.memory_space<vmem>> -> memref<128xi32, #tpu.memory_space<vmem>>
            %dma_start3A_511 = arith.constant 0 : i32
            %dma_start3A_512 = arith.constant 0 : i32
            %dma_start3A_513 = tpu.memref_slice %arg2[%dma_start3A_511, %dma_start3A_512] : memref<10000x128xf32, #tpu.memory_space<hbm>> -> memref<10000x128xf32, #tpu.memory_space<hbm>>
            tpu.enqueue_indirect_dma source(%dma_start3A_513 : memref<10000x128xf32, #tpu.memory_space<hbm>>) target(%arg11 : memref<128x128xf32, #tpu.memory_space<vmem>>) offsets(%dma_start3A_510 : memref<128xi32, #tpu.memory_space<vmem>>) semaphore(%arg15 : memref<!tpu.dma_semaphore, #tpu.memory_space<semaphore_mem>>)
          } else {
          }
          %dma_start3A_493 = arith.constant 0 : i32
          %dma_start3A_494 = tpu.memref_slice %arg10[%scan3A_443, %dma_start3A_493] : memref<16x128xi32, #tpu.memory_space<vmem>> -> memref<1x128xi32, #tpu.memory_space<vmem>>
          %dma_start3A_495 = tpu.memref_squeeze %dma_start3A_494 : memref<1x128xi32, #tpu.memory_space<vmem>> -> memref<128xi32, #tpu.memory_space<vmem>>
          %dma_start3A_496 = arith.constant 0 : i32
          %dma_start3A_497 = arith.constant 0 : i32
          %dma_start3A_498 = tpu.memref_slice %arg13[%dma_start3A_496, %dma_start3A_497] : memref<10112x128xf32, #tpu.memory_space<vmem_shared>> -> memref<10112x128xf32, #tpu.memory_space<vmem_shared>>
          tpu.enqueue_indirect_dma source(%arg12 : memref<128x128xf32, #tpu.memory_space<vmem>>) target(%dma_start3A_498 : memref<10112x128xf32, #tpu.memory_space<vmem_shared>>) offsets(%dma_start3A_495 : memref<128xi32, #tpu.memory_space<vmem>>) semaphore(%arg18 : memref<!tpu.dma_semaphore, #tpu.memory_space<semaphore_mem>>) {add = true}
        } else {
        }
      }
      %scan3A_83 = arith.constant 16 : i32
      %dma_wait3A_84 = arith.constant 14 : i32
      %dma_wait3A_85 = arith.constant 0 : i32
      %dma_wait3A_86 = tpu.memref_slice %arg10[%dma_wait3A_84, %dma_wait3A_85] : memref<16x128xi32, #tpu.memory_space<vmem>> -> memref<1x128xi32, #tpu.memory_space<vmem>>
      %dma_wait3A_87 = tpu.memref_squeeze %dma_wait3A_86 : memref<1x128xi32, #tpu.memory_space<vmem>> -> memref<128xi32, #tpu.memory_space<vmem>>
      %dma_wait3A_88 = arith.constant 0 : i32
      %dma_wait3A_89 = arith.constant 0 : i32
      %dma_wait3A_90 = tpu.memref_slice %arg13[%dma_wait3A_88, %dma_wait3A_89] : memref<10112x128xf32, #tpu.memory_space<vmem_shared>> -> memref<10112x128xf32, #tpu.memory_space<vmem_shared>>
      tpu.wait_indirect_dma semaphore(%arg17 : memref<!tpu.dma_semaphore, #tpu.memory_space<semaphore_mem>>) src(%arg11 : memref<128x128xf32, #tpu.memory_space<vmem>>) dst(%dma_wait3A_90 : memref<10112x128xf32, #tpu.memory_space<vmem_shared>>)
      %dma_wait3A_91 = arith.constant 15 : i32
      %dma_wait3A_92 = arith.constant 0 : i32
      %dma_wait3A_93 = tpu.memref_slice %arg10[%dma_wait3A_91, %dma_wait3A_92] : memref<16x128xi32, #tpu.memory_space<vmem>> -> memref<1x128xi32, #tpu.memory_space<vmem>>
      %dma_wait3A_94 = tpu.memref_squeeze %dma_wait3A_93 : memref<1x128xi32, #tpu.memory_space<vmem>> -> memref<128xi32, #tpu.memory_space<vmem>>
      %dma_wait3A_95 = arith.constant 0 : i32
      %dma_wait3A_96 = arith.constant 0 : i32
      %dma_wait3A_97 = tpu.memref_slice %arg13[%dma_wait3A_95, %dma_wait3A_96] : memref<10112x128xf32, #tpu.memory_space<vmem_shared>> -> memref<10112x128xf32, #tpu.memory_space<vmem_shared>>
      tpu.wait_indirect_dma semaphore(%arg18 : memref<!tpu.dma_semaphore, #tpu.memory_space<semaphore_mem>>) src(%arg12 : memref<128x128xf32, #tpu.memory_space<vmem>>) dst(%dma_wait3A_97 : memref<10112x128xf32, #tpu.memory_space<vmem_shared>>)
      %add3A_98 = arith.constant 32 : i32
      %add3A_99 = arith.addi %mul3A_11, %add3A_98 : i32
      %dma_wait3A_100 = arith.constant 0 : i32
      %dma_wait3A_101 = tpu.memref_slice %arg3[%add3A_99, %dma_wait3A_100] : memref<2560x128xi32, #tpu.memory_space<hbm>> -> memref<16x128xi32, #tpu.memory_space<hbm>>
      %dma_wait3A_102 = arith.constant 0 : i32
      %dma_wait3A_103 = tpu.memref_slice %arg3[%add3A_99, %dma_wait3A_102] : memref<2560x128xi32, #tpu.memory_space<hbm>> -> memref<16x128xi32, #tpu.memory_space<hbm>>
      tpu.wait_dma2 semaphore(%arg14 : memref<!tpu.dma_semaphore, #tpu.memory_space<semaphore_mem>>) src(%dma_wait3A_103 : memref<16x128xi32, #tpu.memory_space<hbm>>) dst(%arg7 : memref<16x128xi32, #tpu.memory_space<vmem>>)
      %add3A_104 = arith.constant 32 : i32
      %add3A_105 = arith.addi %mul3A_11, %add3A_104 : i32
      %dma_wait3A_106 = arith.constant 0 : i32
      %dma_wait3A_107 = tpu.memref_slice %arg4[%add3A_105, %dma_wait3A_106] : memref<2560x128xi32, #tpu.memory_space<hbm>> -> memref<16x128xi32, #tpu.memory_space<hbm>>
      %dma_wait3A_108 = arith.constant 0 : i32
      %dma_wait3A_109 = tpu.memref_slice %arg4[%add3A_105, %dma_wait3A_108] : memref<2560x128xi32, #tpu.memory_space<hbm>> -> memref<16x128xi32, #tpu.memory_space<hbm>>
      tpu.wait_dma2 semaphore(%arg14 : memref<!tpu.dma_semaphore, #tpu.memory_space<semaphore_mem>>) src(%dma_wait3A_109 : memref<16x128xi32, #tpu.memory_space<hbm>>) dst(%arg9 : memref<16x128xi32, #tpu.memory_space<vmem>>)
      %add3A_110 = arith.constant 48 : i32
      %add3A_111 = arith.addi %mul3A_11, %add3A_110 : i32
      %dma_start3A_112 = arith.constant 0 : i32
      %dma_start3A_113 = tpu.memref_slice %arg3[%add3A_111, %dma_start3A_112] : memref<2560x128xi32, #tpu.memory_space<hbm>> -> memref<16x128xi32, #tpu.memory_space<hbm>>
      %dma_start3A_114 = arith.constant 0 : i32
      %dma_start3A_115 = tpu.memref_slice %arg3[%add3A_111, %dma_start3A_114] : memref<2560x128xi32, #tpu.memory_space<hbm>> -> memref<16x128xi32, #tpu.memory_space<hbm>>
      tpu.enqueue_dma source(%dma_start3A_115 : memref<16x128xi32, #tpu.memory_space<hbm>>) target(%arg8 : memref<16x128xi32, #tpu.memory_space<vmem>>) target_semaphore(%arg14 : memref<!tpu.dma_semaphore, #tpu.memory_space<semaphore_mem>>)
      %add3A_116 = arith.constant 48 : i32
      %add3A_117 = arith.addi %mul3A_11, %add3A_116 : i32
      %dma_start3A_118 = arith.constant 0 : i32
      %dma_start3A_119 = tpu.memref_slice %arg4[%add3A_117, %dma_start3A_118] : memref<2560x128xi32, #tpu.memory_space<hbm>> -> memref<16x128xi32, #tpu.memory_space<hbm>>
      %dma_start3A_120 = arith.constant 0 : i32
      %dma_start3A_121 = tpu.memref_slice %arg4[%add3A_117, %dma_start3A_120] : memref<2560x128xi32, #tpu.memory_space<hbm>> -> memref<16x128xi32, #tpu.memory_space<hbm>>
      tpu.enqueue_dma source(%dma_start3A_121 : memref<16x128xi32, #tpu.memory_space<hbm>>) target(%arg10 : memref<16x128xi32, #tpu.memory_space<vmem>>) target_semaphore(%arg14 : memref<!tpu.dma_semaphore, #tpu.memory_space<semaphore_mem>>)
      %dma_start3A_122 = arith.constant 0 : i32
      %dma_start3A_123 = arith.constant 0 : i32
      %dma_start3A_124 = tpu.memref_slice %arg7[%dma_start3A_122, %dma_start3A_123] : memref<16x128xi32, #tpu.memory_space<vmem>> -> memref<1x128xi32, #tpu.memory_space<vmem>>
      %dma_start3A_125 = tpu.memref_squeeze %dma_start3A_124 : memref<1x128xi32, #tpu.memory_space<vmem>> -> memref<128xi32, #tpu.memory_space<vmem>>
      %dma_start3A_126 = arith.constant 0 : i32
      %dma_start3A_127 = arith.constant 0 : i32
      %dma_start3A_128 = tpu.memref_slice %arg2[%dma_start3A_126, %dma_start3A_127] : memref<10000x128xf32, #tpu.memory_space<hbm>> -> memref<10000x128xf32, #tpu.memory_space<hbm>>
      tpu.enqueue_indirect_dma source(%dma_start3A_128 : memref<10000x128xf32, #tpu.memory_space<hbm>>) target(%arg11 : memref<128x128xf32, #tpu.memory_space<vmem>>) offsets(%dma_start3A_125 : memref<128xi32, #tpu.memory_space<vmem>>) semaphore(%arg15 : memref<!tpu.dma_semaphore, #tpu.memory_space<semaphore_mem>>)
      %scan3A_129 = arith.constant 0 : i32
      %scan3A_130 = arith.constant 0 : i32
      %scan3A_131 = arith.constant 16 : i32
      %scan3A_132 = arith.addi %scan3A_130, %scan3A_131 : i32
      %scan3A_133 = arith.constant 1 : i32
      scf.for %scan3A_443 = %scan3A_130 to %scan3A_132 step %scan3A_133  : i32 {
        %jit3A = arith.constant 2 : i32
        %eq3A_444 = arith.constant 0 : i32
        %eq3A_445 = arith.cmpi eq, %jit3A, %eq3A_444 : i32
        %jit3A_446 = arith.constant 1 : i32
        %select_n3A = arith.select %eq3A_445, %jit3A_446, %jit3A : i32
        %rem3A = arith.remsi %scan3A_443, %select_n3A : i32
        %ne3A = arith.constant 0 : i32
        %ne3A_447 = arith.cmpi ne, %rem3A, %ne3A : i32
        %lt3A = arith.constant 0 : i32
        %lt3A_448 = arith.cmpi slt, %rem3A, %lt3A : i32
        %lt3A_449 = arith.constant 0 : i32
        %lt3A_450 = arith.cmpi slt, %select_n3A, %lt3A_449 : i32
        %ne3A_451 = arith.xori %lt3A_448, %lt3A_450 : i1
        %and3A = arith.andi %ne3A_451, %ne3A_447 : i1
        %add3A_452 = arith.addi %rem3A, %select_n3A : i32
        %select_n3A_453 = arith.select %and3A, %add3A_452, %rem3A : i32
        %eq3A_454 = arith.constant 0 : i32
        %eq3A_455 = arith.cmpi eq, %select_n3A_453, %eq3A_454 : i32
        %convert_element_type3A_456 = arith.extui %eq3A_455 : i1 to i32
        %cond3A_457 = arith.constant 0 : i32
        %cond3A_458 = arith.cmpi ne, %convert_element_type3A_456, %cond3A_457 : i32
        scf.if %cond3A_458 {
          %dma_wait3A_480 = arith.constant 0 : i32
          %dma_wait3A_481 = tpu.memref_slice %arg7[%scan3A_443, %dma_wait3A_480] : memref<16x128xi32, #tpu.memory_space<vmem>> -> memref<1x128xi32, #tpu.memory_space<vmem>>
          %dma_wait3A_482 = tpu.memref_squeeze %dma_wait3A_481 : memref<1x128xi32, #tpu.memory_space<vmem>> -> memref<128xi32, #tpu.memory_space<vmem>>
          %dma_wait3A_483 = arith.constant 0 : i32
          %dma_wait3A_484 = arith.constant 0 : i32
          %dma_wait3A_485 = tpu.memref_slice %arg2[%dma_wait3A_483, %dma_wait3A_484] : memref<10000x128xf32, #tpu.memory_space<hbm>> -> memref<10000x128xf32, #tpu.memory_space<hbm>>
          tpu.wait_indirect_dma semaphore(%arg15 : memref<!tpu.dma_semaphore, #tpu.memory_space<semaphore_mem>>) src(%dma_wait3A_485 : memref<10000x128xf32, #tpu.memory_space<hbm>>) dst(%arg11 : memref<128x128xf32, #tpu.memory_space<vmem>>)
          %add3A_486 = arith.constant 1 : i32
          %add3A_487 = arith.addi %scan3A_443, %add3A_486 : i32
          %lt3A_488 = arith.constant 16 : i32
          %lt3A_489 = arith.cmpi slt, %add3A_487, %lt3A_488 : i32
          %convert_element_type3A_490 = arith.extui %lt3A_489 : i1 to i32
          %cond3A_491 = arith.constant 0 : i32
          %cond3A_492 = arith.cmpi ne, %convert_element_type3A_490, %cond3A_491 : i32
          scf.if %cond3A_492 {
            %gt3A = arith.constant 0 : i32
            %gt3A_499 = arith.cmpi sgt, %scan3A_443, %gt3A : i32
            %convert_element_type3A_500 = arith.extui %gt3A_499 : i1 to i32
            %cond3A_501 = arith.constant 0 : i32
            %cond3A_502 = arith.cmpi ne, %convert_element_type3A_500, %cond3A_501 : i32
            scf.if %cond3A_502 {
              %sub3A = arith.constant 1 : i32
              %sub3A_511 = arith.subi %scan3A_443, %sub3A : i32
              %dma_wait3A_512 = arith.constant 0 : i32
              %dma_wait3A_513 = tpu.memref_slice %arg9[%sub3A_511, %dma_wait3A_512] : memref<16x128xi32, #tpu.memory_space<vmem>> -> memref<1x128xi32, #tpu.memory_space<vmem>>
              %dma_wait3A_514 = tpu.memref_squeeze %dma_wait3A_513 : memref<1x128xi32, #tpu.memory_space<vmem>> -> memref<128xi32, #tpu.memory_space<vmem>>
              %dma_wait3A_515 = arith.constant 0 : i32
              %dma_wait3A_516 = arith.constant 0 : i32
              %dma_wait3A_517 = tpu.memref_slice %arg13[%dma_wait3A_515, %dma_wait3A_516] : memref<10112x128xf32, #tpu.memory_space<vmem_shared>> -> memref<10112x128xf32, #tpu.memory_space<vmem_shared>>
              tpu.wait_indirect_dma semaphore(%arg18 : memref<!tpu.dma_semaphore, #tpu.memory_space<semaphore_mem>>) src(%arg12 : memref<128x128xf32, #tpu.memory_space<vmem>>) dst(%dma_wait3A_517 : memref<10112x128xf32, #tpu.memory_space<vmem_shared>>)
            } else {
            }
            %add3A_503 = arith.constant 1 : i32
            %add3A_504 = arith.addi %scan3A_443, %add3A_503 : i32
            %dma_start3A_505 = arith.constant 0 : i32
            %dma_start3A_506 = tpu.memref_slice %arg7[%add3A_504, %dma_start3A_505] : memref<16x128xi32, #tpu.memory_space<vmem>> -> memref<1x128xi32, #tpu.memory_space<vmem>>
            %dma_start3A_507 = tpu.memref_squeeze %dma_start3A_506 : memref<1x128xi32, #tpu.memory_space<vmem>> -> memref<128xi32, #tpu.memory_space<vmem>>
            %dma_start3A_508 = arith.constant 0 : i32
            %dma_start3A_509 = arith.constant 0 : i32
            %dma_start3A_510 = tpu.memref_slice %arg2[%dma_start3A_508, %dma_start3A_509] : memref<10000x128xf32, #tpu.memory_space<hbm>> -> memref<10000x128xf32, #tpu.memory_space<hbm>>
            tpu.enqueue_indirect_dma source(%dma_start3A_510 : memref<10000x128xf32, #tpu.memory_space<hbm>>) target(%arg12 : memref<128x128xf32, #tpu.memory_space<vmem>>) offsets(%dma_start3A_507 : memref<128xi32, #tpu.memory_space<vmem>>) semaphore(%arg16 : memref<!tpu.dma_semaphore, #tpu.memory_space<semaphore_mem>>)
          } else {
          }
          %dma_start3A_493 = arith.constant 0 : i32
          %dma_start3A_494 = tpu.memref_slice %arg9[%scan3A_443, %dma_start3A_493] : memref<16x128xi32, #tpu.memory_space<vmem>> -> memref<1x128xi32, #tpu.memory_space<vmem>>
          %dma_start3A_495 = tpu.memref_squeeze %dma_start3A_494 : memref<1x128xi32, #tpu.memory_space<vmem>> -> memref<128xi32, #tpu.memory_space<vmem>>
          %dma_start3A_496 = arith.constant 0 : i32
          %dma_start3A_497 = arith.constant 0 : i32
          %dma_start3A_498 = tpu.memref_slice %arg13[%dma_start3A_496, %dma_start3A_497] : memref<10112x128xf32, #tpu.memory_space<vmem_shared>> -> memref<10112x128xf32, #tpu.memory_space<vmem_shared>>
          tpu.enqueue_indirect_dma source(%arg11 : memref<128x128xf32, #tpu.memory_space<vmem>>) target(%dma_start3A_498 : memref<10112x128xf32, #tpu.memory_space<vmem_shared>>) offsets(%dma_start3A_495 : memref<128xi32, #tpu.memory_space<vmem>>) semaphore(%arg17 : memref<!tpu.dma_semaphore, #tpu.memory_space<semaphore_mem>>) {add = true}
        } else {
        }
        %jit3A_459 = arith.constant 2 : i32
        %eq3A_460 = arith.constant 0 : i32
        %eq3A_461 = arith.cmpi eq, %jit3A_459, %eq3A_460 : i32
        %jit3A_462 = arith.constant 1 : i32
        %select_n3A_463 = arith.select %eq3A_461, %jit3A_462, %jit3A_459 : i32
        %rem3A_464 = arith.remsi %scan3A_443, %select_n3A_463 : i32
        %ne3A_465 = arith.constant 0 : i32
        %ne3A_466 = arith.cmpi ne, %rem3A_464, %ne3A_465 : i32
        %lt3A_467 = arith.constant 0 : i32
        %lt3A_468 = arith.cmpi slt, %rem3A_464, %lt3A_467 : i32
        %lt3A_469 = arith.constant 0 : i32
        %lt3A_470 = arith.cmpi slt, %select_n3A_463, %lt3A_469 : i32
        %ne3A_471 = arith.xori %lt3A_468, %lt3A_470 : i1
        %and3A_472 = arith.andi %ne3A_471, %ne3A_466 : i1
        %add3A_473 = arith.addi %rem3A_464, %select_n3A_463 : i32
        %select_n3A_474 = arith.select %and3A_472, %add3A_473, %rem3A_464 : i32
        %eq3A_475 = arith.constant 1 : i32
        %eq3A_476 = arith.cmpi eq, %select_n3A_474, %eq3A_475 : i32
        %convert_element_type3A_477 = arith.extui %eq3A_476 : i1 to i32
        %cond3A_478 = arith.constant 0 : i32
        %cond3A_479 = arith.cmpi ne, %convert_element_type3A_477, %cond3A_478 : i32
        scf.if %cond3A_479 {
          %dma_wait3A_480 = arith.constant 0 : i32
          %dma_wait3A_481 = tpu.memref_slice %arg7[%scan3A_443, %dma_wait3A_480] : memref<16x128xi32, #tpu.memory_space<vmem>> -> memref<1x128xi32, #tpu.memory_space<vmem>>
          %dma_wait3A_482 = tpu.memref_squeeze %dma_wait3A_481 : memref<1x128xi32, #tpu.memory_space<vmem>> -> memref<128xi32, #tpu.memory_space<vmem>>
          %dma_wait3A_483 = arith.constant 0 : i32
          %dma_wait3A_484 = arith.constant 0 : i32
          %dma_wait3A_485 = tpu.memref_slice %arg2[%dma_wait3A_483, %dma_wait3A_484] : memref<10000x128xf32, #tpu.memory_space<hbm>> -> memref<10000x128xf32, #tpu.memory_space<hbm>>
          tpu.wait_indirect_dma semaphore(%arg16 : memref<!tpu.dma_semaphore, #tpu.memory_space<semaphore_mem>>) src(%dma_wait3A_485 : memref<10000x128xf32, #tpu.memory_space<hbm>>) dst(%arg12 : memref<128x128xf32, #tpu.memory_space<vmem>>)
          %add3A_486 = arith.constant 1 : i32
          %add3A_487 = arith.addi %scan3A_443, %add3A_486 : i32
          %lt3A_488 = arith.constant 16 : i32
          %lt3A_489 = arith.cmpi slt, %add3A_487, %lt3A_488 : i32
          %convert_element_type3A_490 = arith.extui %lt3A_489 : i1 to i32
          %cond3A_491 = arith.constant 0 : i32
          %cond3A_492 = arith.cmpi ne, %convert_element_type3A_490, %cond3A_491 : i32
          scf.if %cond3A_492 {
            %sub3A = arith.constant 1 : i32
            %sub3A_499 = arith.subi %scan3A_443, %sub3A : i32
            %dma_wait3A_500 = arith.constant 0 : i32
            %dma_wait3A_501 = tpu.memref_slice %arg9[%sub3A_499, %dma_wait3A_500] : memref<16x128xi32, #tpu.memory_space<vmem>> -> memref<1x128xi32, #tpu.memory_space<vmem>>
            %dma_wait3A_502 = tpu.memref_squeeze %dma_wait3A_501 : memref<1x128xi32, #tpu.memory_space<vmem>> -> memref<128xi32, #tpu.memory_space<vmem>>
            %dma_wait3A_503 = arith.constant 0 : i32
            %dma_wait3A_504 = arith.constant 0 : i32
            %dma_wait3A_505 = tpu.memref_slice %arg13[%dma_wait3A_503, %dma_wait3A_504] : memref<10112x128xf32, #tpu.memory_space<vmem_shared>> -> memref<10112x128xf32, #tpu.memory_space<vmem_shared>>
            tpu.wait_indirect_dma semaphore(%arg17 : memref<!tpu.dma_semaphore, #tpu.memory_space<semaphore_mem>>) src(%arg11 : memref<128x128xf32, #tpu.memory_space<vmem>>) dst(%dma_wait3A_505 : memref<10112x128xf32, #tpu.memory_space<vmem_shared>>)
            %add3A_506 = arith.constant 1 : i32
            %add3A_507 = arith.addi %scan3A_443, %add3A_506 : i32
            %dma_start3A_508 = arith.constant 0 : i32
            %dma_start3A_509 = tpu.memref_slice %arg7[%add3A_507, %dma_start3A_508] : memref<16x128xi32, #tpu.memory_space<vmem>> -> memref<1x128xi32, #tpu.memory_space<vmem>>
            %dma_start3A_510 = tpu.memref_squeeze %dma_start3A_509 : memref<1x128xi32, #tpu.memory_space<vmem>> -> memref<128xi32, #tpu.memory_space<vmem>>
            %dma_start3A_511 = arith.constant 0 : i32
            %dma_start3A_512 = arith.constant 0 : i32
            %dma_start3A_513 = tpu.memref_slice %arg2[%dma_start3A_511, %dma_start3A_512] : memref<10000x128xf32, #tpu.memory_space<hbm>> -> memref<10000x128xf32, #tpu.memory_space<hbm>>
            tpu.enqueue_indirect_dma source(%dma_start3A_513 : memref<10000x128xf32, #tpu.memory_space<hbm>>) target(%arg11 : memref<128x128xf32, #tpu.memory_space<vmem>>) offsets(%dma_start3A_510 : memref<128xi32, #tpu.memory_space<vmem>>) semaphore(%arg15 : memref<!tpu.dma_semaphore, #tpu.memory_space<semaphore_mem>>)
          } else {
          }
          %dma_start3A_493 = arith.constant 0 : i32
          %dma_start3A_494 = tpu.memref_slice %arg9[%scan3A_443, %dma_start3A_493] : memref<16x128xi32, #tpu.memory_space<vmem>> -> memref<1x128xi32, #tpu.memory_space<vmem>>
          %dma_start3A_495 = tpu.memref_squeeze %dma_start3A_494 : memref<1x128xi32, #tpu.memory_space<vmem>> -> memref<128xi32, #tpu.memory_space<vmem>>
          %dma_start3A_496 = arith.constant 0 : i32
          %dma_start3A_497 = arith.constant 0 : i32
          %dma_start3A_498 = tpu.memref_slice %arg13[%dma_start3A_496, %dma_start3A_497] : memref<10112x128xf32, #tpu.memory_space<vmem_shared>> -> memref<10112x128xf32, #tpu.memory_space<vmem_shared>>
          tpu.enqueue_indirect_dma source(%arg12 : memref<128x128xf32, #tpu.memory_space<vmem>>) target(%dma_start3A_498 : memref<10112x128xf32, #tpu.memory_space<vmem_shared>>) offsets(%dma_start3A_495 : memref<128xi32, #tpu.memory_space<vmem>>) semaphore(%arg18 : memref<!tpu.dma_semaphore, #tpu.memory_space<semaphore_mem>>) {add = true}
        } else {
        }
      }
      %scan3A_134 = arith.constant 16 : i32
      %dma_wait3A_135 = arith.constant 14 : i32
      %dma_wait3A_136 = arith.constant 0 : i32
      %dma_wait3A_137 = tpu.memref_slice %arg9[%dma_wait3A_135, %dma_wait3A_136] : memref<16x128xi32, #tpu.memory_space<vmem>> -> memref<1x128xi32, #tpu.memory_space<vmem>>
      %dma_wait3A_138 = tpu.memref_squeeze %dma_wait3A_137 : memref<1x128xi32, #tpu.memory_space<vmem>> -> memref<128xi32, #tpu.memory_space<vmem>>
      %dma_wait3A_139 = arith.constant 0 : i32
      %dma_wait3A_140 = arith.constant 0 : i32
      %dma_wait3A_141 = tpu.memref_slice %arg13[%dma_wait3A_139, %dma_wait3A_140] : memref<10112x128xf32, #tpu.memory_space<vmem_shared>> -> memref<10112x128xf32, #tpu.memory_space<vmem_shared>>
      tpu.wait_indirect_dma semaphore(%arg17 : memref<!tpu.dma_semaphore, #tpu.memory_space<semaphore_mem>>) src(%arg11 : memref<128x128xf32, #tpu.memory_space<vmem>>) dst(%dma_wait3A_141 : memref<10112x128xf32, #tpu.memory_space<vmem_shared>>)
      %dma_wait3A_142 = arith.constant 15 : i32
      %dma_wait3A_143 = arith.constant 0 : i32
      %dma_wait3A_144 = tpu.memref_slice %arg9[%dma_wait3A_142, %dma_wait3A_143] : memref<16x128xi32, #tpu.memory_space<vmem>> -> memref<1x128xi32, #tpu.memory_space<vmem>>
      %dma_wait3A_145 = tpu.memref_squeeze %dma_wait3A_144 : memref<1x128xi32, #tpu.memory_space<vmem>> -> memref<128xi32, #tpu.memory_space<vmem>>
      %dma_wait3A_146 = arith.constant 0 : i32
      %dma_wait3A_147 = arith.constant 0 : i32
      %dma_wait3A_148 = tpu.memref_slice %arg13[%dma_wait3A_146, %dma_wait3A_147] : memref<10112x128xf32, #tpu.memory_space<vmem_shared>> -> memref<10112x128xf32, #tpu.memory_space<vmem_shared>>
      tpu.wait_indirect_dma semaphore(%arg18 : memref<!tpu.dma_semaphore, #tpu.memory_space<semaphore_mem>>) src(%arg12 : memref<128x128xf32, #tpu.memory_space<vmem>>) dst(%dma_wait3A_148 : memref<10112x128xf32, #tpu.memory_space<vmem_shared>>)
      %add3A_149 = arith.constant 48 : i32
      %add3A_150 = arith.addi %mul3A_11, %add3A_149 : i32
      %dma_wait3A_151 = arith.constant 0 : i32
      %dma_wait3A_152 = tpu.memref_slice %arg3[%add3A_150, %dma_wait3A_151] : memref<2560x128xi32, #tpu.memory_space<hbm>> -> memref<16x128xi32, #tpu.memory_space<hbm>>
      %dma_wait3A_153 = arith.constant 0 : i32
      %dma_wait3A_154 = tpu.memref_slice %arg3[%add3A_150, %dma_wait3A_153] : memref<2560x128xi32, #tpu.memory_space<hbm>> -> memref<16x128xi32, #tpu.memory_space<hbm>>
      tpu.wait_dma2 semaphore(%arg14 : memref<!tpu.dma_semaphore, #tpu.memory_space<semaphore_mem>>) src(%dma_wait3A_154 : memref<16x128xi32, #tpu.memory_space<hbm>>) dst(%arg8 : memref<16x128xi32, #tpu.memory_space<vmem>>)
      %add3A_155 = arith.constant 48 : i32
      %add3A_156 = arith.addi %mul3A_11, %add3A_155 : i32
      %dma_wait3A_157 = arith.constant 0 : i32
      %dma_wait3A_158 = tpu.memref_slice %arg4[%add3A_156, %dma_wait3A_157] : memref<2560x128xi32, #tpu.memory_space<hbm>> -> memref<16x128xi32, #tpu.memory_space<hbm>>
      %dma_wait3A_159 = arith.constant 0 : i32
      %dma_wait3A_160 = tpu.memref_slice %arg4[%add3A_156, %dma_wait3A_159] : memref<2560x128xi32, #tpu.memory_space<hbm>> -> memref<16x128xi32, #tpu.memory_space<hbm>>
      tpu.wait_dma2 semaphore(%arg14 : memref<!tpu.dma_semaphore, #tpu.memory_space<semaphore_mem>>) src(%dma_wait3A_160 : memref<16x128xi32, #tpu.memory_space<hbm>>) dst(%arg10 : memref<16x128xi32, #tpu.memory_space<vmem>>)
      %add3A_161 = arith.constant 64 : i32
      %add3A_162 = arith.addi %mul3A_11, %add3A_161 : i32
      %dma_start3A_163 = arith.constant 0 : i32
      %dma_start3A_164 = tpu.memref_slice %arg3[%add3A_162, %dma_start3A_163] : memref<2560x128xi32, #tpu.memory_space<hbm>> -> memref<16x128xi32, #tpu.memory_space<hbm>>
      %dma_start3A_165 = arith.constant 0 : i32
      %dma_start3A_166 = tpu.memref_slice %arg3[%add3A_162, %dma_start3A_165] : memref<2560x128xi32, #tpu.memory_space<hbm>> -> memref<16x128xi32, #tpu.memory_space<hbm>>
      tpu.enqueue_dma source(%dma_start3A_166 : memref<16x128xi32, #tpu.memory_space<hbm>>) target(%arg7 : memref<16x128xi32, #tpu.memory_space<vmem>>) target_semaphore(%arg14 : memref<!tpu.dma_semaphore, #tpu.memory_space<semaphore_mem>>)
      %add3A_167 = arith.constant 64 : i32
      %add3A_168 = arith.addi %mul3A_11, %add3A_167 : i32
      %dma_start3A_169 = arith.constant 0 : i32
      %dma_start3A_170 = tpu.memref_slice %arg4[%add3A_168, %dma_start3A_169] : memref<2560x128xi32, #tpu.memory_space<hbm>> -> memref<16x128xi32, #tpu.memory_space<hbm>>
      %dma_start3A_171 = arith.constant 0 : i32
      %dma_start3A_172 = tpu.memref_slice %arg4[%add3A_168, %dma_start3A_171] : memref<2560x128xi32, #tpu.memory_space<hbm>> -> memref<16x128xi32, #tpu.memory_space<hbm>>
      tpu.enqueue_dma source(%dma_start3A_172 : memref<16x128xi32, #tpu.memory_space<hbm>>) target(%arg9 : memref<16x128xi32, #tpu.memory_space<vmem>>) target_semaphore(%arg14 : memref<!tpu.dma_semaphore, #tpu.memory_space<semaphore_mem>>)
      %dma_start3A_173 = arith.constant 0 : i32
      %dma_start3A_174 = arith.constant 0 : i32
      %dma_start3A_175 = tpu.memref_slice %arg8[%dma_start3A_173, %dma_start3A_174] : memref<16x128xi32, #tpu.memory_space<vmem>> -> memref<1x128xi32, #tpu.memory_space<vmem>>
      %dma_start3A_176 = tpu.memref_squeeze %dma_start3A_175 : memref<1x128xi32, #tpu.memory_space<vmem>> -> memref<128xi32, #tpu.memory_space<vmem>>
      %dma_start3A_177 = arith.constant 0 : i32
      %dma_start3A_178 = arith.constant 0 : i32
      %dma_start3A_179 = tpu.memref_slice %arg2[%dma_start3A_177, %dma_start3A_178] : memref<10000x128xf32, #tpu.memory_space<hbm>> -> memref<10000x128xf32, #tpu.memory_space<hbm>>
      tpu.enqueue_indirect_dma source(%dma_start3A_179 : memref<10000x128xf32, #tpu.memory_space<hbm>>) target(%arg11 : memref<128x128xf32, #tpu.memory_space<vmem>>) offsets(%dma_start3A_176 : memref<128xi32, #tpu.memory_space<vmem>>) semaphore(%arg15 : memref<!tpu.dma_semaphore, #tpu.memory_space<semaphore_mem>>)
      %scan3A_180 = arith.constant 0 : i32
      %scan3A_181 = arith.constant 0 : i32
      %scan3A_182 = arith.constant 16 : i32
      %scan3A_183 = arith.addi %scan3A_181, %scan3A_182 : i32
      %scan3A_184 = arith.constant 1 : i32
      scf.for %scan3A_443 = %scan3A_181 to %scan3A_183 step %scan3A_184  : i32 {
        %jit3A = arith.constant 2 : i32
        %eq3A_444 = arith.constant 0 : i32
        %eq3A_445 = arith.cmpi eq, %jit3A, %eq3A_444 : i32
        %jit3A_446 = arith.constant 1 : i32
        %select_n3A = arith.select %eq3A_445, %jit3A_446, %jit3A : i32
        %rem3A = arith.remsi %scan3A_443, %select_n3A : i32
        %ne3A = arith.constant 0 : i32
        %ne3A_447 = arith.cmpi ne, %rem3A, %ne3A : i32
        %lt3A = arith.constant 0 : i32
        %lt3A_448 = arith.cmpi slt, %rem3A, %lt3A : i32
        %lt3A_449 = arith.constant 0 : i32
        %lt3A_450 = arith.cmpi slt, %select_n3A, %lt3A_449 : i32
        %ne3A_451 = arith.xori %lt3A_448, %lt3A_450 : i1
        %and3A = arith.andi %ne3A_451, %ne3A_447 : i1
        %add3A_452 = arith.addi %rem3A, %select_n3A : i32
        %select_n3A_453 = arith.select %and3A, %add3A_452, %rem3A : i32
        %eq3A_454 = arith.constant 0 : i32
        %eq3A_455 = arith.cmpi eq, %select_n3A_453, %eq3A_454 : i32
        %convert_element_type3A_456 = arith.extui %eq3A_455 : i1 to i32
        %cond3A_457 = arith.constant 0 : i32
        %cond3A_458 = arith.cmpi ne, %convert_element_type3A_456, %cond3A_457 : i32
        scf.if %cond3A_458 {
          %dma_wait3A_480 = arith.constant 0 : i32
          %dma_wait3A_481 = tpu.memref_slice %arg8[%scan3A_443, %dma_wait3A_480] : memref<16x128xi32, #tpu.memory_space<vmem>> -> memref<1x128xi32, #tpu.memory_space<vmem>>
          %dma_wait3A_482 = tpu.memref_squeeze %dma_wait3A_481 : memref<1x128xi32, #tpu.memory_space<vmem>> -> memref<128xi32, #tpu.memory_space<vmem>>
          %dma_wait3A_483 = arith.constant 0 : i32
          %dma_wait3A_484 = arith.constant 0 : i32
          %dma_wait3A_485 = tpu.memref_slice %arg2[%dma_wait3A_483, %dma_wait3A_484] : memref<10000x128xf32, #tpu.memory_space<hbm>> -> memref<10000x128xf32, #tpu.memory_space<hbm>>
          tpu.wait_indirect_dma semaphore(%arg15 : memref<!tpu.dma_semaphore, #tpu.memory_space<semaphore_mem>>) src(%dma_wait3A_485 : memref<10000x128xf32, #tpu.memory_space<hbm>>) dst(%arg11 : memref<128x128xf32, #tpu.memory_space<vmem>>)
          %add3A_486 = arith.constant 1 : i32
          %add3A_487 = arith.addi %scan3A_443, %add3A_486 : i32
          %lt3A_488 = arith.constant 16 : i32
          %lt3A_489 = arith.cmpi slt, %add3A_487, %lt3A_488 : i32
          %convert_element_type3A_490 = arith.extui %lt3A_489 : i1 to i32
          %cond3A_491 = arith.constant 0 : i32
          %cond3A_492 = arith.cmpi ne, %convert_element_type3A_490, %cond3A_491 : i32
          scf.if %cond3A_492 {
            %gt3A = arith.constant 0 : i32
            %gt3A_499 = arith.cmpi sgt, %scan3A_443, %gt3A : i32
            %convert_element_type3A_500 = arith.extui %gt3A_499 : i1 to i32
            %cond3A_501 = arith.constant 0 : i32
            %cond3A_502 = arith.cmpi ne, %convert_element_type3A_500, %cond3A_501 : i32
            scf.if %cond3A_502 {
              %sub3A = arith.constant 1 : i32
              %sub3A_511 = arith.subi %scan3A_443, %sub3A : i32
              %dma_wait3A_512 = arith.constant 0 : i32
              %dma_wait3A_513 = tpu.memref_slice %arg10[%sub3A_511, %dma_wait3A_512] : memref<16x128xi32, #tpu.memory_space<vmem>> -> memref<1x128xi32, #tpu.memory_space<vmem>>
              %dma_wait3A_514 = tpu.memref_squeeze %dma_wait3A_513 : memref<1x128xi32, #tpu.memory_space<vmem>> -> memref<128xi32, #tpu.memory_space<vmem>>
              %dma_wait3A_515 = arith.constant 0 : i32
              %dma_wait3A_516 = arith.constant 0 : i32
              %dma_wait3A_517 = tpu.memref_slice %arg13[%dma_wait3A_515, %dma_wait3A_516] : memref<10112x128xf32, #tpu.memory_space<vmem_shared>> -> memref<10112x128xf32, #tpu.memory_space<vmem_shared>>
              tpu.wait_indirect_dma semaphore(%arg18 : memref<!tpu.dma_semaphore, #tpu.memory_space<semaphore_mem>>) src(%arg12 : memref<128x128xf32, #tpu.memory_space<vmem>>) dst(%dma_wait3A_517 : memref<10112x128xf32, #tpu.memory_space<vmem_shared>>)
            } else {
            }
            %add3A_503 = arith.constant 1 : i32
            %add3A_504 = arith.addi %scan3A_443, %add3A_503 : i32
            %dma_start3A_505 = arith.constant 0 : i32
            %dma_start3A_506 = tpu.memref_slice %arg8[%add3A_504, %dma_start3A_505] : memref<16x128xi32, #tpu.memory_space<vmem>> -> memref<1x128xi32, #tpu.memory_space<vmem>>
            %dma_start3A_507 = tpu.memref_squeeze %dma_start3A_506 : memref<1x128xi32, #tpu.memory_space<vmem>> -> memref<128xi32, #tpu.memory_space<vmem>>
            %dma_start3A_508 = arith.constant 0 : i32
            %dma_start3A_509 = arith.constant 0 : i32
            %dma_start3A_510 = tpu.memref_slice %arg2[%dma_start3A_508, %dma_start3A_509] : memref<10000x128xf32, #tpu.memory_space<hbm>> -> memref<10000x128xf32, #tpu.memory_space<hbm>>
            tpu.enqueue_indirect_dma source(%dma_start3A_510 : memref<10000x128xf32, #tpu.memory_space<hbm>>) target(%arg12 : memref<128x128xf32, #tpu.memory_space<vmem>>) offsets(%dma_start3A_507 : memref<128xi32, #tpu.memory_space<vmem>>) semaphore(%arg16 : memref<!tpu.dma_semaphore, #tpu.memory_space<semaphore_mem>>)
          } else {
          }
          %dma_start3A_493 = arith.constant 0 : i32
          %dma_start3A_494 = tpu.memref_slice %arg10[%scan3A_443, %dma_start3A_493] : memref<16x128xi32, #tpu.memory_space<vmem>> -> memref<1x128xi32, #tpu.memory_space<vmem>>
          %dma_start3A_495 = tpu.memref_squeeze %dma_start3A_494 : memref<1x128xi32, #tpu.memory_space<vmem>> -> memref<128xi32, #tpu.memory_space<vmem>>
          %dma_start3A_496 = arith.constant 0 : i32
          %dma_start3A_497 = arith.constant 0 : i32
          %dma_start3A_498 = tpu.memref_slice %arg13[%dma_start3A_496, %dma_start3A_497] : memref<10112x128xf32, #tpu.memory_space<vmem_shared>> -> memref<10112x128xf32, #tpu.memory_space<vmem_shared>>
          tpu.enqueue_indirect_dma source(%arg11 : memref<128x128xf32, #tpu.memory_space<vmem>>) target(%dma_start3A_498 : memref<10112x128xf32, #tpu.memory_space<vmem_shared>>) offsets(%dma_start3A_495 : memref<128xi32, #tpu.memory_space<vmem>>) semaphore(%arg17 : memref<!tpu.dma_semaphore, #tpu.memory_space<semaphore_mem>>) {add = true}
        } else {
        }
        %jit3A_459 = arith.constant 2 : i32
        %eq3A_460 = arith.constant 0 : i32
        %eq3A_461 = arith.cmpi eq, %jit3A_459, %eq3A_460 : i32
        %jit3A_462 = arith.constant 1 : i32
        %select_n3A_463 = arith.select %eq3A_461, %jit3A_462, %jit3A_459 : i32
        %rem3A_464 = arith.remsi %scan3A_443, %select_n3A_463 : i32
        %ne3A_465 = arith.constant 0 : i32
        %ne3A_466 = arith.cmpi ne, %rem3A_464, %ne3A_465 : i32
        %lt3A_467 = arith.constant 0 : i32
        %lt3A_468 = arith.cmpi slt, %rem3A_464, %lt3A_467 : i32
        %lt3A_469 = arith.constant 0 : i32
        %lt3A_470 = arith.cmpi slt, %select_n3A_463, %lt3A_469 : i32
        %ne3A_471 = arith.xori %lt3A_468, %lt3A_470 : i1
        %and3A_472 = arith.andi %ne3A_471, %ne3A_466 : i1
        %add3A_473 = arith.addi %rem3A_464, %select_n3A_463 : i32
        %select_n3A_474 = arith.select %and3A_472, %add3A_473, %rem3A_464 : i32
        %eq3A_475 = arith.constant 1 : i32
        %eq3A_476 = arith.cmpi eq, %select_n3A_474, %eq3A_475 : i32
        %convert_element_type3A_477 = arith.extui %eq3A_476 : i1 to i32
        %cond3A_478 = arith.constant 0 : i32
        %cond3A_479 = arith.cmpi ne, %convert_element_type3A_477, %cond3A_478 : i32
        scf.if %cond3A_479 {
          %dma_wait3A_480 = arith.constant 0 : i32
          %dma_wait3A_481 = tpu.memref_slice %arg8[%scan3A_443, %dma_wait3A_480] : memref<16x128xi32, #tpu.memory_space<vmem>> -> memref<1x128xi32, #tpu.memory_space<vmem>>
          %dma_wait3A_482 = tpu.memref_squeeze %dma_wait3A_481 : memref<1x128xi32, #tpu.memory_space<vmem>> -> memref<128xi32, #tpu.memory_space<vmem>>
          %dma_wait3A_483 = arith.constant 0 : i32
          %dma_wait3A_484 = arith.constant 0 : i32
          %dma_wait3A_485 = tpu.memref_slice %arg2[%dma_wait3A_483, %dma_wait3A_484] : memref<10000x128xf32, #tpu.memory_space<hbm>> -> memref<10000x128xf32, #tpu.memory_space<hbm>>
          tpu.wait_indirect_dma semaphore(%arg16 : memref<!tpu.dma_semaphore, #tpu.memory_space<semaphore_mem>>) src(%dma_wait3A_485 : memref<10000x128xf32, #tpu.memory_space<hbm>>) dst(%arg12 : memref<128x128xf32, #tpu.memory_space<vmem>>)
          %add3A_486 = arith.constant 1 : i32
          %add3A_487 = arith.addi %scan3A_443, %add3A_486 : i32
          %lt3A_488 = arith.constant 16 : i32
          %lt3A_489 = arith.cmpi slt, %add3A_487, %lt3A_488 : i32
          %convert_element_type3A_490 = arith.extui %lt3A_489 : i1 to i32
          %cond3A_491 = arith.constant 0 : i32
          %cond3A_492 = arith.cmpi ne, %convert_element_type3A_490, %cond3A_491 : i32
          scf.if %cond3A_492 {
            %sub3A = arith.constant 1 : i32
            %sub3A_499 = arith.subi %scan3A_443, %sub3A : i32
            %dma_wait3A_500 = arith.constant 0 : i32
            %dma_wait3A_501 = tpu.memref_slice %arg10[%sub3A_499, %dma_wait3A_500] : memref<16x128xi32, #tpu.memory_space<vmem>> -> memref<1x128xi32, #tpu.memory_space<vmem>>
            %dma_wait3A_502 = tpu.memref_squeeze %dma_wait3A_501 : memref<1x128xi32, #tpu.memory_space<vmem>> -> memref<128xi32, #tpu.memory_space<vmem>>
            %dma_wait3A_503 = arith.constant 0 : i32
            %dma_wait3A_504 = arith.constant 0 : i32
            %dma_wait3A_505 = tpu.memref_slice %arg13[%dma_wait3A_503, %dma_wait3A_504] : memref<10112x128xf32, #tpu.memory_space<vmem_shared>> -> memref<10112x128xf32, #tpu.memory_space<vmem_shared>>
            tpu.wait_indirect_dma semaphore(%arg17 : memref<!tpu.dma_semaphore, #tpu.memory_space<semaphore_mem>>) src(%arg11 : memref<128x128xf32, #tpu.memory_space<vmem>>) dst(%dma_wait3A_505 : memref<10112x128xf32, #tpu.memory_space<vmem_shared>>)
            %add3A_506 = arith.constant 1 : i32
            %add3A_507 = arith.addi %scan3A_443, %add3A_506 : i32
            %dma_start3A_508 = arith.constant 0 : i32
            %dma_start3A_509 = tpu.memref_slice %arg8[%add3A_507, %dma_start3A_508] : memref<16x128xi32, #tpu.memory_space<vmem>> -> memref<1x128xi32, #tpu.memory_space<vmem>>
            %dma_start3A_510 = tpu.memref_squeeze %dma_start3A_509 : memref<1x128xi32, #tpu.memory_space<vmem>> -> memref<128xi32, #tpu.memory_space<vmem>>
            %dma_start3A_511 = arith.constant 0 : i32
            %dma_start3A_512 = arith.constant 0 : i32
            %dma_start3A_513 = tpu.memref_slice %arg2[%dma_start3A_511, %dma_start3A_512] : memref<10000x128xf32, #tpu.memory_space<hbm>> -> memref<10000x128xf32, #tpu.memory_space<hbm>>
            tpu.enqueue_indirect_dma source(%dma_start3A_513 : memref<10000x128xf32, #tpu.memory_space<hbm>>) target(%arg11 : memref<128x128xf32, #tpu.memory_space<vmem>>) offsets(%dma_start3A_510 : memref<128xi32, #tpu.memory_space<vmem>>) semaphore(%arg15 : memref<!tpu.dma_semaphore, #tpu.memory_space<semaphore_mem>>)
          } else {
          }
          %dma_start3A_493 = arith.constant 0 : i32
          %dma_start3A_494 = tpu.memref_slice %arg10[%scan3A_443, %dma_start3A_493] : memref<16x128xi32, #tpu.memory_space<vmem>> -> memref<1x128xi32, #tpu.memory_space<vmem>>
          %dma_start3A_495 = tpu.memref_squeeze %dma_start3A_494 : memref<1x128xi32, #tpu.memory_space<vmem>> -> memref<128xi32, #tpu.memory_space<vmem>>
          %dma_start3A_496 = arith.constant 0 : i32
          %dma_start3A_497 = arith.constant 0 : i32
          %dma_start3A_498 = tpu.memref_slice %arg13[%dma_start3A_496, %dma_start3A_497] : memref<10112x128xf32, #tpu.memory_space<vmem_shared>> -> memref<10112x128xf32, #tpu.memory_space<vmem_shared>>
          tpu.enqueue_indirect_dma source(%arg12 : memref<128x128xf32, #tpu.memory_space<vmem>>) target(%dma_start3A_498 : memref<10112x128xf32, #tpu.memory_space<vmem_shared>>) offsets(%dma_start3A_495 : memref<128xi32, #tpu.memory_space<vmem>>) semaphore(%arg18 : memref<!tpu.dma_semaphore, #tpu.memory_space<semaphore_mem>>) {add = true}
        } else {
        }
      }
      %scan3A_185 = arith.constant 16 : i32
      %dma_wait3A_186 = arith.constant 14 : i32
      %dma_wait3A_187 = arith.constant 0 : i32
      %dma_wait3A_188 = tpu.memref_slice %arg10[%dma_wait3A_186, %dma_wait3A_187] : memref<16x128xi32, #tpu.memory_space<vmem>> -> memref<1x128xi32, #tpu.memory_space<vmem>>
      %dma_wait3A_189 = tpu.memref_squeeze %dma_wait3A_188 : memref<1x128xi32, #tpu.memory_space<vmem>> -> memref<128xi32, #tpu.memory_space<vmem>>
      %dma_wait3A_190 = arith.constant 0 : i32
      %dma_wait3A_191 = arith.constant 0 : i32
      %dma_wait3A_192 = tpu.memref_slice %arg13[%dma_wait3A_190, %dma_wait3A_191] : memref<10112x128xf32, #tpu.memory_space<vmem_shared>> -> memref<10112x128xf32, #tpu.memory_space<vmem_shared>>
      tpu.wait_indirect_dma semaphore(%arg17 : memref<!tpu.dma_semaphore, #tpu.memory_space<semaphore_mem>>) src(%arg11 : memref<128x128xf32, #tpu.memory_space<vmem>>) dst(%dma_wait3A_192 : memref<10112x128xf32, #tpu.memory_space<vmem_shared>>)
      %dma_wait3A_193 = arith.constant 15 : i32
      %dma_wait3A_194 = arith.constant 0 : i32
      %dma_wait3A_195 = tpu.memref_slice %arg10[%dma_wait3A_193, %dma_wait3A_194] : memref<16x128xi32, #tpu.memory_space<vmem>> -> memref<1x128xi32, #tpu.memory_space<vmem>>
      %dma_wait3A_196 = tpu.memref_squeeze %dma_wait3A_195 : memref<1x128xi32, #tpu.memory_space<vmem>> -> memref<128xi32, #tpu.memory_space<vmem>>
      %dma_wait3A_197 = arith.constant 0 : i32
      %dma_wait3A_198 = arith.constant 0 : i32
      %dma_wait3A_199 = tpu.memref_slice %arg13[%dma_wait3A_197, %dma_wait3A_198] : memref<10112x128xf32, #tpu.memory_space<vmem_shared>> -> memref<10112x128xf32, #tpu.memory_space<vmem_shared>>
      tpu.wait_indirect_dma semaphore(%arg18 : memref<!tpu.dma_semaphore, #tpu.memory_space<semaphore_mem>>) src(%arg12 : memref<128x128xf32, #tpu.memory_space<vmem>>) dst(%dma_wait3A_199 : memref<10112x128xf32, #tpu.memory_space<vmem_shared>>)
      %add3A_200 = arith.constant 64 : i32
      %add3A_201 = arith.addi %mul3A_11, %add3A_200 : i32
      %dma_wait3A_202 = arith.constant 0 : i32
      %dma_wait3A_203 = tpu.memref_slice %arg3[%add3A_201, %dma_wait3A_202] : memref<2560x128xi32, #tpu.memory_space<hbm>> -> memref<16x128xi32, #tpu.memory_space<hbm>>
      %dma_wait3A_204 = arith.constant 0 : i32
      %dma_wait3A_205 = tpu.memref_slice %arg3[%add3A_201, %dma_wait3A_204] : memref<2560x128xi32, #tpu.memory_space<hbm>> -> memref<16x128xi32, #tpu.memory_space<hbm>>
      tpu.wait_dma2 semaphore(%arg14 : memref<!tpu.dma_semaphore, #tpu.memory_space<semaphore_mem>>) src(%dma_wait3A_205 : memref<16x128xi32, #tpu.memory_space<hbm>>) dst(%arg7 : memref<16x128xi32, #tpu.memory_space<vmem>>)
      %add3A_206 = arith.constant 64 : i32
      %add3A_207 = arith.addi %mul3A_11, %add3A_206 : i32
      %dma_wait3A_208 = arith.constant 0 : i32
      %dma_wait3A_209 = tpu.memref_slice %arg4[%add3A_207, %dma_wait3A_208] : memref<2560x128xi32, #tpu.memory_space<hbm>> -> memref<16x128xi32, #tpu.memory_space<hbm>>
      %dma_wait3A_210 = arith.constant 0 : i32
      %dma_wait3A_211 = tpu.memref_slice %arg4[%add3A_207, %dma_wait3A_210] : memref<2560x128xi32, #tpu.memory_space<hbm>> -> memref<16x128xi32, #tpu.memory_space<hbm>>
      tpu.wait_dma2 semaphore(%arg14 : memref<!tpu.dma_semaphore, #tpu.memory_space<semaphore_mem>>) src(%dma_wait3A_211 : memref<16x128xi32, #tpu.memory_space<hbm>>) dst(%arg9 : memref<16x128xi32, #tpu.memory_space<vmem>>)
      %add3A_212 = arith.constant 80 : i32
      %add3A_213 = arith.addi %mul3A_11, %add3A_212 : i32
      %dma_start3A_214 = arith.constant 0 : i32
      %dma_start3A_215 = tpu.memref_slice %arg3[%add3A_213, %dma_start3A_214] : memref<2560x128xi32, #tpu.memory_space<hbm>> -> memref<16x128xi32, #tpu.memory_space<hbm>>
      %dma_start3A_216 = arith.constant 0 : i32
      %dma_start3A_217 = tpu.memref_slice %arg3[%add3A_213, %dma_start3A_216] : memref<2560x128xi32, #tpu.memory_space<hbm>> -> memref<16x128xi32, #tpu.memory_space<hbm>>
      tpu.enqueue_dma source(%dma_start3A_217 : memref<16x128xi32, #tpu.memory_space<hbm>>) target(%arg8 : memref<16x128xi32, #tpu.memory_space<vmem>>) target_semaphore(%arg14 : memref<!tpu.dma_semaphore, #tpu.memory_space<semaphore_mem>>)
      %add3A_218 = arith.constant 80 : i32
      %add3A_219 = arith.addi %mul3A_11, %add3A_218 : i32
      %dma_start3A_220 = arith.constant 0 : i32
      %dma_start3A_221 = tpu.memref_slice %arg4[%add3A_219, %dma_start3A_220] : memref<2560x128xi32, #tpu.memory_space<hbm>> -> memref<16x128xi32, #tpu.memory_space<hbm>>
      %dma_start3A_222 = arith.constant 0 : i32
      %dma_start3A_223 = tpu.memref_slice %arg4[%add3A_219, %dma_start3A_222] : memref<2560x128xi32, #tpu.memory_space<hbm>> -> memref<16x128xi32, #tpu.memory_space<hbm>>
      tpu.enqueue_dma source(%dma_start3A_223 : memref<16x128xi32, #tpu.memory_space<hbm>>) target(%arg10 : memref<16x128xi32, #tpu.memory_space<vmem>>) target_semaphore(%arg14 : memref<!tpu.dma_semaphore, #tpu.memory_space<semaphore_mem>>)
      %dma_start3A_224 = arith.constant 0 : i32
      %dma_start3A_225 = arith.constant 0 : i32
      %dma_start3A_226 = tpu.memref_slice %arg7[%dma_start3A_224, %dma_start3A_225] : memref<16x128xi32, #tpu.memory_space<vmem>> -> memref<1x128xi32, #tpu.memory_space<vmem>>
      %dma_start3A_227 = tpu.memref_squeeze %dma_start3A_226 : memref<1x128xi32, #tpu.memory_space<vmem>> -> memref<128xi32, #tpu.memory_space<vmem>>
      %dma_start3A_228 = arith.constant 0 : i32
      %dma_start3A_229 = arith.constant 0 : i32
      %dma_start3A_230 = tpu.memref_slice %arg2[%dma_start3A_228, %dma_start3A_229] : memref<10000x128xf32, #tpu.memory_space<hbm>> -> memref<10000x128xf32, #tpu.memory_space<hbm>>
      tpu.enqueue_indirect_dma source(%dma_start3A_230 : memref<10000x128xf32, #tpu.memory_space<hbm>>) target(%arg11 : memref<128x128xf32, #tpu.memory_space<vmem>>) offsets(%dma_start3A_227 : memref<128xi32, #tpu.memory_space<vmem>>) semaphore(%arg15 : memref<!tpu.dma_semaphore, #tpu.memory_space<semaphore_mem>>)
      %scan3A_231 = arith.constant 0 : i32
      %scan3A_232 = arith.constant 0 : i32
      %scan3A_233 = arith.constant 16 : i32
      %scan3A_234 = arith.addi %scan3A_232, %scan3A_233 : i32
      %scan3A_235 = arith.constant 1 : i32
      scf.for %scan3A_443 = %scan3A_232 to %scan3A_234 step %scan3A_235  : i32 {
        %jit3A = arith.constant 2 : i32
        %eq3A_444 = arith.constant 0 : i32
        %eq3A_445 = arith.cmpi eq, %jit3A, %eq3A_444 : i32
        %jit3A_446 = arith.constant 1 : i32
        %select_n3A = arith.select %eq3A_445, %jit3A_446, %jit3A : i32
        %rem3A = arith.remsi %scan3A_443, %select_n3A : i32
        %ne3A = arith.constant 0 : i32
        %ne3A_447 = arith.cmpi ne, %rem3A, %ne3A : i32
        %lt3A = arith.constant 0 : i32
        %lt3A_448 = arith.cmpi slt, %rem3A, %lt3A : i32
        %lt3A_449 = arith.constant 0 : i32
        %lt3A_450 = arith.cmpi slt, %select_n3A, %lt3A_449 : i32
        %ne3A_451 = arith.xori %lt3A_448, %lt3A_450 : i1
        %and3A = arith.andi %ne3A_451, %ne3A_447 : i1
        %add3A_452 = arith.addi %rem3A, %select_n3A : i32
        %select_n3A_453 = arith.select %and3A, %add3A_452, %rem3A : i32
        %eq3A_454 = arith.constant 0 : i32
        %eq3A_455 = arith.cmpi eq, %select_n3A_453, %eq3A_454 : i32
        %convert_element_type3A_456 = arith.extui %eq3A_455 : i1 to i32
        %cond3A_457 = arith.constant 0 : i32
        %cond3A_458 = arith.cmpi ne, %convert_element_type3A_456, %cond3A_457 : i32
        scf.if %cond3A_458 {
          %dma_wait3A_480 = arith.constant 0 : i32
          %dma_wait3A_481 = tpu.memref_slice %arg7[%scan3A_443, %dma_wait3A_480] : memref<16x128xi32, #tpu.memory_space<vmem>> -> memref<1x128xi32, #tpu.memory_space<vmem>>
          %dma_wait3A_482 = tpu.memref_squeeze %dma_wait3A_481 : memref<1x128xi32, #tpu.memory_space<vmem>> -> memref<128xi32, #tpu.memory_space<vmem>>
          %dma_wait3A_483 = arith.constant 0 : i32
          %dma_wait3A_484 = arith.constant 0 : i32
          %dma_wait3A_485 = tpu.memref_slice %arg2[%dma_wait3A_483, %dma_wait3A_484] : memref<10000x128xf32, #tpu.memory_space<hbm>> -> memref<10000x128xf32, #tpu.memory_space<hbm>>
          tpu.wait_indirect_dma semaphore(%arg15 : memref<!tpu.dma_semaphore, #tpu.memory_space<semaphore_mem>>) src(%dma_wait3A_485 : memref<10000x128xf32, #tpu.memory_space<hbm>>) dst(%arg11 : memref<128x128xf32, #tpu.memory_space<vmem>>)
          %add3A_486 = arith.constant 1 : i32
          %add3A_487 = arith.addi %scan3A_443, %add3A_486 : i32
          %lt3A_488 = arith.constant 16 : i32
          %lt3A_489 = arith.cmpi slt, %add3A_487, %lt3A_488 : i32
          %convert_element_type3A_490 = arith.extui %lt3A_489 : i1 to i32
          %cond3A_491 = arith.constant 0 : i32
          %cond3A_492 = arith.cmpi ne, %convert_element_type3A_490, %cond3A_491 : i32
          scf.if %cond3A_492 {
            %gt3A = arith.constant 0 : i32
            %gt3A_499 = arith.cmpi sgt, %scan3A_443, %gt3A : i32
            %convert_element_type3A_500 = arith.extui %gt3A_499 : i1 to i32
            %cond3A_501 = arith.constant 0 : i32
            %cond3A_502 = arith.cmpi ne, %convert_element_type3A_500, %cond3A_501 : i32
            scf.if %cond3A_502 {
              %sub3A = arith.constant 1 : i32
              %sub3A_511 = arith.subi %scan3A_443, %sub3A : i32
              %dma_wait3A_512 = arith.constant 0 : i32
              %dma_wait3A_513 = tpu.memref_slice %arg9[%sub3A_511, %dma_wait3A_512] : memref<16x128xi32, #tpu.memory_space<vmem>> -> memref<1x128xi32, #tpu.memory_space<vmem>>
              %dma_wait3A_514 = tpu.memref_squeeze %dma_wait3A_513 : memref<1x128xi32, #tpu.memory_space<vmem>> -> memref<128xi32, #tpu.memory_space<vmem>>
              %dma_wait3A_515 = arith.constant 0 : i32
              %dma_wait3A_516 = arith.constant 0 : i32
              %dma_wait3A_517 = tpu.memref_slice %arg13[%dma_wait3A_515, %dma_wait3A_516] : memref<10112x128xf32, #tpu.memory_space<vmem_shared>> -> memref<10112x128xf32, #tpu.memory_space<vmem_shared>>
              tpu.wait_indirect_dma semaphore(%arg18 : memref<!tpu.dma_semaphore, #tpu.memory_space<semaphore_mem>>) src(%arg12 : memref<128x128xf32, #tpu.memory_space<vmem>>) dst(%dma_wait3A_517 : memref<10112x128xf32, #tpu.memory_space<vmem_shared>>)
            } else {
            }
            %add3A_503 = arith.constant 1 : i32
            %add3A_504 = arith.addi %scan3A_443, %add3A_503 : i32
            %dma_start3A_505 = arith.constant 0 : i32
            %dma_start3A_506 = tpu.memref_slice %arg7[%add3A_504, %dma_start3A_505] : memref<16x128xi32, #tpu.memory_space<vmem>> -> memref<1x128xi32, #tpu.memory_space<vmem>>
            %dma_start3A_507 = tpu.memref_squeeze %dma_start3A_506 : memref<1x128xi32, #tpu.memory_space<vmem>> -> memref<128xi32, #tpu.memory_space<vmem>>
            %dma_start3A_508 = arith.constant 0 : i32
            %dma_start3A_509 = arith.constant 0 : i32
            %dma_start3A_510 = tpu.memref_slice %arg2[%dma_start3A_508, %dma_start3A_509] : memref<10000x128xf32, #tpu.memory_space<hbm>> -> memref<10000x128xf32, #tpu.memory_space<hbm>>
            tpu.enqueue_indirect_dma source(%dma_start3A_510 : memref<10000x128xf32, #tpu.memory_space<hbm>>) target(%arg12 : memref<128x128xf32, #tpu.memory_space<vmem>>) offsets(%dma_start3A_507 : memref<128xi32, #tpu.memory_space<vmem>>) semaphore(%arg16 : memref<!tpu.dma_semaphore, #tpu.memory_space<semaphore_mem>>)
          } else {
          }
          %dma_start3A_493 = arith.constant 0 : i32
          %dma_start3A_494 = tpu.memref_slice %arg9[%scan3A_443, %dma_start3A_493] : memref<16x128xi32, #tpu.memory_space<vmem>> -> memref<1x128xi32, #tpu.memory_space<vmem>>
          %dma_start3A_495 = tpu.memref_squeeze %dma_start3A_494 : memref<1x128xi32, #tpu.memory_space<vmem>> -> memref<128xi32, #tpu.memory_space<vmem>>
          %dma_start3A_496 = arith.constant 0 : i32
          %dma_start3A_497 = arith.constant 0 : i32
          %dma_start3A_498 = tpu.memref_slice %arg13[%dma_start3A_496, %dma_start3A_497] : memref<10112x128xf32, #tpu.memory_space<vmem_shared>> -> memref<10112x128xf32, #tpu.memory_space<vmem_shared>>
          tpu.enqueue_indirect_dma source(%arg11 : memref<128x128xf32, #tpu.memory_space<vmem>>) target(%dma_start3A_498 : memref<10112x128xf32, #tpu.memory_space<vmem_shared>>) offsets(%dma_start3A_495 : memref<128xi32, #tpu.memory_space<vmem>>) semaphore(%arg17 : memref<!tpu.dma_semaphore, #tpu.memory_space<semaphore_mem>>) {add = true}
        } else {
        }
        %jit3A_459 = arith.constant 2 : i32
        %eq3A_460 = arith.constant 0 : i32
        %eq3A_461 = arith.cmpi eq, %jit3A_459, %eq3A_460 : i32
        %jit3A_462 = arith.constant 1 : i32
        %select_n3A_463 = arith.select %eq3A_461, %jit3A_462, %jit3A_459 : i32
        %rem3A_464 = arith.remsi %scan3A_443, %select_n3A_463 : i32
        %ne3A_465 = arith.constant 0 : i32
        %ne3A_466 = arith.cmpi ne, %rem3A_464, %ne3A_465 : i32
        %lt3A_467 = arith.constant 0 : i32
        %lt3A_468 = arith.cmpi slt, %rem3A_464, %lt3A_467 : i32
        %lt3A_469 = arith.constant 0 : i32
        %lt3A_470 = arith.cmpi slt, %select_n3A_463, %lt3A_469 : i32
        %ne3A_471 = arith.xori %lt3A_468, %lt3A_470 : i1
        %and3A_472 = arith.andi %ne3A_471, %ne3A_466 : i1
        %add3A_473 = arith.addi %rem3A_464, %select_n3A_463 : i32
        %select_n3A_474 = arith.select %and3A_472, %add3A_473, %rem3A_464 : i32
        %eq3A_475 = arith.constant 1 : i32
        %eq3A_476 = arith.cmpi eq, %select_n3A_474, %eq3A_475 : i32
        %convert_element_type3A_477 = arith.extui %eq3A_476 : i1 to i32
        %cond3A_478 = arith.constant 0 : i32
        %cond3A_479 = arith.cmpi ne, %convert_element_type3A_477, %cond3A_478 : i32
        scf.if %cond3A_479 {
          %dma_wait3A_480 = arith.constant 0 : i32
          %dma_wait3A_481 = tpu.memref_slice %arg7[%scan3A_443, %dma_wait3A_480] : memref<16x128xi32, #tpu.memory_space<vmem>> -> memref<1x128xi32, #tpu.memory_space<vmem>>
          %dma_wait3A_482 = tpu.memref_squeeze %dma_wait3A_481 : memref<1x128xi32, #tpu.memory_space<vmem>> -> memref<128xi32, #tpu.memory_space<vmem>>
          %dma_wait3A_483 = arith.constant 0 : i32
          %dma_wait3A_484 = arith.constant 0 : i32
          %dma_wait3A_485 = tpu.memref_slice %arg2[%dma_wait3A_483, %dma_wait3A_484] : memref<10000x128xf32, #tpu.memory_space<hbm>> -> memref<10000x128xf32, #tpu.memory_space<hbm>>
          tpu.wait_indirect_dma semaphore(%arg16 : memref<!tpu.dma_semaphore, #tpu.memory_space<semaphore_mem>>) src(%dma_wait3A_485 : memref<10000x128xf32, #tpu.memory_space<hbm>>) dst(%arg12 : memref<128x128xf32, #tpu.memory_space<vmem>>)
          %add3A_486 = arith.constant 1 : i32
          %add3A_487 = arith.addi %scan3A_443, %add3A_486 : i32
          %lt3A_488 = arith.constant 16 : i32
          %lt3A_489 = arith.cmpi slt, %add3A_487, %lt3A_488 : i32
          %convert_element_type3A_490 = arith.extui %lt3A_489 : i1 to i32
          %cond3A_491 = arith.constant 0 : i32
          %cond3A_492 = arith.cmpi ne, %convert_element_type3A_490, %cond3A_491 : i32
          scf.if %cond3A_492 {
            %sub3A = arith.constant 1 : i32
            %sub3A_499 = arith.subi %scan3A_443, %sub3A : i32
            %dma_wait3A_500 = arith.constant 0 : i32
            %dma_wait3A_501 = tpu.memref_slice %arg9[%sub3A_499, %dma_wait3A_500] : memref<16x128xi32, #tpu.memory_space<vmem>> -> memref<1x128xi32, #tpu.memory_space<vmem>>
            %dma_wait3A_502 = tpu.memref_squeeze %dma_wait3A_501 : memref<1x128xi32, #tpu.memory_space<vmem>> -> memref<128xi32, #tpu.memory_space<vmem>>
            %dma_wait3A_503 = arith.constant 0 : i32
            %dma_wait3A_504 = arith.constant 0 : i32
            %dma_wait3A_505 = tpu.memref_slice %arg13[%dma_wait3A_503, %dma_wait3A_504] : memref<10112x128xf32, #tpu.memory_space<vmem_shared>> -> memref<10112x128xf32, #tpu.memory_space<vmem_shared>>
            tpu.wait_indirect_dma semaphore(%arg17 : memref<!tpu.dma_semaphore, #tpu.memory_space<semaphore_mem>>) src(%arg11 : memref<128x128xf32, #tpu.memory_space<vmem>>) dst(%dma_wait3A_505 : memref<10112x128xf32, #tpu.memory_space<vmem_shared>>)
            %add3A_506 = arith.constant 1 : i32
            %add3A_507 = arith.addi %scan3A_443, %add3A_506 : i32
            %dma_start3A_508 = arith.constant 0 : i32
            %dma_start3A_509 = tpu.memref_slice %arg7[%add3A_507, %dma_start3A_508] : memref<16x128xi32, #tpu.memory_space<vmem>> -> memref<1x128xi32, #tpu.memory_space<vmem>>
            %dma_start3A_510 = tpu.memref_squeeze %dma_start3A_509 : memref<1x128xi32, #tpu.memory_space<vmem>> -> memref<128xi32, #tpu.memory_space<vmem>>
            %dma_start3A_511 = arith.constant 0 : i32
            %dma_start3A_512 = arith.constant 0 : i32
            %dma_start3A_513 = tpu.memref_slice %arg2[%dma_start3A_511, %dma_start3A_512] : memref<10000x128xf32, #tpu.memory_space<hbm>> -> memref<10000x128xf32, #tpu.memory_space<hbm>>
            tpu.enqueue_indirect_dma source(%dma_start3A_513 : memref<10000x128xf32, #tpu.memory_space<hbm>>) target(%arg11 : memref<128x128xf32, #tpu.memory_space<vmem>>) offsets(%dma_start3A_510 : memref<128xi32, #tpu.memory_space<vmem>>) semaphore(%arg15 : memref<!tpu.dma_semaphore, #tpu.memory_space<semaphore_mem>>)
          } else {
          }
          %dma_start3A_493 = arith.constant 0 : i32
          %dma_start3A_494 = tpu.memref_slice %arg9[%scan3A_443, %dma_start3A_493] : memref<16x128xi32, #tpu.memory_space<vmem>> -> memref<1x128xi32, #tpu.memory_space<vmem>>
          %dma_start3A_495 = tpu.memref_squeeze %dma_start3A_494 : memref<1x128xi32, #tpu.memory_space<vmem>> -> memref<128xi32, #tpu.memory_space<vmem>>
          %dma_start3A_496 = arith.constant 0 : i32
          %dma_start3A_497 = arith.constant 0 : i32
          %dma_start3A_498 = tpu.memref_slice %arg13[%dma_start3A_496, %dma_start3A_497] : memref<10112x128xf32, #tpu.memory_space<vmem_shared>> -> memref<10112x128xf32, #tpu.memory_space<vmem_shared>>
          tpu.enqueue_indirect_dma source(%arg12 : memref<128x128xf32, #tpu.memory_space<vmem>>) target(%dma_start3A_498 : memref<10112x128xf32, #tpu.memory_space<vmem_shared>>) offsets(%dma_start3A_495 : memref<128xi32, #tpu.memory_space<vmem>>) semaphore(%arg18 : memref<!tpu.dma_semaphore, #tpu.memory_space<semaphore_mem>>) {add = true}
        } else {
        }
      }
      %scan3A_236 = arith.constant 16 : i32
      %dma_wait3A_237 = arith.constant 14 : i32
      %dma_wait3A_238 = arith.constant 0 : i32
      %dma_wait3A_239 = tpu.memref_slice %arg9[%dma_wait3A_237, %dma_wait3A_238] : memref<16x128xi32, #tpu.memory_space<vmem>> -> memref<1x128xi32, #tpu.memory_space<vmem>>
      %dma_wait3A_240 = tpu.memref_squeeze %dma_wait3A_239 : memref<1x128xi32, #tpu.memory_space<vmem>> -> memref<128xi32, #tpu.memory_space<vmem>>
      %dma_wait3A_241 = arith.constant 0 : i32
      %dma_wait3A_242 = arith.constant 0 : i32
      %dma_wait3A_243 = tpu.memref_slice %arg13[%dma_wait3A_241, %dma_wait3A_242] : memref<10112x128xf32, #tpu.memory_space<vmem_shared>> -> memref<10112x128xf32, #tpu.memory_space<vmem_shared>>
      tpu.wait_indirect_dma semaphore(%arg17 : memref<!tpu.dma_semaphore, #tpu.memory_space<semaphore_mem>>) src(%arg11 : memref<128x128xf32, #tpu.memory_space<vmem>>) dst(%dma_wait3A_243 : memref<10112x128xf32, #tpu.memory_space<vmem_shared>>)
      %dma_wait3A_244 = arith.constant 15 : i32
      %dma_wait3A_245 = arith.constant 0 : i32
      %dma_wait3A_246 = tpu.memref_slice %arg9[%dma_wait3A_244, %dma_wait3A_245] : memref<16x128xi32, #tpu.memory_space<vmem>> -> memref<1x128xi32, #tpu.memory_space<vmem>>
      %dma_wait3A_247 = tpu.memref_squeeze %dma_wait3A_246 : memref<1x128xi32, #tpu.memory_space<vmem>> -> memref<128xi32, #tpu.memory_space<vmem>>
      %dma_wait3A_248 = arith.constant 0 : i32
      %dma_wait3A_249 = arith.constant 0 : i32
      %dma_wait3A_250 = tpu.memref_slice %arg13[%dma_wait3A_248, %dma_wait3A_249] : memref<10112x128xf32, #tpu.memory_space<vmem_shared>> -> memref<10112x128xf32, #tpu.memory_space<vmem_shared>>
      tpu.wait_indirect_dma semaphore(%arg18 : memref<!tpu.dma_semaphore, #tpu.memory_space<semaphore_mem>>) src(%arg12 : memref<128x128xf32, #tpu.memory_space<vmem>>) dst(%dma_wait3A_250 : memref<10112x128xf32, #tpu.memory_space<vmem_shared>>)
      %add3A_251 = arith.constant 80 : i32
      %add3A_252 = arith.addi %mul3A_11, %add3A_251 : i32
      %dma_wait3A_253 = arith.constant 0 : i32
      %dma_wait3A_254 = tpu.memref_slice %arg3[%add3A_252, %dma_wait3A_253] : memref<2560x128xi32, #tpu.memory_space<hbm>> -> memref<16x128xi32, #tpu.memory_space<hbm>>
      %dma_wait3A_255 = arith.constant 0 : i32
      %dma_wait3A_256 = tpu.memref_slice %arg3[%add3A_252, %dma_wait3A_255] : memref<2560x128xi32, #tpu.memory_space<hbm>> -> memref<16x128xi32, #tpu.memory_space<hbm>>
      tpu.wait_dma2 semaphore(%arg14 : memref<!tpu.dma_semaphore, #tpu.memory_space<semaphore_mem>>) src(%dma_wait3A_256 : memref<16x128xi32, #tpu.memory_space<hbm>>) dst(%arg8 : memref<16x128xi32, #tpu.memory_space<vmem>>)
      %add3A_257 = arith.constant 80 : i32
      %add3A_258 = arith.addi %mul3A_11, %add3A_257 : i32
      %dma_wait3A_259 = arith.constant 0 : i32
      %dma_wait3A_260 = tpu.memref_slice %arg4[%add3A_258, %dma_wait3A_259] : memref<2560x128xi32, #tpu.memory_space<hbm>> -> memref<16x128xi32, #tpu.memory_space<hbm>>
      %dma_wait3A_261 = arith.constant 0 : i32
      %dma_wait3A_262 = tpu.memref_slice %arg4[%add3A_258, %dma_wait3A_261] : memref<2560x128xi32, #tpu.memory_space<hbm>> -> memref<16x128xi32, #tpu.memory_space<hbm>>
      tpu.wait_dma2 semaphore(%arg14 : memref<!tpu.dma_semaphore, #tpu.memory_space<semaphore_mem>>) src(%dma_wait3A_262 : memref<16x128xi32, #tpu.memory_space<hbm>>) dst(%arg10 : memref<16x128xi32, #tpu.memory_space<vmem>>)
      %add3A_263 = arith.constant 96 : i32
      %add3A_264 = arith.addi %mul3A_11, %add3A_263 : i32
      %dma_start3A_265 = arith.constant 0 : i32
      %dma_start3A_266 = tpu.memref_slice %arg3[%add3A_264, %dma_start3A_265] : memref<2560x128xi32, #tpu.memory_space<hbm>> -> memref<16x128xi32, #tpu.memory_space<hbm>>
      %dma_start3A_267 = arith.constant 0 : i32
      %dma_start3A_268 = tpu.memref_slice %arg3[%add3A_264, %dma_start3A_267] : memref<2560x128xi32, #tpu.memory_space<hbm>> -> memref<16x128xi32, #tpu.memory_space<hbm>>
      tpu.enqueue_dma source(%dma_start3A_268 : memref<16x128xi32, #tpu.memory_space<hbm>>) target(%arg7 : memref<16x128xi32, #tpu.memory_space<vmem>>) target_semaphore(%arg14 : memref<!tpu.dma_semaphore, #tpu.memory_space<semaphore_mem>>)
      %add3A_269 = arith.constant 96 : i32
      %add3A_270 = arith.addi %mul3A_11, %add3A_269 : i32
      %dma_start3A_271 = arith.constant 0 : i32
      %dma_start3A_272 = tpu.memref_slice %arg4[%add3A_270, %dma_start3A_271] : memref<2560x128xi32, #tpu.memory_space<hbm>> -> memref<16x128xi32, #tpu.memory_space<hbm>>
      %dma_start3A_273 = arith.constant 0 : i32
      %dma_start3A_274 = tpu.memref_slice %arg4[%add3A_270, %dma_start3A_273] : memref<2560x128xi32, #tpu.memory_space<hbm>> -> memref<16x128xi32, #tpu.memory_space<hbm>>
      tpu.enqueue_dma source(%dma_start3A_274 : memref<16x128xi32, #tpu.memory_space<hbm>>) target(%arg9 : memref<16x128xi32, #tpu.memory_space<vmem>>) target_semaphore(%arg14 : memref<!tpu.dma_semaphore, #tpu.memory_space<semaphore_mem>>)
      %dma_start3A_275 = arith.constant 0 : i32
      %dma_start3A_276 = arith.constant 0 : i32
      %dma_start3A_277 = tpu.memref_slice %arg8[%dma_start3A_275, %dma_start3A_276] : memref<16x128xi32, #tpu.memory_space<vmem>> -> memref<1x128xi32, #tpu.memory_space<vmem>>
      %dma_start3A_278 = tpu.memref_squeeze %dma_start3A_277 : memref<1x128xi32, #tpu.memory_space<vmem>> -> memref<128xi32, #tpu.memory_space<vmem>>
      %dma_start3A_279 = arith.constant 0 : i32
      %dma_start3A_280 = arith.constant 0 : i32
      %dma_start3A_281 = tpu.memref_slice %arg2[%dma_start3A_279, %dma_start3A_280] : memref<10000x128xf32, #tpu.memory_space<hbm>> -> memref<10000x128xf32, #tpu.memory_space<hbm>>
      tpu.enqueue_indirect_dma source(%dma_start3A_281 : memref<10000x128xf32, #tpu.memory_space<hbm>>) target(%arg11 : memref<128x128xf32, #tpu.memory_space<vmem>>) offsets(%dma_start3A_278 : memref<128xi32, #tpu.memory_space<vmem>>) semaphore(%arg15 : memref<!tpu.dma_semaphore, #tpu.memory_space<semaphore_mem>>)
      %scan3A_282 = arith.constant 0 : i32
      %scan3A_283 = arith.constant 0 : i32
      %scan3A_284 = arith.constant 16 : i32
      %scan3A_285 = arith.addi %scan3A_283, %scan3A_284 : i32
      %scan3A_286 = arith.constant 1 : i32
      scf.for %scan3A_443 = %scan3A_283 to %scan3A_285 step %scan3A_286  : i32 {
        %jit3A = arith.constant 2 : i32
        %eq3A_444 = arith.constant 0 : i32
        %eq3A_445 = arith.cmpi eq, %jit3A, %eq3A_444 : i32
        %jit3A_446 = arith.constant 1 : i32
        %select_n3A = arith.select %eq3A_445, %jit3A_446, %jit3A : i32
        %rem3A = arith.remsi %scan3A_443, %select_n3A : i32
        %ne3A = arith.constant 0 : i32
        %ne3A_447 = arith.cmpi ne, %rem3A, %ne3A : i32
        %lt3A = arith.constant 0 : i32
        %lt3A_448 = arith.cmpi slt, %rem3A, %lt3A : i32
        %lt3A_449 = arith.constant 0 : i32
        %lt3A_450 = arith.cmpi slt, %select_n3A, %lt3A_449 : i32
        %ne3A_451 = arith.xori %lt3A_448, %lt3A_450 : i1
        %and3A = arith.andi %ne3A_451, %ne3A_447 : i1
        %add3A_452 = arith.addi %rem3A, %select_n3A : i32
        %select_n3A_453 = arith.select %and3A, %add3A_452, %rem3A : i32
        %eq3A_454 = arith.constant 0 : i32
        %eq3A_455 = arith.cmpi eq, %select_n3A_453, %eq3A_454 : i32
        %convert_element_type3A_456 = arith.extui %eq3A_455 : i1 to i32
        %cond3A_457 = arith.constant 0 : i32
        %cond3A_458 = arith.cmpi ne, %convert_element_type3A_456, %cond3A_457 : i32
        scf.if %cond3A_458 {
          %dma_wait3A_480 = arith.constant 0 : i32
          %dma_wait3A_481 = tpu.memref_slice %arg8[%scan3A_443, %dma_wait3A_480] : memref<16x128xi32, #tpu.memory_space<vmem>> -> memref<1x128xi32, #tpu.memory_space<vmem>>
          %dma_wait3A_482 = tpu.memref_squeeze %dma_wait3A_481 : memref<1x128xi32, #tpu.memory_space<vmem>> -> memref<128xi32, #tpu.memory_space<vmem>>
          %dma_wait3A_483 = arith.constant 0 : i32
          %dma_wait3A_484 = arith.constant 0 : i32
          %dma_wait3A_485 = tpu.memref_slice %arg2[%dma_wait3A_483, %dma_wait3A_484] : memref<10000x128xf32, #tpu.memory_space<hbm>> -> memref<10000x128xf32, #tpu.memory_space<hbm>>
          tpu.wait_indirect_dma semaphore(%arg15 : memref<!tpu.dma_semaphore, #tpu.memory_space<semaphore_mem>>) src(%dma_wait3A_485 : memref<10000x128xf32, #tpu.memory_space<hbm>>) dst(%arg11 : memref<128x128xf32, #tpu.memory_space<vmem>>)
          %add3A_486 = arith.constant 1 : i32
          %add3A_487 = arith.addi %scan3A_443, %add3A_486 : i32
          %lt3A_488 = arith.constant 16 : i32
          %lt3A_489 = arith.cmpi slt, %add3A_487, %lt3A_488 : i32
          %convert_element_type3A_490 = arith.extui %lt3A_489 : i1 to i32
          %cond3A_491 = arith.constant 0 : i32
          %cond3A_492 = arith.cmpi ne, %convert_element_type3A_490, %cond3A_491 : i32
          scf.if %cond3A_492 {
            %gt3A = arith.constant 0 : i32
            %gt3A_499 = arith.cmpi sgt, %scan3A_443, %gt3A : i32
            %convert_element_type3A_500 = arith.extui %gt3A_499 : i1 to i32
            %cond3A_501 = arith.constant 0 : i32
            %cond3A_502 = arith.cmpi ne, %convert_element_type3A_500, %cond3A_501 : i32
            scf.if %cond3A_502 {
              %sub3A = arith.constant 1 : i32
              %sub3A_511 = arith.subi %scan3A_443, %sub3A : i32
              %dma_wait3A_512 = arith.constant 0 : i32
              %dma_wait3A_513 = tpu.memref_slice %arg10[%sub3A_511, %dma_wait3A_512] : memref<16x128xi32, #tpu.memory_space<vmem>> -> memref<1x128xi32, #tpu.memory_space<vmem>>
              %dma_wait3A_514 = tpu.memref_squeeze %dma_wait3A_513 : memref<1x128xi32, #tpu.memory_space<vmem>> -> memref<128xi32, #tpu.memory_space<vmem>>
              %dma_wait3A_515 = arith.constant 0 : i32
              %dma_wait3A_516 = arith.constant 0 : i32
              %dma_wait3A_517 = tpu.memref_slice %arg13[%dma_wait3A_515, %dma_wait3A_516] : memref<10112x128xf32, #tpu.memory_space<vmem_shared>> -> memref<10112x128xf32, #tpu.memory_space<vmem_shared>>
              tpu.wait_indirect_dma semaphore(%arg18 : memref<!tpu.dma_semaphore, #tpu.memory_space<semaphore_mem>>) src(%arg12 : memref<128x128xf32, #tpu.memory_space<vmem>>) dst(%dma_wait3A_517 : memref<10112x128xf32, #tpu.memory_space<vmem_shared>>)
            } else {
            }
            %add3A_503 = arith.constant 1 : i32
            %add3A_504 = arith.addi %scan3A_443, %add3A_503 : i32
            %dma_start3A_505 = arith.constant 0 : i32
            %dma_start3A_506 = tpu.memref_slice %arg8[%add3A_504, %dma_start3A_505] : memref<16x128xi32, #tpu.memory_space<vmem>> -> memref<1x128xi32, #tpu.memory_space<vmem>>
            %dma_start3A_507 = tpu.memref_squeeze %dma_start3A_506 : memref<1x128xi32, #tpu.memory_space<vmem>> -> memref<128xi32, #tpu.memory_space<vmem>>
            %dma_start3A_508 = arith.constant 0 : i32
            %dma_start3A_509 = arith.constant 0 : i32
            %dma_start3A_510 = tpu.memref_slice %arg2[%dma_start3A_508, %dma_start3A_509] : memref<10000x128xf32, #tpu.memory_space<hbm>> -> memref<10000x128xf32, #tpu.memory_space<hbm>>
            tpu.enqueue_indirect_dma source(%dma_start3A_510 : memref<10000x128xf32, #tpu.memory_space<hbm>>) target(%arg12 : memref<128x128xf32, #tpu.memory_space<vmem>>) offsets(%dma_start3A_507 : memref<128xi32, #tpu.memory_space<vmem>>) semaphore(%arg16 : memref<!tpu.dma_semaphore, #tpu.memory_space<semaphore_mem>>)
          } else {
          }
          %dma_start3A_493 = arith.constant 0 : i32
          %dma_start3A_494 = tpu.memref_slice %arg10[%scan3A_443, %dma_start3A_493] : memref<16x128xi32, #tpu.memory_space<vmem>> -> memref<1x128xi32, #tpu.memory_space<vmem>>
          %dma_start3A_495 = tpu.memref_squeeze %dma_start3A_494 : memref<1x128xi32, #tpu.memory_space<vmem>> -> memref<128xi32, #tpu.memory_space<vmem>>
          %dma_start3A_496 = arith.constant 0 : i32
          %dma_start3A_497 = arith.constant 0 : i32
          %dma_start3A_498 = tpu.memref_slice %arg13[%dma_start3A_496, %dma_start3A_497] : memref<10112x128xf32, #tpu.memory_space<vmem_shared>> -> memref<10112x128xf32, #tpu.memory_space<vmem_shared>>
          tpu.enqueue_indirect_dma source(%arg11 : memref<128x128xf32, #tpu.memory_space<vmem>>) target(%dma_start3A_498 : memref<10112x128xf32, #tpu.memory_space<vmem_shared>>) offsets(%dma_start3A_495 : memref<128xi32, #tpu.memory_space<vmem>>) semaphore(%arg17 : memref<!tpu.dma_semaphore, #tpu.memory_space<semaphore_mem>>) {add = true}
        } else {
        }
        %jit3A_459 = arith.constant 2 : i32
        %eq3A_460 = arith.constant 0 : i32
        %eq3A_461 = arith.cmpi eq, %jit3A_459, %eq3A_460 : i32
        %jit3A_462 = arith.constant 1 : i32
        %select_n3A_463 = arith.select %eq3A_461, %jit3A_462, %jit3A_459 : i32
        %rem3A_464 = arith.remsi %scan3A_443, %select_n3A_463 : i32
        %ne3A_465 = arith.constant 0 : i32
        %ne3A_466 = arith.cmpi ne, %rem3A_464, %ne3A_465 : i32
        %lt3A_467 = arith.constant 0 : i32
        %lt3A_468 = arith.cmpi slt, %rem3A_464, %lt3A_467 : i32
        %lt3A_469 = arith.constant 0 : i32
        %lt3A_470 = arith.cmpi slt, %select_n3A_463, %lt3A_469 : i32
        %ne3A_471 = arith.xori %lt3A_468, %lt3A_470 : i1
        %and3A_472 = arith.andi %ne3A_471, %ne3A_466 : i1
        %add3A_473 = arith.addi %rem3A_464, %select_n3A_463 : i32
        %select_n3A_474 = arith.select %and3A_472, %add3A_473, %rem3A_464 : i32
        %eq3A_475 = arith.constant 1 : i32
        %eq3A_476 = arith.cmpi eq, %select_n3A_474, %eq3A_475 : i32
        %convert_element_type3A_477 = arith.extui %eq3A_476 : i1 to i32
        %cond3A_478 = arith.constant 0 : i32
        %cond3A_479 = arith.cmpi ne, %convert_element_type3A_477, %cond3A_478 : i32
        scf.if %cond3A_479 {
          %dma_wait3A_480 = arith.constant 0 : i32
          %dma_wait3A_481 = tpu.memref_slice %arg8[%scan3A_443, %dma_wait3A_480] : memref<16x128xi32, #tpu.memory_space<vmem>> -> memref<1x128xi32, #tpu.memory_space<vmem>>
          %dma_wait3A_482 = tpu.memref_squeeze %dma_wait3A_481 : memref<1x128xi32, #tpu.memory_space<vmem>> -> memref<128xi32, #tpu.memory_space<vmem>>
          %dma_wait3A_483 = arith.constant 0 : i32
          %dma_wait3A_484 = arith.constant 0 : i32
          %dma_wait3A_485 = tpu.memref_slice %arg2[%dma_wait3A_483, %dma_wait3A_484] : memref<10000x128xf32, #tpu.memory_space<hbm>> -> memref<10000x128xf32, #tpu.memory_space<hbm>>
          tpu.wait_indirect_dma semaphore(%arg16 : memref<!tpu.dma_semaphore, #tpu.memory_space<semaphore_mem>>) src(%dma_wait3A_485 : memref<10000x128xf32, #tpu.memory_space<hbm>>) dst(%arg12 : memref<128x128xf32, #tpu.memory_space<vmem>>)
          %add3A_486 = arith.constant 1 : i32
          %add3A_487 = arith.addi %scan3A_443, %add3A_486 : i32
          %lt3A_488 = arith.constant 16 : i32
          %lt3A_489 = arith.cmpi slt, %add3A_487, %lt3A_488 : i32
          %convert_element_type3A_490 = arith.extui %lt3A_489 : i1 to i32
          %cond3A_491 = arith.constant 0 : i32
          %cond3A_492 = arith.cmpi ne, %convert_element_type3A_490, %cond3A_491 : i32
          scf.if %cond3A_492 {
            %sub3A = arith.constant 1 : i32
            %sub3A_499 = arith.subi %scan3A_443, %sub3A : i32
            %dma_wait3A_500 = arith.constant 0 : i32
            %dma_wait3A_501 = tpu.memref_slice %arg10[%sub3A_499, %dma_wait3A_500] : memref<16x128xi32, #tpu.memory_space<vmem>> -> memref<1x128xi32, #tpu.memory_space<vmem>>
            %dma_wait3A_502 = tpu.memref_squeeze %dma_wait3A_501 : memref<1x128xi32, #tpu.memory_space<vmem>> -> memref<128xi32, #tpu.memory_space<vmem>>
            %dma_wait3A_503 = arith.constant 0 : i32
            %dma_wait3A_504 = arith.constant 0 : i32
            %dma_wait3A_505 = tpu.memref_slice %arg13[%dma_wait3A_503, %dma_wait3A_504] : memref<10112x128xf32, #tpu.memory_space<vmem_shared>> -> memref<10112x128xf32, #tpu.memory_space<vmem_shared>>
            tpu.wait_indirect_dma semaphore(%arg17 : memref<!tpu.dma_semaphore, #tpu.memory_space<semaphore_mem>>) src(%arg11 : memref<128x128xf32, #tpu.memory_space<vmem>>) dst(%dma_wait3A_505 : memref<10112x128xf32, #tpu.memory_space<vmem_shared>>)
            %add3A_506 = arith.constant 1 : i32
            %add3A_507 = arith.addi %scan3A_443, %add3A_506 : i32
            %dma_start3A_508 = arith.constant 0 : i32
            %dma_start3A_509 = tpu.memref_slice %arg8[%add3A_507, %dma_start3A_508] : memref<16x128xi32, #tpu.memory_space<vmem>> -> memref<1x128xi32, #tpu.memory_space<vmem>>
            %dma_start3A_510 = tpu.memref_squeeze %dma_start3A_509 : memref<1x128xi32, #tpu.memory_space<vmem>> -> memref<128xi32, #tpu.memory_space<vmem>>
            %dma_start3A_511 = arith.constant 0 : i32
            %dma_start3A_512 = arith.constant 0 : i32
            %dma_start3A_513 = tpu.memref_slice %arg2[%dma_start3A_511, %dma_start3A_512] : memref<10000x128xf32, #tpu.memory_space<hbm>> -> memref<10000x128xf32, #tpu.memory_space<hbm>>
            tpu.enqueue_indirect_dma source(%dma_start3A_513 : memref<10000x128xf32, #tpu.memory_space<hbm>>) target(%arg11 : memref<128x128xf32, #tpu.memory_space<vmem>>) offsets(%dma_start3A_510 : memref<128xi32, #tpu.memory_space<vmem>>) semaphore(%arg15 : memref<!tpu.dma_semaphore, #tpu.memory_space<semaphore_mem>>)
          } else {
          }
          %dma_start3A_493 = arith.constant 0 : i32
          %dma_start3A_494 = tpu.memref_slice %arg10[%scan3A_443, %dma_start3A_493] : memref<16x128xi32, #tpu.memory_space<vmem>> -> memref<1x128xi32, #tpu.memory_space<vmem>>
          %dma_start3A_495 = tpu.memref_squeeze %dma_start3A_494 : memref<1x128xi32, #tpu.memory_space<vmem>> -> memref<128xi32, #tpu.memory_space<vmem>>
          %dma_start3A_496 = arith.constant 0 : i32
          %dma_start3A_497 = arith.constant 0 : i32
          %dma_start3A_498 = tpu.memref_slice %arg13[%dma_start3A_496, %dma_start3A_497] : memref<10112x128xf32, #tpu.memory_space<vmem_shared>> -> memref<10112x128xf32, #tpu.memory_space<vmem_shared>>
          tpu.enqueue_indirect_dma source(%arg12 : memref<128x128xf32, #tpu.memory_space<vmem>>) target(%dma_start3A_498 : memref<10112x128xf32, #tpu.memory_space<vmem_shared>>) offsets(%dma_start3A_495 : memref<128xi32, #tpu.memory_space<vmem>>) semaphore(%arg18 : memref<!tpu.dma_semaphore, #tpu.memory_space<semaphore_mem>>) {add = true}
        } else {
        }
      }
      %scan3A_287 = arith.constant 16 : i32
      %dma_wait3A_288 = arith.constant 14 : i32
      %dma_wait3A_289 = arith.constant 0 : i32
      %dma_wait3A_290 = tpu.memref_slice %arg10[%dma_wait3A_288, %dma_wait3A_289] : memref<16x128xi32, #tpu.memory_space<vmem>> -> memref<1x128xi32, #tpu.memory_space<vmem>>
      %dma_wait3A_291 = tpu.memref_squeeze %dma_wait3A_290 : memref<1x128xi32, #tpu.memory_space<vmem>> -> memref<128xi32, #tpu.memory_space<vmem>>
      %dma_wait3A_292 = arith.constant 0 : i32
      %dma_wait3A_293 = arith.constant 0 : i32
      %dma_wait3A_294 = tpu.memref_slice %arg13[%dma_wait3A_292, %dma_wait3A_293] : memref<10112x128xf32, #tpu.memory_space<vmem_shared>> -> memref<10112x128xf32, #tpu.memory_space<vmem_shared>>
      tpu.wait_indirect_dma semaphore(%arg17 : memref<!tpu.dma_semaphore, #tpu.memory_space<semaphore_mem>>) src(%arg11 : memref<128x128xf32, #tpu.memory_space<vmem>>) dst(%dma_wait3A_294 : memref<10112x128xf32, #tpu.memory_space<vmem_shared>>)
      %dma_wait3A_295 = arith.constant 15 : i32
      %dma_wait3A_296 = arith.constant 0 : i32
      %dma_wait3A_297 = tpu.memref_slice %arg10[%dma_wait3A_295, %dma_wait3A_296] : memref<16x128xi32, #tpu.memory_space<vmem>> -> memref<1x128xi32, #tpu.memory_space<vmem>>
      %dma_wait3A_298 = tpu.memref_squeeze %dma_wait3A_297 : memref<1x128xi32, #tpu.memory_space<vmem>> -> memref<128xi32, #tpu.memory_space<vmem>>
      %dma_wait3A_299 = arith.constant 0 : i32
      %dma_wait3A_300 = arith.constant 0 : i32
      %dma_wait3A_301 = tpu.memref_slice %arg13[%dma_wait3A_299, %dma_wait3A_300] : memref<10112x128xf32, #tpu.memory_space<vmem_shared>> -> memref<10112x128xf32, #tpu.memory_space<vmem_shared>>
      tpu.wait_indirect_dma semaphore(%arg18 : memref<!tpu.dma_semaphore, #tpu.memory_space<semaphore_mem>>) src(%arg12 : memref<128x128xf32, #tpu.memory_space<vmem>>) dst(%dma_wait3A_301 : memref<10112x128xf32, #tpu.memory_space<vmem_shared>>)
      %add3A_302 = arith.constant 96 : i32
      %add3A_303 = arith.addi %mul3A_11, %add3A_302 : i32
      %dma_wait3A_304 = arith.constant 0 : i32
      %dma_wait3A_305 = tpu.memref_slice %arg3[%add3A_303, %dma_wait3A_304] : memref<2560x128xi32, #tpu.memory_space<hbm>> -> memref<16x128xi32, #tpu.memory_space<hbm>>
      %dma_wait3A_306 = arith.constant 0 : i32
      %dma_wait3A_307 = tpu.memref_slice %arg3[%add3A_303, %dma_wait3A_306] : memref<2560x128xi32, #tpu.memory_space<hbm>> -> memref<16x128xi32, #tpu.memory_space<hbm>>
      tpu.wait_dma2 semaphore(%arg14 : memref<!tpu.dma_semaphore, #tpu.memory_space<semaphore_mem>>) src(%dma_wait3A_307 : memref<16x128xi32, #tpu.memory_space<hbm>>) dst(%arg7 : memref<16x128xi32, #tpu.memory_space<vmem>>)
      %add3A_308 = arith.constant 96 : i32
      %add3A_309 = arith.addi %mul3A_11, %add3A_308 : i32
      %dma_wait3A_310 = arith.constant 0 : i32
      %dma_wait3A_311 = tpu.memref_slice %arg4[%add3A_309, %dma_wait3A_310] : memref<2560x128xi32, #tpu.memory_space<hbm>> -> memref<16x128xi32, #tpu.memory_space<hbm>>
      %dma_wait3A_312 = arith.constant 0 : i32
      %dma_wait3A_313 = tpu.memref_slice %arg4[%add3A_309, %dma_wait3A_312] : memref<2560x128xi32, #tpu.memory_space<hbm>> -> memref<16x128xi32, #tpu.memory_space<hbm>>
      tpu.wait_dma2 semaphore(%arg14 : memref<!tpu.dma_semaphore, #tpu.memory_space<semaphore_mem>>) src(%dma_wait3A_313 : memref<16x128xi32, #tpu.memory_space<hbm>>) dst(%arg9 : memref<16x128xi32, #tpu.memory_space<vmem>>)
      %add3A_314 = arith.constant 112 : i32
      %add3A_315 = arith.addi %mul3A_11, %add3A_314 : i32
      %dma_start3A_316 = arith.constant 0 : i32
      %dma_start3A_317 = tpu.memref_slice %arg3[%add3A_315, %dma_start3A_316] : memref<2560x128xi32, #tpu.memory_space<hbm>> -> memref<16x128xi32, #tpu.memory_space<hbm>>
      %dma_start3A_318 = arith.constant 0 : i32
      %dma_start3A_319 = tpu.memref_slice %arg3[%add3A_315, %dma_start3A_318] : memref<2560x128xi32, #tpu.memory_space<hbm>> -> memref<16x128xi32, #tpu.memory_space<hbm>>
      tpu.enqueue_dma source(%dma_start3A_319 : memref<16x128xi32, #tpu.memory_space<hbm>>) target(%arg8 : memref<16x128xi32, #tpu.memory_space<vmem>>) target_semaphore(%arg14 : memref<!tpu.dma_semaphore, #tpu.memory_space<semaphore_mem>>)
      %add3A_320 = arith.constant 112 : i32
      %add3A_321 = arith.addi %mul3A_11, %add3A_320 : i32
      %dma_start3A_322 = arith.constant 0 : i32
      %dma_start3A_323 = tpu.memref_slice %arg4[%add3A_321, %dma_start3A_322] : memref<2560x128xi32, #tpu.memory_space<hbm>> -> memref<16x128xi32, #tpu.memory_space<hbm>>
      %dma_start3A_324 = arith.constant 0 : i32
      %dma_start3A_325 = tpu.memref_slice %arg4[%add3A_321, %dma_start3A_324] : memref<2560x128xi32, #tpu.memory_space<hbm>> -> memref<16x128xi32, #tpu.memory_space<hbm>>
      tpu.enqueue_dma source(%dma_start3A_325 : memref<16x128xi32, #tpu.memory_space<hbm>>) target(%arg10 : memref<16x128xi32, #tpu.memory_space<vmem>>) target_semaphore(%arg14 : memref<!tpu.dma_semaphore, #tpu.memory_space<semaphore_mem>>)
      %dma_start3A_326 = arith.constant 0 : i32
      %dma_start3A_327 = arith.constant 0 : i32
      %dma_start3A_328 = tpu.memref_slice %arg7[%dma_start3A_326, %dma_start3A_327] : memref<16x128xi32, #tpu.memory_space<vmem>> -> memref<1x128xi32, #tpu.memory_space<vmem>>
      %dma_start3A_329 = tpu.memref_squeeze %dma_start3A_328 : memref<1x128xi32, #tpu.memory_space<vmem>> -> memref<128xi32, #tpu.memory_space<vmem>>
      %dma_start3A_330 = arith.constant 0 : i32
      %dma_start3A_331 = arith.constant 0 : i32
      %dma_start3A_332 = tpu.memref_slice %arg2[%dma_start3A_330, %dma_start3A_331] : memref<10000x128xf32, #tpu.memory_space<hbm>> -> memref<10000x128xf32, #tpu.memory_space<hbm>>
      tpu.enqueue_indirect_dma source(%dma_start3A_332 : memref<10000x128xf32, #tpu.memory_space<hbm>>) target(%arg11 : memref<128x128xf32, #tpu.memory_space<vmem>>) offsets(%dma_start3A_329 : memref<128xi32, #tpu.memory_space<vmem>>) semaphore(%arg15 : memref<!tpu.dma_semaphore, #tpu.memory_space<semaphore_mem>>)
      %scan3A_333 = arith.constant 0 : i32
      %scan3A_334 = arith.constant 0 : i32
      %scan3A_335 = arith.constant 16 : i32
      %scan3A_336 = arith.addi %scan3A_334, %scan3A_335 : i32
      %scan3A_337 = arith.constant 1 : i32
      scf.for %scan3A_443 = %scan3A_334 to %scan3A_336 step %scan3A_337  : i32 {
        %jit3A = arith.constant 2 : i32
        %eq3A_444 = arith.constant 0 : i32
        %eq3A_445 = arith.cmpi eq, %jit3A, %eq3A_444 : i32
        %jit3A_446 = arith.constant 1 : i32
        %select_n3A = arith.select %eq3A_445, %jit3A_446, %jit3A : i32
        %rem3A = arith.remsi %scan3A_443, %select_n3A : i32
        %ne3A = arith.constant 0 : i32
        %ne3A_447 = arith.cmpi ne, %rem3A, %ne3A : i32
        %lt3A = arith.constant 0 : i32
        %lt3A_448 = arith.cmpi slt, %rem3A, %lt3A : i32
        %lt3A_449 = arith.constant 0 : i32
        %lt3A_450 = arith.cmpi slt, %select_n3A, %lt3A_449 : i32
        %ne3A_451 = arith.xori %lt3A_448, %lt3A_450 : i1
        %and3A = arith.andi %ne3A_451, %ne3A_447 : i1
        %add3A_452 = arith.addi %rem3A, %select_n3A : i32
        %select_n3A_453 = arith.select %and3A, %add3A_452, %rem3A : i32
        %eq3A_454 = arith.constant 0 : i32
        %eq3A_455 = arith.cmpi eq, %select_n3A_453, %eq3A_454 : i32
        %convert_element_type3A_456 = arith.extui %eq3A_455 : i1 to i32
        %cond3A_457 = arith.constant 0 : i32
        %cond3A_458 = arith.cmpi ne, %convert_element_type3A_456, %cond3A_457 : i32
        scf.if %cond3A_458 {
          %dma_wait3A_480 = arith.constant 0 : i32
          %dma_wait3A_481 = tpu.memref_slice %arg7[%scan3A_443, %dma_wait3A_480] : memref<16x128xi32, #tpu.memory_space<vmem>> -> memref<1x128xi32, #tpu.memory_space<vmem>>
          %dma_wait3A_482 = tpu.memref_squeeze %dma_wait3A_481 : memref<1x128xi32, #tpu.memory_space<vmem>> -> memref<128xi32, #tpu.memory_space<vmem>>
          %dma_wait3A_483 = arith.constant 0 : i32
          %dma_wait3A_484 = arith.constant 0 : i32
          %dma_wait3A_485 = tpu.memref_slice %arg2[%dma_wait3A_483, %dma_wait3A_484] : memref<10000x128xf32, #tpu.memory_space<hbm>> -> memref<10000x128xf32, #tpu.memory_space<hbm>>
          tpu.wait_indirect_dma semaphore(%arg15 : memref<!tpu.dma_semaphore, #tpu.memory_space<semaphore_mem>>) src(%dma_wait3A_485 : memref<10000x128xf32, #tpu.memory_space<hbm>>) dst(%arg11 : memref<128x128xf32, #tpu.memory_space<vmem>>)
          %add3A_486 = arith.constant 1 : i32
          %add3A_487 = arith.addi %scan3A_443, %add3A_486 : i32
          %lt3A_488 = arith.constant 16 : i32
          %lt3A_489 = arith.cmpi slt, %add3A_487, %lt3A_488 : i32
          %convert_element_type3A_490 = arith.extui %lt3A_489 : i1 to i32
          %cond3A_491 = arith.constant 0 : i32
          %cond3A_492 = arith.cmpi ne, %convert_element_type3A_490, %cond3A_491 : i32
          scf.if %cond3A_492 {
            %gt3A = arith.constant 0 : i32
            %gt3A_499 = arith.cmpi sgt, %scan3A_443, %gt3A : i32
            %convert_element_type3A_500 = arith.extui %gt3A_499 : i1 to i32
            %cond3A_501 = arith.constant 0 : i32
            %cond3A_502 = arith.cmpi ne, %convert_element_type3A_500, %cond3A_501 : i32
            scf.if %cond3A_502 {
              %sub3A = arith.constant 1 : i32
              %sub3A_511 = arith.subi %scan3A_443, %sub3A : i32
              %dma_wait3A_512 = arith.constant 0 : i32
              %dma_wait3A_513 = tpu.memref_slice %arg9[%sub3A_511, %dma_wait3A_512] : memref<16x128xi32, #tpu.memory_space<vmem>> -> memref<1x128xi32, #tpu.memory_space<vmem>>
              %dma_wait3A_514 = tpu.memref_squeeze %dma_wait3A_513 : memref<1x128xi32, #tpu.memory_space<vmem>> -> memref<128xi32, #tpu.memory_space<vmem>>
              %dma_wait3A_515 = arith.constant 0 : i32
              %dma_wait3A_516 = arith.constant 0 : i32
              %dma_wait3A_517 = tpu.memref_slice %arg13[%dma_wait3A_515, %dma_wait3A_516] : memref<10112x128xf32, #tpu.memory_space<vmem_shared>> -> memref<10112x128xf32, #tpu.memory_space<vmem_shared>>
              tpu.wait_indirect_dma semaphore(%arg18 : memref<!tpu.dma_semaphore, #tpu.memory_space<semaphore_mem>>) src(%arg12 : memref<128x128xf32, #tpu.memory_space<vmem>>) dst(%dma_wait3A_517 : memref<10112x128xf32, #tpu.memory_space<vmem_shared>>)
            } else {
            }
            %add3A_503 = arith.constant 1 : i32
            %add3A_504 = arith.addi %scan3A_443, %add3A_503 : i32
            %dma_start3A_505 = arith.constant 0 : i32
            %dma_start3A_506 = tpu.memref_slice %arg7[%add3A_504, %dma_start3A_505] : memref<16x128xi32, #tpu.memory_space<vmem>> -> memref<1x128xi32, #tpu.memory_space<vmem>>
            %dma_start3A_507 = tpu.memref_squeeze %dma_start3A_506 : memref<1x128xi32, #tpu.memory_space<vmem>> -> memref<128xi32, #tpu.memory_space<vmem>>
            %dma_start3A_508 = arith.constant 0 : i32
            %dma_start3A_509 = arith.constant 0 : i32
            %dma_start3A_510 = tpu.memref_slice %arg2[%dma_start3A_508, %dma_start3A_509] : memref<10000x128xf32, #tpu.memory_space<hbm>> -> memref<10000x128xf32, #tpu.memory_space<hbm>>
            tpu.enqueue_indirect_dma source(%dma_start3A_510 : memref<10000x128xf32, #tpu.memory_space<hbm>>) target(%arg12 : memref<128x128xf32, #tpu.memory_space<vmem>>) offsets(%dma_start3A_507 : memref<128xi32, #tpu.memory_space<vmem>>) semaphore(%arg16 : memref<!tpu.dma_semaphore, #tpu.memory_space<semaphore_mem>>)
          } else {
          }
          %dma_start3A_493 = arith.constant 0 : i32
          %dma_start3A_494 = tpu.memref_slice %arg9[%scan3A_443, %dma_start3A_493] : memref<16x128xi32, #tpu.memory_space<vmem>> -> memref<1x128xi32, #tpu.memory_space<vmem>>
          %dma_start3A_495 = tpu.memref_squeeze %dma_start3A_494 : memref<1x128xi32, #tpu.memory_space<vmem>> -> memref<128xi32, #tpu.memory_space<vmem>>
          %dma_start3A_496 = arith.constant 0 : i32
          %dma_start3A_497 = arith.constant 0 : i32
          %dma_start3A_498 = tpu.memref_slice %arg13[%dma_start3A_496, %dma_start3A_497] : memref<10112x128xf32, #tpu.memory_space<vmem_shared>> -> memref<10112x128xf32, #tpu.memory_space<vmem_shared>>
          tpu.enqueue_indirect_dma source(%arg11 : memref<128x128xf32, #tpu.memory_space<vmem>>) target(%dma_start3A_498 : memref<10112x128xf32, #tpu.memory_space<vmem_shared>>) offsets(%dma_start3A_495 : memref<128xi32, #tpu.memory_space<vmem>>) semaphore(%arg17 : memref<!tpu.dma_semaphore, #tpu.memory_space<semaphore_mem>>) {add = true}
        } else {
        }
        %jit3A_459 = arith.constant 2 : i32
        %eq3A_460 = arith.constant 0 : i32
        %eq3A_461 = arith.cmpi eq, %jit3A_459, %eq3A_460 : i32
        %jit3A_462 = arith.constant 1 : i32
        %select_n3A_463 = arith.select %eq3A_461, %jit3A_462, %jit3A_459 : i32
        %rem3A_464 = arith.remsi %scan3A_443, %select_n3A_463 : i32
        %ne3A_465 = arith.constant 0 : i32
        %ne3A_466 = arith.cmpi ne, %rem3A_464, %ne3A_465 : i32
        %lt3A_467 = arith.constant 0 : i32
        %lt3A_468 = arith.cmpi slt, %rem3A_464, %lt3A_467 : i32
        %lt3A_469 = arith.constant 0 : i32
        %lt3A_470 = arith.cmpi slt, %select_n3A_463, %lt3A_469 : i32
        %ne3A_471 = arith.xori %lt3A_468, %lt3A_470 : i1
        %and3A_472 = arith.andi %ne3A_471, %ne3A_466 : i1
        %add3A_473 = arith.addi %rem3A_464, %select_n3A_463 : i32
        %select_n3A_474 = arith.select %and3A_472, %add3A_473, %rem3A_464 : i32
        %eq3A_475 = arith.constant 1 : i32
        %eq3A_476 = arith.cmpi eq, %select_n3A_474, %eq3A_475 : i32
        %convert_element_type3A_477 = arith.extui %eq3A_476 : i1 to i32
        %cond3A_478 = arith.constant 0 : i32
        %cond3A_479 = arith.cmpi ne, %convert_element_type3A_477, %cond3A_478 : i32
        scf.if %cond3A_479 {
          %dma_wait3A_480 = arith.constant 0 : i32
          %dma_wait3A_481 = tpu.memref_slice %arg7[%scan3A_443, %dma_wait3A_480] : memref<16x128xi32, #tpu.memory_space<vmem>> -> memref<1x128xi32, #tpu.memory_space<vmem>>
          %dma_wait3A_482 = tpu.memref_squeeze %dma_wait3A_481 : memref<1x128xi32, #tpu.memory_space<vmem>> -> memref<128xi32, #tpu.memory_space<vmem>>
          %dma_wait3A_483 = arith.constant 0 : i32
          %dma_wait3A_484 = arith.constant 0 : i32
          %dma_wait3A_485 = tpu.memref_slice %arg2[%dma_wait3A_483, %dma_wait3A_484] : memref<10000x128xf32, #tpu.memory_space<hbm>> -> memref<10000x128xf32, #tpu.memory_space<hbm>>
          tpu.wait_indirect_dma semaphore(%arg16 : memref<!tpu.dma_semaphore, #tpu.memory_space<semaphore_mem>>) src(%dma_wait3A_485 : memref<10000x128xf32, #tpu.memory_space<hbm>>) dst(%arg12 : memref<128x128xf32, #tpu.memory_space<vmem>>)
          %add3A_486 = arith.constant 1 : i32
          %add3A_487 = arith.addi %scan3A_443, %add3A_486 : i32
          %lt3A_488 = arith.constant 16 : i32
          %lt3A_489 = arith.cmpi slt, %add3A_487, %lt3A_488 : i32
          %convert_element_type3A_490 = arith.extui %lt3A_489 : i1 to i32
          %cond3A_491 = arith.constant 0 : i32
          %cond3A_492 = arith.cmpi ne, %convert_element_type3A_490, %cond3A_491 : i32
          scf.if %cond3A_492 {
            %sub3A = arith.constant 1 : i32
            %sub3A_499 = arith.subi %scan3A_443, %sub3A : i32
            %dma_wait3A_500 = arith.constant 0 : i32
            %dma_wait3A_501 = tpu.memref_slice %arg9[%sub3A_499, %dma_wait3A_500] : memref<16x128xi32, #tpu.memory_space<vmem>> -> memref<1x128xi32, #tpu.memory_space<vmem>>
            %dma_wait3A_502 = tpu.memref_squeeze %dma_wait3A_501 : memref<1x128xi32, #tpu.memory_space<vmem>> -> memref<128xi32, #tpu.memory_space<vmem>>
            %dma_wait3A_503 = arith.constant 0 : i32
            %dma_wait3A_504 = arith.constant 0 : i32
            %dma_wait3A_505 = tpu.memref_slice %arg13[%dma_wait3A_503, %dma_wait3A_504] : memref<10112x128xf32, #tpu.memory_space<vmem_shared>> -> memref<10112x128xf32, #tpu.memory_space<vmem_shared>>
            tpu.wait_indirect_dma semaphore(%arg17 : memref<!tpu.dma_semaphore, #tpu.memory_space<semaphore_mem>>) src(%arg11 : memref<128x128xf32, #tpu.memory_space<vmem>>) dst(%dma_wait3A_505 : memref<10112x128xf32, #tpu.memory_space<vmem_shared>>)
            %add3A_506 = arith.constant 1 : i32
            %add3A_507 = arith.addi %scan3A_443, %add3A_506 : i32
            %dma_start3A_508 = arith.constant 0 : i32
            %dma_start3A_509 = tpu.memref_slice %arg7[%add3A_507, %dma_start3A_508] : memref<16x128xi32, #tpu.memory_space<vmem>> -> memref<1x128xi32, #tpu.memory_space<vmem>>
            %dma_start3A_510 = tpu.memref_squeeze %dma_start3A_509 : memref<1x128xi32, #tpu.memory_space<vmem>> -> memref<128xi32, #tpu.memory_space<vmem>>
            %dma_start3A_511 = arith.constant 0 : i32
            %dma_start3A_512 = arith.constant 0 : i32
            %dma_start3A_513 = tpu.memref_slice %arg2[%dma_start3A_511, %dma_start3A_512] : memref<10000x128xf32, #tpu.memory_space<hbm>> -> memref<10000x128xf32, #tpu.memory_space<hbm>>
            tpu.enqueue_indirect_dma source(%dma_start3A_513 : memref<10000x128xf32, #tpu.memory_space<hbm>>) target(%arg11 : memref<128x128xf32, #tpu.memory_space<vmem>>) offsets(%dma_start3A_510 : memref<128xi32, #tpu.memory_space<vmem>>) semaphore(%arg15 : memref<!tpu.dma_semaphore, #tpu.memory_space<semaphore_mem>>)
          } else {
          }
          %dma_start3A_493 = arith.constant 0 : i32
          %dma_start3A_494 = tpu.memref_slice %arg9[%scan3A_443, %dma_start3A_493] : memref<16x128xi32, #tpu.memory_space<vmem>> -> memref<1x128xi32, #tpu.memory_space<vmem>>
          %dma_start3A_495 = tpu.memref_squeeze %dma_start3A_494 : memref<1x128xi32, #tpu.memory_space<vmem>> -> memref<128xi32, #tpu.memory_space<vmem>>
          %dma_start3A_496 = arith.constant 0 : i32
          %dma_start3A_497 = arith.constant 0 : i32
          %dma_start3A_498 = tpu.memref_slice %arg13[%dma_start3A_496, %dma_start3A_497] : memref<10112x128xf32, #tpu.memory_space<vmem_shared>> -> memref<10112x128xf32, #tpu.memory_space<vmem_shared>>
          tpu.enqueue_indirect_dma source(%arg12 : memref<128x128xf32, #tpu.memory_space<vmem>>) target(%dma_start3A_498 : memref<10112x128xf32, #tpu.memory_space<vmem_shared>>) offsets(%dma_start3A_495 : memref<128xi32, #tpu.memory_space<vmem>>) semaphore(%arg18 : memref<!tpu.dma_semaphore, #tpu.memory_space<semaphore_mem>>) {add = true}
        } else {
        }
      }
      %scan3A_338 = arith.constant 16 : i32
      %dma_wait3A_339 = arith.constant 14 : i32
      %dma_wait3A_340 = arith.constant 0 : i32
      %dma_wait3A_341 = tpu.memref_slice %arg9[%dma_wait3A_339, %dma_wait3A_340] : memref<16x128xi32, #tpu.memory_space<vmem>> -> memref<1x128xi32, #tpu.memory_space<vmem>>
      %dma_wait3A_342 = tpu.memref_squeeze %dma_wait3A_341 : memref<1x128xi32, #tpu.memory_space<vmem>> -> memref<128xi32, #tpu.memory_space<vmem>>
      %dma_wait3A_343 = arith.constant 0 : i32
      %dma_wait3A_344 = arith.constant 0 : i32
      %dma_wait3A_345 = tpu.memref_slice %arg13[%dma_wait3A_343, %dma_wait3A_344] : memref<10112x128xf32, #tpu.memory_space<vmem_shared>> -> memref<10112x128xf32, #tpu.memory_space<vmem_shared>>
      tpu.wait_indirect_dma semaphore(%arg17 : memref<!tpu.dma_semaphore, #tpu.memory_space<semaphore_mem>>) src(%arg11 : memref<128x128xf32, #tpu.memory_space<vmem>>) dst(%dma_wait3A_345 : memref<10112x128xf32, #tpu.memory_space<vmem_shared>>)
      %dma_wait3A_346 = arith.constant 15 : i32
      %dma_wait3A_347 = arith.constant 0 : i32
      %dma_wait3A_348 = tpu.memref_slice %arg9[%dma_wait3A_346, %dma_wait3A_347] : memref<16x128xi32, #tpu.memory_space<vmem>> -> memref<1x128xi32, #tpu.memory_space<vmem>>
      %dma_wait3A_349 = tpu.memref_squeeze %dma_wait3A_348 : memref<1x128xi32, #tpu.memory_space<vmem>> -> memref<128xi32, #tpu.memory_space<vmem>>
      %dma_wait3A_350 = arith.constant 0 : i32
      %dma_wait3A_351 = arith.constant 0 : i32
      %dma_wait3A_352 = tpu.memref_slice %arg13[%dma_wait3A_350, %dma_wait3A_351] : memref<10112x128xf32, #tpu.memory_space<vmem_shared>> -> memref<10112x128xf32, #tpu.memory_space<vmem_shared>>
      tpu.wait_indirect_dma semaphore(%arg18 : memref<!tpu.dma_semaphore, #tpu.memory_space<semaphore_mem>>) src(%arg12 : memref<128x128xf32, #tpu.memory_space<vmem>>) dst(%dma_wait3A_352 : memref<10112x128xf32, #tpu.memory_space<vmem_shared>>)
      %add3A_353 = arith.constant 112 : i32
      %add3A_354 = arith.addi %mul3A_11, %add3A_353 : i32
      %dma_wait3A_355 = arith.constant 0 : i32
      %dma_wait3A_356 = tpu.memref_slice %arg3[%add3A_354, %dma_wait3A_355] : memref<2560x128xi32, #tpu.memory_space<hbm>> -> memref<16x128xi32, #tpu.memory_space<hbm>>
      %dma_wait3A_357 = arith.constant 0 : i32
      %dma_wait3A_358 = tpu.memref_slice %arg3[%add3A_354, %dma_wait3A_357] : memref<2560x128xi32, #tpu.memory_space<hbm>> -> memref<16x128xi32, #tpu.memory_space<hbm>>
      tpu.wait_dma2 semaphore(%arg14 : memref<!tpu.dma_semaphore, #tpu.memory_space<semaphore_mem>>) src(%dma_wait3A_358 : memref<16x128xi32, #tpu.memory_space<hbm>>) dst(%arg8 : memref<16x128xi32, #tpu.memory_space<vmem>>)
      %add3A_359 = arith.constant 112 : i32
      %add3A_360 = arith.addi %mul3A_11, %add3A_359 : i32
      %dma_wait3A_361 = arith.constant 0 : i32
      %dma_wait3A_362 = tpu.memref_slice %arg4[%add3A_360, %dma_wait3A_361] : memref<2560x128xi32, #tpu.memory_space<hbm>> -> memref<16x128xi32, #tpu.memory_space<hbm>>
      %dma_wait3A_363 = arith.constant 0 : i32
      %dma_wait3A_364 = tpu.memref_slice %arg4[%add3A_360, %dma_wait3A_363] : memref<2560x128xi32, #tpu.memory_space<hbm>> -> memref<16x128xi32, #tpu.memory_space<hbm>>
      tpu.wait_dma2 semaphore(%arg14 : memref<!tpu.dma_semaphore, #tpu.memory_space<semaphore_mem>>) src(%dma_wait3A_364 : memref<16x128xi32, #tpu.memory_space<hbm>>) dst(%arg10 : memref<16x128xi32, #tpu.memory_space<vmem>>)
      %add3A_365 = arith.constant 128 : i32
      %add3A_366 = arith.addi %mul3A_11, %add3A_365 : i32
      %dma_start3A_367 = arith.constant 0 : i32
      %dma_start3A_368 = tpu.memref_slice %arg3[%add3A_366, %dma_start3A_367] : memref<2560x128xi32, #tpu.memory_space<hbm>> -> memref<16x128xi32, #tpu.memory_space<hbm>>
      %dma_start3A_369 = arith.constant 0 : i32
      %dma_start3A_370 = tpu.memref_slice %arg3[%add3A_366, %dma_start3A_369] : memref<2560x128xi32, #tpu.memory_space<hbm>> -> memref<16x128xi32, #tpu.memory_space<hbm>>
      tpu.enqueue_dma source(%dma_start3A_370 : memref<16x128xi32, #tpu.memory_space<hbm>>) target(%arg7 : memref<16x128xi32, #tpu.memory_space<vmem>>) target_semaphore(%arg14 : memref<!tpu.dma_semaphore, #tpu.memory_space<semaphore_mem>>)
      %add3A_371 = arith.constant 128 : i32
      %add3A_372 = arith.addi %mul3A_11, %add3A_371 : i32
      %dma_start3A_373 = arith.constant 0 : i32
      %dma_start3A_374 = tpu.memref_slice %arg4[%add3A_372, %dma_start3A_373] : memref<2560x128xi32, #tpu.memory_space<hbm>> -> memref<16x128xi32, #tpu.memory_space<hbm>>
      %dma_start3A_375 = arith.constant 0 : i32
      %dma_start3A_376 = tpu.memref_slice %arg4[%add3A_372, %dma_start3A_375] : memref<2560x128xi32, #tpu.memory_space<hbm>> -> memref<16x128xi32, #tpu.memory_space<hbm>>
      tpu.enqueue_dma source(%dma_start3A_376 : memref<16x128xi32, #tpu.memory_space<hbm>>) target(%arg9 : memref<16x128xi32, #tpu.memory_space<vmem>>) target_semaphore(%arg14 : memref<!tpu.dma_semaphore, #tpu.memory_space<semaphore_mem>>)
      %dma_start3A_377 = arith.constant 0 : i32
      %dma_start3A_378 = arith.constant 0 : i32
      %dma_start3A_379 = tpu.memref_slice %arg8[%dma_start3A_377, %dma_start3A_378] : memref<16x128xi32, #tpu.memory_space<vmem>> -> memref<1x128xi32, #tpu.memory_space<vmem>>
      %dma_start3A_380 = tpu.memref_squeeze %dma_start3A_379 : memref<1x128xi32, #tpu.memory_space<vmem>> -> memref<128xi32, #tpu.memory_space<vmem>>
      %dma_start3A_381 = arith.constant 0 : i32
      %dma_start3A_382 = arith.constant 0 : i32
      %dma_start3A_383 = tpu.memref_slice %arg2[%dma_start3A_381, %dma_start3A_382] : memref<10000x128xf32, #tpu.memory_space<hbm>> -> memref<10000x128xf32, #tpu.memory_space<hbm>>
      tpu.enqueue_indirect_dma source(%dma_start3A_383 : memref<10000x128xf32, #tpu.memory_space<hbm>>) target(%arg11 : memref<128x128xf32, #tpu.memory_space<vmem>>) offsets(%dma_start3A_380 : memref<128xi32, #tpu.memory_space<vmem>>) semaphore(%arg15 : memref<!tpu.dma_semaphore, #tpu.memory_space<semaphore_mem>>)
      %scan3A_384 = arith.constant 0 : i32
      %scan3A_385 = arith.constant 0 : i32
      %scan3A_386 = arith.constant 16 : i32
      %scan3A_387 = arith.addi %scan3A_385, %scan3A_386 : i32
      %scan3A_388 = arith.constant 1 : i32
      scf.for %scan3A_443 = %scan3A_385 to %scan3A_387 step %scan3A_388  : i32 {
        %jit3A = arith.constant 2 : i32
        %eq3A_444 = arith.constant 0 : i32
        %eq3A_445 = arith.cmpi eq, %jit3A, %eq3A_444 : i32
        %jit3A_446 = arith.constant 1 : i32
        %select_n3A = arith.select %eq3A_445, %jit3A_446, %jit3A : i32
        %rem3A = arith.remsi %scan3A_443, %select_n3A : i32
        %ne3A = arith.constant 0 : i32
        %ne3A_447 = arith.cmpi ne, %rem3A, %ne3A : i32
        %lt3A = arith.constant 0 : i32
        %lt3A_448 = arith.cmpi slt, %rem3A, %lt3A : i32
        %lt3A_449 = arith.constant 0 : i32
        %lt3A_450 = arith.cmpi slt, %select_n3A, %lt3A_449 : i32
        %ne3A_451 = arith.xori %lt3A_448, %lt3A_450 : i1
        %and3A = arith.andi %ne3A_451, %ne3A_447 : i1
        %add3A_452 = arith.addi %rem3A, %select_n3A : i32
        %select_n3A_453 = arith.select %and3A, %add3A_452, %rem3A : i32
        %eq3A_454 = arith.constant 0 : i32
        %eq3A_455 = arith.cmpi eq, %select_n3A_453, %eq3A_454 : i32
        %convert_element_type3A_456 = arith.extui %eq3A_455 : i1 to i32
        %cond3A_457 = arith.constant 0 : i32
        %cond3A_458 = arith.cmpi ne, %convert_element_type3A_456, %cond3A_457 : i32
        scf.if %cond3A_458 {
          %dma_wait3A_480 = arith.constant 0 : i32
          %dma_wait3A_481 = tpu.memref_slice %arg8[%scan3A_443, %dma_wait3A_480] : memref<16x128xi32, #tpu.memory_space<vmem>> -> memref<1x128xi32, #tpu.memory_space<vmem>>
          %dma_wait3A_482 = tpu.memref_squeeze %dma_wait3A_481 : memref<1x128xi32, #tpu.memory_space<vmem>> -> memref<128xi32, #tpu.memory_space<vmem>>
          %dma_wait3A_483 = arith.constant 0 : i32
          %dma_wait3A_484 = arith.constant 0 : i32
          %dma_wait3A_485 = tpu.memref_slice %arg2[%dma_wait3A_483, %dma_wait3A_484] : memref<10000x128xf32, #tpu.memory_space<hbm>> -> memref<10000x128xf32, #tpu.memory_space<hbm>>
          tpu.wait_indirect_dma semaphore(%arg15 : memref<!tpu.dma_semaphore, #tpu.memory_space<semaphore_mem>>) src(%dma_wait3A_485 : memref<10000x128xf32, #tpu.memory_space<hbm>>) dst(%arg11 : memref<128x128xf32, #tpu.memory_space<vmem>>)
          %add3A_486 = arith.constant 1 : i32
          %add3A_487 = arith.addi %scan3A_443, %add3A_486 : i32
          %lt3A_488 = arith.constant 16 : i32
          %lt3A_489 = arith.cmpi slt, %add3A_487, %lt3A_488 : i32
          %convert_element_type3A_490 = arith.extui %lt3A_489 : i1 to i32
          %cond3A_491 = arith.constant 0 : i32
          %cond3A_492 = arith.cmpi ne, %convert_element_type3A_490, %cond3A_491 : i32
          scf.if %cond3A_492 {
            %gt3A = arith.constant 0 : i32
            %gt3A_499 = arith.cmpi sgt, %scan3A_443, %gt3A : i32
            %convert_element_type3A_500 = arith.extui %gt3A_499 : i1 to i32
            %cond3A_501 = arith.constant 0 : i32
            %cond3A_502 = arith.cmpi ne, %convert_element_type3A_500, %cond3A_501 : i32
            scf.if %cond3A_502 {
              %sub3A = arith.constant 1 : i32
              %sub3A_511 = arith.subi %scan3A_443, %sub3A : i32
              %dma_wait3A_512 = arith.constant 0 : i32
              %dma_wait3A_513 = tpu.memref_slice %arg10[%sub3A_511, %dma_wait3A_512] : memref<16x128xi32, #tpu.memory_space<vmem>> -> memref<1x128xi32, #tpu.memory_space<vmem>>
              %dma_wait3A_514 = tpu.memref_squeeze %dma_wait3A_513 : memref<1x128xi32, #tpu.memory_space<vmem>> -> memref<128xi32, #tpu.memory_space<vmem>>
              %dma_wait3A_515 = arith.constant 0 : i32
              %dma_wait3A_516 = arith.constant 0 : i32
              %dma_wait3A_517 = tpu.memref_slice %arg13[%dma_wait3A_515, %dma_wait3A_516] : memref<10112x128xf32, #tpu.memory_space<vmem_shared>> -> memref<10112x128xf32, #tpu.memory_space<vmem_shared>>
              tpu.wait_indirect_dma semaphore(%arg18 : memref<!tpu.dma_semaphore, #tpu.memory_space<semaphore_mem>>) src(%arg12 : memref<128x128xf32, #tpu.memory_space<vmem>>) dst(%dma_wait3A_517 : memref<10112x128xf32, #tpu.memory_space<vmem_shared>>)
            } else {
            }
            %add3A_503 = arith.constant 1 : i32
            %add3A_504 = arith.addi %scan3A_443, %add3A_503 : i32
            %dma_start3A_505 = arith.constant 0 : i32
            %dma_start3A_506 = tpu.memref_slice %arg8[%add3A_504, %dma_start3A_505] : memref<16x128xi32, #tpu.memory_space<vmem>> -> memref<1x128xi32, #tpu.memory_space<vmem>>
            %dma_start3A_507 = tpu.memref_squeeze %dma_start3A_506 : memref<1x128xi32, #tpu.memory_space<vmem>> -> memref<128xi32, #tpu.memory_space<vmem>>
            %dma_start3A_508 = arith.constant 0 : i32
            %dma_start3A_509 = arith.constant 0 : i32
            %dma_start3A_510 = tpu.memref_slice %arg2[%dma_start3A_508, %dma_start3A_509] : memref<10000x128xf32, #tpu.memory_space<hbm>> -> memref<10000x128xf32, #tpu.memory_space<hbm>>
            tpu.enqueue_indirect_dma source(%dma_start3A_510 : memref<10000x128xf32, #tpu.memory_space<hbm>>) target(%arg12 : memref<128x128xf32, #tpu.memory_space<vmem>>) offsets(%dma_start3A_507 : memref<128xi32, #tpu.memory_space<vmem>>) semaphore(%arg16 : memref<!tpu.dma_semaphore, #tpu.memory_space<semaphore_mem>>)
          } else {
          }
          %dma_start3A_493 = arith.constant 0 : i32
          %dma_start3A_494 = tpu.memref_slice %arg10[%scan3A_443, %dma_start3A_493] : memref<16x128xi32, #tpu.memory_space<vmem>> -> memref<1x128xi32, #tpu.memory_space<vmem>>
          %dma_start3A_495 = tpu.memref_squeeze %dma_start3A_494 : memref<1x128xi32, #tpu.memory_space<vmem>> -> memref<128xi32, #tpu.memory_space<vmem>>
          %dma_start3A_496 = arith.constant 0 : i32
          %dma_start3A_497 = arith.constant 0 : i32
          %dma_start3A_498 = tpu.memref_slice %arg13[%dma_start3A_496, %dma_start3A_497] : memref<10112x128xf32, #tpu.memory_space<vmem_shared>> -> memref<10112x128xf32, #tpu.memory_space<vmem_shared>>
          tpu.enqueue_indirect_dma source(%arg11 : memref<128x128xf32, #tpu.memory_space<vmem>>) target(%dma_start3A_498 : memref<10112x128xf32, #tpu.memory_space<vmem_shared>>) offsets(%dma_start3A_495 : memref<128xi32, #tpu.memory_space<vmem>>) semaphore(%arg17 : memref<!tpu.dma_semaphore, #tpu.memory_space<semaphore_mem>>) {add = true}
        } else {
        }
        %jit3A_459 = arith.constant 2 : i32
        %eq3A_460 = arith.constant 0 : i32
        %eq3A_461 = arith.cmpi eq, %jit3A_459, %eq3A_460 : i32
        %jit3A_462 = arith.constant 1 : i32
        %select_n3A_463 = arith.select %eq3A_461, %jit3A_462, %jit3A_459 : i32
        %rem3A_464 = arith.remsi %scan3A_443, %select_n3A_463 : i32
        %ne3A_465 = arith.constant 0 : i32
        %ne3A_466 = arith.cmpi ne, %rem3A_464, %ne3A_465 : i32
        %lt3A_467 = arith.constant 0 : i32
        %lt3A_468 = arith.cmpi slt, %rem3A_464, %lt3A_467 : i32
        %lt3A_469 = arith.constant 0 : i32
        %lt3A_470 = arith.cmpi slt, %select_n3A_463, %lt3A_469 : i32
        %ne3A_471 = arith.xori %lt3A_468, %lt3A_470 : i1
        %and3A_472 = arith.andi %ne3A_471, %ne3A_466 : i1
        %add3A_473 = arith.addi %rem3A_464, %select_n3A_463 : i32
        %select_n3A_474 = arith.select %and3A_472, %add3A_473, %rem3A_464 : i32
        %eq3A_475 = arith.constant 1 : i32
        %eq3A_476 = arith.cmpi eq, %select_n3A_474, %eq3A_475 : i32
        %convert_element_type3A_477 = arith.extui %eq3A_476 : i1 to i32
        %cond3A_478 = arith.constant 0 : i32
        %cond3A_479 = arith.cmpi ne, %convert_element_type3A_477, %cond3A_478 : i32
        scf.if %cond3A_479 {
          %dma_wait3A_480 = arith.constant 0 : i32
          %dma_wait3A_481 = tpu.memref_slice %arg8[%scan3A_443, %dma_wait3A_480] : memref<16x128xi32, #tpu.memory_space<vmem>> -> memref<1x128xi32, #tpu.memory_space<vmem>>
          %dma_wait3A_482 = tpu.memref_squeeze %dma_wait3A_481 : memref<1x128xi32, #tpu.memory_space<vmem>> -> memref<128xi32, #tpu.memory_space<vmem>>
          %dma_wait3A_483 = arith.constant 0 : i32
          %dma_wait3A_484 = arith.constant 0 : i32
          %dma_wait3A_485 = tpu.memref_slice %arg2[%dma_wait3A_483, %dma_wait3A_484] : memref<10000x128xf32, #tpu.memory_space<hbm>> -> memref<10000x128xf32, #tpu.memory_space<hbm>>
          tpu.wait_indirect_dma semaphore(%arg16 : memref<!tpu.dma_semaphore, #tpu.memory_space<semaphore_mem>>) src(%dma_wait3A_485 : memref<10000x128xf32, #tpu.memory_space<hbm>>) dst(%arg12 : memref<128x128xf32, #tpu.memory_space<vmem>>)
          %add3A_486 = arith.constant 1 : i32
          %add3A_487 = arith.addi %scan3A_443, %add3A_486 : i32
          %lt3A_488 = arith.constant 16 : i32
          %lt3A_489 = arith.cmpi slt, %add3A_487, %lt3A_488 : i32
          %convert_element_type3A_490 = arith.extui %lt3A_489 : i1 to i32
          %cond3A_491 = arith.constant 0 : i32
          %cond3A_492 = arith.cmpi ne, %convert_element_type3A_490, %cond3A_491 : i32
          scf.if %cond3A_492 {
            %sub3A = arith.constant 1 : i32
            %sub3A_499 = arith.subi %scan3A_443, %sub3A : i32
            %dma_wait3A_500 = arith.constant 0 : i32
            %dma_wait3A_501 = tpu.memref_slice %arg10[%sub3A_499, %dma_wait3A_500] : memref<16x128xi32, #tpu.memory_space<vmem>> -> memref<1x128xi32, #tpu.memory_space<vmem>>
            %dma_wait3A_502 = tpu.memref_squeeze %dma_wait3A_501 : memref<1x128xi32, #tpu.memory_space<vmem>> -> memref<128xi32, #tpu.memory_space<vmem>>
            %dma_wait3A_503 = arith.constant 0 : i32
            %dma_wait3A_504 = arith.constant 0 : i32
            %dma_wait3A_505 = tpu.memref_slice %arg13[%dma_wait3A_503, %dma_wait3A_504] : memref<10112x128xf32, #tpu.memory_space<vmem_shared>> -> memref<10112x128xf32, #tpu.memory_space<vmem_shared>>
            tpu.wait_indirect_dma semaphore(%arg17 : memref<!tpu.dma_semaphore, #tpu.memory_space<semaphore_mem>>) src(%arg11 : memref<128x128xf32, #tpu.memory_space<vmem>>) dst(%dma_wait3A_505 : memref<10112x128xf32, #tpu.memory_space<vmem_shared>>)
            %add3A_506 = arith.constant 1 : i32
            %add3A_507 = arith.addi %scan3A_443, %add3A_506 : i32
            %dma_start3A_508 = arith.constant 0 : i32
            %dma_start3A_509 = tpu.memref_slice %arg8[%add3A_507, %dma_start3A_508] : memref<16x128xi32, #tpu.memory_space<vmem>> -> memref<1x128xi32, #tpu.memory_space<vmem>>
            %dma_start3A_510 = tpu.memref_squeeze %dma_start3A_509 : memref<1x128xi32, #tpu.memory_space<vmem>> -> memref<128xi32, #tpu.memory_space<vmem>>
            %dma_start3A_511 = arith.constant 0 : i32
            %dma_start3A_512 = arith.constant 0 : i32
            %dma_start3A_513 = tpu.memref_slice %arg2[%dma_start3A_511, %dma_start3A_512] : memref<10000x128xf32, #tpu.memory_space<hbm>> -> memref<10000x128xf32, #tpu.memory_space<hbm>>
            tpu.enqueue_indirect_dma source(%dma_start3A_513 : memref<10000x128xf32, #tpu.memory_space<hbm>>) target(%arg11 : memref<128x128xf32, #tpu.memory_space<vmem>>) offsets(%dma_start3A_510 : memref<128xi32, #tpu.memory_space<vmem>>) semaphore(%arg15 : memref<!tpu.dma_semaphore, #tpu.memory_space<semaphore_mem>>)
          } else {
          }
          %dma_start3A_493 = arith.constant 0 : i32
          %dma_start3A_494 = tpu.memref_slice %arg10[%scan3A_443, %dma_start3A_493] : memref<16x128xi32, #tpu.memory_space<vmem>> -> memref<1x128xi32, #tpu.memory_space<vmem>>
          %dma_start3A_495 = tpu.memref_squeeze %dma_start3A_494 : memref<1x128xi32, #tpu.memory_space<vmem>> -> memref<128xi32, #tpu.memory_space<vmem>>
          %dma_start3A_496 = arith.constant 0 : i32
          %dma_start3A_497 = arith.constant 0 : i32
          %dma_start3A_498 = tpu.memref_slice %arg13[%dma_start3A_496, %dma_start3A_497] : memref<10112x128xf32, #tpu.memory_space<vmem_shared>> -> memref<10112x128xf32, #tpu.memory_space<vmem_shared>>
          tpu.enqueue_indirect_dma source(%arg12 : memref<128x128xf32, #tpu.memory_space<vmem>>) target(%dma_start3A_498 : memref<10112x128xf32, #tpu.memory_space<vmem_shared>>) offsets(%dma_start3A_495 : memref<128xi32, #tpu.memory_space<vmem>>) semaphore(%arg18 : memref<!tpu.dma_semaphore, #tpu.memory_space<semaphore_mem>>) {add = true}
        } else {
        }
      }
      %scan3A_389 = arith.constant 16 : i32
      %dma_wait3A_390 = arith.constant 14 : i32
      %dma_wait3A_391 = arith.constant 0 : i32
      %dma_wait3A_392 = tpu.memref_slice %arg10[%dma_wait3A_390, %dma_wait3A_391] : memref<16x128xi32, #tpu.memory_space<vmem>> -> memref<1x128xi32, #tpu.memory_space<vmem>>
      %dma_wait3A_393 = tpu.memref_squeeze %dma_wait3A_392 : memref<1x128xi32, #tpu.memory_space<vmem>> -> memref<128xi32, #tpu.memory_space<vmem>>
      %dma_wait3A_394 = arith.constant 0 : i32
      %dma_wait3A_395 = arith.constant 0 : i32
      %dma_wait3A_396 = tpu.memref_slice %arg13[%dma_wait3A_394, %dma_wait3A_395] : memref<10112x128xf32, #tpu.memory_space<vmem_shared>> -> memref<10112x128xf32, #tpu.memory_space<vmem_shared>>
      tpu.wait_indirect_dma semaphore(%arg17 : memref<!tpu.dma_semaphore, #tpu.memory_space<semaphore_mem>>) src(%arg11 : memref<128x128xf32, #tpu.memory_space<vmem>>) dst(%dma_wait3A_396 : memref<10112x128xf32, #tpu.memory_space<vmem_shared>>)
      %dma_wait3A_397 = arith.constant 15 : i32
      %dma_wait3A_398 = arith.constant 0 : i32
      %dma_wait3A_399 = tpu.memref_slice %arg10[%dma_wait3A_397, %dma_wait3A_398] : memref<16x128xi32, #tpu.memory_space<vmem>> -> memref<1x128xi32, #tpu.memory_space<vmem>>
      %dma_wait3A_400 = tpu.memref_squeeze %dma_wait3A_399 : memref<1x128xi32, #tpu.memory_space<vmem>> -> memref<128xi32, #tpu.memory_space<vmem>>
      %dma_wait3A_401 = arith.constant 0 : i32
      %dma_wait3A_402 = arith.constant 0 : i32
      %dma_wait3A_403 = tpu.memref_slice %arg13[%dma_wait3A_401, %dma_wait3A_402] : memref<10112x128xf32, #tpu.memory_space<vmem_shared>> -> memref<10112x128xf32, #tpu.memory_space<vmem_shared>>
      tpu.wait_indirect_dma semaphore(%arg18 : memref<!tpu.dma_semaphore, #tpu.memory_space<semaphore_mem>>) src(%arg12 : memref<128x128xf32, #tpu.memory_space<vmem>>) dst(%dma_wait3A_403 : memref<10112x128xf32, #tpu.memory_space<vmem_shared>>)
      %add3A_404 = arith.constant 128 : i32
      %add3A_405 = arith.addi %mul3A_11, %add3A_404 : i32
      %dma_wait3A_406 = arith.constant 0 : i32
      %dma_wait3A_407 = tpu.memref_slice %arg3[%add3A_405, %dma_wait3A_406] : memref<2560x128xi32, #tpu.memory_space<hbm>> -> memref<16x128xi32, #tpu.memory_space<hbm>>
      %dma_wait3A_408 = arith.constant 0 : i32
      %dma_wait3A_409 = tpu.memref_slice %arg3[%add3A_405, %dma_wait3A_408] : memref<2560x128xi32, #tpu.memory_space<hbm>> -> memref<16x128xi32, #tpu.memory_space<hbm>>
      tpu.wait_dma2 semaphore(%arg14 : memref<!tpu.dma_semaphore, #tpu.memory_space<semaphore_mem>>) src(%dma_wait3A_409 : memref<16x128xi32, #tpu.memory_space<hbm>>) dst(%arg7 : memref<16x128xi32, #tpu.memory_space<vmem>>)
      %add3A_410 = arith.constant 128 : i32
      %add3A_411 = arith.addi %mul3A_11, %add3A_410 : i32
      %dma_wait3A_412 = arith.constant 0 : i32
      %dma_wait3A_413 = tpu.memref_slice %arg4[%add3A_411, %dma_wait3A_412] : memref<2560x128xi32, #tpu.memory_space<hbm>> -> memref<16x128xi32, #tpu.memory_space<hbm>>
      %dma_wait3A_414 = arith.constant 0 : i32
      %dma_wait3A_415 = tpu.memref_slice %arg4[%add3A_411, %dma_wait3A_414] : memref<2560x128xi32, #tpu.memory_space<hbm>> -> memref<16x128xi32, #tpu.memory_space<hbm>>
      tpu.wait_dma2 semaphore(%arg14 : memref<!tpu.dma_semaphore, #tpu.memory_space<semaphore_mem>>) src(%dma_wait3A_415 : memref<16x128xi32, #tpu.memory_space<hbm>>) dst(%arg9 : memref<16x128xi32, #tpu.memory_space<vmem>>)
      %dma_start3A_416 = arith.constant 0 : i32
      %dma_start3A_417 = arith.constant 0 : i32
      %dma_start3A_418 = tpu.memref_slice %arg7[%dma_start3A_416, %dma_start3A_417] : memref<16x128xi32, #tpu.memory_space<vmem>> -> memref<1x128xi32, #tpu.memory_space<vmem>>
      %dma_start3A_419 = tpu.memref_squeeze %dma_start3A_418 : memref<1x128xi32, #tpu.memory_space<vmem>> -> memref<128xi32, #tpu.memory_space<vmem>>
      %dma_start3A_420 = arith.constant 0 : i32
      %dma_start3A_421 = arith.constant 0 : i32
      %dma_start3A_422 = tpu.memref_slice %arg2[%dma_start3A_420, %dma_start3A_421] : memref<10000x128xf32, #tpu.memory_space<hbm>> -> memref<10000x128xf32, #tpu.memory_space<hbm>>
      tpu.enqueue_indirect_dma source(%dma_start3A_422 : memref<10000x128xf32, #tpu.memory_space<hbm>>) target(%arg11 : memref<128x128xf32, #tpu.memory_space<vmem>>) offsets(%dma_start3A_419 : memref<128xi32, #tpu.memory_space<vmem>>) semaphore(%arg15 : memref<!tpu.dma_semaphore, #tpu.memory_space<semaphore_mem>>)
      %scan3A_423 = arith.constant 0 : i32
      %scan3A_424 = arith.constant 0 : i32
      %scan3A_425 = arith.constant 16 : i32
      %scan3A_426 = arith.addi %scan3A_424, %scan3A_425 : i32
      %scan3A_427 = arith.constant 1 : i32
      scf.for %scan3A_443 = %scan3A_424 to %scan3A_426 step %scan3A_427  : i32 {
        %jit3A = arith.constant 2 : i32
        %eq3A_444 = arith.constant 0 : i32
        %eq3A_445 = arith.cmpi eq, %jit3A, %eq3A_444 : i32
        %jit3A_446 = arith.constant 1 : i32
        %select_n3A = arith.select %eq3A_445, %jit3A_446, %jit3A : i32
        %rem3A = arith.remsi %scan3A_443, %select_n3A : i32
        %ne3A = arith.constant 0 : i32
        %ne3A_447 = arith.cmpi ne, %rem3A, %ne3A : i32
        %lt3A = arith.constant 0 : i32
        %lt3A_448 = arith.cmpi slt, %rem3A, %lt3A : i32
        %lt3A_449 = arith.constant 0 : i32
        %lt3A_450 = arith.cmpi slt, %select_n3A, %lt3A_449 : i32
        %ne3A_451 = arith.xori %lt3A_448, %lt3A_450 : i1
        %and3A = arith.andi %ne3A_451, %ne3A_447 : i1
        %add3A_452 = arith.addi %rem3A, %select_n3A : i32
        %select_n3A_453 = arith.select %and3A, %add3A_452, %rem3A : i32
        %eq3A_454 = arith.constant 0 : i32
        %eq3A_455 = arith.cmpi eq, %select_n3A_453, %eq3A_454 : i32
        %convert_element_type3A_456 = arith.extui %eq3A_455 : i1 to i32
        %cond3A_457 = arith.constant 0 : i32
        %cond3A_458 = arith.cmpi ne, %convert_element_type3A_456, %cond3A_457 : i32
        scf.if %cond3A_458 {
          %dma_wait3A_480 = arith.constant 0 : i32
          %dma_wait3A_481 = tpu.memref_slice %arg7[%scan3A_443, %dma_wait3A_480] : memref<16x128xi32, #tpu.memory_space<vmem>> -> memref<1x128xi32, #tpu.memory_space<vmem>>
          %dma_wait3A_482 = tpu.memref_squeeze %dma_wait3A_481 : memref<1x128xi32, #tpu.memory_space<vmem>> -> memref<128xi32, #tpu.memory_space<vmem>>
          %dma_wait3A_483 = arith.constant 0 : i32
          %dma_wait3A_484 = arith.constant 0 : i32
          %dma_wait3A_485 = tpu.memref_slice %arg2[%dma_wait3A_483, %dma_wait3A_484] : memref<10000x128xf32, #tpu.memory_space<hbm>> -> memref<10000x128xf32, #tpu.memory_space<hbm>>
          tpu.wait_indirect_dma semaphore(%arg15 : memref<!tpu.dma_semaphore, #tpu.memory_space<semaphore_mem>>) src(%dma_wait3A_485 : memref<10000x128xf32, #tpu.memory_space<hbm>>) dst(%arg11 : memref<128x128xf32, #tpu.memory_space<vmem>>)
          %add3A_486 = arith.constant 1 : i32
          %add3A_487 = arith.addi %scan3A_443, %add3A_486 : i32
          %lt3A_488 = arith.constant 16 : i32
          %lt3A_489 = arith.cmpi slt, %add3A_487, %lt3A_488 : i32
          %convert_element_type3A_490 = arith.extui %lt3A_489 : i1 to i32
          %cond3A_491 = arith.constant 0 : i32
          %cond3A_492 = arith.cmpi ne, %convert_element_type3A_490, %cond3A_491 : i32
          scf.if %cond3A_492 {
            %gt3A = arith.constant 0 : i32
            %gt3A_499 = arith.cmpi sgt, %scan3A_443, %gt3A : i32
            %convert_element_type3A_500 = arith.extui %gt3A_499 : i1 to i32
            %cond3A_501 = arith.constant 0 : i32
            %cond3A_502 = arith.cmpi ne, %convert_element_type3A_500, %cond3A_501 : i32
            scf.if %cond3A_502 {
              %sub3A = arith.constant 1 : i32
              %sub3A_511 = arith.subi %scan3A_443, %sub3A : i32
              %dma_wait3A_512 = arith.constant 0 : i32
              %dma_wait3A_513 = tpu.memref_slice %arg9[%sub3A_511, %dma_wait3A_512] : memref<16x128xi32, #tpu.memory_space<vmem>> -> memref<1x128xi32, #tpu.memory_space<vmem>>
              %dma_wait3A_514 = tpu.memref_squeeze %dma_wait3A_513 : memref<1x128xi32, #tpu.memory_space<vmem>> -> memref<128xi32, #tpu.memory_space<vmem>>
              %dma_wait3A_515 = arith.constant 0 : i32
              %dma_wait3A_516 = arith.constant 0 : i32
              %dma_wait3A_517 = tpu.memref_slice %arg13[%dma_wait3A_515, %dma_wait3A_516] : memref<10112x128xf32, #tpu.memory_space<vmem_shared>> -> memref<10112x128xf32, #tpu.memory_space<vmem_shared>>
              tpu.wait_indirect_dma semaphore(%arg18 : memref<!tpu.dma_semaphore, #tpu.memory_space<semaphore_mem>>) src(%arg12 : memref<128x128xf32, #tpu.memory_space<vmem>>) dst(%dma_wait3A_517 : memref<10112x128xf32, #tpu.memory_space<vmem_shared>>)
            } else {
            }
            %add3A_503 = arith.constant 1 : i32
            %add3A_504 = arith.addi %scan3A_443, %add3A_503 : i32
            %dma_start3A_505 = arith.constant 0 : i32
            %dma_start3A_506 = tpu.memref_slice %arg7[%add3A_504, %dma_start3A_505] : memref<16x128xi32, #tpu.memory_space<vmem>> -> memref<1x128xi32, #tpu.memory_space<vmem>>
            %dma_start3A_507 = tpu.memref_squeeze %dma_start3A_506 : memref<1x128xi32, #tpu.memory_space<vmem>> -> memref<128xi32, #tpu.memory_space<vmem>>
            %dma_start3A_508 = arith.constant 0 : i32
            %dma_start3A_509 = arith.constant 0 : i32
            %dma_start3A_510 = tpu.memref_slice %arg2[%dma_start3A_508, %dma_start3A_509] : memref<10000x128xf32, #tpu.memory_space<hbm>> -> memref<10000x128xf32, #tpu.memory_space<hbm>>
            tpu.enqueue_indirect_dma source(%dma_start3A_510 : memref<10000x128xf32, #tpu.memory_space<hbm>>) target(%arg12 : memref<128x128xf32, #tpu.memory_space<vmem>>) offsets(%dma_start3A_507 : memref<128xi32, #tpu.memory_space<vmem>>) semaphore(%arg16 : memref<!tpu.dma_semaphore, #tpu.memory_space<semaphore_mem>>)
          } else {
          }
          %dma_start3A_493 = arith.constant 0 : i32
          %dma_start3A_494 = tpu.memref_slice %arg9[%scan3A_443, %dma_start3A_493] : memref<16x128xi32, #tpu.memory_space<vmem>> -> memref<1x128xi32, #tpu.memory_space<vmem>>
          %dma_start3A_495 = tpu.memref_squeeze %dma_start3A_494 : memref<1x128xi32, #tpu.memory_space<vmem>> -> memref<128xi32, #tpu.memory_space<vmem>>
          %dma_start3A_496 = arith.constant 0 : i32
          %dma_start3A_497 = arith.constant 0 : i32
          %dma_start3A_498 = tpu.memref_slice %arg13[%dma_start3A_496, %dma_start3A_497] : memref<10112x128xf32, #tpu.memory_space<vmem_shared>> -> memref<10112x128xf32, #tpu.memory_space<vmem_shared>>
          tpu.enqueue_indirect_dma source(%arg11 : memref<128x128xf32, #tpu.memory_space<vmem>>) target(%dma_start3A_498 : memref<10112x128xf32, #tpu.memory_space<vmem_shared>>) offsets(%dma_start3A_495 : memref<128xi32, #tpu.memory_space<vmem>>) semaphore(%arg17 : memref<!tpu.dma_semaphore, #tpu.memory_space<semaphore_mem>>) {add = true}
        } else {
        }
        %jit3A_459 = arith.constant 2 : i32
        %eq3A_460 = arith.constant 0 : i32
        %eq3A_461 = arith.cmpi eq, %jit3A_459, %eq3A_460 : i32
        %jit3A_462 = arith.constant 1 : i32
        %select_n3A_463 = arith.select %eq3A_461, %jit3A_462, %jit3A_459 : i32
        %rem3A_464 = arith.remsi %scan3A_443, %select_n3A_463 : i32
        %ne3A_465 = arith.constant 0 : i32
        %ne3A_466 = arith.cmpi ne, %rem3A_464, %ne3A_465 : i32
        %lt3A_467 = arith.constant 0 : i32
        %lt3A_468 = arith.cmpi slt, %rem3A_464, %lt3A_467 : i32
        %lt3A_469 = arith.constant 0 : i32
        %lt3A_470 = arith.cmpi slt, %select_n3A_463, %lt3A_469 : i32
        %ne3A_471 = arith.xori %lt3A_468, %lt3A_470 : i1
        %and3A_472 = arith.andi %ne3A_471, %ne3A_466 : i1
        %add3A_473 = arith.addi %rem3A_464, %select_n3A_463 : i32
        %select_n3A_474 = arith.select %and3A_472, %add3A_473, %rem3A_464 : i32
        %eq3A_475 = arith.constant 1 : i32
        %eq3A_476 = arith.cmpi eq, %select_n3A_474, %eq3A_475 : i32
        %convert_element_type3A_477 = arith.extui %eq3A_476 : i1 to i32
        %cond3A_478 = arith.constant 0 : i32
        %cond3A_479 = arith.cmpi ne, %convert_element_type3A_477, %cond3A_478 : i32
        scf.if %cond3A_479 {
          %dma_wait3A_480 = arith.constant 0 : i32
          %dma_wait3A_481 = tpu.memref_slice %arg7[%scan3A_443, %dma_wait3A_480] : memref<16x128xi32, #tpu.memory_space<vmem>> -> memref<1x128xi32, #tpu.memory_space<vmem>>
          %dma_wait3A_482 = tpu.memref_squeeze %dma_wait3A_481 : memref<1x128xi32, #tpu.memory_space<vmem>> -> memref<128xi32, #tpu.memory_space<vmem>>
          %dma_wait3A_483 = arith.constant 0 : i32
          %dma_wait3A_484 = arith.constant 0 : i32
          %dma_wait3A_485 = tpu.memref_slice %arg2[%dma_wait3A_483, %dma_wait3A_484] : memref<10000x128xf32, #tpu.memory_space<hbm>> -> memref<10000x128xf32, #tpu.memory_space<hbm>>
          tpu.wait_indirect_dma semaphore(%arg16 : memref<!tpu.dma_semaphore, #tpu.memory_space<semaphore_mem>>) src(%dma_wait3A_485 : memref<10000x128xf32, #tpu.memory_space<hbm>>) dst(%arg12 : memref<128x128xf32, #tpu.memory_space<vmem>>)
          %add3A_486 = arith.constant 1 : i32
          %add3A_487 = arith.addi %scan3A_443, %add3A_486 : i32
          %lt3A_488 = arith.constant 16 : i32
          %lt3A_489 = arith.cmpi slt, %add3A_487, %lt3A_488 : i32
          %convert_element_type3A_490 = arith.extui %lt3A_489 : i1 to i32
          %cond3A_491 = arith.constant 0 : i32
          %cond3A_492 = arith.cmpi ne, %convert_element_type3A_490, %cond3A_491 : i32
          scf.if %cond3A_492 {
            %sub3A = arith.constant 1 : i32
            %sub3A_499 = arith.subi %scan3A_443, %sub3A : i32
            %dma_wait3A_500 = arith.constant 0 : i32
            %dma_wait3A_501 = tpu.memref_slice %arg9[%sub3A_499, %dma_wait3A_500] : memref<16x128xi32, #tpu.memory_space<vmem>> -> memref<1x128xi32, #tpu.memory_space<vmem>>
            %dma_wait3A_502 = tpu.memref_squeeze %dma_wait3A_501 : memref<1x128xi32, #tpu.memory_space<vmem>> -> memref<128xi32, #tpu.memory_space<vmem>>
            %dma_wait3A_503 = arith.constant 0 : i32
            %dma_wait3A_504 = arith.constant 0 : i32
            %dma_wait3A_505 = tpu.memref_slice %arg13[%dma_wait3A_503, %dma_wait3A_504] : memref<10112x128xf32, #tpu.memory_space<vmem_shared>> -> memref<10112x128xf32, #tpu.memory_space<vmem_shared>>
            tpu.wait_indirect_dma semaphore(%arg17 : memref<!tpu.dma_semaphore, #tpu.memory_space<semaphore_mem>>) src(%arg11 : memref<128x128xf32, #tpu.memory_space<vmem>>) dst(%dma_wait3A_505 : memref<10112x128xf32, #tpu.memory_space<vmem_shared>>)
            %add3A_506 = arith.constant 1 : i32
            %add3A_507 = arith.addi %scan3A_443, %add3A_506 : i32
            %dma_start3A_508 = arith.constant 0 : i32
            %dma_start3A_509 = tpu.memref_slice %arg7[%add3A_507, %dma_start3A_508] : memref<16x128xi32, #tpu.memory_space<vmem>> -> memref<1x128xi32, #tpu.memory_space<vmem>>
            %dma_start3A_510 = tpu.memref_squeeze %dma_start3A_509 : memref<1x128xi32, #tpu.memory_space<vmem>> -> memref<128xi32, #tpu.memory_space<vmem>>
            %dma_start3A_511 = arith.constant 0 : i32
            %dma_start3A_512 = arith.constant 0 : i32
            %dma_start3A_513 = tpu.memref_slice %arg2[%dma_start3A_511, %dma_start3A_512] : memref<10000x128xf32, #tpu.memory_space<hbm>> -> memref<10000x128xf32, #tpu.memory_space<hbm>>
            tpu.enqueue_indirect_dma source(%dma_start3A_513 : memref<10000x128xf32, #tpu.memory_space<hbm>>) target(%arg11 : memref<128x128xf32, #tpu.memory_space<vmem>>) offsets(%dma_start3A_510 : memref<128xi32, #tpu.memory_space<vmem>>) semaphore(%arg15 : memref<!tpu.dma_semaphore, #tpu.memory_space<semaphore_mem>>)
          } else {
          }
          %dma_start3A_493 = arith.constant 0 : i32
          %dma_start3A_494 = tpu.memref_slice %arg9[%scan3A_443, %dma_start3A_493] : memref<16x128xi32, #tpu.memory_space<vmem>> -> memref<1x128xi32, #tpu.memory_space<vmem>>
          %dma_start3A_495 = tpu.memref_squeeze %dma_start3A_494 : memref<1x128xi32, #tpu.memory_space<vmem>> -> memref<128xi32, #tpu.memory_space<vmem>>
          %dma_start3A_496 = arith.constant 0 : i32
          %dma_start3A_497 = arith.constant 0 : i32
          %dma_start3A_498 = tpu.memref_slice %arg13[%dma_start3A_496, %dma_start3A_497] : memref<10112x128xf32, #tpu.memory_space<vmem_shared>> -> memref<10112x128xf32, #tpu.memory_space<vmem_shared>>
          tpu.enqueue_indirect_dma source(%arg12 : memref<128x128xf32, #tpu.memory_space<vmem>>) target(%dma_start3A_498 : memref<10112x128xf32, #tpu.memory_space<vmem_shared>>) offsets(%dma_start3A_495 : memref<128xi32, #tpu.memory_space<vmem>>) semaphore(%arg18 : memref<!tpu.dma_semaphore, #tpu.memory_space<semaphore_mem>>) {add = true}
        } else {
        }
      }
      %scan3A_428 = arith.constant 16 : i32
      %dma_wait3A_429 = arith.constant 14 : i32
      %dma_wait3A_430 = arith.constant 0 : i32
      %dma_wait3A_431 = tpu.memref_slice %arg9[%dma_wait3A_429, %dma_wait3A_430] : memref<16x128xi32, #tpu.memory_space<vmem>> -> memref<1x128xi32, #tpu.memory_space<vmem>>
      %dma_wait3A_432 = tpu.memref_squeeze %dma_wait3A_431 : memref<1x128xi32, #tpu.memory_space<vmem>> -> memref<128xi32, #tpu.memory_space<vmem>>
      %dma_wait3A_433 = arith.constant 0 : i32
      %dma_wait3A_434 = arith.constant 0 : i32
      %dma_wait3A_435 = tpu.memref_slice %arg13[%dma_wait3A_433, %dma_wait3A_434] : memref<10112x128xf32, #tpu.memory_space<vmem_shared>> -> memref<10112x128xf32, #tpu.memory_space<vmem_shared>>
      tpu.wait_indirect_dma semaphore(%arg17 : memref<!tpu.dma_semaphore, #tpu.memory_space<semaphore_mem>>) src(%arg11 : memref<128x128xf32, #tpu.memory_space<vmem>>) dst(%dma_wait3A_435 : memref<10112x128xf32, #tpu.memory_space<vmem_shared>>)
      %dma_wait3A_436 = arith.constant 15 : i32
      %dma_wait3A_437 = arith.constant 0 : i32
      %dma_wait3A_438 = tpu.memref_slice %arg9[%dma_wait3A_436, %dma_wait3A_437] : memref<16x128xi32, #tpu.memory_space<vmem>> -> memref<1x128xi32, #tpu.memory_space<vmem>>
      %dma_wait3A_439 = tpu.memref_squeeze %dma_wait3A_438 : memref<1x128xi32, #tpu.memory_space<vmem>> -> memref<128xi32, #tpu.memory_space<vmem>>
      %dma_wait3A_440 = arith.constant 0 : i32
      %dma_wait3A_441 = arith.constant 0 : i32
      %dma_wait3A_442 = tpu.memref_slice %arg13[%dma_wait3A_440, %dma_wait3A_441] : memref<10112x128xf32, #tpu.memory_space<vmem_shared>> -> memref<10112x128xf32, #tpu.memory_space<vmem_shared>>
      tpu.wait_indirect_dma semaphore(%arg18 : memref<!tpu.dma_semaphore, #tpu.memory_space<semaphore_mem>>) src(%arg12 : memref<128x128xf32, #tpu.memory_space<vmem>>) dst(%dma_wait3A_442 : memref<10112x128xf32, #tpu.memory_space<vmem_shared>>)
    } else {
    }
    %eq3A_3 = arith.constant 1 : i32
    %eq3A_4 = arith.cmpi eq, %arg0, %eq3A_3 : i32
    %convert_element_type3A_5 = arith.extui %eq3A_4 : i1 to i32
    %cond3A_6 = arith.constant 0 : i32
    %cond3A_7 = arith.cmpi ne, %convert_element_type3A_5, %cond3A_6 : i32
    scf.if %cond3A_7 {
      %mul3A_8 = arith.constant 1 : i32
      %mul3A_9 = arith.muli %arg1, %mul3A_8 : i32
      %mul3A_10 = arith.constant 16 : i32
      %mul3A_11 = arith.muli %mul3A_9, %mul3A_10 : i32
      %add3A = arith.constant 2304 : i32
      %add3A_12 = arith.addi %add3A, %mul3A_11 : i32
      "tpu.region"() ({
        %run_scoped3A = tpu.sem_alloc : memref<!tpu.dma_semaphore, #tpu.memory_space<semaphore_mem>>
        %dma_start3A_37 = arith.constant 0 : i32
        %dma_start3A_38 = tpu.memref_slice %arg3[%add3A_12, %dma_start3A_37] : memref<2560x128xi32, #tpu.memory_space<hbm>> -> memref<16x128xi32, #tpu.memory_space<hbm>>
        %dma_start3A_39 = arith.constant 0 : i32
        %dma_start3A_40 = tpu.memref_slice %arg3[%add3A_12, %dma_start3A_39] : memref<2560x128xi32, #tpu.memory_space<hbm>> -> memref<16x128xi32, #tpu.memory_space<hbm>>
        tpu.enqueue_dma source(%dma_start3A_40 : memref<16x128xi32, #tpu.memory_space<hbm>>) target(%arg7 : memref<16x128xi32, #tpu.memory_space<vmem>>) target_semaphore(%run_scoped3A : memref<!tpu.dma_semaphore, #tpu.memory_space<semaphore_mem>>)
        %dma_wait3A_41 = arith.constant 0 : i32
        %dma_wait3A_42 = tpu.memref_slice %arg3[%add3A_12, %dma_wait3A_41] : memref<2560x128xi32, #tpu.memory_space<hbm>> -> memref<16x128xi32, #tpu.memory_space<hbm>>
        %dma_wait3A_43 = arith.constant 0 : i32
        %dma_wait3A_44 = tpu.memref_slice %arg3[%add3A_12, %dma_wait3A_43] : memref<2560x128xi32, #tpu.memory_space<hbm>> -> memref<16x128xi32, #tpu.memory_space<hbm>>
        tpu.wait_dma2 semaphore(%run_scoped3A : memref<!tpu.dma_semaphore, #tpu.memory_space<semaphore_mem>>) src(%dma_wait3A_44 : memref<16x128xi32, #tpu.memory_space<hbm>>) dst(%arg7 : memref<16x128xi32, #tpu.memory_space<vmem>>)
        tpu.yield
      }) : () -> ()
      "tpu.region"() ({
        %run_scoped3A = tpu.sem_alloc : memref<!tpu.dma_semaphore, #tpu.memory_space<semaphore_mem>>
        %dma_start3A_37 = arith.constant 0 : i32
        %dma_start3A_38 = tpu.memref_slice %arg4[%add3A_12, %dma_start3A_37] : memref<2560x128xi32, #tpu.memory_space<hbm>> -> memref<16x128xi32, #tpu.memory_space<hbm>>
        %dma_start3A_39 = arith.constant 0 : i32
        %dma_start3A_40 = tpu.memref_slice %arg4[%add3A_12, %dma_start3A_39] : memref<2560x128xi32, #tpu.memory_space<hbm>> -> memref<16x128xi32, #tpu.memory_space<hbm>>
        tpu.enqueue_dma source(%dma_start3A_40 : memref<16x128xi32, #tpu.memory_space<hbm>>) target(%arg9 : memref<16x128xi32, #tpu.memory_space<vmem>>) target_semaphore(%run_scoped3A : memref<!tpu.dma_semaphore, #tpu.memory_space<semaphore_mem>>)
        %dma_wait3A_41 = arith.constant 0 : i32
        %dma_wait3A_42 = tpu.memref_slice %arg4[%add3A_12, %dma_wait3A_41] : memref<2560x128xi32, #tpu.memory_space<hbm>> -> memref<16x128xi32, #tpu.memory_space<hbm>>
        %dma_wait3A_43 = arith.constant 0 : i32
        %dma_wait3A_44 = tpu.memref_slice %arg4[%add3A_12, %dma_wait3A_43] : memref<2560x128xi32, #tpu.memory_space<hbm>> -> memref<16x128xi32, #tpu.memory_space<hbm>>
        tpu.wait_dma2 semaphore(%run_scoped3A : memref<!tpu.dma_semaphore, #tpu.memory_space<semaphore_mem>>) src(%dma_wait3A_44 : memref<16x128xi32, #tpu.memory_space<hbm>>) dst(%arg9 : memref<16x128xi32, #tpu.memory_space<vmem>>)
        tpu.yield
      }) : () -> ()
      %dma_start3A = arith.constant 0 : i32
      %dma_start3A_13 = arith.constant 0 : i32
      %dma_start3A_14 = tpu.memref_slice %arg7[%dma_start3A, %dma_start3A_13] : memref<16x128xi32, #tpu.memory_space<vmem>> -> memref<1x128xi32, #tpu.memory_space<vmem>>
      %dma_start3A_15 = tpu.memref_squeeze %dma_start3A_14 : memref<1x128xi32, #tpu.memory_space<vmem>> -> memref<128xi32, #tpu.memory_space<vmem>>
      %dma_start3A_16 = arith.constant 0 : i32
      %dma_start3A_17 = arith.constant 0 : i32
      %dma_start3A_18 = tpu.memref_slice %arg2[%dma_start3A_16, %dma_start3A_17] : memref<10000x128xf32, #tpu.memory_space<hbm>> -> memref<10000x128xf32, #tpu.memory_space<hbm>>
      tpu.enqueue_indirect_dma source(%dma_start3A_18 : memref<10000x128xf32, #tpu.memory_space<hbm>>) target(%arg11 : memref<128x128xf32, #tpu.memory_space<vmem>>) offsets(%dma_start3A_15 : memref<128xi32, #tpu.memory_space<vmem>>) semaphore(%arg15 : memref<!tpu.dma_semaphore, #tpu.memory_space<semaphore_mem>>)
      %scan3A = arith.constant 0 : i32
      %scan3A_19 = arith.constant 0 : i32
      %scan3A_20 = arith.constant 16 : i32
      %scan3A_21 = arith.addi %scan3A_19, %scan3A_20 : i32
      %scan3A_22 = arith.constant 1 : i32
      scf.for %scan3A_37 = %scan3A_19 to %scan3A_21 step %scan3A_22  : i32 {
        %jit3A = arith.constant 2 : i32
        %eq3A_38 = arith.constant 0 : i32
        %eq3A_39 = arith.cmpi eq, %jit3A, %eq3A_38 : i32
        %jit3A_40 = arith.constant 1 : i32
        %select_n3A = arith.select %eq3A_39, %jit3A_40, %jit3A : i32
        %rem3A = arith.remsi %scan3A_37, %select_n3A : i32
        %ne3A = arith.constant 0 : i32
        %ne3A_41 = arith.cmpi ne, %rem3A, %ne3A : i32
        %lt3A = arith.constant 0 : i32
        %lt3A_42 = arith.cmpi slt, %rem3A, %lt3A : i32
        %lt3A_43 = arith.constant 0 : i32
        %lt3A_44 = arith.cmpi slt, %select_n3A, %lt3A_43 : i32
        %ne3A_45 = arith.xori %lt3A_42, %lt3A_44 : i1
        %and3A = arith.andi %ne3A_45, %ne3A_41 : i1
        %add3A_46 = arith.addi %rem3A, %select_n3A : i32
        %select_n3A_47 = arith.select %and3A, %add3A_46, %rem3A : i32
        %eq3A_48 = arith.constant 0 : i32
        %eq3A_49 = arith.cmpi eq, %select_n3A_47, %eq3A_48 : i32
        %convert_element_type3A_50 = arith.extui %eq3A_49 : i1 to i32
        %cond3A_51 = arith.constant 0 : i32
        %cond3A_52 = arith.cmpi ne, %convert_element_type3A_50, %cond3A_51 : i32
        scf.if %cond3A_52 {
          %dma_wait3A_74 = arith.constant 0 : i32
          %dma_wait3A_75 = tpu.memref_slice %arg7[%scan3A_37, %dma_wait3A_74] : memref<16x128xi32, #tpu.memory_space<vmem>> -> memref<1x128xi32, #tpu.memory_space<vmem>>
          %dma_wait3A_76 = tpu.memref_squeeze %dma_wait3A_75 : memref<1x128xi32, #tpu.memory_space<vmem>> -> memref<128xi32, #tpu.memory_space<vmem>>
          %dma_wait3A_77 = arith.constant 0 : i32
          %dma_wait3A_78 = arith.constant 0 : i32
          %dma_wait3A_79 = tpu.memref_slice %arg2[%dma_wait3A_77, %dma_wait3A_78] : memref<10000x128xf32, #tpu.memory_space<hbm>> -> memref<10000x128xf32, #tpu.memory_space<hbm>>
          tpu.wait_indirect_dma semaphore(%arg15 : memref<!tpu.dma_semaphore, #tpu.memory_space<semaphore_mem>>) src(%dma_wait3A_79 : memref<10000x128xf32, #tpu.memory_space<hbm>>) dst(%arg11 : memref<128x128xf32, #tpu.memory_space<vmem>>)
          %add3A_80 = arith.constant 1 : i32
          %add3A_81 = arith.addi %scan3A_37, %add3A_80 : i32
          %lt3A_82 = arith.constant 16 : i32
          %lt3A_83 = arith.cmpi slt, %add3A_81, %lt3A_82 : i32
          %convert_element_type3A_84 = arith.extui %lt3A_83 : i1 to i32
          %cond3A_85 = arith.constant 0 : i32
          %cond3A_86 = arith.cmpi ne, %convert_element_type3A_84, %cond3A_85 : i32
          scf.if %cond3A_86 {
            %gt3A = arith.constant 0 : i32
            %gt3A_93 = arith.cmpi sgt, %scan3A_37, %gt3A : i32
            %convert_element_type3A_94 = arith.extui %gt3A_93 : i1 to i32
            %cond3A_95 = arith.constant 0 : i32
            %cond3A_96 = arith.cmpi ne, %convert_element_type3A_94, %cond3A_95 : i32
            scf.if %cond3A_96 {
              %sub3A = arith.constant 1 : i32
              %sub3A_105 = arith.subi %scan3A_37, %sub3A : i32
              %dma_wait3A_106 = arith.constant 0 : i32
              %dma_wait3A_107 = tpu.memref_slice %arg9[%sub3A_105, %dma_wait3A_106] : memref<16x128xi32, #tpu.memory_space<vmem>> -> memref<1x128xi32, #tpu.memory_space<vmem>>
              %dma_wait3A_108 = tpu.memref_squeeze %dma_wait3A_107 : memref<1x128xi32, #tpu.memory_space<vmem>> -> memref<128xi32, #tpu.memory_space<vmem>>
              %dma_wait3A_109 = arith.constant 0 : i32
              %dma_wait3A_110 = arith.constant 0 : i32
              %dma_wait3A_111 = tpu.memref_slice %arg13[%dma_wait3A_109, %dma_wait3A_110] : memref<10112x128xf32, #tpu.memory_space<vmem_shared>> -> memref<10112x128xf32, #tpu.memory_space<vmem_shared>>
              tpu.wait_indirect_dma semaphore(%arg18 : memref<!tpu.dma_semaphore, #tpu.memory_space<semaphore_mem>>) src(%arg12 : memref<128x128xf32, #tpu.memory_space<vmem>>) dst(%dma_wait3A_111 : memref<10112x128xf32, #tpu.memory_space<vmem_shared>>)
            } else {
            }
            %add3A_97 = arith.constant 1 : i32
            %add3A_98 = arith.addi %scan3A_37, %add3A_97 : i32
            %dma_start3A_99 = arith.constant 0 : i32
            %dma_start3A_100 = tpu.memref_slice %arg7[%add3A_98, %dma_start3A_99] : memref<16x128xi32, #tpu.memory_space<vmem>> -> memref<1x128xi32, #tpu.memory_space<vmem>>
            %dma_start3A_101 = tpu.memref_squeeze %dma_start3A_100 : memref<1x128xi32, #tpu.memory_space<vmem>> -> memref<128xi32, #tpu.memory_space<vmem>>
            %dma_start3A_102 = arith.constant 0 : i32
            %dma_start3A_103 = arith.constant 0 : i32
            %dma_start3A_104 = tpu.memref_slice %arg2[%dma_start3A_102, %dma_start3A_103] : memref<10000x128xf32, #tpu.memory_space<hbm>> -> memref<10000x128xf32, #tpu.memory_space<hbm>>
            tpu.enqueue_indirect_dma source(%dma_start3A_104 : memref<10000x128xf32, #tpu.memory_space<hbm>>) target(%arg12 : memref<128x128xf32, #tpu.memory_space<vmem>>) offsets(%dma_start3A_101 : memref<128xi32, #tpu.memory_space<vmem>>) semaphore(%arg16 : memref<!tpu.dma_semaphore, #tpu.memory_space<semaphore_mem>>)
          } else {
          }
          %dma_start3A_87 = arith.constant 0 : i32
          %dma_start3A_88 = tpu.memref_slice %arg9[%scan3A_37, %dma_start3A_87] : memref<16x128xi32, #tpu.memory_space<vmem>> -> memref<1x128xi32, #tpu.memory_space<vmem>>
          %dma_start3A_89 = tpu.memref_squeeze %dma_start3A_88 : memref<1x128xi32, #tpu.memory_space<vmem>> -> memref<128xi32, #tpu.memory_space<vmem>>
          %dma_start3A_90 = arith.constant 0 : i32
          %dma_start3A_91 = arith.constant 0 : i32
          %dma_start3A_92 = tpu.memref_slice %arg13[%dma_start3A_90, %dma_start3A_91] : memref<10112x128xf32, #tpu.memory_space<vmem_shared>> -> memref<10112x128xf32, #tpu.memory_space<vmem_shared>>
          tpu.enqueue_indirect_dma source(%arg11 : memref<128x128xf32, #tpu.memory_space<vmem>>) target(%dma_start3A_92 : memref<10112x128xf32, #tpu.memory_space<vmem_shared>>) offsets(%dma_start3A_89 : memref<128xi32, #tpu.memory_space<vmem>>) semaphore(%arg17 : memref<!tpu.dma_semaphore, #tpu.memory_space<semaphore_mem>>) {add = true}
        } else {
        }
        %jit3A_53 = arith.constant 2 : i32
        %eq3A_54 = arith.constant 0 : i32
        %eq3A_55 = arith.cmpi eq, %jit3A_53, %eq3A_54 : i32
        %jit3A_56 = arith.constant 1 : i32
        %select_n3A_57 = arith.select %eq3A_55, %jit3A_56, %jit3A_53 : i32
        %rem3A_58 = arith.remsi %scan3A_37, %select_n3A_57 : i32
        %ne3A_59 = arith.constant 0 : i32
        %ne3A_60 = arith.cmpi ne, %rem3A_58, %ne3A_59 : i32
        %lt3A_61 = arith.constant 0 : i32
        %lt3A_62 = arith.cmpi slt, %rem3A_58, %lt3A_61 : i32
        %lt3A_63 = arith.constant 0 : i32
        %lt3A_64 = arith.cmpi slt, %select_n3A_57, %lt3A_63 : i32
        %ne3A_65 = arith.xori %lt3A_62, %lt3A_64 : i1
        %and3A_66 = arith.andi %ne3A_65, %ne3A_60 : i1
        %add3A_67 = arith.addi %rem3A_58, %select_n3A_57 : i32
        %select_n3A_68 = arith.select %and3A_66, %add3A_67, %rem3A_58 : i32
        %eq3A_69 = arith.constant 1 : i32
        %eq3A_70 = arith.cmpi eq, %select_n3A_68, %eq3A_69 : i32
        %convert_element_type3A_71 = arith.extui %eq3A_70 : i1 to i32
        %cond3A_72 = arith.constant 0 : i32
        %cond3A_73 = arith.cmpi ne, %convert_element_type3A_71, %cond3A_72 : i32
        scf.if %cond3A_73 {
          %dma_wait3A_74 = arith.constant 0 : i32
          %dma_wait3A_75 = tpu.memref_slice %arg7[%scan3A_37, %dma_wait3A_74] : memref<16x128xi32, #tpu.memory_space<vmem>> -> memref<1x128xi32, #tpu.memory_space<vmem>>
          %dma_wait3A_76 = tpu.memref_squeeze %dma_wait3A_75 : memref<1x128xi32, #tpu.memory_space<vmem>> -> memref<128xi32, #tpu.memory_space<vmem>>
          %dma_wait3A_77 = arith.constant 0 : i32
          %dma_wait3A_78 = arith.constant 0 : i32
          %dma_wait3A_79 = tpu.memref_slice %arg2[%dma_wait3A_77, %dma_wait3A_78] : memref<10000x128xf32, #tpu.memory_space<hbm>> -> memref<10000x128xf32, #tpu.memory_space<hbm>>
          tpu.wait_indirect_dma semaphore(%arg16 : memref<!tpu.dma_semaphore, #tpu.memory_space<semaphore_mem>>) src(%dma_wait3A_79 : memref<10000x128xf32, #tpu.memory_space<hbm>>) dst(%arg12 : memref<128x128xf32, #tpu.memory_space<vmem>>)
          %add3A_80 = arith.constant 1 : i32
          %add3A_81 = arith.addi %scan3A_37, %add3A_80 : i32
          %lt3A_82 = arith.constant 16 : i32
          %lt3A_83 = arith.cmpi slt, %add3A_81, %lt3A_82 : i32
          %convert_element_type3A_84 = arith.extui %lt3A_83 : i1 to i32
          %cond3A_85 = arith.constant 0 : i32
          %cond3A_86 = arith.cmpi ne, %convert_element_type3A_84, %cond3A_85 : i32
          scf.if %cond3A_86 {
            %sub3A = arith.constant 1 : i32
            %sub3A_93 = arith.subi %scan3A_37, %sub3A : i32
            %dma_wait3A_94 = arith.constant 0 : i32
            %dma_wait3A_95 = tpu.memref_slice %arg9[%sub3A_93, %dma_wait3A_94] : memref<16x128xi32, #tpu.memory_space<vmem>> -> memref<1x128xi32, #tpu.memory_space<vmem>>
            %dma_wait3A_96 = tpu.memref_squeeze %dma_wait3A_95 : memref<1x128xi32, #tpu.memory_space<vmem>> -> memref<128xi32, #tpu.memory_space<vmem>>
            %dma_wait3A_97 = arith.constant 0 : i32
            %dma_wait3A_98 = arith.constant 0 : i32
            %dma_wait3A_99 = tpu.memref_slice %arg13[%dma_wait3A_97, %dma_wait3A_98] : memref<10112x128xf32, #tpu.memory_space<vmem_shared>> -> memref<10112x128xf32, #tpu.memory_space<vmem_shared>>
            tpu.wait_indirect_dma semaphore(%arg17 : memref<!tpu.dma_semaphore, #tpu.memory_space<semaphore_mem>>) src(%arg11 : memref<128x128xf32, #tpu.memory_space<vmem>>) dst(%dma_wait3A_99 : memref<10112x128xf32, #tpu.memory_space<vmem_shared>>)
            %add3A_100 = arith.constant 1 : i32
            %add3A_101 = arith.addi %scan3A_37, %add3A_100 : i32
            %dma_start3A_102 = arith.constant 0 : i32
            %dma_start3A_103 = tpu.memref_slice %arg7[%add3A_101, %dma_start3A_102] : memref<16x128xi32, #tpu.memory_space<vmem>> -> memref<1x128xi32, #tpu.memory_space<vmem>>
            %dma_start3A_104 = tpu.memref_squeeze %dma_start3A_103 : memref<1x128xi32, #tpu.memory_space<vmem>> -> memref<128xi32, #tpu.memory_space<vmem>>
            %dma_start3A_105 = arith.constant 0 : i32
            %dma_start3A_106 = arith.constant 0 : i32
            %dma_start3A_107 = tpu.memref_slice %arg2[%dma_start3A_105, %dma_start3A_106] : memref<10000x128xf32, #tpu.memory_space<hbm>> -> memref<10000x128xf32, #tpu.memory_space<hbm>>
            tpu.enqueue_indirect_dma source(%dma_start3A_107 : memref<10000x128xf32, #tpu.memory_space<hbm>>) target(%arg11 : memref<128x128xf32, #tpu.memory_space<vmem>>) offsets(%dma_start3A_104 : memref<128xi32, #tpu.memory_space<vmem>>) semaphore(%arg15 : memref<!tpu.dma_semaphore, #tpu.memory_space<semaphore_mem>>)
          } else {
          }
          %dma_start3A_87 = arith.constant 0 : i32
          %dma_start3A_88 = tpu.memref_slice %arg9[%scan3A_37, %dma_start3A_87] : memref<16x128xi32, #tpu.memory_space<vmem>> -> memref<1x128xi32, #tpu.memory_space<vmem>>
          %dma_start3A_89 = tpu.memref_squeeze %dma_start3A_88 : memref<1x128xi32, #tpu.memory_space<vmem>> -> memref<128xi32, #tpu.memory_space<vmem>>
          %dma_start3A_90 = arith.constant 0 : i32
          %dma_start3A_91 = arith.constant 0 : i32
          %dma_start3A_92 = tpu.memref_slice %arg13[%dma_start3A_90, %dma_start3A_91] : memref<10112x128xf32, #tpu.memory_space<vmem_shared>> -> memref<10112x128xf32, #tpu.memory_space<vmem_shared>>
          tpu.enqueue_indirect_dma source(%arg12 : memref<128x128xf32, #tpu.memory_space<vmem>>) target(%dma_start3A_92 : memref<10112x128xf32, #tpu.memory_space<vmem_shared>>) offsets(%dma_start3A_89 : memref<128xi32, #tpu.memory_space<vmem>>) semaphore(%arg18 : memref<!tpu.dma_semaphore, #tpu.memory_space<semaphore_mem>>) {add = true}
        } else {
        }
      }
      %scan3A_23 = arith.constant 16 : i32
      %dma_wait3A = arith.constant 14 : i32
      %dma_wait3A_24 = arith.constant 0 : i32
      %dma_wait3A_25 = tpu.memref_slice %arg9[%dma_wait3A, %dma_wait3A_24] : memref<16x128xi32, #tpu.memory_space<vmem>> -> memref<1x128xi32, #tpu.memory_space<vmem>>
      %dma_wait3A_26 = tpu.memref_squeeze %dma_wait3A_25 : memref<1x128xi32, #tpu.memory_space<vmem>> -> memref<128xi32, #tpu.memory_space<vmem>>
      %dma_wait3A_27 = arith.constant 0 : i32
      %dma_wait3A_28 = arith.constant 0 : i32
      %dma_wait3A_29 = tpu.memref_slice %arg13[%dma_wait3A_27, %dma_wait3A_28] : memref<10112x128xf32, #tpu.memory_space<vmem_shared>> -> memref<10112x128xf32, #tpu.memory_space<vmem_shared>>
      tpu.wait_indirect_dma semaphore(%arg17 : memref<!tpu.dma_semaphore, #tpu.memory_space<semaphore_mem>>) src(%arg11 : memref<128x128xf32, #tpu.memory_space<vmem>>) dst(%dma_wait3A_29 : memref<10112x128xf32, #tpu.memory_space<vmem_shared>>)
      %dma_wait3A_30 = arith.constant 15 : i32
      %dma_wait3A_31 = arith.constant 0 : i32
      %dma_wait3A_32 = tpu.memref_slice %arg9[%dma_wait3A_30, %dma_wait3A_31] : memref<16x128xi32, #tpu.memory_space<vmem>> -> memref<1x128xi32, #tpu.memory_space<vmem>>
      %dma_wait3A_33 = tpu.memref_squeeze %dma_wait3A_32 : memref<1x128xi32, #tpu.memory_space<vmem>> -> memref<128xi32, #tpu.memory_space<vmem>>
      %dma_wait3A_34 = arith.constant 0 : i32
      %dma_wait3A_35 = arith.constant 0 : i32
      %dma_wait3A_36 = tpu.memref_slice %arg13[%dma_wait3A_34, %dma_wait3A_35] : memref<10112x128xf32, #tpu.memory_space<vmem_shared>> -> memref<10112x128xf32, #tpu.memory_space<vmem_shared>>
      tpu.wait_indirect_dma semaphore(%arg18 : memref<!tpu.dma_semaphore, #tpu.memory_space<semaphore_mem>>) src(%arg12 : memref<128x128xf32, #tpu.memory_space<vmem>>) dst(%dma_wait3A_36 : memref<10112x128xf32, #tpu.memory_space<vmem_shared>>)
    } else {
    }
    %barrier3A = arith.constant 0 : index
    tpu.barrier barrier_id(%barrier3A)
    "tpu.region"() ({
      %run_scoped3A = tpu.sem_alloc : memref<!tpu.dma_semaphore, #tpu.memory_space<semaphore_mem>>
      %dma_start3A = arith.constant 0 : i32
      %dma_start3A_8 = tpu.memref_slice %arg6[%arg0, %mul3A_0, %dma_start3A] : memref<2x10112x128xf32, #tpu.memory_space<hbm>> -> memref<1x632x128xf32, #tpu.memory_space<hbm>>
      %dma_start3A_9 = tpu.memref_squeeze %dma_start3A_8 : memref<1x632x128xf32, #tpu.memory_space<hbm>> -> memref<632x128xf32, #tpu.memory_space<hbm>>
      %dma_start3A_10 = arith.constant 0 : i32
      %dma_start3A_11 = tpu.memref_slice %arg13[%mul3A_0, %dma_start3A_10] : memref<10112x128xf32, #tpu.memory_space<vmem_shared>> -> memref<632x128xf32, #tpu.memory_space<vmem_shared>>
      tpu.enqueue_dma source(%dma_start3A_11 : memref<632x128xf32, #tpu.memory_space<vmem_shared>>) target(%dma_start3A_9 : memref<632x128xf32, #tpu.memory_space<hbm>>) target_semaphore(%run_scoped3A : memref<!tpu.dma_semaphore, #tpu.memory_space<semaphore_mem>>)
      %dma_wait3A = arith.constant 0 : i32
      %dma_wait3A_12 = tpu.memref_slice %arg6[%arg0, %mul3A_0, %dma_wait3A] : memref<2x10112x128xf32, #tpu.memory_space<hbm>> -> memref<1x632x128xf32, #tpu.memory_space<hbm>>
      %dma_wait3A_13 = tpu.memref_squeeze %dma_wait3A_12 : memref<1x632x128xf32, #tpu.memory_space<hbm>> -> memref<632x128xf32, #tpu.memory_space<hbm>>
      %dma_wait3A_14 = arith.constant 0 : i32
      %dma_wait3A_15 = tpu.memref_slice %arg13[%mul3A_0, %dma_wait3A_14] : memref<10112x128xf32, #tpu.memory_space<vmem_shared>> -> memref<632x128xf32, #tpu.memory_space<vmem_shared>>
      tpu.wait_dma2 semaphore(%run_scoped3A : memref<!tpu.dma_semaphore, #tpu.memory_space<semaphore_mem>>) src(%dma_wait3A_15 : memref<632x128xf32, #tpu.memory_space<vmem_shared>>) dst(%dma_wait3A_13 : memref<632x128xf32, #tpu.memory_space<hbm>>)
      tpu.yield
    }) : () -> ()
    return
  }
}

#map = affine_map<(d0, d1) -> (0, 0)>
#map1 = affine_map<(d0, d1) -> (0, 0, 0)>
module attributes {stable_mosaic.version = 14 : i64} {
  func.func @_sc_degree(%arg0: i32, %arg1: i32, %arg2: memref<2560x128xi32, #tpu.memory_space<hbm>>, %arg3: memref<632x128xf32, #tpu.memory_space<hbm>>, %arg4: memref<128x128xf32, #tpu.memory_space<hbm>>, %arg5: memref<2x10112x128xf32, #tpu.memory_space<hbm>>, %arg6: memref<80x128xi32, #tpu.memory_space<vmem>>, %arg7: memref<128x128xf32, #tpu.memory_space<vmem>>, %arg8: memref<10112x128xf32, #tpu.memory_space<vmem_shared>>) attributes {dimension_semantics = [#tpu.dimension_semantics<core_parallel>, #tpu.dimension_semantics<subcore_parallel>], iteration_bounds = array<i64: 2, 16>, scalar_prefetch = 0 : i64, scratch_operands = 3 : i64, tpu.core_type = #tpu.core_type<sc_vector_subcore>, window_params = [{transform_indices = #map}, {transform_indices = #map}, {transform_indices = #map}, {transform_indices = #map1}]} {
    %mul3A = arith.constant 16 : i32
    %mul3A_0 = arith.muli %arg0, %mul3A : i32
    %add3A = arith.addi %mul3A_0, %arg1 : i32
    %mul3A_1 = arith.constant 632 : i32
    %mul3A_2 = arith.muli %arg1, %mul3A_1 : i32
    "tpu.region"() ({
      %run_scoped3A = tpu.sem_alloc : memref<!tpu.dma_semaphore, #tpu.memory_space<semaphore_mem>>
      %dma_start3A = arith.constant 0 : i32
      %dma_start3A_11 = tpu.memref_slice %arg8[%mul3A_2, %dma_start3A] : memref<10112x128xf32, #tpu.memory_space<vmem_shared>> -> memref<632x128xf32, #tpu.memory_space<vmem_shared>>
      tpu.enqueue_dma source(%arg3 : memref<632x128xf32, #tpu.memory_space<hbm>>) target(%dma_start3A_11 : memref<632x128xf32, #tpu.memory_space<vmem_shared>>) target_semaphore(%run_scoped3A : memref<!tpu.dma_semaphore, #tpu.memory_space<semaphore_mem>>)
      %dma_wait3A = arith.constant 0 : i32
      %dma_wait3A_12 = tpu.memref_slice %arg8[%mul3A_2, %dma_wait3A] : memref<10112x128xf32, #tpu.memory_space<vmem_shared>> -> memref<632x128xf32, #tpu.memory_space<vmem_shared>>
      tpu.wait_dma2 semaphore(%run_scoped3A : memref<!tpu.dma_semaphore, #tpu.memory_space<semaphore_mem>>) src(%arg3 : memref<632x128xf32, #tpu.memory_space<hbm>>) dst(%dma_wait3A_12 : memref<632x128xf32, #tpu.memory_space<vmem_shared>>)
      tpu.yield
    }) : () -> ()
    "tpu.region"() ({
      %run_scoped3A = tpu.sem_alloc : memref<!tpu.dma_semaphore, #tpu.memory_space<semaphore_mem>>
      tpu.enqueue_dma source(%arg4 : memref<128x128xf32, #tpu.memory_space<hbm>>) target(%arg7 : memref<128x128xf32, #tpu.memory_space<vmem>>) target_semaphore(%run_scoped3A : memref<!tpu.dma_semaphore, #tpu.memory_space<semaphore_mem>>)
      tpu.wait_dma2 semaphore(%run_scoped3A : memref<!tpu.dma_semaphore, #tpu.memory_space<semaphore_mem>>) src(%arg4 : memref<128x128xf32, #tpu.memory_space<hbm>>) dst(%arg7 : memref<128x128xf32, #tpu.memory_space<vmem>>)
      tpu.yield
    }) : () -> ()
    %mul3A_3 = arith.constant 80 : i32
    %mul3A_4 = arith.muli %add3A, %mul3A_3 : i32
    "tpu.region"() ({
      %run_scoped3A = tpu.sem_alloc : memref<!tpu.dma_semaphore, #tpu.memory_space<semaphore_mem>>
      %dma_start3A = arith.constant 0 : i32
      %dma_start3A_11 = tpu.memref_slice %arg2[%mul3A_4, %dma_start3A] : memref<2560x128xi32, #tpu.memory_space<hbm>> -> memref<80x128xi32, #tpu.memory_space<hbm>>
      %dma_start3A_12 = arith.constant 0 : i32
      %dma_start3A_13 = tpu.memref_slice %arg2[%mul3A_4, %dma_start3A_12] : memref<2560x128xi32, #tpu.memory_space<hbm>> -> memref<80x128xi32, #tpu.memory_space<hbm>>
      tpu.enqueue_dma source(%dma_start3A_13 : memref<80x128xi32, #tpu.memory_space<hbm>>) target(%arg6 : memref<80x128xi32, #tpu.memory_space<vmem>>) target_semaphore(%run_scoped3A : memref<!tpu.dma_semaphore, #tpu.memory_space<semaphore_mem>>)
      %dma_wait3A = arith.constant 0 : i32
      %dma_wait3A_14 = tpu.memref_slice %arg2[%mul3A_4, %dma_wait3A] : memref<2560x128xi32, #tpu.memory_space<hbm>> -> memref<80x128xi32, #tpu.memory_space<hbm>>
      %dma_wait3A_15 = arith.constant 0 : i32
      %dma_wait3A_16 = tpu.memref_slice %arg2[%mul3A_4, %dma_wait3A_15] : memref<2560x128xi32, #tpu.memory_space<hbm>> -> memref<80x128xi32, #tpu.memory_space<hbm>>
      tpu.wait_dma2 semaphore(%run_scoped3A : memref<!tpu.dma_semaphore, #tpu.memory_space<semaphore_mem>>) src(%dma_wait3A_16 : memref<80x128xi32, #tpu.memory_space<hbm>>) dst(%arg6 : memref<80x128xi32, #tpu.memory_space<vmem>>)
      tpu.yield
    }) : () -> ()
    %barrier3A = arith.constant 0 : index
    tpu.barrier barrier_id(%barrier3A)
    %scan3A = arith.constant 0 : i32
    %scan3A_5 = arith.constant 0 : i32
    %scan3A_6 = arith.constant 80 : i32
    %scan3A_7 = arith.addi %scan3A_5, %scan3A_6 : i32
    %scan3A_8 = arith.constant 1 : i32
    scf.for %scan3A_11 = %scan3A_5 to %scan3A_7 step %scan3A_8  : i32 {
      "tpu.region"() ({
        %run_scoped3A = tpu.sem_alloc : memref<!tpu.dma_semaphore, #tpu.memory_space<semaphore_mem>>
        %dma_start3A = arith.constant 0 : i32
        %dma_start3A_12 = tpu.memref_slice %arg6[%scan3A_11, %dma_start3A] : memref<80x128xi32, #tpu.memory_space<vmem>> -> memref<1x128xi32, #tpu.memory_space<vmem>>
        %dma_start3A_13 = tpu.memref_squeeze %dma_start3A_12 : memref<1x128xi32, #tpu.memory_space<vmem>> -> memref<128xi32, #tpu.memory_space<vmem>>
        %dma_start3A_14 = arith.constant 0 : i32
        %dma_start3A_15 = arith.constant 0 : i32
        %dma_start3A_16 = tpu.memref_slice %arg8[%dma_start3A_14, %dma_start3A_15] : memref<10112x128xf32, #tpu.memory_space<vmem_shared>> -> memref<10112x128xf32, #tpu.memory_space<vmem_shared>>
        tpu.enqueue_indirect_dma source(%arg7 : memref<128x128xf32, #tpu.memory_space<vmem>>) target(%dma_start3A_16 : memref<10112x128xf32, #tpu.memory_space<vmem_shared>>) offsets(%dma_start3A_13 : memref<128xi32, #tpu.memory_space<vmem>>) semaphore(%run_scoped3A : memref<!tpu.dma_semaphore, #tpu.memory_space<semaphore_mem>>) {add = true}
        %dma_wait3A = arith.constant 0 : i32
        %dma_wait3A_17 = tpu.memref_slice %arg6[%scan3A_11, %dma_wait3A] : memref<80x128xi32, #tpu.memory_space<vmem>> -> memref<1x128xi32, #tpu.memory_space<vmem>>
        %dma_wait3A_18 = tpu.memref_squeeze %dma_wait3A_17 : memref<1x128xi32, #tpu.memory_space<vmem>> -> memref<128xi32, #tpu.memory_space<vmem>>
        %dma_wait3A_19 = arith.constant 0 : i32
        %dma_wait3A_20 = arith.constant 0 : i32
        %dma_wait3A_21 = tpu.memref_slice %arg8[%dma_wait3A_19, %dma_wait3A_20] : memref<10112x128xf32, #tpu.memory_space<vmem_shared>> -> memref<10112x128xf32, #tpu.memory_space<vmem_shared>>
        tpu.wait_indirect_dma semaphore(%run_scoped3A : memref<!tpu.dma_semaphore, #tpu.memory_space<semaphore_mem>>) src(%arg7 : memref<128x128xf32, #tpu.memory_space<vmem>>) dst(%dma_wait3A_21 : memref<10112x128xf32, #tpu.memory_space<vmem_shared>>)
        tpu.yield
      }) : () -> ()
    }
    %scan3A_9 = arith.constant 80 : i32
    %barrier3A_10 = arith.constant 0 : index
    tpu.barrier barrier_id(%barrier3A_10)
    "tpu.region"() ({
      %run_scoped3A = tpu.sem_alloc : memref<!tpu.dma_semaphore, #tpu.memory_space<semaphore_mem>>
      %dma_start3A = arith.constant 0 : i32
      %dma_start3A_11 = tpu.memref_slice %arg5[%arg0, %mul3A_2, %dma_start3A] : memref<2x10112x128xf32, #tpu.memory_space<hbm>> -> memref<1x632x128xf32, #tpu.memory_space<hbm>>
      %dma_start3A_12 = tpu.memref_squeeze %dma_start3A_11 : memref<1x632x128xf32, #tpu.memory_space<hbm>> -> memref<632x128xf32, #tpu.memory_space<hbm>>
      %dma_start3A_13 = arith.constant 0 : i32
      %dma_start3A_14 = tpu.memref_slice %arg8[%mul3A_2, %dma_start3A_13] : memref<10112x128xf32, #tpu.memory_space<vmem_shared>> -> memref<632x128xf32, #tpu.memory_space<vmem_shared>>
      tpu.enqueue_dma source(%dma_start3A_14 : memref<632x128xf32, #tpu.memory_space<vmem_shared>>) target(%dma_start3A_12 : memref<632x128xf32, #tpu.memory_space<hbm>>) target_semaphore(%run_scoped3A : memref<!tpu.dma_semaphore, #tpu.memory_space<semaphore_mem>>)
      %dma_wait3A = arith.constant 0 : i32
      %dma_wait3A_15 = tpu.memref_slice %arg5[%arg0, %mul3A_2, %dma_wait3A] : memref<2x10112x128xf32, #tpu.memory_space<hbm>> -> memref<1x632x128xf32, #tpu.memory_space<hbm>>
      %dma_wait3A_16 = tpu.memref_squeeze %dma_wait3A_15 : memref<1x632x128xf32, #tpu.memory_space<hbm>> -> memref<632x128xf32, #tpu.memory_space<hbm>>
      %dma_wait3A_17 = arith.constant 0 : i32
      %dma_wait3A_18 = tpu.memref_slice %arg8[%mul3A_2, %dma_wait3A_17] : memref<10112x128xf32, #tpu.memory_space<vmem_shared>> -> memref<632x128xf32, #tpu.memory_space<vmem_shared>>
      tpu.wait_dma2 semaphore(%run_scoped3A : memref<!tpu.dma_semaphore, #tpu.memory_space<semaphore_mem>>) src(%dma_wait3A_18 : memref<632x128xf32, #tpu.memory_space<vmem_shared>>) dst(%dma_wait3A_16 : memref<632x128xf32, #tpu.memory_space<hbm>>)
      tpu.yield
    }) : () -> ()
    return
  }
}

module attributes {stable_mosaic.version = 14 : i64} {
  func.func @_tc_scale_matmul_body(%arg0: i32, %arg1: memref<2x1000x1xf32, #tpu.memory_space<vmem>>, %arg2: memref<1000x128xf32, #tpu.memory_space<vmem>>, %arg3: memref<128x128xf32, #tpu.memory_space<vmem>>, %arg4: memref<1000x128xf32, #tpu.memory_space<vmem>>) attributes {dimension_semantics = [#tpu.dimension_semantics<arbitrary>], iteration_bounds = array<i64: 10>, scalar_prefetch = 0 : i64, scratch_operands = 0 : i64, tpu.core_type = #tpu.core_type<tc>, window_params = [{transform_indices = @transform_0, window_bounds = array<i64: 2, 1000, 1>}, {transform_indices = @transform_1, window_bounds = array<i64: 1000, 128>}, {pipeline_mode = #tpu.pipeline_mode<synchronous>, transform_indices = @transform_2, window_bounds = array<i64: 128, 128>}, {transform_indices = @transform_3, window_bounds = array<i64: 1000, 128>}]} {
    %get3A = arith.constant 0 : index
    %get3A_0 = arith.constant 0 : index
    %get3A_1 = arith.constant 0 : index
    %get3A_2 = vector.load %arg1[%get3A, %get3A_0, %get3A_1] : memref<2x1000x1xf32, #tpu.memory_space<vmem>>, vector<1x1000x1xf32>
    %get3A_3 = vector.shape_cast %get3A_2 : vector<1x1000x1xf32> to vector<1000x1xf32>
    %get3A_4 = arith.constant 1 : index
    %get3A_5 = arith.constant 0 : index
    %get3A_6 = arith.constant 0 : index
    %get3A_7 = vector.load %arg1[%get3A_4, %get3A_5, %get3A_6] : memref<2x1000x1xf32, #tpu.memory_space<vmem>>, vector<1x1000x1xf32>
    %get3A_8 = vector.shape_cast %get3A_7 : vector<1x1000x1xf32> to vector<1000x1xf32>
    %add3A = arith.addf %get3A_3, %get3A_8 : vector<1000x1xf32>
    %add3A_9 = arith.constant 1.000000e+00 : f32
    %add3A_10 = vector.broadcast %add3A_9 : f32 to vector<1000x1xf32>
    %add3A_11 = arith.addf %add3A, %add3A_10 : vector<1000x1xf32>
    %rsqrt3A = math.rsqrt %add3A_11 : vector<1000x1xf32>
    %get3A_12 = arith.constant 0 : index
    %get3A_13 = arith.constant 0 : index
    %get3A_14 = vector.load %arg2[%get3A_12, %get3A_13] : memref<1000x128xf32, #tpu.memory_space<vmem>>, vector<1000x128xf32>
    %get3A_15 = arith.constant 0 : index
    %get3A_16 = arith.constant 0 : index
    %get3A_17 = vector.load %arg3[%get3A_15, %get3A_16] : memref<128x128xf32, #tpu.memory_space<vmem>>, vector<128x128xf32>
    %dot_general3A = arith.constant dense<0.000000e+00> : vector<1000x128xf32>
    %dot_general3A_18 = tpu.matmul %get3A_14, %get3A_17, %dot_general3A {dimension_numbers = #tpu.dot_dimension_numbers<[1], [0], [0], [1], [0, 0, 1, 1], [], []>, transpose_lhs_hint = false} : vector<1000x128xf32>, vector<128x128xf32>, vector<1000x128xf32> -> vector<1000x128xf32>
    %mul3A = vector.broadcast %rsqrt3A : vector<1000x1xf32> to vector<1000x128xf32>
    %mul3A_19 = arith.mulf %mul3A, %dot_general3A_18 : vector<1000x128xf32>
    %swap3A = arith.constant 0 : index
    %swap3A_20 = arith.constant 0 : index
    %swap3A_21 = vector.load %arg4[%swap3A, %swap3A_20] : memref<1000x128xf32, #tpu.memory_space<vmem>>, vector<1000x128xf32>
    tpu.vector_store %arg4[%swap3A, %swap3A_20], %mul3A_19 {strides = array<i32>} : memref<1000x128xf32, #tpu.memory_space<vmem>>, vector<1000x128xf32>,
    return
  }
  func.func @transform_0(%arg0: i32) -> (i32, i32, i32) {
    %c0_i32 = arith.constant 0 : i32
    %c0_i32_0 = arith.constant 0 : i32
    %c0_i32_1 = arith.constant 0 : i32
    return %c0_i32, %arg0, %c0_i32_0 : i32, i32, i32
  }
  func.func @transform_1(%arg0: i32) -> (i32, i32) {
    %c0_i32 = arith.constant 0 : i32
    %c0_i32_0 = arith.constant 0 : i32
    return %arg0, %c0_i32 : i32, i32
  }
  func.func @transform_2(%arg0: i32) -> (i32, i32) {
    %c0_i32 = arith.constant 0 : i32
    %c0_i32_0 = arith.constant 0 : i32
    %c0_i32_1 = arith.constant 0 : i32
    return %c0_i32, %c0_i32_0 : i32, i32
  }
  func.func @transform_3(%arg0: i32) -> (i32, i32) {
    %c0_i32 = arith.constant 0 : i32
    %c0_i32_0 = arith.constant 0 : i32
    return %arg0, %c0_i32 : i32, i32
  }
}

module attributes {stable_mosaic.version = 14 : i64} {
  func.func @_tc_combine_relu_matmul_body(%arg0: i32, %arg1: memref<2x1000x128xf32, #tpu.memory_space<vmem>>, %arg2: memref<1000x128xf32, #tpu.memory_space<vmem>>, %arg3: memref<2x1000x1xf32, #tpu.memory_space<vmem>>, %arg4: memref<1x128xf32, #tpu.memory_space<vmem>>, %arg5: memref<128x128xf32, #tpu.memory_space<vmem>>, %arg6: memref<1000x128xf32, #tpu.memory_space<vmem>>) attributes {dimension_semantics = [#tpu.dimension_semantics<arbitrary>], iteration_bounds = array<i64: 10>, scalar_prefetch = 0 : i64, scratch_operands = 0 : i64, tpu.core_type = #tpu.core_type<tc>, window_params = [{transform_indices = @transform_0, window_bounds = array<i64: 2, 1000, 128>}, {transform_indices = @transform_1, window_bounds = array<i64: 1000, 128>}, {transform_indices = @transform_2, window_bounds = array<i64: 2, 1000, 1>}, {pipeline_mode = #tpu.pipeline_mode<synchronous>, transform_indices = @transform_3, window_bounds = array<i64: 1, 128>}, {pipeline_mode = #tpu.pipeline_mode<synchronous>, transform_indices = @transform_4, window_bounds = array<i64: 128, 128>}, {transform_indices = @transform_5, window_bounds = array<i64: 1000, 128>}]} {
    %get3A = arith.constant 0 : index
    %get3A_0 = arith.constant 0 : index
    %get3A_1 = arith.constant 0 : index
    %get3A_2 = vector.load %arg3[%get3A, %get3A_0, %get3A_1] : memref<2x1000x1xf32, #tpu.memory_space<vmem>>, vector<1x1000x1xf32>
    %get3A_3 = vector.shape_cast %get3A_2 : vector<1x1000x1xf32> to vector<1000x1xf32>
    %get3A_4 = arith.constant 1 : index
    %get3A_5 = arith.constant 0 : index
    %get3A_6 = arith.constant 0 : index
    %get3A_7 = vector.load %arg3[%get3A_4, %get3A_5, %get3A_6] : memref<2x1000x1xf32, #tpu.memory_space<vmem>>, vector<1x1000x1xf32>
    %get3A_8 = vector.shape_cast %get3A_7 : vector<1x1000x1xf32> to vector<1000x1xf32>
    %add3A = arith.addf %get3A_3, %get3A_8 : vector<1000x1xf32>
    %add3A_9 = arith.constant 1.000000e+00 : f32
    %add3A_10 = vector.broadcast %add3A_9 : f32 to vector<1000x1xf32>
    %add3A_11 = arith.addf %add3A, %add3A_10 : vector<1000x1xf32>
    %rsqrt3A = math.rsqrt %add3A_11 : vector<1000x1xf32>
    %get3A_12 = arith.constant 0 : index
    %get3A_13 = arith.constant 0 : index
    %get3A_14 = arith.constant 0 : index
    %get3A_15 = vector.load %arg1[%get3A_12, %get3A_13, %get3A_14] : memref<2x1000x128xf32, #tpu.memory_space<vmem>>, vector<1x1000x128xf32>
    %get3A_16 = vector.shape_cast %get3A_15 : vector<1x1000x128xf32> to vector<1000x128xf32>
    %get3A_17 = arith.constant 1 : index
    %get3A_18 = arith.constant 0 : index
    %get3A_19 = arith.constant 0 : index
    %get3A_20 = vector.load %arg1[%get3A_17, %get3A_18, %get3A_19] : memref<2x1000x128xf32, #tpu.memory_space<vmem>>, vector<1x1000x128xf32>
    %get3A_21 = vector.shape_cast %get3A_20 : vector<1x1000x128xf32> to vector<1000x128xf32>
    %add3A_22 = arith.addf %get3A_16, %get3A_21 : vector<1000x128xf32>
    %get3A_23 = arith.constant 0 : index
    %get3A_24 = arith.constant 0 : index
    %get3A_25 = vector.load %arg2[%get3A_23, %get3A_24] : memref<1000x128xf32, #tpu.memory_space<vmem>>, vector<1000x128xf32>
    %add3A_26 = arith.addf %add3A_22, %get3A_25 : vector<1000x128xf32>
    %mul3A = vector.broadcast %rsqrt3A : vector<1000x1xf32> to vector<1000x128xf32>
    %mul3A_27 = arith.mulf %mul3A, %add3A_26 : vector<1000x128xf32>
    %get3A_28 = arith.constant 0 : index
    %get3A_29 = arith.constant 0 : index
    %get3A_30 = vector.load %arg4[%get3A_28, %get3A_29] : memref<1x128xf32, #tpu.memory_space<vmem>>, vector<1x128xf32>
    %add3A_31 = vector.broadcast %get3A_30 : vector<1x128xf32> to vector<1000x128xf32>
    %add3A_32 = arith.addf %mul3A_27, %add3A_31 : vector<1000x128xf32>
    %max3A = arith.constant 0.000000e+00 : f32
    %max3A_33 = vector.broadcast %max3A : f32 to vector<1000x128xf32>
    %max3A_34 = arith.maximumf %add3A_32, %max3A_33 : vector<1000x128xf32>
    %get3A_35 = arith.constant 0 : index
    %get3A_36 = arith.constant 0 : index
    %get3A_37 = vector.load %arg5[%get3A_35, %get3A_36] : memref<128x128xf32, #tpu.memory_space<vmem>>, vector<128x128xf32>
    %dot_general3A = arith.constant dense<0.000000e+00> : vector<1000x128xf32>
    %dot_general3A_38 = tpu.matmul %max3A_34, %get3A_37, %dot_general3A {dimension_numbers = #tpu.dot_dimension_numbers<[1], [0], [0], [1], [0, 0, 1, 1], [], []>, transpose_lhs_hint = false} : vector<1000x128xf32>, vector<128x128xf32>, vector<1000x128xf32> -> vector<1000x128xf32>
    %mul3A_39 = vector.broadcast %rsqrt3A : vector<1000x1xf32> to vector<1000x128xf32>
    %mul3A_40 = arith.mulf %mul3A_39, %dot_general3A_38 : vector<1000x128xf32>
    %swap3A = arith.constant 0 : index
    %swap3A_41 = arith.constant 0 : index
    %swap3A_42 = vector.load %arg6[%swap3A, %swap3A_41] : memref<1000x128xf32, #tpu.memory_space<vmem>>, vector<1000x128xf32>
    tpu.vector_store %arg6[%swap3A, %swap3A_41], %mul3A_40 {strides = array<i32>} : memref<1000x128xf32, #tpu.memory_space<vmem>>, vector<1000x128xf32>,
    return
  }
  func.func @transform_0(%arg0: i32) -> (i32, i32, i32) {
    %c0_i32 = arith.constant 0 : i32
    %c0_i32_0 = arith.constant 0 : i32
    %c0_i32_1 = arith.constant 0 : i32
    return %c0_i32, %arg0, %c0_i32_0 : i32, i32, i32
  }
  func.func @transform_1(%arg0: i32) -> (i32, i32) {
    %c0_i32 = arith.constant 0 : i32
    %c0_i32_0 = arith.constant 0 : i32
    return %arg0, %c0_i32 : i32, i32
  }
  func.func @transform_2(%arg0: i32) -> (i32, i32, i32) {
    %c0_i32 = arith.constant 0 : i32
    %c0_i32_0 = arith.constant 0 : i32
    %c0_i32_1 = arith.constant 0 : i32
    return %c0_i32, %arg0, %c0_i32_0 : i32, i32, i32
  }
  func.func @transform_3(%arg0: i32) -> (i32, i32) {
    %c0_i32 = arith.constant 0 : i32
    %c0_i32_0 = arith.constant 0 : i32
    %c0_i32_1 = arith.constant 0 : i32
    return %c0_i32, %c0_i32_0 : i32, i32
  }
  func.func @transform_4(%arg0: i32) -> (i32, i32) {
    %c0_i32 = arith.constant 0 : i32
    %c0_i32_0 = arith.constant 0 : i32
    %c0_i32_1 = arith.constant 0 : i32
    return %c0_i32, %c0_i32_0 : i32, i32
  }
  func.func @transform_5(%arg0: i32) -> (i32, i32) {
    %c0_i32 = arith.constant 0 : i32
    %c0_i32_0 = arith.constant 0 : i32
    return %arg0, %c0_i32 : i32, i32
  }
}

module attributes {stable_mosaic.version = 14 : i64} {
  func.func @_tc_combine_body(%arg0: i32, %arg1: memref<2x1000x128xf32, #tpu.memory_space<vmem>>, %arg2: memref<1000x128xf32, #tpu.memory_space<vmem>>, %arg3: memref<2x1000x1xf32, #tpu.memory_space<vmem>>, %arg4: memref<1x128xf32, #tpu.memory_space<vmem>>, %arg5: memref<1000x128xf32, #tpu.memory_space<vmem>>) attributes {dimension_semantics = [#tpu.dimension_semantics<arbitrary>], iteration_bounds = array<i64: 10>, scalar_prefetch = 0 : i64, scratch_operands = 0 : i64, tpu.core_type = #tpu.core_type<tc>, window_params = [{transform_indices = @transform_0, window_bounds = array<i64: 2, 1000, 128>}, {transform_indices = @transform_1, window_bounds = array<i64: 1000, 128>}, {transform_indices = @transform_2, window_bounds = array<i64: 2, 1000, 1>}, {pipeline_mode = #tpu.pipeline_mode<synchronous>, transform_indices = @transform_3, window_bounds = array<i64: 1, 128>}, {transform_indices = @transform_4, window_bounds = array<i64: 1000, 128>}]} {
    %get3A = arith.constant 0 : index
    %get3A_0 = arith.constant 0 : index
    %get3A_1 = arith.constant 0 : index
    %get3A_2 = vector.load %arg3[%get3A, %get3A_0, %get3A_1] : memref<2x1000x1xf32, #tpu.memory_space<vmem>>, vector<1x1000x1xf32>
    %get3A_3 = vector.shape_cast %get3A_2 : vector<1x1000x1xf32> to vector<1000x1xf32>
    %get3A_4 = arith.constant 1 : index
    %get3A_5 = arith.constant 0 : index
    %get3A_6 = arith.constant 0 : index
    %get3A_7 = vector.load %arg3[%get3A_4, %get3A_5, %get3A_6] : memref<2x1000x1xf32, #tpu.memory_space<vmem>>, vector<1x1000x1xf32>
    %get3A_8 = vector.shape_cast %get3A_7 : vector<1x1000x1xf32> to vector<1000x1xf32>
    %add3A = arith.addf %get3A_3, %get3A_8 : vector<1000x1xf32>
    %add3A_9 = arith.constant 1.000000e+00 : f32
    %add3A_10 = vector.broadcast %add3A_9 : f32 to vector<1000x1xf32>
    %add3A_11 = arith.addf %add3A, %add3A_10 : vector<1000x1xf32>
    %rsqrt3A = math.rsqrt %add3A_11 : vector<1000x1xf32>
    %get3A_12 = arith.constant 0 : index
    %get3A_13 = arith.constant 0 : index
    %get3A_14 = arith.constant 0 : index
    %get3A_15 = vector.load %arg1[%get3A_12, %get3A_13, %get3A_14] : memref<2x1000x128xf32, #tpu.memory_space<vmem>>, vector<1x1000x128xf32>
    %get3A_16 = vector.shape_cast %get3A_15 : vector<1x1000x128xf32> to vector<1000x128xf32>
    %get3A_17 = arith.constant 1 : index
    %get3A_18 = arith.constant 0 : index
    %get3A_19 = arith.constant 0 : index
    %get3A_20 = vector.load %arg1[%get3A_17, %get3A_18, %get3A_19] : memref<2x1000x128xf32, #tpu.memory_space<vmem>>, vector<1x1000x128xf32>
    %get3A_21 = vector.shape_cast %get3A_20 : vector<1x1000x128xf32> to vector<1000x128xf32>
    %add3A_22 = arith.addf %get3A_16, %get3A_21 : vector<1000x128xf32>
    %get3A_23 = arith.constant 0 : index
    %get3A_24 = arith.constant 0 : index
    %get3A_25 = vector.load %arg2[%get3A_23, %get3A_24] : memref<1000x128xf32, #tpu.memory_space<vmem>>, vector<1000x128xf32>
    %add3A_26 = arith.addf %add3A_22, %get3A_25 : vector<1000x128xf32>
    %mul3A = vector.broadcast %rsqrt3A : vector<1000x1xf32> to vector<1000x128xf32>
    %mul3A_27 = arith.mulf %mul3A, %add3A_26 : vector<1000x128xf32>
    %get3A_28 = arith.constant 0 : index
    %get3A_29 = arith.constant 0 : index
    %get3A_30 = vector.load %arg4[%get3A_28, %get3A_29] : memref<1x128xf32, #tpu.memory_space<vmem>>, vector<1x128xf32>
    %add3A_31 = vector.broadcast %get3A_30 : vector<1x128xf32> to vector<1000x128xf32>
    %add3A_32 = arith.addf %mul3A_27, %add3A_31 : vector<1000x128xf32>
    %swap3A = arith.constant 0 : index
    %swap3A_33 = arith.constant 0 : index
    %swap3A_34 = vector.load %arg5[%swap3A, %swap3A_33] : memref<1000x128xf32, #tpu.memory_space<vmem>>, vector<1000x128xf32>
    tpu.vector_store %arg5[%swap3A, %swap3A_33], %add3A_32 {strides = array<i32>} : memref<1000x128xf32, #tpu.memory_space<vmem>>, vector<1000x128xf32>,
    return
  }
  func.func @transform_0(%arg0: i32) -> (i32, i32, i32) {
    %c0_i32 = arith.constant 0 : i32
    %c0_i32_0 = arith.constant 0 : i32
    %c0_i32_1 = arith.constant 0 : i32
    return %c0_i32, %arg0, %c0_i32_0 : i32, i32, i32
  }
  func.func @transform_1(%arg0: i32) -> (i32, i32) {
    %c0_i32 = arith.constant 0 : i32
    %c0_i32_0 = arith.constant 0 : i32
    return %arg0, %c0_i32 : i32, i32
  }
  func.func @transform_2(%arg0: i32) -> (i32, i32, i32) {
    %c0_i32 = arith.constant 0 : i32
    %c0_i32_0 = arith.constant 0 : i32
    %c0_i32_1 = arith.constant 0 : i32
    return %c0_i32, %arg0, %c0_i32_0 : i32, i32, i32
  }
  func.func @transform_3(%arg0: i32) -> (i32, i32) {
    %c0_i32 = arith.constant 0 : i32
    %c0_i32_0 = arith.constant 0 : i32
    %c0_i32_1 = arith.constant 0 : i32
    return %c0_i32, %c0_i32_0 : i32, i32
  }
  func.func @transform_4(%arg0: i32) -> (i32, i32) {
    %c0_i32 = arith.constant 0 : i32
    %c0_i32_0 = arith.constant 0 : i32
    return %arg0, %c0_i32 : i32, i32
  }
}

</mosaic_0001>

<sc_bundles>
// kernel: kernel.11.cloned.1.call-start
scs
__scs_entry_jumppad:
0x0: {  	(pc) =	sbr.rel $0x88, $3  }
0x1: {  	(tag) =	ssettag $0x0;
	lr =	simm.s32 $0x1  }
0x2: {  	[smem:$0x3F9B] =	sst lr;
	_ =	strace $0xD0000000  }
0x3: {  	_ = 	snop  }
0x4: {  	_ = 	snop  }
0x5: {  	_ = 	snop  }
0x6: {  	_ = 	snop  }
0x7: {  	_ = 	snop  }
__scs_overlays_trampoline_lowered:
0x8: {  	[smem:$0x3FAA] =	sst s0  }
0x9: {  	[smem:$0x3FAB] =	sst s1  }
0xa: {  	[smem:$0x3FAC] =	sst s2  }
0xb: {  	[smem:$0x3FAD] =	sst s3  }
0xc: {  	[smem:$0x3FAE] =	sst s4  }
0xd: {  	[smem:$0x3FAF] =	sst s5  }
0xe: {  	[smem:$0x3FB0] =	sst s6  }
0xf: {  	[smem:$0x3FB1] =	sst s7  }
0x10: {  	[smem:$0x3FB2] =	sst s8  }
0x11: {  	[smem:$0x3FB3] =	sst s9;
	s0 =	simm.s32 @!p0 $0x0  }
0x12: {  	s1 =	sld [smem:$0x3F99];
	s0 =	simm.s32 @p0 $0x1  }
0x13: {  	[smem:$0x3FB4] =	sst s0;
	s0 =	simm.s32 @!p1 $0x0  }
0x14: {  	s2 =	sld [smem:$0x3F98];
	s0 =	simm.s32 @p1 $0x1  }
0x15: {  	[smem:$0x3FB5] =	sst s0;
	s0 =	simm.s32 @!p2 $0x0  }
0x16: {  	s3 =	sld [smem:$0x3FDB];
	s0 =	simm.s32 @p2 $0x1  }
0x17: {  	s4 =	simm.s32 $0x1BF5;
	[smem:$0x3FB7] =	sst s0  }
0x18: {  	s0 =	sld [smem:$0x3F9A];
	_ =	swait.ge [sflag:s4], $0x0  }
0x19: {  	s7 =	sld [smem:$0x3F9B]  }
0x1a: {  	s8 =	sadd.s32 $0xFFFFE003, lr  }
0x1b: {  	s9 =	sadd.s32 $0xFFFFFEF7, lr;
	s5 =	simm.s32 $0xFFFFFFFF;
	p2 =	slt.u32 s8, $0xFFFFF086  }
0x1c: {  	p1 =	slt.u32 s9, $0xF7A;
	s5 =	simm.s32 @!p2 $0x0  }
0x1d: {  	s5 =	simm.s32 @p1 $0x1;
	p0 =	seq.s32 s7, s2  }
0x1e: {  	s7 =	smul.u32 @!p0 $0xF7A, s2;
	p2 =	seq.s32 @!p0 s5, $0x0  }
0x1f: {  	s9 =	smul.u32 $0xF7A, s1;
	s8 =	simm.s32 @!p0 $0x1BF5;
	p2 =	por !p2, p0  }
0x20: {  	[sflag:s8] =	ssyncset.s32 @!p0 $0xFFFFF086;
	s6 =	sadd.s32 @!p0 s3, s7;
	s7 =	simm.s32 @!p0 $0x108  }
0x21: {  	s3 =	sadd.s32 s3, s9;
	s6 =	sadd.s32 @!p0 $0x88, s6;
	s7 =	simm.s32 @p2 $0x1082  }
0x22: {  	[simem:s7], [sflag:s8] =	dma.local @!p0 [hbm:s6], $0xF7A  }
0x23: {  	s9 =	sor.u32 $0xD0000000, s2;
	s6 =	simm.s32 $0x108;
	_ =	swait.ge @!p0 [sflag:s8], $0x0  }
0x24: {  	s3 =	sadd.s32 $0x88, s3;
	s6 =	simm.s32 @!p1 $0x1082;
	[sflag:s4] =	ssyncset.s32 $0xFFFFF086  }
0x25: {  	[simem:s6], [sflag:s4] =	dma.local [hbm:s3], $0xF7A  }
0x26: {  	[smem:$0x3F9B] =	sst s1;
	(tag) =	ssettag s2;
	_ =	strace s9  }
0x27: {  	s1 =	sld [smem:$0x3FAB]  }
0x28: {  	s2 =	sld [smem:$0x3FAC]  }
0x29: {  	s4 =	sld [smem:$0x3FAE]  }
0x2a: {  	p0 =	seq.s32 s5, $0x0;
	s5 =	sld [smem:$0x3FAF]  }
0x2b: {  	s6 =	sld [smem:$0x3FB0]  }
0x2c: {  	s7 =	sld [smem:$0x3FB1]  }
0x2d: {  	s3 =	simm.s32 $0x108;
	s8 =	sld [smem:$0x3FB2]  }
0x2e: {  	s3 =	simm.s32 @!p0 $0x1082;
	s9 =	sld [smem:$0x3FB3]  }
0x2f: {  	lr =	sadd.s32 s0, s3;
	s0 =	sld [smem:$0x3FAA]  }
0x30: {  	s3 =	sld [smem:$0x3FAD]  }
0x31: {  	[smem:$0x3FB6] =	sst s10  }
0x32: {  	s10 =	sld [smem:$0x3FB4];
	_ =	sdelay $0x3  }
0x33: {  	p0 =	seq.s32 s10, $0x1;
	s10 =	sld [smem:$0x3FB6];
	_ =	sdelay $0x3  }
0x34: {  	[smem:$0x3FB6] =	sst s10  }
0x35: {  	s10 =	sld [smem:$0x3FB5];
	_ =	sdelay $0x3  }
0x36: {  	p1 =	seq.s32 s10, $0x1;
	s10 =	sld [smem:$0x3FB6];
	_ =	sdelay $0x3  }
0x37: {  	[smem:$0x3FB6] =	sst s10  }
0x38: {  	s10 =	sld [smem:$0x3FB7]  }
0x39: {  	_ = 	snop;
	(pc) =	sbr.ind lr, $3  }
0x3a: {  	_ = 	snop  }
0x3b: {  	_ = 	snop  }
0x3c: {  	p2 =	seq.s32 s10, $0x1;
	s10 =	sld [smem:$0x3FB6]  }
0x3d: {  	_ =	shalt  }
0x3e: {  	_ =	shalt  }
0x3f: {  	_ =	shalt  }
0x40: {  	_ =	shalt  }
0x41: {  	_ =	shalt  }
0x42: {  	_ =	shalt  }
0x43: {  	_ =	shalt  }
0x44: {  	_ =	shalt  }
0x45: {  	_ =	shalt  }
0x46: {  	_ =	shalt  }
0x47: {  	_ =	shalt  }
0x48: {  	_ =	shalt  }
0x49: {  	_ =	shalt  }
0x4a: {  	_ =	shalt  }
0x4b: {  	_ =	shalt  }
0x4c: {  	_ =	shalt  }
0x4d: {  	_ =	shalt  }
0x4e: {  	_ =	shalt  }
0x4f: {  	_ =	shalt  }
0x50: {  	_ =	shalt  }
0x51: {  	_ =	shalt  }
0x52: {  	_ =	shalt  }
0x53: {  	_ =	shalt  }
0x54: {  	_ =	shalt  }
0x55: {  	_ =	shalt  }
0x56: {  	_ =	shalt  }
0x57: {  	_ =	shalt  }
0x58: {  	_ =	shalt  }
0x59: {  	_ =	shalt  }
0x5a: {  	_ =	shalt  }
0x5b: {  	_ =	shalt  }
0x5c: {  	_ =	shalt  }
0x5d: {  	_ =	shalt  }
0x5e: {  	_ =	shalt  }
0x5f: {  	_ =	shalt  }
0x60: {  	_ =	shalt  }
0x61: {  	_ =	shalt  }
0x62: {  	_ =	shalt  }
0x63: {  	_ =	shalt  }
0x64: {  	_ =	shalt  }
0x65: {  	_ =	shalt  }
0x66: {  	_ =	shalt  }
0x67: {  	_ =	shalt  }
0x68: {  	_ =	shalt  }
0x69: {  	_ =	shalt  }
0x6a: {  	_ =	shalt  }
0x6b: {  	_ =	shalt  }
0x6c: {  	_ =	shalt  }
0x6d: {  	_ =	shalt  }
0x6e: {  	_ =	shalt  }
0x6f: {  	_ =	shalt  }
0x70: {  	_ =	shalt  }
0x71: {  	_ =	shalt  }
0x72: {  	_ =	shalt  }
0x73: {  	_ =	shalt  }
0x74: {  	_ =	shalt  }
0x75: {  	_ =	shalt  }
0x76: {  	_ =	shalt  }
0x77: {  	_ =	shalt  }
0x78: {  	_ =	shalt  }
0x79: {  	_ =	shalt  }
0x7a: {  	_ =	shalt  }
0x7b: {  	_ =	shalt  }
0x7c: {  	_ =	shalt  }
0x7d: {  	_ =	shalt  }
0x7e: {  	_ =	shalt  }
0x7f: {  	_ =	shalt  }
0x80: {  	_ =	shalt  }
0x81: {  	_ =	shalt  }
0x82: {  	_ =	shalt  }
0x83: {  	_ =	shalt  }
0x84: {  	_ =	shalt  }
0x85: {  	_ =	shalt  }
0x86: {  	_ =	shalt  }
0x87: {  	_ =	shalt  }
.Lfunc_end0:
.L_simem_size_0:
called_computation.1_lowered:
.L_overlay_start_0:
0x88: {  	s2 =	sld [smem:$0x3FD9]  }
0x89: {  	s3 =	sld [smem:$0x3FFE];
	_ =	sdelay $0x1  }
0x8a: {  	s1 =	srdreg.scid  }
0x8b: {  	s0 =	sand.u32 $0x1, s1  }
0x8c: {  	s17 =	sshll.u32 s0, $0xA;
	s2 =	sadd.s32 s3, s2  }
0x8d: {  	s2 =	sadd.s32 s2, s17  }
0x8e: {  	[smem:$0x3FC2] =	sst s2  }
0x8f: {  	_ = 	snop  }
0x90: {  	s2 =	sld [smem:$0x3FD0];
	(tm) =	ssettm $0x1  }
0x91: {  	s18 =	sld [smem:$0x3FFB];
	_ =	sdelay $0x3  }
0x92: {  	_ =	strace s18  }
0x93: {  	s3 =	sld [smem:$0x3FFC];
	_ =	sdelay $0x3  }
0x94: {  	_ =	strace s3  }
0x95: {  	s3 =	sld [smem:$0x3FFD];
	_ =	sdelay $0x3  }
0x96: {  	_ =	strace s3  }
0x97: {  	_ =	strace $0x8FFFFFFF  }
0x98: {  	s19 =	sld [smem:$0x3FDB];
	_ =	sdelay $0x1  }
0x99: {  	s4 =	simm.s32 $_scs_section_size  }
0x9a: {  	s5 =	simm.s32 $_size__tile_overlayer_lowered;
	s6 =	simm.s32 $_tile_overlayer_lowered  }
0x9b: {  	s22 =	simm.s32 $0x1BFF;
	s21 =	sshll.u32 s6, $0x1;
	s3 =	sadd.s32 s4, s19  }
0x9c: {  	s7 =	simm.s32 $0x0;
	s20 =	sshll.u32 s5, $0x1;
	s5 =	sadd.s32 s21, s3  }
0x9d: {  	[timem:s7], [sflag:s22] =	dma.local [hbm:s5], s20  }
0x9e: {  	_ =	swait.ge [sflag:s22], s20  }
0x9f: {  	s4 =	ssub.s32 $0x0, s20;
	[sflag:s22] =	ssyncset.done $0x0  }
0xa0: {  	[sflag:s22] =	ssyncadd.s32 s4;
	_ =	sdelay $0x1  }
0xa1: {  	s23 =	simm.s32 $0x1B8B  }
0xa2: {  	_ =	swait.ge [sflag:s23], $0x1  }
0xa3: {  	[sflag:s23] =	ssyncset.done $0x0  }
0xa4: {  	s25 =	simm.s32 $0x1B8E;
	s24 =	sld [smem:$0x3FFE];
	[sflag:s23] =	ssyncadd.s32 $0xFFFFFFFF  }
0xa5: {  	s26 =	simm.s32 $execute0_lowered;
	[smem:$0x3FD2] =	sst s25  }
0xa6: {  	s5 =	sshll.u32 s26, $0x1;
	_ =	strace $0x80000049;
	[dreg:$0x1] =	wrdreg $0xFFFFFFFF  }
0xa7: {  	s28 =	simm.s32 $_size_execute0_lowered;
	s3 =	sadd.s32 s3, s5;
	[dreg:$0x0] =	wrdreg $0x0  }
0xa8: {  	s5 =	sshll.u32 s28, $0x1;
	[dreg:$0x2] =	wrdreg s3  }
0xa9: {  	[dreg:$0x3] =	wrdreg s5  }
0xaa: {  	[dreg:$0x4] =	wrdreg $0xC0  }
0xab: {  	_ =	task [dreg:s7], $0x5FFFF  }
0xac: {  	[dreg:$0x1] =	wrdreg $0xFFFFFFFF  }
0xad: {  	[dreg:$0x0] =	wrdreg $0x60  }
0xae: {  	[dreg:$0x2] =	wrdreg s2  }
0xaf: {  	[dreg:$0x3] =	wrdreg s24  }
0xb0: {  	[dreg:$0x4] =	wrdreg $0xA0000  }
0xb1: {  	[dreg:$0x5] =	wrdreg $0x9  }
0xb2: {  	_ =	task.clear_ibuf [dreg:s7], $0x6FFFF;
	_ =	strace $0x90000049  }
0xb3: {  	s29 =	simm.s32 $0x9;
	_ =	strace $0x8000004B  }
0xb4: {  	_ =	swait.ge [sflag:s29], $0x1  }
0xb5: {  	[sflag:s29] =	ssyncadd.s32 $0xFFFFFFFF  }
0xb6: {  	_ =	strace $0x9000004B  }
0xb7: {  	_ =	sfence  }
0xb8: {  	s30 =	sld [smem:$0x0];
	_ =	sdelay $0x2  }
0xb9: {  	s31 =	sshll.u32 s1, $0xD;
	s1 =	sshrl.u32 s1, $0x2  }
0xba: {  	s3 =	sand.u32 $0x4000, s31;
	s1 =	sadd.s32 s1, s30  }
0xbb: {  	s0 =	sor.u32 s3, s0;
	s1 =	sshll.u32 s1, $0x11  }
0xbc: {  	s0 =	sor.u32 s1, s0  }
0xbd: {  	s0 =	sadd.s32 $0x8F2B, s0  }
0xbe: {  	[sflag:s0] =	ssyncadd.remote.s32 $0x1  }
0xbf: {  	_ =	sfence.sel $0xFFFF  }
0xc0: {  	[dreg:$0x0] =	wrdreg $0xFFFFFFFF;
	(pc) =	sbr.abs _section_cstart, $3  }
0xc1: {  	[dreg:$0x1] =	wrdreg $0xFFFFFFFF  }
0xc2: {  	_ =	task.clear_ibuf [dreg:s7], $0x2FFFF;
	_ =	strace $0x9FFFFFFF  }
0xc3: {  	(tm) =	ssettm $0x7FFFFFFF  }
tec
execute0_lowered:
.L_overlay_start_1:
0x0: {  	(tag) =	ssettag $0x1  }
0x1: {  	s0 =	rddreg [dreg:$0x0];
	s1 =	srdreg.scid  }
0x2: {  	s3 =	rddreg [dreg:$0x1];
	s2 =	simm.s32 $0x0;
	s11 =	stileid.u32  }
0x3: {  	s31 =	simm.s32 $0x6;
	s1 =	sand.u32 $0x1, s1;
	s6 =	smul.u32 $0x13C00, s11  }
0x4: {  	[smem:$0x7FF] =	sst s2;
	s5 =	sadd.s32 $0xCA00, s3;
	s10 =	smul.u32 $0x900, s11  }
0x5: {  	s7 =	sadd.s32 $0x2A00, s3;
	s4 =	smul.u32 $0x13C000, s1;
	s8 =	ssub.s32 $0x2, s1  }
0x6: {  	s9 =	smul.u32 $0x4800, s11;
	p0 =	seq.s32 s1, $0x1;
	s14 =	sshrl.u32 s8, $0x1  }
0x7: {  	s15 =	sadd.s32 s5, s10;
	s17 =	sadd.s32 s7, s10;
	s4 =	sadd.s32 s6, s4  }
0x8: {  	s6 =	ssub.s32 s8, s14;
	s8 =	sshrl.u32 s9, $0x3;
	[dreg:$0x4] =	wrdreg s15  }
0x9: {  	[dreg:$0x5] =	wrdreg s17;
	s15 =	sshll.u32 s11, $0x8;
	s4 =	sshrl.u32 s4, $0x3  }
0xa: {  	s16 =	sadd.s32 $0x100, s8;
	s19 =	sadd.s32 $0x200, s8;
	s21 =	sadd.s32 $0x300, s8  }
0xb: {  	s23 =	sadd.s32 $0x400, s8;
	s25 =	sadd.s32 $0x500, s8;
	s10 =	sadd.s32 $0x600, s8  }
0xc: {  	s13 =	sadd.s32 $0x700, s8;
	s8 =	sadd.s32 $0x800, s8;
	s18 =	sadd.s32 s5, s16  }
0xd: {  	s30 =	smax.u32 s6, $0x1;
	s1 =	sadd.s32 s7, s16;
	[dreg:$0x6] =	wrdreg s18  }
0xe: {  	s6 =	simm.s32 $0x2;
	s20 =	sadd.s32 s5, s19;
	[dreg:$0x7] =	wrdreg s1  }
0xf: {  	s9 =	sadd.s32 s7, s19;
	s22 =	sadd.s32 s5, s21;
	[dreg:$0x8] =	wrdreg s20  }
0x10: {  	s24 =	sadd.s32 s5, s23;
	s26 =	sadd.s32 s5, s25;
	[dreg:$0x9] =	wrdreg s9  }
0x11: {  	s12 =	sadd.s32 s5, s10;
	s14 =	sadd.s32 s5, s13;
	[dreg:$0xa] =	wrdreg s22  }
0x12: {  	s16 =	smul.u32 $0x4F000, s11;
	s17 =	sadd.s32 s4, s3;
	[dreg:$0xc] =	wrdreg s24  }
0x13: {  	s19 =	sshll.u32 s11, $0x6;
	s4 =	simm.s32 $0x80;
	[dreg:$0xe] =	wrdreg s26  }
0x14: {  	s11 =	simm.s32 $0x1;
	s1 =	sadd.s32 s7, s21;
	[dreg:$0x10] =	wrdreg s12  }
0x15: {  	s9 =	sadd.s32 s7, s23;
	[dreg:$0x12] =	wrdreg s14;
	s20 =	sadd.s32 s5, s8  }
0x16: {  	s21 =	sadd.s32 s7, s8;
	s22 =	rddreg [dreg:$0x2];
	s28 =	sor.u32 $0x1C06, s19  }
0x17: {  	s29 =	sadd.s32 $0x68200, s17;
	s19 =	simm.s32 $0x2000;
	[dreg:$0xb] =	wrdreg s1  }
0x18: {  	s8 =	simm.s32 $0x5;
	s12 =	simm.s32 $0x1000;
	[dreg:$0xd] =	wrdreg s9  }
0x19: {  	s1 =	sadd.s32 s7, s25;
	s9 =	sadd.s32 s7, s10;
	s25 =	sadd.s32 $0x16A00, s3  }
0x1a: {  	s18 =	sshrl.u32 s16, $0x2;
	s3 =	simm.s32 $0x4;
	[dreg:$0xf] =	wrdreg s1  }
.Ltmp0:
0x1b: {  	s10 =	simm.s32 $0x1800;
	[dreg:$0x11] =	wrdreg s9;
	(pc) =	sbr.rel .LBB2_1-.Ltmp0, $4  }
0x1c: {  	s1 =	sadd.s32 s7, s13;
	s26 =	sadd.s32 s18, s22;
	s9 =	simm.s32 $0x800  }
0x1d: {  	s13 =	simm.s32 $0x1F80;
	[dreg:$0x13] =	wrdreg s1;
	s1 =	sor.u32 $0x9000, s15  }
0x1e: {  	s23 =	sadd.s32 s5, s1;
	s24 =	sadd.s32 s7, s1;
	_ =	strace $0x8000004A  }
0x1f: {  	s1 =	simm.s32 $0x3;
	s5 =	simm.s32 $0x6000;
	s7 =	simm.s32 $0x1780  }
.LBB2_92:
0x20: {  	_ =	swait.ge [sflag:s1], $0x4000  }
0x21: {  	[sflag:s1] =	ssyncset.done $0x0  }
0x22: {  	[sflag:s1] =	ssyncadd.s32 $0xFFFFC000  }
0x23: {  	[spmem:s22] =	stream.indirect.scatter.add.f32 [tilespmem:s5], [sflag:$0x5], $0x80, s7, s4, $0xb8;
	[tilespmem:$0x1DC00] =	vst v63  }
0x24: {  	_ =	swait.ge [sflag:s3], $0x4000  }
0x25: {  	[sflag:s3] =	ssyncset.done $0x0  }
0x26: {  	[sflag:s3] =	ssyncadd.s32 $0xFFFFC000  }
0x27: {  	_ =	swait.ge [sflag:s8], $0x4000  }
0x28: {  	s2 =	sadd.s32 $0x1, s2;
	[sflag:s8] =	ssyncset.done $0x0  }
0x29: {  	p1 =	sne.s32 s2, s30;
	[sflag:s8] =	ssyncadd.s32 $0xFFFFC000  }
.Ltmp1:
0x2a: {  	[bflag:$0x0] =	sbarrier.arrive $0xFFFF;
	(pc) =	sbr.rel @!p1 .LBB2_93-.Ltmp1, $4  }
0x2b: {  	[hbm:s29], [sflag:s28] =	dma.local [spmem:s14], $0x2780  }
0x2c: {  	_ =	swait.ge [sflag:s31], $0x2780  }
0x2d: {  	[sflag:s31] =	ssyncset.done $0x0  }
0x2e: {  	[sflag:s31] =	ssyncadd.s32 $0xFFFFD880  }
.LBB2_1:
.Ltmp2:
0x2f: {  	s14 =	sshrl.u32 s26, $0x3;
	(pc) =	sbr.rel @!p0 .LBB2_2-.Ltmp2, $4  }
0x30: {  	[spmem:s14], [sflag:s28] =	dma.local [hbm:s25], $0x2780  }
0x31: {  	_ =	swait.ge [sflag:s31], $0x2780  }
0x32: {  	[sflag:s31] =	ssyncset.done $0x0  }
0x33: {  	s15 =	simm.s32 $0x0;
	[sflag:s31] =	ssyncadd.s32 $0xFFFFD880  }
0x34: {  	[tilespmem:s15], [sflag:$0x6] =	stream.linear.gather [hbm4b:s23+s15], $0x800, $0x38;
	[tilespmem:$0x1DC00] =	vst v63  }
0x35: {  	_ =	swait.ge [sflag:s31], $0x800  }
0x36: {  	[sflag:s31] =	ssyncset.done $0x0  }
0x37: {  	s16 =	simm.s32 $0x1000;
	[sflag:s31] =	ssyncadd.s32 $0xFFFFF800  }
0x38: {  	[tilespmem:s16], [sflag:$0x6] =	stream.linear.gather [hbm4b:s24+s15], $0x800, $0x38;
	[tilespmem:$0x1DC00] =	vst v63  }
.Ltmp3:
0x39: {  	_ = 	snop;
	(pc) =	sbr.rel .LBB2_84-.Ltmp3, $4  }
0x3a: {  	_ =	swait.ge [sflag:s31], $0x800  }
0x3b: {  	[sflag:s31] =	ssyncset.done $0x0  }
0x3c: {  	s17 =	simm.s32 $0x80;
	[sflag:s31] =	ssyncadd.s32 $0xFFFFF800  }
0x3d: {  	[tilespmem:s19], [sflag:$0x2] =	stream.indirect.gather [hbm4b:s0+s17], $0x80, s15, s17, $0xb8;
	[tilespmem:$0x1DC00] =	vst v63  }
.LBB2_88:
0x3e: {  	[spmem:s22] =	stream.indirect.scatter.add.f32 [tilespmem:s19], [sflag:$0x4], $0x80, s7, s4, $0xb8;
	[tilespmem:$0x1DC00] =	vst v63  }
.LBB2_90:
0x3f: {  	_ =	swait.ge [sflag:s1], $0x4000  }
0x40: {  	[sflag:s1] =	ssyncset.done $0x0  }
0x41: {  	[sflag:s1] =	ssyncadd.s32 $0xFFFFC000  }
0x42: {  	_ =	swait.ge [sflag:s3], $0x4000  }
0x43: {  	[sflag:s3] =	ssyncset.done $0x0  }
0x44: {  	[sflag:s3] =	ssyncadd.s32 $0xFFFFC000  }
0x45: {  	[tilespmem:s19], [sflag:$0x2] =	stream.indirect.gather [hbm4b:s0+s4], $0x80, s17, s4, $0xb8;
	[tilespmem:$0x1DC00] =	vst v63  }
0x46: {  	_ = 	snop  }
0x47: {  	[spmem:s22] =	stream.indirect.scatter.add.f32 [tilespmem:s5], [sflag:$0x5], $0x80, s16, s4, $0xb8;
	[tilespmem:$0x1DC00] =	vst v63  }
.LBB2_91:
0x48: {  	s15 =	sadd.s32 $0x1, s15  }
0x49: {  	p1 =	sne.s32 s15, $0xF  }
.Ltmp4:
0x4a: {  	_ = 	snop;
	(pc) =	sbr.rel @!p1 .LBB2_92-.Ltmp4, $2  }
0x4b: {  	_ =	sdelay $0x2  }
0x4c: {  	s16 =	sadd.s32 $0x80, s16;
	s17 =	sadd.s32 $0x80, s17  }
.LBB2_84:
0x4d: {  	s18 =	sand.u32 $0x1, s15  }
0x4e: {  	p1 =	seq.s32 s18, $0x1  }
.Ltmp5:
0x4f: {  	_ = 	snop;
	(pc) =	sbr.rel @p1 .LBB2_90-.Ltmp5, $1  }
0x50: {  	_ =	sdelay $0x3  }
0x51: {  	p1 =	seq.s32 s15, $0xF  }
.Ltmp6:
0x52: {  	_ = 	snop;
	(pc) =	sbr.rel @p1 .LBB2_88-.Ltmp6, $4  }
0x53: {  	_ = 	snop  }
0x54: {  	_ =	swait.ge [sflag:s6], $0x4000  }
0x55: {  	[sflag:s6] =	ssyncset.done $0x0  }
0x56: {  	[sflag:s6] =	ssyncadd.s32 $0xFFFFC000  }
0x57: {  	p1 =	sne.s32 s15, $0x0  }
.Ltmp7:
0x58: {  	_ = 	snop;
	(pc) =	sbr.rel @p1 .LBB2_89-.Ltmp7, $1  }
0x59: {  	_ =	sdelay $0x3  }
.Ltmp8:
0x5a: {  	(pc) =	sbr.rel .LBB2_91-.Ltmp8, $4  }
0x5b: {  	_ = 	snop  }
0x5c: {  	[tilespmem:s5], [sflag:$0x3] =	stream.indirect.gather [hbm4b:s0+s4], $0x80, s17, s4, $0xb8;
	[tilespmem:$0x1DC00] =	vst v63  }
0x5d: {  	_ = 	snop  }
0x5e: {  	[spmem:s22] =	stream.indirect.scatter.add.f32 [tilespmem:s19], [sflag:$0x4], $0x80, s16, s4, $0xb8;
	[tilespmem:$0x1DC00] =	vst v63  }
.LBB2_89:
0x5f: {  	_ =	swait.ge [sflag:s8], $0x4000;
	p1 =	seq.s32 s18, $0x0  }
.Ltmp9:
0x60: {  	[sflag:s8] =	ssyncset.done $0x0;
	(pc) =	sbr.rel @p1 .LBB2_91-.Ltmp9, $4  }
.Ltmp10:
0x61: {  	[sflag:s8] =	ssyncadd.s32 $0xFFFFC000;
	(pc) =	sbr.rel @!p1 .LBB2_90-.Ltmp10, $4  }
0x62: {  	[tilespmem:s5], [sflag:$0x3] =	stream.indirect.gather [hbm4b:s0+s4], $0x80, s17, s4, $0xb8;
	[tilespmem:$0x1DC00] =	vst v63  }
0x63: {  	_ = 	snop  }
0x64: {  	[spmem:s22] =	stream.indirect.scatter.add.f32 [tilespmem:s19], [sflag:$0x4], $0x80, s16, s4, $0xb8;
	[tilespmem:$0x1DC00] =	vst v63  }
0x65: {  	_ = 	snop  }
.LBB2_2:
0x66: {  	s16 =	rddreg [dreg:$0x4]  }
0x67: {  	[tilespmem:s15], [sflag:$0x6] =	stream.linear.gather [hbm4b:s16+s15], $0x800, $0x38;
	[tilespmem:$0x1DC00] =	vst v63  }
0x68: {  	_ =	swait.ge [sflag:s31], $0x800  }
0x69: {  	[sflag:s31] =	ssyncset.done $0x0  }
0x6a: {  	s16 =	simm.s32 $0x1000;
	s17 =	rddreg [dreg:$0x5];
	[sflag:s31] =	ssyncadd.s32 $0xFFFFF800  }
0x6b: {  	[tilespmem:s16], [sflag:$0x6] =	stream.linear.gather [hbm4b:s17+s15], $0x800, $0x38;
	[tilespmem:$0x1DC00] =	vst v63  }
0x6c: {  	_ =	swait.ge [sflag:s31], $0x800  }
0x6d: {  	[sflag:s31] =	ssyncset.done $0x0  }
0x6e: {  	s18 =	rddreg [dreg:$0x6];
	[sflag:s31] =	ssyncadd.s32 $0xFFFFF800  }
0x6f: {  	[tilespmem:s9], [sflag:$0x1] =	stream.linear.gather [hbm4b:s18+s15], $0x800, $0x38;
	[tilespmem:$0x1DC00] =	vst v63  }
.Ltmp11:
0x70: {  	_ = 	snop;
	(pc) =	sbr.rel .LBB2_3-.Ltmp11, $4  }
0x71: {  	s18 =	rddreg [dreg:$0x7]  }
0x72: {  	[tilespmem:s10], [sflag:$0x1] =	stream.linear.gather [hbm4b:s18+s15], $0x800, $0x38;
	[tilespmem:$0x1DC00] =	vst v63  }
0x73: {  	s17 =	simm.s32 $0x80  }
0x74: {  	[tilespmem:s19], [sflag:$0x2] =	stream.indirect.gather [hbm4b:s0+s17], $0x80, s15, s17, $0xb8;
	[tilespmem:$0x1DC00] =	vst v63  }
.LBB2_7:
0x75: {  	[spmem:s22] =	stream.indirect.scatter.add.f32 [tilespmem:s19], [sflag:$0x4], $0x80, s7, s4, $0xb8;
	[tilespmem:$0x1DC00] =	vst v63  }
.LBB2_9:
0x76: {  	_ =	swait.ge [sflag:s1], $0x4000  }
0x77: {  	[sflag:s1] =	ssyncset.done $0x0  }
0x78: {  	[sflag:s1] =	ssyncadd.s32 $0xFFFFC000  }
0x79: {  	_ =	swait.ge [sflag:s3], $0x4000  }
0x7a: {  	[sflag:s3] =	ssyncset.done $0x0  }
0x7b: {  	[sflag:s3] =	ssyncadd.s32 $0xFFFFC000  }
0x7c: {  	[tilespmem:s19], [sflag:$0x2] =	stream.indirect.gather [hbm4b:s0+s4], $0x80, s17, s4, $0xb8;
	[tilespmem:$0x1DC00] =	vst v63  }
0x7d: {  	_ = 	snop  }
0x7e: {  	[spmem:s22] =	stream.indirect.scatter.add.f32 [tilespmem:s5], [sflag:$0x5], $0x80, s16, s4, $0xb8;
	[tilespmem:$0x1DC00] =	vst v63  }
.LBB2_10:
0x7f: {  	s15 =	sadd.s32 $0x1, s15  }
0x80: {  	p1 =	sne.s32 s15, $0xF  }
.Ltmp12:
0x81: {  	_ = 	snop;
	(pc) =	sbr.rel @!p1 .LBB2_11-.Ltmp12, $2  }
0x82: {  	_ =	sdelay $0x2  }
0x83: {  	s16 =	sadd.s32 $0x80, s16;
	s17 =	sadd.s32 $0x80, s17  }
.LBB2_3:
0x84: {  	s18 =	sand.u32 $0x1, s15  }
0x85: {  	p1 =	seq.s32 s18, $0x1  }
.Ltmp13:
0x86: {  	_ = 	snop;
	(pc) =	sbr.rel @p1 .LBB2_9-.Ltmp13, $1  }
0x87: {  	_ =	sdelay $0x3  }
0x88: {  	p1 =	seq.s32 s15, $0xF  }
.Ltmp14:
0x89: {  	_ = 	snop;
	(pc) =	sbr.rel @p1 .LBB2_7-.Ltmp14, $4  }
0x8a: {  	_ = 	snop  }
0x8b: {  	_ =	swait.ge [sflag:s6], $0x4000  }
0x8c: {  	[sflag:s6] =	ssyncset.done $0x0  }
0x8d: {  	[sflag:s6] =	ssyncadd.s32 $0xFFFFC000  }
0x8e: {  	p1 =	sne.s32 s15, $0x0  }
.Ltmp15:
0x8f: {  	_ = 	snop;
	(pc) =	sbr.rel @p1 .LBB2_8-.Ltmp15, $1  }
0x90: {  	_ =	sdelay $0x3  }
.Ltmp16:
0x91: {  	(pc) =	sbr.rel .LBB2_10-.Ltmp16, $4  }
0x92: {  	_ = 	snop  }
0x93: {  	[tilespmem:s5], [sflag:$0x3] =	stream.indirect.gather [hbm4b:s0+s4], $0x80, s17, s4, $0xb8;
	[tilespmem:$0x1DC00] =	vst v63  }
0x94: {  	_ = 	snop  }
0x95: {  	[spmem:s22] =	stream.indirect.scatter.add.f32 [tilespmem:s19], [sflag:$0x4], $0x80, s16, s4, $0xb8;
	[tilespmem:$0x1DC00] =	vst v63  }
.LBB2_8:
0x96: {  	_ =	swait.ge [sflag:s8], $0x4000;
	p1 =	seq.s32 s18, $0x0  }
.Ltmp17:
0x97: {  	[sflag:s8] =	ssyncset.done $0x0;
	(pc) =	sbr.rel @p1 .LBB2_10-.Ltmp17, $4  }
.Ltmp18:
0x98: {  	[sflag:s8] =	ssyncadd.s32 $0xFFFFC000;
	(pc) =	sbr.rel @!p1 .LBB2_9-.Ltmp18, $4  }
0x99: {  	[tilespmem:s5], [sflag:$0x3] =	stream.indirect.gather [hbm4b:s0+s4], $0x80, s17, s4, $0xb8;
	[tilespmem:$0x1DC00] =	vst v63  }
0x9a: {  	_ = 	snop  }
0x9b: {  	[spmem:s22] =	stream.indirect.scatter.add.f32 [tilespmem:s19], [sflag:$0x4], $0x80, s16, s4, $0xb8;
	[tilespmem:$0x1DC00] =	vst v63  }
0x9c: {  	_ = 	snop  }
.LBB2_11:
0x9d: {  	_ =	swait.ge [sflag:s1], $0x4000  }
0x9e: {  	[sflag:s1] =	ssyncset.done $0x0  }
0x9f: {  	[sflag:s1] =	ssyncadd.s32 $0xFFFFC000  }
0xa0: {  	[spmem:s22] =	stream.indirect.scatter.add.f32 [tilespmem:s5], [sflag:$0x5], $0x80, s7, s4, $0xb8;
	[tilespmem:$0x1DC00] =	vst v63  }
0xa1: {  	_ =	swait.ge [sflag:s3], $0x4000  }
0xa2: {  	[sflag:s3] =	ssyncset.done $0x0  }
0xa3: {  	[sflag:s3] =	ssyncadd.s32 $0xFFFFC000  }
0xa4: {  	_ =	swait.ge [sflag:s8], $0x4000  }
0xa5: {  	[sflag:s8] =	ssyncset.done $0x0  }
0xa6: {  	[sflag:s8] =	ssyncadd.s32 $0xFFFFC000  }
0xa7: {  	_ =	swait.ge [sflag:s11], $0x800  }
0xa8: {  	[sflag:s11] =	ssyncset.done $0x0  }
0xa9: {  	[sflag:s11] =	ssyncadd.s32 $0xFFFFF800  }
0xaa: {  	_ =	swait.ge [sflag:s11], $0x800  }
0xab: {  	[sflag:s11] =	ssyncset.done $0x0  }
0xac: {  	s15 =	simm.s32 $0x0;
	s16 =	rddreg [dreg:$0x8];
	[sflag:s11] =	ssyncadd.s32 $0xFFFFF800  }
0xad: {  	[tilespmem:s15], [sflag:$0x1] =	stream.linear.gather [hbm4b:s16+s15], $0x800, $0x38;
	[tilespmem:$0x1DC00] =	vst v63  }
.Ltmp19:
0xae: {  	_ = 	snop;
	(pc) =	sbr.rel .LBB2_12-.Ltmp19, $4  }
0xaf: {  	s18 =	rddreg [dreg:$0x9]  }
0xb0: {  	[tilespmem:s12], [sflag:$0x1] =	stream.linear.gather [hbm4b:s18+s15], $0x800, $0x38;
	[tilespmem:$0x1DC00] =	vst v63  }
0xb1: {  	s17 =	simm.s32 $0x880;
	s16 =	simm.s32 $0x1800  }
0xb2: {  	[tilespmem:s19], [sflag:$0x2] =	stream.indirect.gather [hbm4b:s0+s4], $0x80, s9, s4, $0xb8;
	[tilespmem:$0x1DC00] =	vst v63  }
.LBB2_16:
0xb3: {  	[spmem:s22] =	stream.indirect.scatter.add.f32 [tilespmem:s19], [sflag:$0x4], $0x80, s13, s4, $0xb8;
	[tilespmem:$0x1DC00] =	vst v63  }
.LBB2_18:
0xb4: {  	_ =	swait.ge [sflag:s1], $0x4000  }
0xb5: {  	[sflag:s1] =	ssyncset.done $0x0  }
0xb6: {  	[sflag:s1] =	ssyncadd.s32 $0xFFFFC000  }
0xb7: {  	_ =	swait.ge [sflag:s3], $0x4000  }
0xb8: {  	[sflag:s3] =	ssyncset.done $0x0  }
0xb9: {  	[sflag:s3] =	ssyncadd.s32 $0xFFFFC000  }
0xba: {  	[tilespmem:s19], [sflag:$0x2] =	stream.indirect.gather [hbm4b:s0+s4], $0x80, s17, s4, $0xb8;
	[tilespmem:$0x1DC00] =	vst v63  }
0xbb: {  	_ = 	snop  }
0xbc: {  	[spmem:s22] =	stream.indirect.scatter.add.f32 [tilespmem:s5], [sflag:$0x5], $0x80, s16, s4, $0xb8;
	[tilespmem:$0x1DC00] =	vst v63  }
.LBB2_19:
0xbd: {  	s15 =	sadd.s32 $0x1, s15  }
0xbe: {  	p1 =	sne.s32 s15, $0xF  }
.Ltmp20:
0xbf: {  	_ = 	snop;
	(pc) =	sbr.rel @!p1 .LBB2_20-.Ltmp20, $2  }
0xc0: {  	_ =	sdelay $0x2  }
0xc1: {  	s16 =	sadd.s32 $0x80, s16;
	s17 =	sadd.s32 $0x80, s17  }
.LBB2_12:
0xc2: {  	s18 =	sand.u32 $0x1, s15  }
0xc3: {  	p1 =	seq.s32 s18, $0x1  }
.Ltmp21:
0xc4: {  	_ = 	snop;
	(pc) =	sbr.rel @p1 .LBB2_18-.Ltmp21, $1  }
0xc5: {  	_ =	sdelay $0x3  }
0xc6: {  	p1 =	seq.s32 s15, $0xF  }
.Ltmp22:
0xc7: {  	_ = 	snop;
	(pc) =	sbr.rel @p1 .LBB2_16-.Ltmp22, $4  }
0xc8: {  	_ = 	snop  }
0xc9: {  	_ =	swait.ge [sflag:s6], $0x4000  }
0xca: {  	[sflag:s6] =	ssyncset.done $0x0  }
0xcb: {  	[sflag:s6] =	ssyncadd.s32 $0xFFFFC000  }
0xcc: {  	p1 =	sne.s32 s15, $0x0  }
.Ltmp23:
0xcd: {  	_ = 	snop;
	(pc) =	sbr.rel @p1 .LBB2_17-.Ltmp23, $1  }
0xce: {  	_ =	sdelay $0x3  }
.Ltmp24:
0xcf: {  	(pc) =	sbr.rel .LBB2_19-.Ltmp24, $4  }
0xd0: {  	_ = 	snop  }
0xd1: {  	[tilespmem:s5], [sflag:$0x3] =	stream.indirect.gather [hbm4b:s0+s4], $0x80, s17, s4, $0xb8;
	[tilespmem:$0x1DC00] =	vst v63  }
0xd2: {  	_ = 	snop  }
0xd3: {  	[spmem:s22] =	stream.indirect.scatter.add.f32 [tilespmem:s19], [sflag:$0x4], $0x80, s16, s4, $0xb8;
	[tilespmem:$0x1DC00] =	vst v63  }
.LBB2_17:
0xd4: {  	_ =	swait.ge [sflag:s8], $0x4000;
	p1 =	seq.s32 s18, $0x0  }
.Ltmp25:
0xd5: {  	[sflag:s8] =	ssyncset.done $0x0;
	(pc) =	sbr.rel @p1 .LBB2_19-.Ltmp25, $4  }
.Ltmp26:
0xd6: {  	[sflag:s8] =	ssyncadd.s32 $0xFFFFC000;
	(pc) =	sbr.rel @!p1 .LBB2_18-.Ltmp26, $4  }
0xd7: {  	[tilespmem:s5], [sflag:$0x3] =	stream.indirect.gather [hbm4b:s0+s4], $0x80, s17, s4, $0xb8;
	[tilespmem:$0x1DC00] =	vst v63  }
0xd8: {  	_ = 	snop  }
0xd9: {  	[spmem:s22] =	stream.indirect.scatter.add.f32 [tilespmem:s19], [sflag:$0x4], $0x80, s16, s4, $0xb8;
	[tilespmem:$0x1DC00] =	vst v63  }
0xda: {  	_ = 	snop  }
.LBB2_20:
0xdb: {  	_ =	swait.ge [sflag:s1], $0x4000  }
0xdc: {  	[sflag:s1] =	ssyncset.done $0x0  }
0xdd: {  	s15 =	simm.s32 $0x80;
	[sflag:s1] =	ssyncadd.s32 $0xFFFFC000  }
0xde: {  	[spmem:s22] =	stream.indirect.scatter.add.f32 [tilespmem:s5], [sflag:$0x5], $0x80, s13, s15, $0xb8;
	[tilespmem:$0x1DC00] =	vst v63  }
0xdf: {  	_ =	swait.ge [sflag:s3], $0x4000  }
0xe0: {  	[sflag:s3] =	ssyncset.done $0x0  }
0xe1: {  	[sflag:s3] =	ssyncadd.s32 $0xFFFFC000  }
0xe2: {  	_ =	swait.ge [sflag:s8], $0x4000  }
0xe3: {  	[sflag:s8] =	ssyncset.done $0x0  }
0xe4: {  	[sflag:s8] =	ssyncadd.s32 $0xFFFFC000  }
0xe5: {  	_ =	swait.ge [sflag:s11], $0x800  }
0xe6: {  	[sflag:s11] =	ssyncset.done $0x0  }
0xe7: {  	[sflag:s11] =	ssyncadd.s32 $0xFFFFF800  }
0xe8: {  	_ =	swait.ge [sflag:s11], $0x800  }
0xe9: {  	[sflag:s11] =	ssyncset.done $0x0  }
0xea: {  	s16 =	simm.s32 $0x0;
	s17 =	rddreg [dreg:$0xa];
	[sflag:s11] =	ssyncadd.s32 $0xFFFFF800  }
0xeb: {  	[tilespmem:s9], [sflag:$0x1] =	stream.linear.gather [hbm4b:s17+s16], $0x800, $0x38;
	[tilespmem:$0x1DC00] =	vst v63  }
.Ltmp27:
0xec: {  	_ = 	snop;
	(pc) =	sbr.rel .LBB2_21-.Ltmp27, $4  }
0xed: {  	s18 =	rddreg [dreg:$0xb]  }
0xee: {  	[tilespmem:s10], [sflag:$0x1] =	stream.linear.gather [hbm4b:s18+s16], $0x800, $0x38;
	[tilespmem:$0x1DC00] =	vst v63  }
0xef: {  	s17 =	simm.s32 $0x1000  }
0xf0: {  	[tilespmem:s19], [sflag:$0x2] =	stream.indirect.gather [hbm4b:s0+s15], $0x80, s16, s15, $0xb8;
	[tilespmem:$0x1DC00] =	vst v63  }
.LBB2_25:
0xf1: {  	[spmem:s22] =	stream.indirect.scatter.add.f32 [tilespmem:s19], [sflag:$0x4], $0x80, s7, s4, $0xb8;
	[tilespmem:$0x1DC00] =	vst v63  }
.LBB2_27:
0xf2: {  	_ =	swait.ge [sflag:s1], $0x4000  }
0xf3: {  	[sflag:s1] =	ssyncset.done $0x0  }
0xf4: {  	[sflag:s1] =	ssyncadd.s32 $0xFFFFC000  }
0xf5: {  	_ =	swait.ge [sflag:s3], $0x4000  }
0xf6: {  	[sflag:s3] =	ssyncset.done $0x0  }
0xf7: {  	[sflag:s3] =	ssyncadd.s32 $0xFFFFC000  }
0xf8: {  	[tilespmem:s19], [sflag:$0x2] =	stream.indirect.gather [hbm4b:s0+s4], $0x80, s15, s4, $0xb8;
	[tilespmem:$0x1DC00] =	vst v63  }
0xf9: {  	_ = 	snop  }
0xfa: {  	[spmem:s22] =	stream.indirect.scatter.add.f32 [tilespmem:s5], [sflag:$0x5], $0x80, s17, s4, $0xb8;
	[tilespmem:$0x1DC00] =	vst v63  }
.LBB2_28:
0xfb: {  	s16 =	sadd.s32 $0x1, s16  }
0xfc: {  	p1 =	sne.s32 s16, $0xF  }
.Ltmp28:
0xfd: {  	_ = 	snop;
	(pc) =	sbr.rel @!p1 .LBB2_29-.Ltmp28, $2  }
0xfe: {  	_ =	sdelay $0x2  }
0xff: {  	s17 =	sadd.s32 $0x80, s17;
	s15 =	sadd.s32 $0x80, s15  }
.LBB2_21:
0x100: {  	s18 =	sand.u32 $0x1, s16  }
0x101: {  	p1 =	seq.s32 s18, $0x1  }
.Ltmp29:
0x102: {  	_ = 	snop;
	(pc) =	sbr.rel @p1 .LBB2_27-.Ltmp29, $1  }
0x103: {  	_ =	sdelay $0x3  }
0x104: {  	p1 =	seq.s32 s16, $0xF  }
.Ltmp30:
0x105: {  	_ = 	snop;
	(pc) =	sbr.rel @p1 .LBB2_25-.Ltmp30, $4  }
0x106: {  	_ = 	snop  }
0x107: {  	_ =	swait.ge [sflag:s6], $0x4000  }
0x108: {  	[sflag:s6] =	ssyncset.done $0x0  }
0x109: {  	[sflag:s6] =	ssyncadd.s32 $0xFFFFC000  }
0x10a: {  	p1 =	sne.s32 s16, $0x0  }
.Ltmp31:
0x10b: {  	_ = 	snop;
	(pc) =	sbr.rel @p1 .LBB2_26-.Ltmp31, $1  }
0x10c: {  	_ =	sdelay $0x3  }
.Ltmp32:
0x10d: {  	(pc) =	sbr.rel .LBB2_28-.Ltmp32, $4  }
0x10e: {  	_ = 	snop  }
0x10f: {  	[tilespmem:s5], [sflag:$0x3] =	stream.indirect.gather [hbm4b:s0+s4], $0x80, s15, s4, $0xb8;
	[tilespmem:$0x1DC00] =	vst v63  }
0x110: {  	_ = 	snop  }
0x111: {  	[spmem:s22] =	stream.indirect.scatter.add.f32 [tilespmem:s19], [sflag:$0x4], $0x80, s17, s4, $0xb8;
	[tilespmem:$0x1DC00] =	vst v63  }
.LBB2_26:
0x112: {  	_ =	swait.ge [sflag:s8], $0x4000;
	p1 =	seq.s32 s18, $0x0  }
.Ltmp33:
0x113: {  	[sflag:s8] =	ssyncset.done $0x0;
	(pc) =	sbr.rel @p1 .LBB2_28-.Ltmp33, $4  }
.Ltmp34:
0x114: {  	[sflag:s8] =	ssyncadd.s32 $0xFFFFC000;
	(pc) =	sbr.rel @!p1 .LBB2_27-.Ltmp34, $4  }
0x115: {  	[tilespmem:s5], [sflag:$0x3] =	stream.indirect.gather [hbm4b:s0+s4], $0x80, s15, s4, $0xb8;
	[tilespmem:$0x1DC00] =	vst v63  }
0x116: {  	_ = 	snop  }
0x117: {  	[spmem:s22] =	stream.indirect.scatter.add.f32 [tilespmem:s19], [sflag:$0x4], $0x80, s17, s4, $0xb8;
	[tilespmem:$0x1DC00] =	vst v63  }
0x118: {  	_ = 	snop  }
.LBB2_29:
0x119: {  	_ =	swait.ge [sflag:s1], $0x4000  }
0x11a: {  	[sflag:s1] =	ssyncset.done $0x0  }
0x11b: {  	[sflag:s1] =	ssyncadd.s32 $0xFFFFC000  }
0x11c: {  	[spmem:s22] =	stream.indirect.scatter.add.f32 [tilespmem:s5], [sflag:$0x5], $0x80, s7, s4, $0xb8;
	[tilespmem:$0x1DC00] =	vst v63  }
0x11d: {  	_ =	swait.ge [sflag:s3], $0x4000  }
0x11e: {  	[sflag:s3] =	ssyncset.done $0x0  }
0x11f: {  	[sflag:s3] =	ssyncadd.s32 $0xFFFFC000  }
0x120: {  	_ =	swait.ge [sflag:s8], $0x4000  }
0x121: {  	[sflag:s8] =	ssyncset.done $0x0  }
0x122: {  	[sflag:s8] =	ssyncadd.s32 $0xFFFFC000  }
0x123: {  	_ =	swait.ge [sflag:s11], $0x800  }
0x124: {  	[sflag:s11] =	ssyncset.done $0x0  }
0x125: {  	[sflag:s11] =	ssyncadd.s32 $0xFFFFF800  }
0x126: {  	_ =	swait.ge [sflag:s11], $0x800  }
0x127: {  	[sflag:s11] =	ssyncset.done $0x0  }
0x128: {  	s15 =	simm.s32 $0x0;
	s16 =	rddreg [dreg:$0xc];
	[sflag:s11] =	ssyncadd.s32 $0xFFFFF800  }
0x129: {  	[tilespmem:s15], [sflag:$0x1] =	stream.linear.gather [hbm4b:s16+s15], $0x800, $0x38;
	[tilespmem:$0x1DC00] =	vst v63  }
.Ltmp35:
0x12a: {  	_ = 	snop;
	(pc) =	sbr.rel .LBB2_30-.Ltmp35, $4  }
0x12b: {  	s18 =	rddreg [dreg:$0xd]  }
0x12c: {  	[tilespmem:s12], [sflag:$0x1] =	stream.linear.gather [hbm4b:s18+s15], $0x800, $0x38;
	[tilespmem:$0x1DC00] =	vst v63  }
0x12d: {  	s17 =	simm.s32 $0x880;
	s16 =	simm.s32 $0x1800  }
0x12e: {  	[tilespmem:s19], [sflag:$0x2] =	stream.indirect.gather [hbm4b:s0+s4], $0x80, s9, s4, $0xb8;
	[tilespmem:$0x1DC00] =	vst v63  }
.LBB2_34:
0x12f: {  	[spmem:s22] =	stream.indirect.scatter.add.f32 [tilespmem:s19], [sflag:$0x4], $0x80, s13, s4, $0xb8;
	[tilespmem:$0x1DC00] =	vst v63  }
.LBB2_36:
0x130: {  	_ =	swait.ge [sflag:s1], $0x4000  }
0x131: {  	[sflag:s1] =	ssyncset.done $0x0  }
0x132: {  	[sflag:s1] =	ssyncadd.s32 $0xFFFFC000  }
0x133: {  	_ =	swait.ge [sflag:s3], $0x4000  }
0x134: {  	[sflag:s3] =	ssyncset.done $0x0  }
0x135: {  	[sflag:s3] =	ssyncadd.s32 $0xFFFFC000  }
0x136: {  	[tilespmem:s19], [sflag:$0x2] =	stream.indirect.gather [hbm4b:s0+s4], $0x80, s17, s4, $0xb8;
	[tilespmem:$0x1DC00] =	vst v63  }
0x137: {  	_ = 	snop  }
0x138: {  	[spmem:s22] =	stream.indirect.scatter.add.f32 [tilespmem:s5], [sflag:$0x5], $0x80, s16, s4, $0xb8;
	[tilespmem:$0x1DC00] =	vst v63  }
.LBB2_37:
0x139: {  	s15 =	sadd.s32 $0x1, s15  }
0x13a: {  	p1 =	sne.s32 s15, $0xF  }
.Ltmp36:
0x13b: {  	_ = 	snop;
	(pc) =	sbr.rel @!p1 .LBB2_38-.Ltmp36, $2  }
0x13c: {  	_ =	sdelay $0x2  }
0x13d: {  	s16 =	sadd.s32 $0x80, s16;
	s17 =	sadd.s32 $0x80, s17  }
.LBB2_30:
0x13e: {  	s18 =	sand.u32 $0x1, s15  }
0x13f: {  	p1 =	seq.s32 s18, $0x1  }
.Ltmp37:
0x140: {  	_ = 	snop;
	(pc) =	sbr.rel @p1 .LBB2_36-.Ltmp37, $1  }
0x141: {  	_ =	sdelay $0x3  }
0x142: {  	p1 =	seq.s32 s15, $0xF  }
.Ltmp38:
0x143: {  	_ = 	snop;
	(pc) =	sbr.rel @p1 .LBB2_34-.Ltmp38, $4  }
0x144: {  	_ = 	snop  }
0x145: {  	_ =	swait.ge [sflag:s6], $0x4000  }
0x146: {  	[sflag:s6] =	ssyncset.done $0x0  }
0x147: {  	[sflag:s6] =	ssyncadd.s32 $0xFFFFC000  }
0x148: {  	p1 =	sne.s32 s15, $0x0  }
.Ltmp39:
0x149: {  	_ = 	snop;
	(pc) =	sbr.rel @p1 .LBB2_35-.Ltmp39, $1  }
0x14a: {  	_ =	sdelay $0x3  }
.Ltmp40:
0x14b: {  	(pc) =	sbr.rel .LBB2_37-.Ltmp40, $4  }
0x14c: {  	_ = 	snop  }
0x14d: {  	[tilespmem:s5], [sflag:$0x3] =	stream.indirect.gather [hbm4b:s0+s4], $0x80, s17, s4, $0xb8;
	[tilespmem:$0x1DC00] =	vst v63  }
0x14e: {  	_ = 	snop  }
0x14f: {  	[spmem:s22] =	stream.indirect.scatter.add.f32 [tilespmem:s19], [sflag:$0x4], $0x80, s16, s4, $0xb8;
	[tilespmem:$0x1DC00] =	vst v63  }
.LBB2_35:
0x150: {  	_ =	swait.ge [sflag:s8], $0x4000;
	p1 =	seq.s32 s18, $0x0  }
.Ltmp41:
0x151: {  	[sflag:s8] =	ssyncset.done $0x0;
	(pc) =	sbr.rel @p1 .LBB2_37-.Ltmp41, $4  }
.Ltmp42:
0x152: {  	[sflag:s8] =	ssyncadd.s32 $0xFFFFC000;
	(pc) =	sbr.rel @!p1 .LBB2_36-.Ltmp42, $4  }
0x153: {  	[tilespmem:s5], [sflag:$0x3] =	stream.indirect.gather [hbm4b:s0+s4], $0x80, s17, s4, $0xb8;
	[tilespmem:$0x1DC00] =	vst v63  }
0x154: {  	_ = 	snop  }
0x155: {  	[spmem:s22] =	stream.indirect.scatter.add.f32 [tilespmem:s19], [sflag:$0x4], $0x80, s16, s4, $0xb8;
	[tilespmem:$0x1DC00] =	vst v63  }
0x156: {  	_ = 	snop  }
.LBB2_38:
0x157: {  	_ =	swait.ge [sflag:s1], $0x4000  }
0x158: {  	[sflag:s1] =	ssyncset.done $0x0  }
0x159: {  	s15 =	simm.s32 $0x80;
	[sflag:s1] =	ssyncadd.s32 $0xFFFFC000  }
0x15a: {  	[spmem:s22] =	stream.indirect.scatter.add.f32 [tilespmem:s5], [sflag:$0x5], $0x80, s13, s15, $0xb8;
	[tilespmem:$0x1DC00] =	vst v63  }
0x15b: {  	_ =	swait.ge [sflag:s3], $0x4000  }
0x15c: {  	[sflag:s3] =	ssyncset.done $0x0  }
0x15d: {  	[sflag:s3] =	ssyncadd.s32 $0xFFFFC000  }
0x15e: {  	_ =	swait.ge [sflag:s8], $0x4000  }
0x15f: {  	[sflag:s8] =	ssyncset.done $0x0  }
0x160: {  	[sflag:s8] =	ssyncadd.s32 $0xFFFFC000  }
0x161: {  	_ =	swait.ge [sflag:s11], $0x800  }
0x162: {  	[sflag:s11] =	ssyncset.done $0x0  }
0x163: {  	[sflag:s11] =	ssyncadd.s32 $0xFFFFF800  }
0x164: {  	_ =	swait.ge [sflag:s11], $0x800  }
0x165: {  	[sflag:s11] =	ssyncset.done $0x0  }
0x166: {  	s16 =	simm.s32 $0x0;
	s17 =	rddreg [dreg:$0xe];
	[sflag:s11] =	ssyncadd.s32 $0xFFFFF800  }
0x167: {  	[tilespmem:s9], [sflag:$0x1] =	stream.linear.gather [hbm4b:s17+s16], $0x800, $0x38;
	[tilespmem:$0x1DC00] =	vst v63  }
.Ltmp43:
0x168: {  	_ = 	snop;
	(pc) =	sbr.rel .LBB2_39-.Ltmp43, $4  }
0x169: {  	s18 =	rddreg [dreg:$0xf]  }
0x16a: {  	[tilespmem:s10], [sflag:$0x1] =	stream.linear.gather [hbm4b:s18+s16], $0x800, $0x38;
	[tilespmem:$0x1DC00] =	vst v63  }
0x16b: {  	s17 =	simm.s32 $0x1000  }
0x16c: {  	[tilespmem:s19], [sflag:$0x2] =	stream.indirect.gather [hbm4b:s0+s15], $0x80, s16, s15, $0xb8;
	[tilespmem:$0x1DC00] =	vst v63  }
.LBB2_43:
0x16d: {  	[spmem:s22] =	stream.indirect.scatter.add.f32 [tilespmem:s19], [sflag:$0x4], $0x80, s7, s4, $0xb8;
	[tilespmem:$0x1DC00] =	vst v63  }
.LBB2_45:
0x16e: {  	_ =	swait.ge [sflag:s1], $0x4000  }
0x16f: {  	[sflag:s1] =	ssyncset.done $0x0  }
0x170: {  	[sflag:s1] =	ssyncadd.s32 $0xFFFFC000  }
0x171: {  	_ =	swait.ge [sflag:s3], $0x4000  }
0x172: {  	[sflag:s3] =	ssyncset.done $0x0  }
0x173: {  	[sflag:s3] =	ssyncadd.s32 $0xFFFFC000  }
0x174: {  	[tilespmem:s19], [sflag:$0x2] =	stream.indirect.gather [hbm4b:s0+s4], $0x80, s15, s4, $0xb8;
	[tilespmem:$0x1DC00] =	vst v63  }
0x175: {  	_ = 	snop  }
0x176: {  	[spmem:s22] =	stream.indirect.scatter.add.f32 [tilespmem:s5], [sflag:$0x5], $0x80, s17, s4, $0xb8;
	[tilespmem:$0x1DC00] =	vst v63  }
.LBB2_46:
0x177: {  	s16 =	sadd.s32 $0x1, s16  }
0x178: {  	p1 =	sne.s32 s16, $0xF  }
.Ltmp44:
0x179: {  	_ = 	snop;
	(pc) =	sbr.rel @!p1 .LBB2_47-.Ltmp44, $2  }
0x17a: {  	_ =	sdelay $0x2  }
0x17b: {  	s17 =	sadd.s32 $0x80, s17;
	s15 =	sadd.s32 $0x80, s15  }
.LBB2_39:
0x17c: {  	s18 =	sand.u32 $0x1, s16  }
0x17d: {  	p1 =	seq.s32 s18, $0x1  }
.Ltmp45:
0x17e: {  	_ = 	snop;
	(pc) =	sbr.rel @p1 .LBB2_45-.Ltmp45, $1  }
0x17f: {  	_ =	sdelay $0x3  }
0x180: {  	p1 =	seq.s32 s16, $0xF  }
.Ltmp46:
0x181: {  	_ = 	snop;
	(pc) =	sbr.rel @p1 .LBB2_43-.Ltmp46, $4  }
0x182: {  	_ = 	snop  }
0x183: {  	_ =	swait.ge [sflag:s6], $0x4000  }
0x184: {  	[sflag:s6] =	ssyncset.done $0x0  }
0x185: {  	[sflag:s6] =	ssyncadd.s32 $0xFFFFC000  }
0x186: {  	p1 =	sne.s32 s16, $0x0  }
.Ltmp47:
0x187: {  	_ = 	snop;
	(pc) =	sbr.rel @p1 .LBB2_44-.Ltmp47, $1  }
0x188: {  	_ =	sdelay $0x3  }
.Ltmp48:
0x189: {  	(pc) =	sbr.rel .LBB2_46-.Ltmp48, $4  }
0x18a: {  	_ = 	snop  }
0x18b: {  	[tilespmem:s5], [sflag:$0x3] =	stream.indirect.gather [hbm4b:s0+s4], $0x80, s15, s4, $0xb8;
	[tilespmem:$0x1DC00] =	vst v63  }
0x18c: {  	_ = 	snop  }
0x18d: {  	[spmem:s22] =	stream.indirect.scatter.add.f32 [tilespmem:s19], [sflag:$0x4], $0x80, s17, s4, $0xb8;
	[tilespmem:$0x1DC00] =	vst v63  }
.LBB2_44:
0x18e: {  	_ =	swait.ge [sflag:s8], $0x4000;
	p1 =	seq.s32 s18, $0x0  }
.Ltmp49:
0x18f: {  	[sflag:s8] =	ssyncset.done $0x0;
	(pc) =	sbr.rel @p1 .LBB2_46-.Ltmp49, $4  }
.Ltmp50:
0x190: {  	[sflag:s8] =	ssyncadd.s32 $0xFFFFC000;
	(pc) =	sbr.rel @!p1 .LBB2_45-.Ltmp50, $4  }
0x191: {  	[tilespmem:s5], [sflag:$0x3] =	stream.indirect.gather [hbm4b:s0+s4], $0x80, s15, s4, $0xb8;
	[tilespmem:$0x1DC00] =	vst v63  }
0x192: {  	_ = 	snop  }
0x193: {  	[spmem:s22] =	stream.indirect.scatter.add.f32 [tilespmem:s19], [sflag:$0x4], $0x80, s17, s4, $0xb8;
	[tilespmem:$0x1DC00] =	vst v63  }
0x194: {  	_ = 	snop  }
.LBB2_47:
0x195: {  	_ =	swait.ge [sflag:s1], $0x4000  }
0x196: {  	[sflag:s1] =	ssyncset.done $0x0  }
0x197: {  	[sflag:s1] =	ssyncadd.s32 $0xFFFFC000  }
0x198: {  	[spmem:s22] =	stream.indirect.scatter.add.f32 [tilespmem:s5], [sflag:$0x5], $0x80, s7, s4, $0xb8;
	[tilespmem:$0x1DC00] =	vst v63  }
0x199: {  	_ =	swait.ge [sflag:s3], $0x4000  }
0x19a: {  	[sflag:s3] =	ssyncset.done $0x0  }
0x19b: {  	[sflag:s3] =	ssyncadd.s32 $0xFFFFC000  }
0x19c: {  	_ =	swait.ge [sflag:s8], $0x4000  }
0x19d: {  	[sflag:s8] =	ssyncset.done $0x0  }
0x19e: {  	[sflag:s8] =	ssyncadd.s32 $0xFFFFC000  }
0x19f: {  	_ =	swait.ge [sflag:s11], $0x800  }
0x1a0: {  	[sflag:s11] =	ssyncset.done $0x0  }
0x1a1: {  	[sflag:s11] =	ssyncadd.s32 $0xFFFFF800  }
0x1a2: {  	_ =	swait.ge [sflag:s11], $0x800  }
0x1a3: {  	[sflag:s11] =	ssyncset.done $0x0  }
0x1a4: {  	s15 =	simm.s32 $0x0;
	s16 =	rddreg [dreg:$0x10];
	[sflag:s11] =	ssyncadd.s32 $0xFFFFF800  }
0x1a5: {  	[tilespmem:s15], [sflag:$0x1] =	stream.linear.gather [hbm4b:s16+s15], $0x800, $0x38;
	[tilespmem:$0x1DC00] =	vst v63  }
.Ltmp51:
0x1a6: {  	_ = 	snop;
	(pc) =	sbr.rel .LBB2_48-.Ltmp51, $4  }
0x1a7: {  	s18 =	rddreg [dreg:$0x11]  }
0x1a8: {  	[tilespmem:s12], [sflag:$0x1] =	stream.linear.gather [hbm4b:s18+s15], $0x800, $0x38;
	[tilespmem:$0x1DC00] =	vst v63  }
0x1a9: {  	s17 =	simm.s32 $0x880;
	s16 =	simm.s32 $0x1800  }
0x1aa: {  	[tilespmem:s19], [sflag:$0x2] =	stream.indirect.gather [hbm4b:s0+s4], $0x80, s9, s4, $0xb8;
	[tilespmem:$0x1DC00] =	vst v63  }
.LBB2_52:
0x1ab: {  	[spmem:s22] =	stream.indirect.scatter.add.f32 [tilespmem:s19], [sflag:$0x4], $0x80, s13, s4, $0xb8;
	[tilespmem:$0x1DC00] =	vst v63  }
.LBB2_54:
0x1ac: {  	_ =	swait.ge [sflag:s1], $0x4000  }
0x1ad: {  	[sflag:s1] =	ssyncset.done $0x0  }
0x1ae: {  	[sflag:s1] =	ssyncadd.s32 $0xFFFFC000  }
0x1af: {  	_ =	swait.ge [sflag:s3], $0x4000  }
0x1b0: {  	[sflag:s3] =	ssyncset.done $0x0  }
0x1b1: {  	[sflag:s3] =	ssyncadd.s32 $0xFFFFC000  }
0x1b2: {  	[tilespmem:s19], [sflag:$0x2] =	stream.indirect.gather [hbm4b:s0+s4], $0x80, s17, s4, $0xb8;
	[tilespmem:$0x1DC00] =	vst v63  }
0x1b3: {  	_ = 	snop  }
0x1b4: {  	[spmem:s22] =	stream.indirect.scatter.add.f32 [tilespmem:s5], [sflag:$0x5], $0x80, s16, s4, $0xb8;
	[tilespmem:$0x1DC00] =	vst v63  }
.LBB2_55:
0x1b5: {  	s15 =	sadd.s32 $0x1, s15  }
0x1b6: {  	p1 =	sne.s32 s15, $0xF  }
.Ltmp52:
0x1b7: {  	_ = 	snop;
	(pc) =	sbr.rel @!p1 .LBB2_56-.Ltmp52, $2  }
0x1b8: {  	_ =	sdelay $0x2  }
0x1b9: {  	s16 =	sadd.s32 $0x80, s16;
	s17 =	sadd.s32 $0x80, s17  }
.LBB2_48:
0x1ba: {  	s18 =	sand.u32 $0x1, s15  }
0x1bb: {  	p1 =	seq.s32 s18, $0x1  }
.Ltmp53:
0x1bc: {  	_ = 	snop;
	(pc) =	sbr.rel @p1 .LBB2_54-.Ltmp53, $1  }
0x1bd: {  	_ =	sdelay $0x3  }
0x1be: {  	p1 =	seq.s32 s15, $0xF  }
.Ltmp54:
0x1bf: {  	_ = 	snop;
	(pc) =	sbr.rel @p1 .LBB2_52-.Ltmp54, $4  }
0x1c0: {  	_ = 	snop  }
0x1c1: {  	_ =	swait.ge [sflag:s6], $0x4000  }
0x1c2: {  	[sflag:s6] =	ssyncset.done $0x0  }
0x1c3: {  	[sflag:s6] =	ssyncadd.s32 $0xFFFFC000  }
0x1c4: {  	p1 =	sne.s32 s15, $0x0  }
.Ltmp55:
0x1c5: {  	_ = 	snop;
	(pc) =	sbr.rel @p1 .LBB2_53-.Ltmp55, $1  }
0x1c6: {  	_ =	sdelay $0x3  }
.Ltmp56:
0x1c7: {  	(pc) =	sbr.rel .LBB2_55-.Ltmp56, $4  }
0x1c8: {  	_ = 	snop  }
0x1c9: {  	[tilespmem:s5], [sflag:$0x3] =	stream.indirect.gather [hbm4b:s0+s4], $0x80, s17, s4, $0xb8;
	[tilespmem:$0x1DC00] =	vst v63  }
0x1ca: {  	_ = 	snop  }
0x1cb: {  	[spmem:s22] =	stream.indirect.scatter.add.f32 [tilespmem:s19], [sflag:$0x4], $0x80, s16, s4, $0xb8;
	[tilespmem:$0x1DC00] =	vst v63  }
.LBB2_53:
0x1cc: {  	_ =	swait.ge [sflag:s8], $0x4000;
	p1 =	seq.s32 s18, $0x0  }
.Ltmp57:
0x1cd: {  	[sflag:s8] =	ssyncset.done $0x0;
	(pc) =	sbr.rel @p1 .LBB2_55-.Ltmp57, $4  }
.Ltmp58:
0x1ce: {  	[sflag:s8] =	ssyncadd.s32 $0xFFFFC000;
	(pc) =	sbr.rel @!p1 .LBB2_54-.Ltmp58, $4  }
0x1cf: {  	[tilespmem:s5], [sflag:$0x3] =	stream.indirect.gather [hbm4b:s0+s4], $0x80, s17, s4, $0xb8;
	[tilespmem:$0x1DC00] =	vst v63  }
0x1d0: {  	_ = 	snop  }
0x1d1: {  	[spmem:s22] =	stream.indirect.scatter.add.f32 [tilespmem:s19], [sflag:$0x4], $0x80, s16, s4, $0xb8;
	[tilespmem:$0x1DC00] =	vst v63  }
0x1d2: {  	_ = 	snop  }
.LBB2_56:
0x1d3: {  	_ =	swait.ge [sflag:s1], $0x4000  }
0x1d4: {  	[sflag:s1] =	ssyncset.done $0x0  }
0x1d5: {  	s15 =	simm.s32 $0x80;
	[sflag:s1] =	ssyncadd.s32 $0xFFFFC000  }
0x1d6: {  	[spmem:s22] =	stream.indirect.scatter.add.f32 [tilespmem:s5], [sflag:$0x5], $0x80, s13, s15, $0xb8;
	[tilespmem:$0x1DC00] =	vst v63  }
0x1d7: {  	_ =	swait.ge [sflag:s3], $0x4000  }
0x1d8: {  	[sflag:s3] =	ssyncset.done $0x0  }
0x1d9: {  	[sflag:s3] =	ssyncadd.s32 $0xFFFFC000  }
0x1da: {  	_ =	swait.ge [sflag:s8], $0x4000  }
0x1db: {  	[sflag:s8] =	ssyncset.done $0x0  }
0x1dc: {  	[sflag:s8] =	ssyncadd.s32 $0xFFFFC000  }
0x1dd: {  	_ =	swait.ge [sflag:s11], $0x800  }
0x1de: {  	[sflag:s11] =	ssyncset.done $0x0  }
0x1df: {  	[sflag:s11] =	ssyncadd.s32 $0xFFFFF800  }
0x1e0: {  	_ =	swait.ge [sflag:s11], $0x800  }
0x1e1: {  	[sflag:s11] =	ssyncset.done $0x0  }
0x1e2: {  	s16 =	simm.s32 $0x0;
	s17 =	rddreg [dreg:$0x12];
	[sflag:s11] =	ssyncadd.s32 $0xFFFFF800  }
0x1e3: {  	[tilespmem:s9], [sflag:$0x1] =	stream.linear.gather [hbm4b:s17+s16], $0x800, $0x38;
	[tilespmem:$0x1DC00] =	vst v63  }
.Ltmp59:
0x1e4: {  	_ = 	snop;
	(pc) =	sbr.rel .LBB2_57-.Ltmp59, $4  }
0x1e5: {  	s18 =	rddreg [dreg:$0x13]  }
0x1e6: {  	[tilespmem:s10], [sflag:$0x1] =	stream.linear.gather [hbm4b:s18+s16], $0x800, $0x38;
	[tilespmem:$0x1DC00] =	vst v63  }
0x1e7: {  	s17 =	simm.s32 $0x1000  }
0x1e8: {  	[tilespmem:s19], [sflag:$0x2] =	stream.indirect.gather [hbm4b:s0+s15], $0x80, s16, s15, $0xb8;
	[tilespmem:$0x1DC00] =	vst v63  }
.LBB2_61:
0x1e9: {  	[spmem:s22] =	stream.indirect.scatter.add.f32 [tilespmem:s19], [sflag:$0x4], $0x80, s7, s4, $0xb8;
	[tilespmem:$0x1DC00] =	vst v63  }
.LBB2_63:
0x1ea: {  	_ =	swait.ge [sflag:s1], $0x4000  }
0x1eb: {  	[sflag:s1] =	ssyncset.done $0x0  }
0x1ec: {  	[sflag:s1] =	ssyncadd.s32 $0xFFFFC000  }
0x1ed: {  	_ =	swait.ge [sflag:s3], $0x4000  }
0x1ee: {  	[sflag:s3] =	ssyncset.done $0x0  }
0x1ef: {  	[sflag:s3] =	ssyncadd.s32 $0xFFFFC000  }
0x1f0: {  	[tilespmem:s19], [sflag:$0x2] =	stream.indirect.gather [hbm4b:s0+s4], $0x80, s15, s4, $0xb8;
	[tilespmem:$0x1DC00] =	vst v63  }
0x1f1: {  	_ = 	snop  }
0x1f2: {  	[spmem:s22] =	stream.indirect.scatter.add.f32 [tilespmem:s5], [sflag:$0x5], $0x80, s17, s4, $0xb8;
	[tilespmem:$0x1DC00] =	vst v63  }
.LBB2_64:
0x1f3: {  	s16 =	sadd.s32 $0x1, s16  }
0x1f4: {  	p1 =	sne.s32 s16, $0xF  }
.Ltmp60:
0x1f5: {  	_ = 	snop;
	(pc) =	sbr.rel @!p1 .LBB2_65-.Ltmp60, $2  }
0x1f6: {  	_ =	sdelay $0x2  }
0x1f7: {  	s17 =	sadd.s32 $0x80, s17;
	s15 =	sadd.s32 $0x80, s15  }
.LBB2_57:
0x1f8: {  	s18 =	sand.u32 $0x1, s16  }
0x1f9: {  	p1 =	seq.s32 s18, $0x1  }
.Ltmp61:
0x1fa: {  	_ = 	snop;
	(pc) =	sbr.rel @p1 .LBB2_63-.Ltmp61, $1  }
0x1fb: {  	_ =	sdelay $0x3  }
0x1fc: {  	p1 =	seq.s32 s16, $0xF  }
.Ltmp62:
0x1fd: {  	_ = 	snop;
	(pc) =	sbr.rel @p1 .LBB2_61-.Ltmp62, $4  }
0x1fe: {  	_ = 	snop  }
0x1ff: {  	_ =	swait.ge [sflag:s6], $0x4000  }
0x200: {  	[sflag:s6] =	ssyncset.done $0x0  }
0x201: {  	[sflag:s6] =	ssyncadd.s32 $0xFFFFC000  }
0x202: {  	p1 =	sne.s32 s16, $0x0  }
.Ltmp63:
0x203: {  	_ = 	snop;
	(pc) =	sbr.rel @p1 .LBB2_62-.Ltmp63, $1  }
0x204: {  	_ =	sdelay $0x3  }
.Ltmp64:
0x205: {  	(pc) =	sbr.rel .LBB2_64-.Ltmp64, $4  }
0x206: {  	_ = 	snop  }
0x207: {  	[tilespmem:s5], [sflag:$0x3] =	stream.indirect.gather [hbm4b:s0+s4], $0x80, s15, s4, $0xb8;
	[tilespmem:$0x1DC00] =	vst v63  }
0x208: {  	_ = 	snop  }
0x209: {  	[spmem:s22] =	stream.indirect.scatter.add.f32 [tilespmem:s19], [sflag:$0x4], $0x80, s17, s4, $0xb8;
	[tilespmem:$0x1DC00] =	vst v63  }
.LBB2_62:
0x20a: {  	_ =	swait.ge [sflag:s8], $0x4000;
	p1 =	seq.s32 s18, $0x0  }
.Ltmp65:
0x20b: {  	[sflag:s8] =	ssyncset.done $0x0;
	(pc) =	sbr.rel @p1 .LBB2_64-.Ltmp65, $4  }
.Ltmp66:
0x20c: {  	[sflag:s8] =	ssyncadd.s32 $0xFFFFC000;
	(pc) =	sbr.rel @!p1 .LBB2_63-.Ltmp66, $4  }
0x20d: {  	[tilespmem:s5], [sflag:$0x3] =	stream.indirect.gather [hbm4b:s0+s4], $0x80, s15, s4, $0xb8;
	[tilespmem:$0x1DC00] =	vst v63  }
0x20e: {  	_ = 	snop  }
0x20f: {  	[spmem:s22] =	stream.indirect.scatter.add.f32 [tilespmem:s19], [sflag:$0x4], $0x80, s17, s4, $0xb8;
	[tilespmem:$0x1DC00] =	vst v63  }
0x210: {  	_ = 	snop  }
.LBB2_65:
0x211: {  	_ =	swait.ge [sflag:s1], $0x4000  }
0x212: {  	[sflag:s1] =	ssyncset.done $0x0  }
0x213: {  	[sflag:s1] =	ssyncadd.s32 $0xFFFFC000  }
0x214: {  	[spmem:s22] =	stream.indirect.scatter.add.f32 [tilespmem:s5], [sflag:$0x5], $0x80, s7, s4, $0xb8;
	[tilespmem:$0x1DC00] =	vst v63  }
0x215: {  	_ =	swait.ge [sflag:s3], $0x4000  }
0x216: {  	[sflag:s3] =	ssyncset.done $0x0  }
0x217: {  	[sflag:s3] =	ssyncadd.s32 $0xFFFFC000  }
0x218: {  	_ =	swait.ge [sflag:s8], $0x4000  }
0x219: {  	[sflag:s8] =	ssyncset.done $0x0  }
0x21a: {  	[sflag:s8] =	ssyncadd.s32 $0xFFFFC000  }
0x21b: {  	_ =	swait.ge [sflag:s11], $0x800  }
0x21c: {  	[sflag:s11] =	ssyncset.done $0x0  }
0x21d: {  	[sflag:s11] =	ssyncadd.s32 $0xFFFFF800  }
0x21e: {  	_ =	swait.ge [sflag:s11], $0x800  }
0x21f: {  	[sflag:s11] =	ssyncset.done $0x0  }
0x220: {  	s15 =	simm.s32 $0x0;
	[sflag:s11] =	ssyncadd.s32 $0xFFFFF800  }
0x221: {  	[tilespmem:s15], [sflag:$0x1] =	stream.linear.gather [hbm4b:s20+s15], $0x800, $0x38;
	[tilespmem:$0x1DC00] =	vst v63  }
.Ltmp67:
0x222: {  	_ = 	snop;
	(pc) =	sbr.rel .LBB2_66-.Ltmp67, $4  }
0x223: {  	_ = 	snop  }
0x224: {  	[tilespmem:s12], [sflag:$0x1] =	stream.linear.gather [hbm4b:s21+s15], $0x800, $0x38;
	[tilespmem:$0x1DC00] =	vst v63  }
0x225: {  	s16 =	simm.s32 $0x1800;
	s17 =	simm.s32 $0x880  }
0x226: {  	[tilespmem:s19], [sflag:$0x2] =	stream.indirect.gather [hbm4b:s0+s4], $0x80, s9, s4, $0xb8;
	[tilespmem:$0x1DC00] =	vst v63  }
.LBB2_70:
0x227: {  	[spmem:s22] =	stream.indirect.scatter.add.f32 [tilespmem:s19], [sflag:$0x4], $0x80, s13, s4, $0xb8;
	[tilespmem:$0x1DC00] =	vst v63  }
.LBB2_72:
0x228: {  	_ =	swait.ge [sflag:s1], $0x4000  }
0x229: {  	[sflag:s1] =	ssyncset.done $0x0  }
0x22a: {  	[sflag:s1] =	ssyncadd.s32 $0xFFFFC000  }
0x22b: {  	_ =	swait.ge [sflag:s3], $0x4000  }
0x22c: {  	[sflag:s3] =	ssyncset.done $0x0  }
0x22d: {  	[sflag:s3] =	ssyncadd.s32 $0xFFFFC000  }
0x22e: {  	[tilespmem:s19], [sflag:$0x2] =	stream.indirect.gather [hbm4b:s0+s4], $0x80, s17, s4, $0xb8;
	[tilespmem:$0x1DC00] =	vst v63  }
0x22f: {  	_ = 	snop  }
0x230: {  	[spmem:s22] =	stream.indirect.scatter.add.f32 [tilespmem:s5], [sflag:$0x5], $0x80, s16, s4, $0xb8;
	[tilespmem:$0x1DC00] =	vst v63  }
.LBB2_73:
0x231: {  	s15 =	sadd.s32 $0x1, s15  }
0x232: {  	p1 =	sne.s32 s15, $0xF  }
.Ltmp68:
0x233: {  	_ = 	snop;
	(pc) =	sbr.rel @!p1 .LBB2_74-.Ltmp68, $2  }
0x234: {  	_ =	sdelay $0x2  }
0x235: {  	s16 =	sadd.s32 $0x80, s16;
	s17 =	sadd.s32 $0x80, s17  }
.LBB2_66:
0x236: {  	s18 =	sand.u32 $0x1, s15  }
0x237: {  	p1 =	seq.s32 s18, $0x1  }
.Ltmp69:
0x238: {  	_ = 	snop;
	(pc) =	sbr.rel @p1 .LBB2_72-.Ltmp69, $1  }
0x239: {  	_ =	sdelay $0x3  }
0x23a: {  	p1 =	seq.s32 s15, $0xF  }
.Ltmp70:
0x23b: {  	_ = 	snop;
	(pc) =	sbr.rel @p1 .LBB2_70-.Ltmp70, $4  }
0x23c: {  	_ = 	snop  }
0x23d: {  	_ =	swait.ge [sflag:s6], $0x4000  }
0x23e: {  	[sflag:s6] =	ssyncset.done $0x0  }
0x23f: {  	[sflag:s6] =	ssyncadd.s32 $0xFFFFC000  }
0x240: {  	p1 =	sne.s32 s15, $0x0  }
.Ltmp71:
0x241: {  	_ = 	snop;
	(pc) =	sbr.rel @p1 .LBB2_71-.Ltmp71, $1  }
0x242: {  	_ =	sdelay $0x3  }
.Ltmp72:
0x243: {  	(pc) =	sbr.rel .LBB2_73-.Ltmp72, $4  }
0x244: {  	_ = 	snop  }
0x245: {  	[tilespmem:s5], [sflag:$0x3] =	stream.indirect.gather [hbm4b:s0+s4], $0x80, s17, s4, $0xb8;
	[tilespmem:$0x1DC00] =	vst v63  }
0x246: {  	_ = 	snop  }
0x247: {  	[spmem:s22] =	stream.indirect.scatter.add.f32 [tilespmem:s19], [sflag:$0x4], $0x80, s16, s4, $0xb8;
	[tilespmem:$0x1DC00] =	vst v63  }
.LBB2_71:
0x248: {  	_ =	swait.ge [sflag:s8], $0x4000;
	p1 =	seq.s32 s18, $0x0  }
.Ltmp73:
0x249: {  	[sflag:s8] =	ssyncset.done $0x0;
	(pc) =	sbr.rel @p1 .LBB2_73-.Ltmp73, $4  }
.Ltmp74:
0x24a: {  	[sflag:s8] =	ssyncadd.s32 $0xFFFFC000;
	(pc) =	sbr.rel @!p1 .LBB2_72-.Ltmp74, $4  }
0x24b: {  	[tilespmem:s5], [sflag:$0x3] =	stream.indirect.gather [hbm4b:s0+s4], $0x80, s17, s4, $0xb8;
	[tilespmem:$0x1DC00] =	vst v63  }
0x24c: {  	_ = 	snop  }
0x24d: {  	[spmem:s22] =	stream.indirect.scatter.add.f32 [tilespmem:s19], [sflag:$0x4], $0x80, s16, s4, $0xb8;
	[tilespmem:$0x1DC00] =	vst v63  }
0x24e: {  	_ = 	snop  }
.LBB2_74:
0x24f: {  	_ =	swait.ge [sflag:s1], $0x4000  }
0x250: {  	[sflag:s1] =	ssyncset.done $0x0  }
0x251: {  	s15 =	simm.s32 $0x80;
	[sflag:s1] =	ssyncadd.s32 $0xFFFFC000  }
0x252: {  	[spmem:s22] =	stream.indirect.scatter.add.f32 [tilespmem:s5], [sflag:$0x5], $0x80, s13, s15, $0xb8;
	[tilespmem:$0x1DC00] =	vst v63  }
0x253: {  	_ =	swait.ge [sflag:s3], $0x4000  }
0x254: {  	[sflag:s3] =	ssyncset.done $0x0  }
0x255: {  	[sflag:s3] =	ssyncadd.s32 $0xFFFFC000  }
0x256: {  	_ =	swait.ge [sflag:s8], $0x4000  }
0x257: {  	[sflag:s8] =	ssyncset.done $0x0  }
0x258: {  	[sflag:s8] =	ssyncadd.s32 $0xFFFFC000  }
0x259: {  	_ =	swait.ge [sflag:s11], $0x800  }
0x25a: {  	[sflag:s11] =	ssyncset.done $0x0  }
.Ltmp75:
0x25b: {  	[sflag:s11] =	ssyncadd.s32 $0xFFFFF800;
	(pc) =	sbr.rel .LBB2_75-.Ltmp75, $4  }
0x25c: {  	_ =	swait.ge [sflag:s11], $0x800  }
0x25d: {  	[sflag:s11] =	ssyncset.done $0x0  }
0x25e: {  	s16 =	simm.s32 $0x0;
	s17 =	simm.s32 $0x1000;
	[sflag:s11] =	ssyncadd.s32 $0xFFFFF800  }
0x25f: {  	[tilespmem:s19], [sflag:$0x2] =	stream.indirect.gather [hbm4b:s0+s15], $0x80, s16, s15, $0xb8;
	[tilespmem:$0x1DC00] =	vst v63  }
.LBB2_79:
0x260: {  	[spmem:s22] =	stream.indirect.scatter.add.f32 [tilespmem:s19], [sflag:$0x4], $0x80, s7, s4, $0xb8;
	[tilespmem:$0x1DC00] =	vst v63  }
.LBB2_81:
0x261: {  	_ =	swait.ge [sflag:s1], $0x4000  }
0x262: {  	[sflag:s1] =	ssyncset.done $0x0  }
0x263: {  	[sflag:s1] =	ssyncadd.s32 $0xFFFFC000  }
0x264: {  	_ =	swait.ge [sflag:s3], $0x4000  }
0x265: {  	[sflag:s3] =	ssyncset.done $0x0  }
0x266: {  	[sflag:s3] =	ssyncadd.s32 $0xFFFFC000  }
0x267: {  	[tilespmem:s19], [sflag:$0x2] =	stream.indirect.gather [hbm4b:s0+s4], $0x80, s15, s4, $0xb8;
	[tilespmem:$0x1DC00] =	vst v63  }
0x268: {  	_ = 	snop  }
0x269: {  	[spmem:s22] =	stream.indirect.scatter.add.f32 [tilespmem:s5], [sflag:$0x5], $0x80, s17, s4, $0xb8;
	[tilespmem:$0x1DC00] =	vst v63  }
.LBB2_82:
0x26a: {  	s16 =	sadd.s32 $0x1, s16  }
0x26b: {  	p1 =	seq.s32 s16, $0xF  }
.Ltmp76:
0x26c: {  	_ = 	snop;
	(pc) =	sbr.rel @p1 .LBB2_92-.Ltmp76, $2  }
0x26d: {  	_ =	sdelay $0x2  }
0x26e: {  	s17 =	sadd.s32 $0x80, s17;
	s15 =	sadd.s32 $0x80, s15  }
.LBB2_75:
0x26f: {  	s18 =	sand.u32 $0x1, s16  }
0x270: {  	p1 =	seq.s32 s18, $0x1  }
.Ltmp77:
0x271: {  	_ = 	snop;
	(pc) =	sbr.rel @p1 .LBB2_81-.Ltmp77, $1  }
0x272: {  	_ =	sdelay $0x3  }
0x273: {  	p1 =	seq.s32 s16, $0xF  }
.Ltmp78:
0x274: {  	_ = 	snop;
	(pc) =	sbr.rel @p1 .LBB2_79-.Ltmp78, $4  }
0x275: {  	_ = 	snop  }
0x276: {  	_ =	swait.ge [sflag:s6], $0x4000  }
0x277: {  	[sflag:s6] =	ssyncset.done $0x0  }
0x278: {  	[sflag:s6] =	ssyncadd.s32 $0xFFFFC000  }
0x279: {  	p1 =	sne.s32 s16, $0x0  }
.Ltmp79:
0x27a: {  	_ = 	snop;
	(pc) =	sbr.rel @p1 .LBB2_80-.Ltmp79, $1  }
0x27b: {  	_ =	sdelay $0x3  }
.Ltmp80:
0x27c: {  	(pc) =	sbr.rel .LBB2_82-.Ltmp80, $4  }
0x27d: {  	_ = 	snop  }
0x27e: {  	[tilespmem:s5], [sflag:$0x3] =	stream.indirect.gather [hbm4b:s0+s4], $0x80, s15, s4, $0xb8;
	[tilespmem:$0x1DC00] =	vst v63  }
0x27f: {  	_ = 	snop  }
0x280: {  	[spmem:s22] =	stream.indirect.scatter.add.f32 [tilespmem:s19], [sflag:$0x4], $0x80, s17, s4, $0xb8;
	[tilespmem:$0x1DC00] =	vst v63  }
.LBB2_80:
0x281: {  	_ =	swait.ge [sflag:s8], $0x4000;
	p1 =	seq.s32 s18, $0x0  }
.Ltmp81:
0x282: {  	[sflag:s8] =	ssyncset.done $0x0;
	(pc) =	sbr.rel @p1 .LBB2_82-.Ltmp81, $4  }
.Ltmp82:
0x283: {  	[sflag:s8] =	ssyncadd.s32 $0xFFFFC000;
	(pc) =	sbr.rel @!p1 .LBB2_81-.Ltmp82, $4  }
0x284: {  	[tilespmem:s5], [sflag:$0x3] =	stream.indirect.gather [hbm4b:s0+s4], $0x80, s15, s4, $0xb8;
	[tilespmem:$0x1DC00] =	vst v63  }
0x285: {  	_ = 	snop  }
0x286: {  	[spmem:s22] =	stream.indirect.scatter.add.f32 [tilespmem:s19], [sflag:$0x4], $0x80, s17, s4, $0xb8;
	[tilespmem:$0x1DC00] =	vst v63  }
0x287: {  	_ = 	snop  }
.LBB2_93:
0x288: {  	_ =	sfence.sel $0x180000  }
0x289: {  	[bflag:$0x0] =	sbarrier.arrive $0xFFFF  }
0x28a: {  	_ =	strace $0x9000004A  }
0x28b: {  	s0 =	stileid.u32;
	[bflag:$0x2] =	sbarrier.arrive $0xFFFF  }
0x28c: {  	p0 =	sne.s32 s0, $0x0;
	s0 =	rddreg [dreg:$0x3]  }
0x28d: {  	s0 =	sadd.s32 @!p0 $0x100000, s0  }
0x28e: {  	[sflag:s0] =	ssyncadd.tile.s32 @!p0 $0x1;
	_ =	shalt  }
.Lfunc_end2:
_tile_overlayer_lowered:
.L_overlay_start_2:
0x28f: {  	(tag) =	ssettag $0x2  }
0x290: {  	s0 =	rddreg [dreg:$0x0];
	s2 =	stileid.u32  }
0x291: {  	s1 =	rddreg [dreg:$0x1];
	p0 =	sne.s32 s2, $0x0  }
0x292: {  	s3 =	rddreg [dreg:$0x2];
	[bflag:$0x3] =	sbarrier.arrive $0xFFFF;
	s2 =	simm.s32 @!p0 $0x1C06  }
0x293: {  	[timem:s3], [sflag:s2] =	dma.local @!p0 [hbm:s0], s1  }
0x294: {  	s0 =	simm.s32 @!p0 $0x6  }
0x295: {  	_ =	swait.ge @!p0 [sflag:s0], s1  }
0x296: {  	s1 =	ssub.s32 @!p0 $0x0, s1;
	[sflag:s0] =	ssyncset.done @!p0 $0x0  }
0x297: {  	[sflag:s0] =	ssyncadd.s32 @!p0 s1  }
0x298: {  	[bflag:$0x3] =	sbarrier.arrive $0xFFFF  }
0x299: {  	_ =	shalt  }

// kernel: kernel.14.cloned.1.call-start
scs
__scs_entry_jumppad:
0x0: {  	(pc) =	sbr.rel $0x88, $3  }
0x1: {  	(tag) =	ssettag $0x0;
	lr =	simm.s32 $0x1  }
0x2: {  	[smem:$0x3F9B] =	sst lr;
	_ =	strace $0xD0000000  }
0x3: {  	_ = 	snop  }
0x4: {  	_ = 	snop  }
0x5: {  	_ = 	snop  }
0x6: {  	_ = 	snop  }
0x7: {  	_ = 	snop  }
__scs_overlays_trampoline_lowered:
0x8: {  	[smem:$0x3FAA] =	sst s0  }
0x9: {  	[smem:$0x3FAB] =	sst s1  }
0xa: {  	[smem:$0x3FAC] =	sst s2  }
0xb: {  	[smem:$0x3FAD] =	sst s3  }
0xc: {  	[smem:$0x3FAE] =	sst s4  }
0xd: {  	[smem:$0x3FAF] =	sst s5  }
0xe: {  	[smem:$0x3FB0] =	sst s6  }
0xf: {  	[smem:$0x3FB1] =	sst s7  }
0x10: {  	[smem:$0x3FB2] =	sst s8  }
0x11: {  	[smem:$0x3FB3] =	sst s9;
	s0 =	simm.s32 @!p0 $0x0  }
0x12: {  	s1 =	sld [smem:$0x3F99];
	s0 =	simm.s32 @p0 $0x1  }
0x13: {  	[smem:$0x3FB4] =	sst s0;
	s0 =	simm.s32 @!p1 $0x0  }
0x14: {  	s2 =	sld [smem:$0x3F98];
	s0 =	simm.s32 @p1 $0x1  }
0x15: {  	[smem:$0x3FB5] =	sst s0;
	s0 =	simm.s32 @!p2 $0x0  }
0x16: {  	s3 =	sld [smem:$0x3FDB];
	s0 =	simm.s32 @p2 $0x1  }
0x17: {  	s4 =	simm.s32 $0x1BF5;
	[smem:$0x3FB7] =	sst s0  }
0x18: {  	s0 =	sld [smem:$0x3F9A];
	_ =	swait.ge [sflag:s4], $0x0  }
0x19: {  	s7 =	sld [smem:$0x3F9B]  }
0x1a: {  	s8 =	sadd.s32 $0xFFFFE003, lr  }
0x1b: {  	s9 =	sadd.s32 $0xFFFFFEF7, lr;
	s5 =	simm.s32 $0xFFFFFFFF;
	p2 =	slt.u32 s8, $0xFFFFF086  }
0x1c: {  	p1 =	slt.u32 s9, $0xF7A;
	s5 =	simm.s32 @!p2 $0x0  }
0x1d: {  	s5 =	simm.s32 @p1 $0x1;
	p0 =	seq.s32 s7, s2  }
0x1e: {  	s7 =	smul.u32 @!p0 $0xF7A, s2;
	p2 =	seq.s32 @!p0 s5, $0x0  }
0x1f: {  	s9 =	smul.u32 $0xF7A, s1;
	s8 =	simm.s32 @!p0 $0x1BF5;
	p2 =	por !p2, p0  }
0x20: {  	[sflag:s8] =	ssyncset.s32 @!p0 $0xFFFFF086;
	s6 =	sadd.s32 @!p0 s3, s7;
	s7 =	simm.s32 @!p0 $0x108  }
0x21: {  	s3 =	sadd.s32 s3, s9;
	s6 =	sadd.s32 @!p0 $0x88, s6;
	s7 =	simm.s32 @p2 $0x1082  }
0x22: {  	[simem:s7], [sflag:s8] =	dma.local @!p0 [hbm:s6], $0xF7A  }
0x23: {  	s9 =	sor.u32 $0xD0000000, s2;
	s6 =	simm.s32 $0x108;
	_ =	swait.ge @!p0 [sflag:s8], $0x0  }
0x24: {  	s3 =	sadd.s32 $0x88, s3;
	s6 =	simm.s32 @!p1 $0x1082;
	[sflag:s4] =	ssyncset.s32 $0xFFFFF086  }
0x25: {  	[simem:s6], [sflag:s4] =	dma.local [hbm:s3], $0xF7A  }
0x26: {  	[smem:$0x3F9B] =	sst s1;
	(tag) =	ssettag s2;
	_ =	strace s9  }
0x27: {  	s1 =	sld [smem:$0x3FAB]  }
0x28: {  	s2 =	sld [smem:$0x3FAC]  }
0x29: {  	s4 =	sld [smem:$0x3FAE]  }
0x2a: {  	p0 =	seq.s32 s5, $0x0;
	s5 =	sld [smem:$0x3FAF]  }
0x2b: {  	s6 =	sld [smem:$0x3FB0]  }
0x2c: {  	s7 =	sld [smem:$0x3FB1]  }
0x2d: {  	s3 =	simm.s32 $0x108;
	s8 =	sld [smem:$0x3FB2]  }
0x2e: {  	s3 =	simm.s32 @!p0 $0x1082;
	s9 =	sld [smem:$0x3FB3]  }
0x2f: {  	lr =	sadd.s32 s0, s3;
	s0 =	sld [smem:$0x3FAA]  }
0x30: {  	s3 =	sld [smem:$0x3FAD]  }
0x31: {  	[smem:$0x3FB6] =	sst s10  }
0x32: {  	s10 =	sld [smem:$0x3FB4];
	_ =	sdelay $0x3  }
0x33: {  	p0 =	seq.s32 s10, $0x1;
	s10 =	sld [smem:$0x3FB6];
	_ =	sdelay $0x3  }
0x34: {  	[smem:$0x3FB6] =	sst s10  }
0x35: {  	s10 =	sld [smem:$0x3FB5];
	_ =	sdelay $0x3  }
0x36: {  	p1 =	seq.s32 s10, $0x1;
	s10 =	sld [smem:$0x3FB6];
	_ =	sdelay $0x3  }
0x37: {  	[smem:$0x3FB6] =	sst s10  }
0x38: {  	s10 =	sld [smem:$0x3FB7]  }
0x39: {  	_ = 	snop;
	(pc) =	sbr.ind lr, $3  }
0x3a: {  	_ = 	snop  }
0x3b: {  	_ = 	snop  }
0x3c: {  	p2 =	seq.s32 s10, $0x1;
	s10 =	sld [smem:$0x3FB6]  }
0x3d: {  	_ =	shalt  }
0x3e: {  	_ =	shalt  }
0x3f: {  	_ =	shalt  }
0x40: {  	_ =	shalt  }
0x41: {  	_ =	shalt  }
0x42: {  	_ =	shalt  }
0x43: {  	_ =	shalt  }
0x44: {  	_ =	shalt  }
0x45: {  	_ =	shalt  }
0x46: {  	_ =	shalt  }
0x47: {  	_ =	shalt  }
0x48: {  	_ =	shalt  }
0x49: {  	_ =	shalt  }
0x4a: {  	_ =	shalt  }
0x4b: {  	_ =	shalt  }
0x4c: {  	_ =	shalt  }
0x4d: {  	_ =	shalt  }
0x4e: {  	_ =	shalt  }
0x4f: {  	_ =	shalt  }
0x50: {  	_ =	shalt  }
0x51: {  	_ =	shalt  }
0x52: {  	_ =	shalt  }
0x53: {  	_ =	shalt  }
0x54: {  	_ =	shalt  }
0x55: {  	_ =	shalt  }
0x56: {  	_ =	shalt  }
0x57: {  	_ =	shalt  }
0x58: {  	_ =	shalt  }
0x59: {  	_ =	shalt  }
0x5a: {  	_ =	shalt  }
0x5b: {  	_ =	shalt  }
0x5c: {  	_ =	shalt  }
0x5d: {  	_ =	shalt  }
0x5e: {  	_ =	shalt  }
0x5f: {  	_ =	shalt  }
0x60: {  	_ =	shalt  }
0x61: {  	_ =	shalt  }
0x62: {  	_ =	shalt  }
0x63: {  	_ =	shalt  }
0x64: {  	_ =	shalt  }
0x65: {  	_ =	shalt  }
0x66: {  	_ =	shalt  }
0x67: {  	_ =	shalt  }
0x68: {  	_ =	shalt  }
0x69: {  	_ =	shalt  }
0x6a: {  	_ =	shalt  }
0x6b: {  	_ =	shalt  }
0x6c: {  	_ =	shalt  }
0x6d: {  	_ =	shalt  }
0x6e: {  	_ =	shalt  }
0x6f: {  	_ =	shalt  }
0x70: {  	_ =	shalt  }
0x71: {  	_ =	shalt  }
0x72: {  	_ =	shalt  }
0x73: {  	_ =	shalt  }
0x74: {  	_ =	shalt  }
0x75: {  	_ =	shalt  }
0x76: {  	_ =	shalt  }
0x77: {  	_ =	shalt  }
0x78: {  	_ =	shalt  }
0x79: {  	_ =	shalt  }
0x7a: {  	_ =	shalt  }
0x7b: {  	_ =	shalt  }
0x7c: {  	_ =	shalt  }
0x7d: {  	_ =	shalt  }
0x7e: {  	_ =	shalt  }
0x7f: {  	_ =	shalt  }
0x80: {  	_ =	shalt  }
0x81: {  	_ =	shalt  }
0x82: {  	_ =	shalt  }
0x83: {  	_ =	shalt  }
0x84: {  	_ =	shalt  }
0x85: {  	_ =	shalt  }
0x86: {  	_ =	shalt  }
0x87: {  	_ =	shalt  }
.Lfunc_end0:
.L_simem_size_0:
called_computation.2_lowered:
.L_overlay_start_0:
0x88: {  	s2 =	sld [smem:$0x3FD9]  }
0x89: {  	s3 =	sld [smem:$0x3FFE];
	_ =	sdelay $0x1  }
0x8a: {  	s1 =	srdreg.scid  }
0x8b: {  	s0 =	sand.u32 $0x1, s1  }
0x8c: {  	s17 =	sshll.u32 s0, $0xA;
	s2 =	sadd.s32 s3, s2  }
0x8d: {  	s2 =	sadd.s32 s2, s17  }
0x8e: {  	[smem:$0x3FC2] =	sst s2  }
0x8f: {  	_ = 	snop  }
0x90: {  	s2 =	sld [smem:$0x3FD0];
	(tm) =	ssettm $0x1  }
0x91: {  	s18 =	sld [smem:$0x3FFB];
	_ =	sdelay $0x3  }
0x92: {  	_ =	strace s18  }
0x93: {  	s3 =	sld [smem:$0x3FFC];
	_ =	sdelay $0x3  }
0x94: {  	_ =	strace s3  }
0x95: {  	s3 =	sld [smem:$0x3FFD];
	_ =	sdelay $0x3  }
0x96: {  	_ =	strace s3  }
0x97: {  	_ =	strace $0x8FFFFFFF  }
0x98: {  	s19 =	sld [smem:$0x3FDB];
	_ =	sdelay $0x1  }
0x99: {  	s4 =	simm.s32 $_scs_section_size  }
0x9a: {  	s5 =	simm.s32 $_size__tile_overlayer_lowered;
	s6 =	simm.s32 $_tile_overlayer_lowered  }
0x9b: {  	s22 =	simm.s32 $0x1BFF;
	s21 =	sshll.u32 s6, $0x1;
	s3 =	sadd.s32 s4, s19  }
0x9c: {  	s7 =	simm.s32 $0x0;
	s20 =	sshll.u32 s5, $0x1;
	s5 =	sadd.s32 s21, s3  }
0x9d: {  	[timem:s7], [sflag:s22] =	dma.local [hbm:s5], s20  }
0x9e: {  	_ =	swait.ge [sflag:s22], s20  }
0x9f: {  	s4 =	ssub.s32 $0x0, s20;
	[sflag:s22] =	ssyncset.done $0x0  }
0xa0: {  	[sflag:s22] =	ssyncadd.s32 s4;
	_ =	sdelay $0x1  }
0xa1: {  	s23 =	simm.s32 $0x1B8B  }
0xa2: {  	_ =	swait.ge [sflag:s23], $0x1  }
0xa3: {  	[sflag:s23] =	ssyncset.done $0x0  }
0xa4: {  	s25 =	simm.s32 $0x1B8E;
	s24 =	sld [smem:$0x3FFE];
	[sflag:s23] =	ssyncadd.s32 $0xFFFFFFFF  }
0xa5: {  	s26 =	simm.s32 $execute0_lowered;
	[smem:$0x3FD2] =	sst s25  }
0xa6: {  	s5 =	sshll.u32 s26, $0x1;
	_ =	strace $0x8000004C;
	[dreg:$0x1] =	wrdreg $0xFFFFFFFF  }
0xa7: {  	s28 =	simm.s32 $_size_execute0_lowered;
	s3 =	sadd.s32 s3, s5;
	[dreg:$0x0] =	wrdreg $0x0  }
0xa8: {  	s5 =	sshll.u32 s28, $0x1;
	[dreg:$0x2] =	wrdreg s3  }
0xa9: {  	[dreg:$0x3] =	wrdreg s5  }
0xaa: {  	[dreg:$0x4] =	wrdreg $0xC0  }
0xab: {  	_ =	task [dreg:s7], $0x5FFFF  }
0xac: {  	[dreg:$0x1] =	wrdreg $0xFFFFFFFF  }
0xad: {  	[dreg:$0x0] =	wrdreg $0x60  }
0xae: {  	[dreg:$0x2] =	wrdreg s2  }
0xaf: {  	[dreg:$0x3] =	wrdreg s24  }
0xb0: {  	[dreg:$0x4] =	wrdreg $0xA0000  }
0xb1: {  	[dreg:$0x5] =	wrdreg $0x9  }
0xb2: {  	_ =	task.clear_ibuf [dreg:s7], $0x6FFFF;
	_ =	strace $0x9000004C  }
0xb3: {  	s29 =	simm.s32 $0x9;
	_ =	strace $0x8000004E  }
0xb4: {  	_ =	swait.ge [sflag:s29], $0x1  }
0xb5: {  	[sflag:s29] =	ssyncadd.s32 $0xFFFFFFFF  }
0xb6: {  	_ =	strace $0x9000004E  }
0xb7: {  	_ =	sfence  }
0xb8: {  	s30 =	sld [smem:$0x0];
	_ =	sdelay $0x2  }
0xb9: {  	s31 =	sshll.u32 s1, $0xD;
	s1 =	sshrl.u32 s1, $0x2  }
0xba: {  	s3 =	sand.u32 $0x4000, s31;
	s1 =	sadd.s32 s1, s30  }
0xbb: {  	s0 =	sor.u32 s3, s0;
	s1 =	sshll.u32 s1, $0x11  }
0xbc: {  	s0 =	sor.u32 s1, s0  }
0xbd: {  	s0 =	sadd.s32 $0x8F2B, s0  }
0xbe: {  	[sflag:s0] =	ssyncadd.remote.s32 $0x1  }
0xbf: {  	_ =	sfence.sel $0xFFFF  }
0xc0: {  	[dreg:$0x0] =	wrdreg $0xFFFFFFFF;
	(pc) =	sbr.abs _section_cstart, $3  }
0xc1: {  	[dreg:$0x1] =	wrdreg $0xFFFFFFFF  }
0xc2: {  	_ =	task.clear_ibuf [dreg:s7], $0x2FFFF;
	_ =	strace $0x9FFFFFFF  }
0xc3: {  	(tm) =	ssettm $0x7FFFFFFF  }
tec
execute0_lowered:
.L_overlay_start_1:
0x0: {  	(tag) =	ssettag $0x1  }
0x1: {  	s0 =	rddreg [dreg:$0x0];
	s1 =	srdreg.scid  }
0x2: {  	s3 =	rddreg [dreg:$0x1];
	s2 =	simm.s32 $0x0;
	s11 =	stileid.u32  }
0x3: {  	s31 =	simm.s32 $0x6;
	s1 =	sand.u32 $0x1, s1;
	s6 =	smul.u32 $0x13C00, s11  }
0x4: {  	[smem:$0x7FF] =	sst s2;
	s5 =	sadd.s32 $0xCA00, s3;
	s10 =	smul.u32 $0x900, s11  }
0x5: {  	s7 =	sadd.s32 $0x2A00, s3;
	s4 =	smul.u32 $0x13C000, s1;
	s8 =	ssub.s32 $0x2, s1  }
0x6: {  	s9 =	smul.u32 $0x4800, s11;
	p0 =	seq.s32 s1, $0x1;
	s14 =	sshrl.u32 s8, $0x1  }
0x7: {  	s15 =	sadd.s32 s5, s10;
	s17 =	sadd.s32 s7, s10;
	s4 =	sadd.s32 s6, s4  }
0x8: {  	s6 =	ssub.s32 s8, s14;
	s8 =	sshrl.u32 s9, $0x3;
	[dreg:$0x4] =	wrdreg s15  }
0x9: {  	[dreg:$0x5] =	wrdreg s17;
	s15 =	sshll.u32 s11, $0x8;
	s4 =	sshrl.u32 s4, $0x3  }
0xa: {  	s16 =	sadd.s32 $0x100, s8;
	s19 =	sadd.s32 $0x200, s8;
	s21 =	sadd.s32 $0x300, s8  }
0xb: {  	s23 =	sadd.s32 $0x400, s8;
	s25 =	sadd.s32 $0x500, s8;
	s10 =	sadd.s32 $0x600, s8  }
0xc: {  	s13 =	sadd.s32 $0x700, s8;
	s8 =	sadd.s32 $0x800, s8;
	s18 =	sadd.s32 s5, s16  }
0xd: {  	s30 =	smax.u32 s6, $0x1;
	s1 =	sadd.s32 s7, s16;
	[dreg:$0x6] =	wrdreg s18  }
0xe: {  	s6 =	simm.s32 $0x2;
	s20 =	sadd.s32 s5, s19;
	[dreg:$0x7] =	wrdreg s1  }
0xf: {  	s9 =	sadd.s32 s7, s19;
	s22 =	sadd.s32 s5, s21;
	[dreg:$0x8] =	wrdreg s20  }
0x10: {  	s24 =	sadd.s32 s5, s23;
	s26 =	sadd.s32 s5, s25;
	[dreg:$0x9] =	wrdreg s9  }
0x11: {  	s12 =	sadd.s32 s5, s10;
	s14 =	sadd.s32 s5, s13;
	[dreg:$0xa] =	wrdreg s22  }
0x12: {  	s16 =	smul.u32 $0x4F000, s11;
	s17 =	sadd.s32 s4, s3;
	[dreg:$0xc] =	wrdreg s24  }
0x13: {  	s19 =	sshll.u32 s11, $0x6;
	s4 =	simm.s32 $0x80;
	[dreg:$0xe] =	wrdreg s26  }
0x14: {  	s11 =	simm.s32 $0x1;
	s1 =	sadd.s32 s7, s21;
	[dreg:$0x10] =	wrdreg s12  }
0x15: {  	s9 =	sadd.s32 s7, s23;
	[dreg:$0x12] =	wrdreg s14;
	s20 =	sadd.s32 s5, s8  }
0x16: {  	s21 =	sadd.s32 s7, s8;
	s22 =	rddreg [dreg:$0x2];
	s28 =	sor.u32 $0x1C06, s19  }
0x17: {  	s29 =	sadd.s32 $0x68200, s17;
	s19 =	simm.s32 $0x2000;
	[dreg:$0xb] =	wrdreg s1  }
0x18: {  	s8 =	simm.s32 $0x5;
	s12 =	simm.s32 $0x1000;
	[dreg:$0xd] =	wrdreg s9  }
0x19: {  	s1 =	sadd.s32 s7, s25;
	s9 =	sadd.s32 s7, s10;
	s25 =	sadd.s32 $0x16A00, s3  }
0x1a: {  	s18 =	sshrl.u32 s16, $0x2;
	s3 =	simm.s32 $0x4;
	[dreg:$0xf] =	wrdreg s1  }
.Ltmp0:
0x1b: {  	s10 =	simm.s32 $0x1800;
	[dreg:$0x11] =	wrdreg s9;
	(pc) =	sbr.rel .LBB2_1-.Ltmp0, $4  }
0x1c: {  	s1 =	sadd.s32 s7, s13;
	s26 =	sadd.s32 s18, s22;
	s9 =	simm.s32 $0x800  }
0x1d: {  	s13 =	simm.s32 $0x1F80;
	[dreg:$0x13] =	wrdreg s1;
	s1 =	sor.u32 $0x9000, s15  }
0x1e: {  	s23 =	sadd.s32 s5, s1;
	s24 =	sadd.s32 s7, s1;
	_ =	strace $0x8000004D  }
0x1f: {  	s1 =	simm.s32 $0x3;
	s5 =	simm.s32 $0x6000;
	s7 =	simm.s32 $0x1780  }
.LBB2_92:
0x20: {  	_ =	swait.ge [sflag:s1], $0x4000  }
0x21: {  	[sflag:s1] =	ssyncset.done $0x0  }
0x22: {  	[sflag:s1] =	ssyncadd.s32 $0xFFFFC000  }
0x23: {  	[spmem:s22] =	stream.indirect.scatter.add.f32 [tilespmem:s5], [sflag:$0x5], $0x80, s7, s4, $0xb8;
	[tilespmem:$0x1DC00] =	vst v63  }
0x24: {  	_ =	swait.ge [sflag:s3], $0x4000  }
0x25: {  	[sflag:s3] =	ssyncset.done $0x0  }
0x26: {  	[sflag:s3] =	ssyncadd.s32 $0xFFFFC000  }
0x27: {  	_ =	swait.ge [sflag:s8], $0x4000  }
0x28: {  	s2 =	sadd.s32 $0x1, s2;
	[sflag:s8] =	ssyncset.done $0x0  }
0x29: {  	p1 =	sne.s32 s2, s30;
	[sflag:s8] =	ssyncadd.s32 $0xFFFFC000  }
.Ltmp1:
0x2a: {  	[bflag:$0x0] =	sbarrier.arrive $0xFFFF;
	(pc) =	sbr.rel @!p1 .LBB2_93-.Ltmp1, $4  }
0x2b: {  	[hbm:s29], [sflag:s28] =	dma.local [spmem:s14], $0x2780  }
0x2c: {  	_ =	swait.ge [sflag:s31], $0x2780  }
0x2d: {  	[sflag:s31] =	ssyncset.done $0x0  }
0x2e: {  	[sflag:s31] =	ssyncadd.s32 $0xFFFFD880  }
.LBB2_1:
.Ltmp2:
0x2f: {  	s14 =	sshrl.u32 s26, $0x3;
	(pc) =	sbr.rel @!p0 .LBB2_2-.Ltmp2, $4  }
0x30: {  	[spmem:s14], [sflag:s28] =	dma.local [hbm:s25], $0x2780  }
0x31: {  	_ =	swait.ge [sflag:s31], $0x2780  }
0x32: {  	[sflag:s31] =	ssyncset.done $0x0  }
0x33: {  	s15 =	simm.s32 $0x0;
	[sflag:s31] =	ssyncadd.s32 $0xFFFFD880  }
0x34: {  	[tilespmem:s15], [sflag:$0x6] =	stream.linear.gather [hbm4b:s23+s15], $0x800, $0x38;
	[tilespmem:$0x1DC00] =	vst v63  }
0x35: {  	_ =	swait.ge [sflag:s31], $0x800  }
0x36: {  	[sflag:s31] =	ssyncset.done $0x0  }
0x37: {  	s16 =	simm.s32 $0x1000;
	[sflag:s31] =	ssyncadd.s32 $0xFFFFF800  }
0x38: {  	[tilespmem:s16], [sflag:$0x6] =	stream.linear.gather [hbm4b:s24+s15], $0x800, $0x38;
	[tilespmem:$0x1DC00] =	vst v63  }
.Ltmp3:
0x39: {  	_ = 	snop;
	(pc) =	sbr.rel .LBB2_84-.Ltmp3, $4  }
0x3a: {  	_ =	swait.ge [sflag:s31], $0x800  }
0x3b: {  	[sflag:s31] =	ssyncset.done $0x0  }
0x3c: {  	s17 =	simm.s32 $0x80;
	[sflag:s31] =	ssyncadd.s32 $0xFFFFF800  }
0x3d: {  	[tilespmem:s19], [sflag:$0x2] =	stream.indirect.gather [hbm4b:s0+s17], $0x80, s15, s17, $0xb8;
	[tilespmem:$0x1DC00] =	vst v63  }
.LBB2_88:
0x3e: {  	[spmem:s22] =	stream.indirect.scatter.add.f32 [tilespmem:s19], [sflag:$0x4], $0x80, s7, s4, $0xb8;
	[tilespmem:$0x1DC00] =	vst v63  }
.LBB2_90:
0x3f: {  	_ =	swait.ge [sflag:s1], $0x4000  }
0x40: {  	[sflag:s1] =	ssyncset.done $0x0  }
0x41: {  	[sflag:s1] =	ssyncadd.s32 $0xFFFFC000  }
0x42: {  	_ =	swait.ge [sflag:s3], $0x4000  }
0x43: {  	[sflag:s3] =	ssyncset.done $0x0  }
0x44: {  	[sflag:s3] =	ssyncadd.s32 $0xFFFFC000  }
0x45: {  	[tilespmem:s19], [sflag:$0x2] =	stream.indirect.gather [hbm4b:s0+s4], $0x80, s17, s4, $0xb8;
	[tilespmem:$0x1DC00] =	vst v63  }
0x46: {  	_ = 	snop  }
0x47: {  	[spmem:s22] =	stream.indirect.scatter.add.f32 [tilespmem:s5], [sflag:$0x5], $0x80, s16, s4, $0xb8;
	[tilespmem:$0x1DC00] =	vst v63  }
.LBB2_91:
0x48: {  	s15 =	sadd.s32 $0x1, s15  }
0x49: {  	p1 =	sne.s32 s15, $0xF  }
.Ltmp4:
0x4a: {  	_ = 	snop;
	(pc) =	sbr.rel @!p1 .LBB2_92-.Ltmp4, $2  }
0x4b: {  	_ =	sdelay $0x2  }
0x4c: {  	s16 =	sadd.s32 $0x80, s16;
	s17 =	sadd.s32 $0x80, s17  }
.LBB2_84:
0x4d: {  	s18 =	sand.u32 $0x1, s15  }
0x4e: {  	p1 =	seq.s32 s18, $0x1  }
.Ltmp5:
0x4f: {  	_ = 	snop;
	(pc) =	sbr.rel @p1 .LBB2_90-.Ltmp5, $1  }
0x50: {  	_ =	sdelay $0x3  }
0x51: {  	p1 =	seq.s32 s15, $0xF  }
.Ltmp6:
0x52: {  	_ = 	snop;
	(pc) =	sbr.rel @p1 .LBB2_88-.Ltmp6, $4  }
0x53: {  	_ = 	snop  }
0x54: {  	_ =	swait.ge [sflag:s6], $0x4000  }
0x55: {  	[sflag:s6] =	ssyncset.done $0x0  }
0x56: {  	[sflag:s6] =	ssyncadd.s32 $0xFFFFC000  }
0x57: {  	p1 =	sne.s32 s15, $0x0  }
.Ltmp7:
0x58: {  	_ = 	snop;
	(pc) =	sbr.rel @p1 .LBB2_89-.Ltmp7, $1  }
0x59: {  	_ =	sdelay $0x3  }
.Ltmp8:
0x5a: {  	(pc) =	sbr.rel .LBB2_91-.Ltmp8, $4  }
0x5b: {  	_ = 	snop  }
0x5c: {  	[tilespmem:s5], [sflag:$0x3] =	stream.indirect.gather [hbm4b:s0+s4], $0x80, s17, s4, $0xb8;
	[tilespmem:$0x1DC00] =	vst v63  }
0x5d: {  	_ = 	snop  }
0x5e: {  	[spmem:s22] =	stream.indirect.scatter.add.f32 [tilespmem:s19], [sflag:$0x4], $0x80, s16, s4, $0xb8;
	[tilespmem:$0x1DC00] =	vst v63  }
.LBB2_89:
0x5f: {  	_ =	swait.ge [sflag:s8], $0x4000;
	p1 =	seq.s32 s18, $0x0  }
.Ltmp9:
0x60: {  	[sflag:s8] =	ssyncset.done $0x0;
	(pc) =	sbr.rel @p1 .LBB2_91-.Ltmp9, $4  }
.Ltmp10:
0x61: {  	[sflag:s8] =	ssyncadd.s32 $0xFFFFC000;
	(pc) =	sbr.rel @!p1 .LBB2_90-.Ltmp10, $4  }
0x62: {  	[tilespmem:s5], [sflag:$0x3] =	stream.indirect.gather [hbm4b:s0+s4], $0x80, s17, s4, $0xb8;
	[tilespmem:$0x1DC00] =	vst v63  }
0x63: {  	_ = 	snop  }
0x64: {  	[spmem:s22] =	stream.indirect.scatter.add.f32 [tilespmem:s19], [sflag:$0x4], $0x80, s16, s4, $0xb8;
	[tilespmem:$0x1DC00] =	vst v63  }
0x65: {  	_ = 	snop  }
.LBB2_2:
0x66: {  	s16 =	rddreg [dreg:$0x4]  }
0x67: {  	[tilespmem:s15], [sflag:$0x6] =	stream.linear.gather [hbm4b:s16+s15], $0x800, $0x38;
	[tilespmem:$0x1DC00] =	vst v63  }
0x68: {  	_ =	swait.ge [sflag:s31], $0x800  }
0x69: {  	[sflag:s31] =	ssyncset.done $0x0  }
0x6a: {  	s16 =	simm.s32 $0x1000;
	s17 =	rddreg [dreg:$0x5];
	[sflag:s31] =	ssyncadd.s32 $0xFFFFF800  }
0x6b: {  	[tilespmem:s16], [sflag:$0x6] =	stream.linear.gather [hbm4b:s17+s15], $0x800, $0x38;
	[tilespmem:$0x1DC00] =	vst v63  }
0x6c: {  	_ =	swait.ge [sflag:s31], $0x800  }
0x6d: {  	[sflag:s31] =	ssyncset.done $0x0  }
0x6e: {  	s18 =	rddreg [dreg:$0x6];
	[sflag:s31] =	ssyncadd.s32 $0xFFFFF800  }
0x6f: {  	[tilespmem:s9], [sflag:$0x1] =	stream.linear.gather [hbm4b:s18+s15], $0x800, $0x38;
	[tilespmem:$0x1DC00] =	vst v63  }
.Ltmp11:
0x70: {  	_ = 	snop;
	(pc) =	sbr.rel .LBB2_3-.Ltmp11, $4  }
0x71: {  	s18 =	rddreg [dreg:$0x7]  }
0x72: {  	[tilespmem:s10], [sflag:$0x1] =	stream.linear.gather [hbm4b:s18+s15], $0x800, $0x38;
	[tilespmem:$0x1DC00] =	vst v63  }
0x73: {  	s17 =	simm.s32 $0x80  }
0x74: {  	[tilespmem:s19], [sflag:$0x2] =	stream.indirect.gather [hbm4b:s0+s17], $0x80, s15, s17, $0xb8;
	[tilespmem:$0x1DC00] =	vst v63  }
.LBB2_7:
0x75: {  	[spmem:s22] =	stream.indirect.scatter.add.f32 [tilespmem:s19], [sflag:$0x4], $0x80, s7, s4, $0xb8;
	[tilespmem:$0x1DC00] =	vst v63  }
.LBB2_9:
0x76: {  	_ =	swait.ge [sflag:s1], $0x4000  }
0x77: {  	[sflag:s1] =	ssyncset.done $0x0  }
0x78: {  	[sflag:s1] =	ssyncadd.s32 $0xFFFFC000  }
0x79: {  	_ =	swait.ge [sflag:s3], $0x4000  }
0x7a: {  	[sflag:s3] =	ssyncset.done $0x0  }
0x7b: {  	[sflag:s3] =	ssyncadd.s32 $0xFFFFC000  }
0x7c: {  	[tilespmem:s19], [sflag:$0x2] =	stream.indirect.gather [hbm4b:s0+s4], $0x80, s17, s4, $0xb8;
	[tilespmem:$0x1DC00] =	vst v63  }
0x7d: {  	_ = 	snop  }
0x7e: {  	[spmem:s22] =	stream.indirect.scatter.add.f32 [tilespmem:s5], [sflag:$0x5], $0x80, s16, s4, $0xb8;
	[tilespmem:$0x1DC00] =	vst v63  }
.LBB2_10:
0x7f: {  	s15 =	sadd.s32 $0x1, s15  }
0x80: {  	p1 =	sne.s32 s15, $0xF  }
.Ltmp12:
0x81: {  	_ = 	snop;
	(pc) =	sbr.rel @!p1 .LBB2_11-.Ltmp12, $2  }
0x82: {  	_ =	sdelay $0x2  }
0x83: {  	s16 =	sadd.s32 $0x80, s16;
	s17 =	sadd.s32 $0x80, s17  }
.LBB2_3:
0x84: {  	s18 =	sand.u32 $0x1, s15  }
0x85: {  	p1 =	seq.s32 s18, $0x1  }
.Ltmp13:
0x86: {  	_ = 	snop;
	(pc) =	sbr.rel @p1 .LBB2_9-.Ltmp13, $1  }
0x87: {  	_ =	sdelay $0x3  }
0x88: {  	p1 =	seq.s32 s15, $0xF  }
.Ltmp14:
0x89: {  	_ = 	snop;
	(pc) =	sbr.rel @p1 .LBB2_7-.Ltmp14, $4  }
0x8a: {  	_ = 	snop  }
0x8b: {  	_ =	swait.ge [sflag:s6], $0x4000  }
0x8c: {  	[sflag:s6] =	ssyncset.done $0x0  }
0x8d: {  	[sflag:s6] =	ssyncadd.s32 $0xFFFFC000  }
0x8e: {  	p1 =	sne.s32 s15, $0x0  }
.Ltmp15:
0x8f: {  	_ = 	snop;
	(pc) =	sbr.rel @p1 .LBB2_8-.Ltmp15, $1  }
0x90: {  	_ =	sdelay $0x3  }
.Ltmp16:
0x91: {  	(pc) =	sbr.rel .LBB2_10-.Ltmp16, $4  }
0x92: {  	_ = 	snop  }
0x93: {  	[tilespmem:s5], [sflag:$0x3] =	stream.indirect.gather [hbm4b:s0+s4], $0x80, s17, s4, $0xb8;
	[tilespmem:$0x1DC00] =	vst v63  }
0x94: {  	_ = 	snop  }
0x95: {  	[spmem:s22] =	stream.indirect.scatter.add.f32 [tilespmem:s19], [sflag:$0x4], $0x80, s16, s4, $0xb8;
	[tilespmem:$0x1DC00] =	vst v63  }
.LBB2_8:
0x96: {  	_ =	swait.ge [sflag:s8], $0x4000;
	p1 =	seq.s32 s18, $0x0  }
.Ltmp17:
0x97: {  	[sflag:s8] =	ssyncset.done $0x0;
	(pc) =	sbr.rel @p1 .LBB2_10-.Ltmp17, $4  }
.Ltmp18:
0x98: {  	[sflag:s8] =	ssyncadd.s32 $0xFFFFC000;
	(pc) =	sbr.rel @!p1 .LBB2_9-.Ltmp18, $4  }
0x99: {  	[tilespmem:s5], [sflag:$0x3] =	stream.indirect.gather [hbm4b:s0+s4], $0x80, s17, s4, $0xb8;
	[tilespmem:$0x1DC00] =	vst v63  }
0x9a: {  	_ = 	snop  }
0x9b: {  	[spmem:s22] =	stream.indirect.scatter.add.f32 [tilespmem:s19], [sflag:$0x4], $0x80, s16, s4, $0xb8;
	[tilespmem:$0x1DC00] =	vst v63  }
0x9c: {  	_ = 	snop  }
.LBB2_11:
0x9d: {  	_ =	swait.ge [sflag:s1], $0x4000  }
0x9e: {  	[sflag:s1] =	ssyncset.done $0x0  }
0x9f: {  	[sflag:s1] =	ssyncadd.s32 $0xFFFFC000  }
0xa0: {  	[spmem:s22] =	stream.indirect.scatter.add.f32 [tilespmem:s5], [sflag:$0x5], $0x80, s7, s4, $0xb8;
	[tilespmem:$0x1DC00] =	vst v63  }
0xa1: {  	_ =	swait.ge [sflag:s3], $0x4000  }
0xa2: {  	[sflag:s3] =	ssyncset.done $0x0  }
0xa3: {  	[sflag:s3] =	ssyncadd.s32 $0xFFFFC000  }
0xa4: {  	_ =	swait.ge [sflag:s8], $0x4000  }
0xa5: {  	[sflag:s8] =	ssyncset.done $0x0  }
0xa6: {  	[sflag:s8] =	ssyncadd.s32 $0xFFFFC000  }
0xa7: {  	_ =	swait.ge [sflag:s11], $0x800  }
0xa8: {  	[sflag:s11] =	ssyncset.done $0x0  }
0xa9: {  	[sflag:s11] =	ssyncadd.s32 $0xFFFFF800  }
0xaa: {  	_ =	swait.ge [sflag:s11], $0x800  }
0xab: {  	[sflag:s11] =	ssyncset.done $0x0  }
0xac: {  	s15 =	simm.s32 $0x0;
	s16 =	rddreg [dreg:$0x8];
	[sflag:s11] =	ssyncadd.s32 $0xFFFFF800  }
0xad: {  	[tilespmem:s15], [sflag:$0x1] =	stream.linear.gather [hbm4b:s16+s15], $0x800, $0x38;
	[tilespmem:$0x1DC00] =	vst v63  }
.Ltmp19:
0xae: {  	_ = 	snop;
	(pc) =	sbr.rel .LBB2_12-.Ltmp19, $4  }
0xaf: {  	s18 =	rddreg [dreg:$0x9]  }
0xb0: {  	[tilespmem:s12], [sflag:$0x1] =	stream.linear.gather [hbm4b:s18+s15], $0x800, $0x38;
	[tilespmem:$0x1DC00] =	vst v63  }
0xb1: {  	s17 =	simm.s32 $0x880;
	s16 =	simm.s32 $0x1800  }
0xb2: {  	[tilespmem:s19], [sflag:$0x2] =	stream.indirect.gather [hbm4b:s0+s4], $0x80, s9, s4, $0xb8;
	[tilespmem:$0x1DC00] =	vst v63  }
.LBB2_16:
0xb3: {  	[spmem:s22] =	stream.indirect.scatter.add.f32 [tilespmem:s19], [sflag:$0x4], $0x80, s13, s4, $0xb8;
	[tilespmem:$0x1DC00] =	vst v63  }
.LBB2_18:
0xb4: {  	_ =	swait.ge [sflag:s1], $0x4000  }
0xb5: {  	[sflag:s1] =	ssyncset.done $0x0  }
0xb6: {  	[sflag:s1] =	ssyncadd.s32 $0xFFFFC000  }
0xb7: {  	_ =	swait.ge [sflag:s3], $0x4000  }
0xb8: {  	[sflag:s3] =	ssyncset.done $0x0  }
0xb9: {  	[sflag:s3] =	ssyncadd.s32 $0xFFFFC000  }
0xba: {  	[tilespmem:s19], [sflag:$0x2] =	stream.indirect.gather [hbm4b:s0+s4], $0x80, s17, s4, $0xb8;
	[tilespmem:$0x1DC00] =	vst v63  }
0xbb: {  	_ = 	snop  }
0xbc: {  	[spmem:s22] =	stream.indirect.scatter.add.f32 [tilespmem:s5], [sflag:$0x5], $0x80, s16, s4, $0xb8;
	[tilespmem:$0x1DC00] =	vst v63  }
.LBB2_19:
0xbd: {  	s15 =	sadd.s32 $0x1, s15  }
0xbe: {  	p1 =	sne.s32 s15, $0xF  }
.Ltmp20:
0xbf: {  	_ = 	snop;
	(pc) =	sbr.rel @!p1 .LBB2_20-.Ltmp20, $2  }
0xc0: {  	_ =	sdelay $0x2  }
0xc1: {  	s16 =	sadd.s32 $0x80, s16;
	s17 =	sadd.s32 $0x80, s17  }
.LBB2_12:
0xc2: {  	s18 =	sand.u32 $0x1, s15  }
0xc3: {  	p1 =	seq.s32 s18, $0x1  }
.Ltmp21:
0xc4: {  	_ = 	snop;
	(pc) =	sbr.rel @p1 .LBB2_18-.Ltmp21, $1  }
0xc5: {  	_ =	sdelay $0x3  }
0xc6: {  	p1 =	seq.s32 s15, $0xF  }
.Ltmp22:
0xc7: {  	_ = 	snop;
	(pc) =	sbr.rel @p1 .LBB2_16-.Ltmp22, $4  }
0xc8: {  	_ = 	snop  }
0xc9: {  	_ =	swait.ge [sflag:s6], $0x4000  }
0xca: {  	[sflag:s6] =	ssyncset.done $0x0  }
0xcb: {  	[sflag:s6] =	ssyncadd.s32 $0xFFFFC000  }
0xcc: {  	p1 =	sne.s32 s15, $0x0  }
.Ltmp23:
0xcd: {  	_ = 	snop;
	(pc) =	sbr.rel @p1 .LBB2_17-.Ltmp23, $1  }
0xce: {  	_ =	sdelay $0x3  }
.Ltmp24:
0xcf: {  	(pc) =	sbr.rel .LBB2_19-.Ltmp24, $4  }
0xd0: {  	_ = 	snop  }
0xd1: {  	[tilespmem:s5], [sflag:$0x3] =	stream.indirect.gather [hbm4b:s0+s4], $0x80, s17, s4, $0xb8;
	[tilespmem:$0x1DC00] =	vst v63  }
0xd2: {  	_ = 	snop  }
0xd3: {  	[spmem:s22] =	stream.indirect.scatter.add.f32 [tilespmem:s19], [sflag:$0x4], $0x80, s16, s4, $0xb8;
	[tilespmem:$0x1DC00] =	vst v63  }
.LBB2_17:
0xd4: {  	_ =	swait.ge [sflag:s8], $0x4000;
	p1 =	seq.s32 s18, $0x0  }
.Ltmp25:
0xd5: {  	[sflag:s8] =	ssyncset.done $0x0;
	(pc) =	sbr.rel @p1 .LBB2_19-.Ltmp25, $4  }
.Ltmp26:
0xd6: {  	[sflag:s8] =	ssyncadd.s32 $0xFFFFC000;
	(pc) =	sbr.rel @!p1 .LBB2_18-.Ltmp26, $4  }
0xd7: {  	[tilespmem:s5], [sflag:$0x3] =	stream.indirect.gather [hbm4b:s0+s4], $0x80, s17, s4, $0xb8;
	[tilespmem:$0x1DC00] =	vst v63  }
0xd8: {  	_ = 	snop  }
0xd9: {  	[spmem:s22] =	stream.indirect.scatter.add.f32 [tilespmem:s19], [sflag:$0x4], $0x80, s16, s4, $0xb8;
	[tilespmem:$0x1DC00] =	vst v63  }
0xda: {  	_ = 	snop  }
.LBB2_20:
0xdb: {  	_ =	swait.ge [sflag:s1], $0x4000  }
0xdc: {  	[sflag:s1] =	ssyncset.done $0x0  }
0xdd: {  	s15 =	simm.s32 $0x80;
	[sflag:s1] =	ssyncadd.s32 $0xFFFFC000  }
0xde: {  	[spmem:s22] =	stream.indirect.scatter.add.f32 [tilespmem:s5], [sflag:$0x5], $0x80, s13, s15, $0xb8;
	[tilespmem:$0x1DC00] =	vst v63  }
0xdf: {  	_ =	swait.ge [sflag:s3], $0x4000  }
0xe0: {  	[sflag:s3] =	ssyncset.done $0x0  }
0xe1: {  	[sflag:s3] =	ssyncadd.s32 $0xFFFFC000  }
0xe2: {  	_ =	swait.ge [sflag:s8], $0x4000  }
0xe3: {  	[sflag:s8] =	ssyncset.done $0x0  }
0xe4: {  	[sflag:s8] =	ssyncadd.s32 $0xFFFFC000  }
0xe5: {  	_ =	swait.ge [sflag:s11], $0x800  }
0xe6: {  	[sflag:s11] =	ssyncset.done $0x0  }
0xe7: {  	[sflag:s11] =	ssyncadd.s32 $0xFFFFF800  }
0xe8: {  	_ =	swait.ge [sflag:s11], $0x800  }
0xe9: {  	[sflag:s11] =	ssyncset.done $0x0  }
0xea: {  	s16 =	simm.s32 $0x0;
	s17 =	rddreg [dreg:$0xa];
	[sflag:s11] =	ssyncadd.s32 $0xFFFFF800  }
0xeb: {  	[tilespmem:s9], [sflag:$0x1] =	stream.linear.gather [hbm4b:s17+s16], $0x800, $0x38;
	[tilespmem:$0x1DC00] =	vst v63  }
.Ltmp27:
0xec: {  	_ = 	snop;
	(pc) =	sbr.rel .LBB2_21-.Ltmp27, $4  }
0xed: {  	s18 =	rddreg [dreg:$0xb]  }
0xee: {  	[tilespmem:s10], [sflag:$0x1] =	stream.linear.gather [hbm4b:s18+s16], $0x800, $0x38;
	[tilespmem:$0x1DC00] =	vst v63  }
0xef: {  	s17 =	simm.s32 $0x1000  }
0xf0: {  	[tilespmem:s19], [sflag:$0x2] =	stream.indirect.gather [hbm4b:s0+s15], $0x80, s16, s15, $0xb8;
	[tilespmem:$0x1DC00] =	vst v63  }
.LBB2_25:
0xf1: {  	[spmem:s22] =	stream.indirect.scatter.add.f32 [tilespmem:s19], [sflag:$0x4], $0x80, s7, s4, $0xb8;
	[tilespmem:$0x1DC00] =	vst v63  }
.LBB2_27:
0xf2: {  	_ =	swait.ge [sflag:s1], $0x4000  }
0xf3: {  	[sflag:s1] =	ssyncset.done $0x0  }
0xf4: {  	[sflag:s1] =	ssyncadd.s32 $0xFFFFC000  }
0xf5: {  	_ =	swait.ge [sflag:s3], $0x4000  }
0xf6: {  	[sflag:s3] =	ssyncset.done $0x0  }
0xf7: {  	[sflag:s3] =	ssyncadd.s32 $0xFFFFC000  }
0xf8: {  	[tilespmem:s19], [sflag:$0x2] =	stream.indirect.gather [hbm4b:s0+s4], $0x80, s15, s4, $0xb8;
	[tilespmem:$0x1DC00] =	vst v63  }
0xf9: {  	_ = 	snop  }
0xfa: {  	[spmem:s22] =	stream.indirect.scatter.add.f32 [tilespmem:s5], [sflag:$0x5], $0x80, s17, s4, $0xb8;
	[tilespmem:$0x1DC00] =	vst v63  }
.LBB2_28:
0xfb: {  	s16 =	sadd.s32 $0x1, s16  }
0xfc: {  	p1 =	sne.s32 s16, $0xF  }
.Ltmp28:
0xfd: {  	_ = 	snop;
	(pc) =	sbr.rel @!p1 .LBB2_29-.Ltmp28, $2  }
0xfe: {  	_ =	sdelay $0x2  }
0xff: {  	s17 =	sadd.s32 $0x80, s17;
	s15 =	sadd.s32 $0x80, s15  }
.LBB2_21:
0x100: {  	s18 =	sand.u32 $0x1, s16  }
0x101: {  	p1 =	seq.s32 s18, $0x1  }
.Ltmp29:
0x102: {  	_ = 	snop;
	(pc) =	sbr.rel @p1 .LBB2_27-.Ltmp29, $1  }
0x103: {  	_ =	sdelay $0x3  }
0x104: {  	p1 =	seq.s32 s16, $0xF  }
.Ltmp30:
0x105: {  	_ = 	snop;
	(pc) =	sbr.rel @p1 .LBB2_25-.Ltmp30, $4  }
0x106: {  	_ = 	snop  }
0x107: {  	_ =	swait.ge [sflag:s6], $0x4000  }
0x108: {  	[sflag:s6] =	ssyncset.done $0x0  }
0x109: {  	[sflag:s6] =	ssyncadd.s32 $0xFFFFC000  }
0x10a: {  	p1 =	sne.s32 s16, $0x0  }
.Ltmp31:
0x10b: {  	_ = 	snop;
	(pc) =	sbr.rel @p1 .LBB2_26-.Ltmp31, $1  }
0x10c: {  	_ =	sdelay $0x3  }
.Ltmp32:
0x10d: {  	(pc) =	sbr.rel .LBB2_28-.Ltmp32, $4  }
0x10e: {  	_ = 	snop  }
0x10f: {  	[tilespmem:s5], [sflag:$0x3] =	stream.indirect.gather [hbm4b:s0+s4], $0x80, s15, s4, $0xb8;
	[tilespmem:$0x1DC00] =	vst v63  }
0x110: {  	_ = 	snop  }
0x111: {  	[spmem:s22] =	stream.indirect.scatter.add.f32 [tilespmem:s19], [sflag:$0x4], $0x80, s17, s4, $0xb8;
	[tilespmem:$0x1DC00] =	vst v63  }
.LBB2_26:
0x112: {  	_ =	swait.ge [sflag:s8], $0x4000;
	p1 =	seq.s32 s18, $0x0  }
.Ltmp33:
0x113: {  	[sflag:s8] =	ssyncset.done $0x0;
	(pc) =	sbr.rel @p1 .LBB2_28-.Ltmp33, $4  }
.Ltmp34:
0x114: {  	[sflag:s8] =	ssyncadd.s32 $0xFFFFC000;
	(pc) =	sbr.rel @!p1 .LBB2_27-.Ltmp34, $4  }
0x115: {  	[tilespmem:s5], [sflag:$0x3] =	stream.indirect.gather [hbm4b:s0+s4], $0x80, s15, s4, $0xb8;
	[tilespmem:$0x1DC00] =	vst v63  }
0x116: {  	_ = 	snop  }
0x117: {  	[spmem:s22] =	stream.indirect.scatter.add.f32 [tilespmem:s19], [sflag:$0x4], $0x80, s17, s4, $0xb8;
	[tilespmem:$0x1DC00] =	vst v63  }
0x118: {  	_ = 	snop  }
.LBB2_29:
0x119: {  	_ =	swait.ge [sflag:s1], $0x4000  }
0x11a: {  	[sflag:s1] =	ssyncset.done $0x0  }
0x11b: {  	[sflag:s1] =	ssyncadd.s32 $0xFFFFC000  }
0x11c: {  	[spmem:s22] =	stream.indirect.scatter.add.f32 [tilespmem:s5], [sflag:$0x5], $0x80, s7, s4, $0xb8;
	[tilespmem:$0x1DC00] =	vst v63  }
0x11d: {  	_ =	swait.ge [sflag:s3], $0x4000  }
0x11e: {  	[sflag:s3] =	ssyncset.done $0x0  }
0x11f: {  	[sflag:s3] =	ssyncadd.s32 $0xFFFFC000  }
0x120: {  	_ =	swait.ge [sflag:s8], $0x4000  }
0x121: {  	[sflag:s8] =	ssyncset.done $0x0  }
0x122: {  	[sflag:s8] =	ssyncadd.s32 $0xFFFFC000  }
0x123: {  	_ =	swait.ge [sflag:s11], $0x800  }
0x124: {  	[sflag:s11] =	ssyncset.done $0x0  }
0x125: {  	[sflag:s11] =	ssyncadd.s32 $0xFFFFF800  }
0x126: {  	_ =	swait.ge [sflag:s11], $0x800  }
0x127: {  	[sflag:s11] =	ssyncset.done $0x0  }
0x128: {  	s15 =	simm.s32 $0x0;
	s16 =	rddreg [dreg:$0xc];
	[sflag:s11] =	ssyncadd.s32 $0xFFFFF800  }
0x129: {  	[tilespmem:s15], [sflag:$0x1] =	stream.linear.gather [hbm4b:s16+s15], $0x800, $0x38;
	[tilespmem:$0x1DC00] =	vst v63  }
.Ltmp35:
0x12a: {  	_ = 	snop;
	(pc) =	sbr.rel .LBB2_30-.Ltmp35, $4  }
0x12b: {  	s18 =	rddreg [dreg:$0xd]  }
0x12c: {  	[tilespmem:s12], [sflag:$0x1] =	stream.linear.gather [hbm4b:s18+s15], $0x800, $0x38;
	[tilespmem:$0x1DC00] =	vst v63  }
0x12d: {  	s17 =	simm.s32 $0x880;
	s16 =	simm.s32 $0x1800  }
0x12e: {  	[tilespmem:s19], [sflag:$0x2] =	stream.indirect.gather [hbm4b:s0+s4], $0x80, s9, s4, $0xb8;
	[tilespmem:$0x1DC00] =	vst v63  }
.LBB2_34:
0x12f: {  	[spmem:s22] =	stream.indirect.scatter.add.f32 [tilespmem:s19], [sflag:$0x4], $0x80, s13, s4, $0xb8;
	[tilespmem:$0x1DC00] =	vst v63  }
.LBB2_36:
0x130: {  	_ =	swait.ge [sflag:s1], $0x4000  }
0x131: {  	[sflag:s1] =	ssyncset.done $0x0  }
0x132: {  	[sflag:s1] =	ssyncadd.s32 $0xFFFFC000  }
0x133: {  	_ =	swait.ge [sflag:s3], $0x4000  }
0x134: {  	[sflag:s3] =	ssyncset.done $0x0  }
0x135: {  	[sflag:s3] =	ssyncadd.s32 $0xFFFFC000  }
0x136: {  	[tilespmem:s19], [sflag:$0x2] =	stream.indirect.gather [hbm4b:s0+s4], $0x80, s17, s4, $0xb8;
	[tilespmem:$0x1DC00] =	vst v63  }
0x137: {  	_ = 	snop  }
0x138: {  	[spmem:s22] =	stream.indirect.scatter.add.f32 [tilespmem:s5], [sflag:$0x5], $0x80, s16, s4, $0xb8;
	[tilespmem:$0x1DC00] =	vst v63  }
.LBB2_37:
0x139: {  	s15 =	sadd.s32 $0x1, s15  }
0x13a: {  	p1 =	sne.s32 s15, $0xF  }
.Ltmp36:
0x13b: {  	_ = 	snop;
	(pc) =	sbr.rel @!p1 .LBB2_38-.Ltmp36, $2  }
0x13c: {  	_ =	sdelay $0x2  }
0x13d: {  	s16 =	sadd.s32 $0x80, s16;
	s17 =	sadd.s32 $0x80, s17  }
.LBB2_30:
0x13e: {  	s18 =	sand.u32 $0x1, s15  }
0x13f: {  	p1 =	seq.s32 s18, $0x1  }
.Ltmp37:
0x140: {  	_ = 	snop;
	(pc) =	sbr.rel @p1 .LBB2_36-.Ltmp37, $1  }
0x141: {  	_ =	sdelay $0x3  }
0x142: {  	p1 =	seq.s32 s15, $0xF  }
.Ltmp38:
0x143: {  	_ = 	snop;
	(pc) =	sbr.rel @p1 .LBB2_34-.Ltmp38, $4  }
0x144: {  	_ = 	snop  }
0x145: {  	_ =	swait.ge [sflag:s6], $0x4000  }
0x146: {  	[sflag:s6] =	ssyncset.done $0x0  }
0x147: {  	[sflag:s6] =	ssyncadd.s32 $0xFFFFC000  }
0x148: {  	p1 =	sne.s32 s15, $0x0  }
.Ltmp39:
0x149: {  	_ = 	snop;
	(pc) =	sbr.rel @p1 .LBB2_35-.Ltmp39, $1  }
0x14a: {  	_ =	sdelay $0x3  }
.Ltmp40:
0x14b: {  	(pc) =	sbr.rel .LBB2_37-.Ltmp40, $4  }
0x14c: {  	_ = 	snop  }
0x14d: {  	[tilespmem:s5], [sflag:$0x3] =	stream.indirect.gather [hbm4b:s0+s4], $0x80, s17, s4, $0xb8;
	[tilespmem:$0x1DC00] =	vst v63  }
0x14e: {  	_ = 	snop  }
0x14f: {  	[spmem:s22] =	stream.indirect.scatter.add.f32 [tilespmem:s19], [sflag:$0x4], $0x80, s16, s4, $0xb8;
	[tilespmem:$0x1DC00] =	vst v63  }
.LBB2_35:
0x150: {  	_ =	swait.ge [sflag:s8], $0x4000;
	p1 =	seq.s32 s18, $0x0  }
.Ltmp41:
0x151: {  	[sflag:s8] =	ssyncset.done $0x0;
	(pc) =	sbr.rel @p1 .LBB2_37-.Ltmp41, $4  }
.Ltmp42:
0x152: {  	[sflag:s8] =	ssyncadd.s32 $0xFFFFC000;
	(pc) =	sbr.rel @!p1 .LBB2_36-.Ltmp42, $4  }
0x153: {  	[tilespmem:s5], [sflag:$0x3] =	stream.indirect.gather [hbm4b:s0+s4], $0x80, s17, s4, $0xb8;
	[tilespmem:$0x1DC00] =	vst v63  }
0x154: {  	_ = 	snop  }
0x155: {  	[spmem:s22] =	stream.indirect.scatter.add.f32 [tilespmem:s19], [sflag:$0x4], $0x80, s16, s4, $0xb8;
	[tilespmem:$0x1DC00] =	vst v63  }
0x156: {  	_ = 	snop  }
.LBB2_38:
0x157: {  	_ =	swait.ge [sflag:s1], $0x4000  }
0x158: {  	[sflag:s1] =	ssyncset.done $0x0  }
0x159: {  	s15 =	simm.s32 $0x80;
	[sflag:s1] =	ssyncadd.s32 $0xFFFFC000  }
0x15a: {  	[spmem:s22] =	stream.indirect.scatter.add.f32 [tilespmem:s5], [sflag:$0x5], $0x80, s13, s15, $0xb8;
	[tilespmem:$0x1DC00] =	vst v63  }
0x15b: {  	_ =	swait.ge [sflag:s3], $0x4000  }
0x15c: {  	[sflag:s3] =	ssyncset.done $0x0  }
0x15d: {  	[sflag:s3] =	ssyncadd.s32 $0xFFFFC000  }
0x15e: {  	_ =	swait.ge [sflag:s8], $0x4000  }
0x15f: {  	[sflag:s8] =	ssyncset.done $0x0  }
0x160: {  	[sflag:s8] =	ssyncadd.s32 $0xFFFFC000  }
0x161: {  	_ =	swait.ge [sflag:s11], $0x800  }
0x162: {  	[sflag:s11] =	ssyncset.done $0x0  }
0x163: {  	[sflag:s11] =	ssyncadd.s32 $0xFFFFF800  }
0x164: {  	_ =	swait.ge [sflag:s11], $0x800  }
0x165: {  	[sflag:s11] =	ssyncset.done $0x0  }
0x166: {  	s16 =	simm.s32 $0x0;
	s17 =	rddreg [dreg:$0xe];
	[sflag:s11] =	ssyncadd.s32 $0xFFFFF800  }
0x167: {  	[tilespmem:s9], [sflag:$0x1] =	stream.linear.gather [hbm4b:s17+s16], $0x800, $0x38;
	[tilespmem:$0x1DC00] =	vst v63  }
.Ltmp43:
0x168: {  	_ = 	snop;
	(pc) =	sbr.rel .LBB2_39-.Ltmp43, $4  }
0x169: {  	s18 =	rddreg [dreg:$0xf]  }
0x16a: {  	[tilespmem:s10], [sflag:$0x1] =	stream.linear.gather [hbm4b:s18+s16], $0x800, $0x38;
	[tilespmem:$0x1DC00] =	vst v63  }
0x16b: {  	s17 =	simm.s32 $0x1000  }
0x16c: {  	[tilespmem:s19], [sflag:$0x2] =	stream.indirect.gather [hbm4b:s0+s15], $0x80, s16, s15, $0xb8;
	[tilespmem:$0x1DC00] =	vst v63  }
.LBB2_43:
0x16d: {  	[spmem:s22] =	stream.indirect.scatter.add.f32 [tilespmem:s19], [sflag:$0x4], $0x80, s7, s4, $0xb8;
	[tilespmem:$0x1DC00] =	vst v63  }
.LBB2_45:
0x16e: {  	_ =	swait.ge [sflag:s1], $0x4000  }
0x16f: {  	[sflag:s1] =	ssyncset.done $0x0  }
0x170: {  	[sflag:s1] =	ssyncadd.s32 $0xFFFFC000  }
0x171: {  	_ =	swait.ge [sflag:s3], $0x4000  }
0x172: {  	[sflag:s3] =	ssyncset.done $0x0  }
0x173: {  	[sflag:s3] =	ssyncadd.s32 $0xFFFFC000  }
0x174: {  	[tilespmem:s19], [sflag:$0x2] =	stream.indirect.gather [hbm4b:s0+s4], $0x80, s15, s4, $0xb8;
	[tilespmem:$0x1DC00] =	vst v63  }
0x175: {  	_ = 	snop  }
0x176: {  	[spmem:s22] =	stream.indirect.scatter.add.f32 [tilespmem:s5], [sflag:$0x5], $0x80, s17, s4, $0xb8;
	[tilespmem:$0x1DC00] =	vst v63  }
.LBB2_46:
0x177: {  	s16 =	sadd.s32 $0x1, s16  }
0x178: {  	p1 =	sne.s32 s16, $0xF  }
.Ltmp44:
0x179: {  	_ = 	snop;
	(pc) =	sbr.rel @!p1 .LBB2_47-.Ltmp44, $2  }
0x17a: {  	_ =	sdelay $0x2  }
0x17b: {  	s17 =	sadd.s32 $0x80, s17;
	s15 =	sadd.s32 $0x80, s15  }
.LBB2_39:
0x17c: {  	s18 =	sand.u32 $0x1, s16  }
0x17d: {  	p1 =	seq.s32 s18, $0x1  }
.Ltmp45:
0x17e: {  	_ = 	snop;
	(pc) =	sbr.rel @p1 .LBB2_45-.Ltmp45, $1  }
0x17f: {  	_ =	sdelay $0x3  }
0x180: {  	p1 =	seq.s32 s16, $0xF  }
.Ltmp46:
0x181: {  	_ = 	snop;
	(pc) =	sbr.rel @p1 .LBB2_43-.Ltmp46, $4  }
0x182: {  	_ = 	snop  }
0x183: {  	_ =	swait.ge [sflag:s6], $0x4000  }
0x184: {  	[sflag:s6] =	ssyncset.done $0x0  }
0x185: {  	[sflag:s6] =	ssyncadd.s32 $0xFFFFC000  }
0x186: {  	p1 =	sne.s32 s16, $0x0  }
.Ltmp47:
0x187: {  	_ = 	snop;
	(pc) =	sbr.rel @p1 .LBB2_44-.Ltmp47, $1  }
0x188: {  	_ =	sdelay $0x3  }
.Ltmp48:
0x189: {  	(pc) =	sbr.rel .LBB2_46-.Ltmp48, $4  }
0x18a: {  	_ = 	snop  }
0x18b: {  	[tilespmem:s5], [sflag:$0x3] =	stream.indirect.gather [hbm4b:s0+s4], $0x80, s15, s4, $0xb8;
	[tilespmem:$0x1DC00] =	vst v63  }
0x18c: {  	_ = 	snop  }
0x18d: {  	[spmem:s22] =	stream.indirect.scatter.add.f32 [tilespmem:s19], [sflag:$0x4], $0x80, s17, s4, $0xb8;
	[tilespmem:$0x1DC00] =	vst v63  }
.LBB2_44:
0x18e: {  	_ =	swait.ge [sflag:s8], $0x4000;
	p1 =	seq.s32 s18, $0x0  }
.Ltmp49:
0x18f: {  	[sflag:s8] =	ssyncset.done $0x0;
	(pc) =	sbr.rel @p1 .LBB2_46-.Ltmp49, $4  }
.Ltmp50:
0x190: {  	[sflag:s8] =	ssyncadd.s32 $0xFFFFC000;
	(pc) =	sbr.rel @!p1 .LBB2_45-.Ltmp50, $4  }
0x191: {  	[tilespmem:s5], [sflag:$0x3] =	stream.indirect.gather [hbm4b:s0+s4], $0x80, s15, s4, $0xb8;
	[tilespmem:$0x1DC00] =	vst v63  }
0x192: {  	_ = 	snop  }
0x193: {  	[spmem:s22] =	stream.indirect.scatter.add.f32 [tilespmem:s19], [sflag:$0x4], $0x80, s17, s4, $0xb8;
	[tilespmem:$0x1DC00] =	vst v63  }
0x194: {  	_ = 	snop  }
.LBB2_47:
0x195: {  	_ =	swait.ge [sflag:s1], $0x4000  }
0x196: {  	[sflag:s1] =	ssyncset.done $0x0  }
0x197: {  	[sflag:s1] =	ssyncadd.s32 $0xFFFFC000  }
0x198: {  	[spmem:s22] =	stream.indirect.scatter.add.f32 [tilespmem:s5], [sflag:$0x5], $0x80, s7, s4, $0xb8;
	[tilespmem:$0x1DC00] =	vst v63  }
0x199: {  	_ =	swait.ge [sflag:s3], $0x4000  }
0x19a: {  	[sflag:s3] =	ssyncset.done $0x0  }
0x19b: {  	[sflag:s3] =	ssyncadd.s32 $0xFFFFC000  }
0x19c: {  	_ =	swait.ge [sflag:s8], $0x4000  }
0x19d: {  	[sflag:s8] =	ssyncset.done $0x0  }
0x19e: {  	[sflag:s8] =	ssyncadd.s32 $0xFFFFC000  }
0x19f: {  	_ =	swait.ge [sflag:s11], $0x800  }
0x1a0: {  	[sflag:s11] =	ssyncset.done $0x0  }
0x1a1: {  	[sflag:s11] =	ssyncadd.s32 $0xFFFFF800  }
0x1a2: {  	_ =	swait.ge [sflag:s11], $0x800  }
0x1a3: {  	[sflag:s11] =	ssyncset.done $0x0  }
0x1a4: {  	s15 =	simm.s32 $0x0;
	s16 =	rddreg [dreg:$0x10];
	[sflag:s11] =	ssyncadd.s32 $0xFFFFF800  }
0x1a5: {  	[tilespmem:s15], [sflag:$0x1] =	stream.linear.gather [hbm4b:s16+s15], $0x800, $0x38;
	[tilespmem:$0x1DC00] =	vst v63  }
.Ltmp51:
0x1a6: {  	_ = 	snop;
	(pc) =	sbr.rel .LBB2_48-.Ltmp51, $4  }
0x1a7: {  	s18 =	rddreg [dreg:$0x11]  }
0x1a8: {  	[tilespmem:s12], [sflag:$0x1] =	stream.linear.gather [hbm4b:s18+s15], $0x800, $0x38;
	[tilespmem:$0x1DC00] =	vst v63  }
0x1a9: {  	s17 =	simm.s32 $0x880;
	s16 =	simm.s32 $0x1800  }
0x1aa: {  	[tilespmem:s19], [sflag:$0x2] =	stream.indirect.gather [hbm4b:s0+s4], $0x80, s9, s4, $0xb8;
	[tilespmem:$0x1DC00] =	vst v63  }
.LBB2_52:
0x1ab: {  	[spmem:s22] =	stream.indirect.scatter.add.f32 [tilespmem:s19], [sflag:$0x4], $0x80, s13, s4, $0xb8;
	[tilespmem:$0x1DC00] =	vst v63  }
.LBB2_54:
0x1ac: {  	_ =	swait.ge [sflag:s1], $0x4000  }
0x1ad: {  	[sflag:s1] =	ssyncset.done $0x0  }
0x1ae: {  	[sflag:s1] =	ssyncadd.s32 $0xFFFFC000  }
0x1af: {  	_ =	swait.ge [sflag:s3], $0x4000  }
0x1b0: {  	[sflag:s3] =	ssyncset.done $0x0  }
0x1b1: {  	[sflag:s3] =	ssyncadd.s32 $0xFFFFC000  }
0x1b2: {  	[tilespmem:s19], [sflag:$0x2] =	stream.indirect.gather [hbm4b:s0+s4], $0x80, s17, s4, $0xb8;
	[tilespmem:$0x1DC00] =	vst v63  }
0x1b3: {  	_ = 	snop  }
0x1b4: {  	[spmem:s22] =	stream.indirect.scatter.add.f32 [tilespmem:s5], [sflag:$0x5], $0x80, s16, s4, $0xb8;
	[tilespmem:$0x1DC00] =	vst v63  }
.LBB2_55:
0x1b5: {  	s15 =	sadd.s32 $0x1, s15  }
0x1b6: {  	p1 =	sne.s32 s15, $0xF  }
.Ltmp52:
0x1b7: {  	_ = 	snop;
	(pc) =	sbr.rel @!p1 .LBB2_56-.Ltmp52, $2  }
0x1b8: {  	_ =	sdelay $0x2  }
0x1b9: {  	s16 =	sadd.s32 $0x80, s16;
	s17 =	sadd.s32 $0x80, s17  }
.LBB2_48:
0x1ba: {  	s18 =	sand.u32 $0x1, s15  }
0x1bb: {  	p1 =	seq.s32 s18, $0x1  }
.Ltmp53:
0x1bc: {  	_ = 	snop;
	(pc) =	sbr.rel @p1 .LBB2_54-.Ltmp53, $1  }
0x1bd: {  	_ =	sdelay $0x3  }
0x1be: {  	p1 =	seq.s32 s15, $0xF  }
.Ltmp54:
0x1bf: {  	_ = 	snop;
	(pc) =	sbr.rel @p1 .LBB2_52-.Ltmp54, $4  }
0x1c0: {  	_ = 	snop  }
0x1c1: {  	_ =	swait.ge [sflag:s6], $0x4000  }
0x1c2: {  	[sflag:s6] =	ssyncset.done $0x0  }
0x1c3: {  	[sflag:s6] =	ssyncadd.s32 $0xFFFFC000  }
0x1c4: {  	p1 =	sne.s32 s15, $0x0  }
.Ltmp55:
0x1c5: {  	_ = 	snop;
	(pc) =	sbr.rel @p1 .LBB2_53-.Ltmp55, $1  }
0x1c6: {  	_ =	sdelay $0x3  }
.Ltmp56:
0x1c7: {  	(pc) =	sbr.rel .LBB2_55-.Ltmp56, $4  }
0x1c8: {  	_ = 	snop  }
0x1c9: {  	[tilespmem:s5], [sflag:$0x3] =	stream.indirect.gather [hbm4b:s0+s4], $0x80, s17, s4, $0xb8;
	[tilespmem:$0x1DC00] =	vst v63  }
0x1ca: {  	_ = 	snop  }
0x1cb: {  	[spmem:s22] =	stream.indirect.scatter.add.f32 [tilespmem:s19], [sflag:$0x4], $0x80, s16, s4, $0xb8;
	[tilespmem:$0x1DC00] =	vst v63  }
.LBB2_53:
0x1cc: {  	_ =	swait.ge [sflag:s8], $0x4000;
	p1 =	seq.s32 s18, $0x0  }
.Ltmp57:
0x1cd: {  	[sflag:s8] =	ssyncset.done $0x0;
	(pc) =	sbr.rel @p1 .LBB2_55-.Ltmp57, $4  }
.Ltmp58:
0x1ce: {  	[sflag:s8] =	ssyncadd.s32 $0xFFFFC000;
	(pc) =	sbr.rel @!p1 .LBB2_54-.Ltmp58, $4  }
0x1cf: {  	[tilespmem:s5], [sflag:$0x3] =	stream.indirect.gather [hbm4b:s0+s4], $0x80, s17, s4, $0xb8;
	[tilespmem:$0x1DC00] =	vst v63  }
0x1d0: {  	_ = 	snop  }
0x1d1: {  	[spmem:s22] =	stream.indirect.scatter.add.f32 [tilespmem:s19], [sflag:$0x4], $0x80, s16, s4, $0xb8;
	[tilespmem:$0x1DC00] =	vst v63  }
0x1d2: {  	_ = 	snop  }
.LBB2_56:
0x1d3: {  	_ =	swait.ge [sflag:s1], $0x4000  }
0x1d4: {  	[sflag:s1] =	ssyncset.done $0x0  }
0x1d5: {  	s15 =	simm.s32 $0x80;
	[sflag:s1] =	ssyncadd.s32 $0xFFFFC000  }
0x1d6: {  	[spmem:s22] =	stream.indirect.scatter.add.f32 [tilespmem:s5], [sflag:$0x5], $0x80, s13, s15, $0xb8;
	[tilespmem:$0x1DC00] =	vst v63  }
0x1d7: {  	_ =	swait.ge [sflag:s3], $0x4000  }
0x1d8: {  	[sflag:s3] =	ssyncset.done $0x0  }
0x1d9: {  	[sflag:s3] =	ssyncadd.s32 $0xFFFFC000  }
0x1da: {  	_ =	swait.ge [sflag:s8], $0x4000  }
0x1db: {  	[sflag:s8] =	ssyncset.done $0x0  }
0x1dc: {  	[sflag:s8] =	ssyncadd.s32 $0xFFFFC000  }
0x1dd: {  	_ =	swait.ge [sflag:s11], $0x800  }
0x1de: {  	[sflag:s11] =	ssyncset.done $0x0  }
0x1df: {  	[sflag:s11] =	ssyncadd.s32 $0xFFFFF800  }
0x1e0: {  	_ =	swait.ge [sflag:s11], $0x800  }
0x1e1: {  	[sflag:s11] =	ssyncset.done $0x0  }
0x1e2: {  	s16 =	simm.s32 $0x0;
	s17 =	rddreg [dreg:$0x12];
	[sflag:s11] =	ssyncadd.s32 $0xFFFFF800  }
0x1e3: {  	[tilespmem:s9], [sflag:$0x1] =	stream.linear.gather [hbm4b:s17+s16], $0x800, $0x38;
	[tilespmem:$0x1DC00] =	vst v63  }
.Ltmp59:
0x1e4: {  	_ = 	snop;
	(pc) =	sbr.rel .LBB2_57-.Ltmp59, $4  }
0x1e5: {  	s18 =	rddreg [dreg:$0x13]  }
0x1e6: {  	[tilespmem:s10], [sflag:$0x1] =	stream.linear.gather [hbm4b:s18+s16], $0x800, $0x38;
	[tilespmem:$0x1DC00] =	vst v63  }
0x1e7: {  	s17 =	simm.s32 $0x1000  }
0x1e8: {  	[tilespmem:s19], [sflag:$0x2] =	stream.indirect.gather [hbm4b:s0+s15], $0x80, s16, s15, $0xb8;
	[tilespmem:$0x1DC00] =	vst v63  }
.LBB2_61:
0x1e9: {  	[spmem:s22] =	stream.indirect.scatter.add.f32 [tilespmem:s19], [sflag:$0x4], $0x80, s7, s4, $0xb8;
	[tilespmem:$0x1DC00] =	vst v63  }
.LBB2_63:
0x1ea: {  	_ =	swait.ge [sflag:s1], $0x4000  }
0x1eb: {  	[sflag:s1] =	ssyncset.done $0x0  }
0x1ec: {  	[sflag:s1] =	ssyncadd.s32 $0xFFFFC000  }
0x1ed: {  	_ =	swait.ge [sflag:s3], $0x4000  }
0x1ee: {  	[sflag:s3] =	ssyncset.done $0x0  }
0x1ef: {  	[sflag:s3] =	ssyncadd.s32 $0xFFFFC000  }
0x1f0: {  	[tilespmem:s19], [sflag:$0x2] =	stream.indirect.gather [hbm4b:s0+s4], $0x80, s15, s4, $0xb8;
	[tilespmem:$0x1DC00] =	vst v63  }
0x1f1: {  	_ = 	snop  }
0x1f2: {  	[spmem:s22] =	stream.indirect.scatter.add.f32 [tilespmem:s5], [sflag:$0x5], $0x80, s17, s4, $0xb8;
	[tilespmem:$0x1DC00] =	vst v63  }
.LBB2_64:
0x1f3: {  	s16 =	sadd.s32 $0x1, s16  }
0x1f4: {  	p1 =	sne.s32 s16, $0xF  }
.Ltmp60:
0x1f5: {  	_ = 	snop;
	(pc) =	sbr.rel @!p1 .LBB2_65-.Ltmp60, $2  }
0x1f6: {  	_ =	sdelay $0x2  }
0x1f7: {  	s17 =	sadd.s32 $0x80, s17;
	s15 =	sadd.s32 $0x80, s15  }
.LBB2_57:
0x1f8: {  	s18 =	sand.u32 $0x1, s16  }
0x1f9: {  	p1 =	seq.s32 s18, $0x1  }
.Ltmp61:
0x1fa: {  	_ = 	snop;
	(pc) =	sbr.rel @p1 .LBB2_63-.Ltmp61, $1  }
0x1fb: {  	_ =	sdelay $0x3  }
0x1fc: {  	p1 =	seq.s32 s16, $0xF  }
.Ltmp62:
0x1fd: {  	_ = 	snop;
	(pc) =	sbr.rel @p1 .LBB2_61-.Ltmp62, $4  }
0x1fe: {  	_ = 	snop  }
0x1ff: {  	_ =	swait.ge [sflag:s6], $0x4000  }
0x200: {  	[sflag:s6] =	ssyncset.done $0x0  }
0x201: {  	[sflag:s6] =	ssyncadd.s32 $0xFFFFC000  }
0x202: {  	p1 =	sne.s32 s16, $0x0  }
.Ltmp63:
0x203: {  	_ = 	snop;
	(pc) =	sbr.rel @p1 .LBB2_62-.Ltmp63, $1  }
0x204: {  	_ =	sdelay $0x3  }
.Ltmp64:
0x205: {  	(pc) =	sbr.rel .LBB2_64-.Ltmp64, $4  }
0x206: {  	_ = 	snop  }
0x207: {  	[tilespmem:s5], [sflag:$0x3] =	stream.indirect.gather [hbm4b:s0+s4], $0x80, s15, s4, $0xb8;
	[tilespmem:$0x1DC00] =	vst v63  }
0x208: {  	_ = 	snop  }
0x209: {  	[spmem:s22] =	stream.indirect.scatter.add.f32 [tilespmem:s19], [sflag:$0x4], $0x80, s17, s4, $0xb8;
	[tilespmem:$0x1DC00] =	vst v63  }
.LBB2_62:
0x20a: {  	_ =	swait.ge [sflag:s8], $0x4000;
	p1 =	seq.s32 s18, $0x0  }
.Ltmp65:
0x20b: {  	[sflag:s8] =	ssyncset.done $0x0;
	(pc) =	sbr.rel @p1 .LBB2_64-.Ltmp65, $4  }
.Ltmp66:
0x20c: {  	[sflag:s8] =	ssyncadd.s32 $0xFFFFC000;
	(pc) =	sbr.rel @!p1 .LBB2_63-.Ltmp66, $4  }
0x20d: {  	[tilespmem:s5], [sflag:$0x3] =	stream.indirect.gather [hbm4b:s0+s4], $0x80, s15, s4, $0xb8;
	[tilespmem:$0x1DC00] =	vst v63  }
0x20e: {  	_ = 	snop  }
0x20f: {  	[spmem:s22] =	stream.indirect.scatter.add.f32 [tilespmem:s19], [sflag:$0x4], $0x80, s17, s4, $0xb8;
	[tilespmem:$0x1DC00] =	vst v63  }
0x210: {  	_ = 	snop  }
.LBB2_65:
0x211: {  	_ =	swait.ge [sflag:s1], $0x4000  }
0x212: {  	[sflag:s1] =	ssyncset.done $0x0  }
0x213: {  	[sflag:s1] =	ssyncadd.s32 $0xFFFFC000  }
0x214: {  	[spmem:s22] =	stream.indirect.scatter.add.f32 [tilespmem:s5], [sflag:$0x5], $0x80, s7, s4, $0xb8;
	[tilespmem:$0x1DC00] =	vst v63  }
0x215: {  	_ =	swait.ge [sflag:s3], $0x4000  }
0x216: {  	[sflag:s3] =	ssyncset.done $0x0  }
0x217: {  	[sflag:s3] =	ssyncadd.s32 $0xFFFFC000  }
0x218: {  	_ =	swait.ge [sflag:s8], $0x4000  }
0x219: {  	[sflag:s8] =	ssyncset.done $0x0  }
0x21a: {  	[sflag:s8] =	ssyncadd.s32 $0xFFFFC000  }
0x21b: {  	_ =	swait.ge [sflag:s11], $0x800  }
0x21c: {  	[sflag:s11] =	ssyncset.done $0x0  }
0x21d: {  	[sflag:s11] =	ssyncadd.s32 $0xFFFFF800  }
0x21e: {  	_ =	swait.ge [sflag:s11], $0x800  }
0x21f: {  	[sflag:s11] =	ssyncset.done $0x0  }
0x220: {  	s15 =	simm.s32 $0x0;
	[sflag:s11] =	ssyncadd.s32 $0xFFFFF800  }
0x221: {  	[tilespmem:s15], [sflag:$0x1] =	stream.linear.gather [hbm4b:s20+s15], $0x800, $0x38;
	[tilespmem:$0x1DC00] =	vst v63  }
.Ltmp67:
0x222: {  	_ = 	snop;
	(pc) =	sbr.rel .LBB2_66-.Ltmp67, $4  }
0x223: {  	_ = 	snop  }
0x224: {  	[tilespmem:s12], [sflag:$0x1] =	stream.linear.gather [hbm4b:s21+s15], $0x800, $0x38;
	[tilespmem:$0x1DC00] =	vst v63  }
0x225: {  	s16 =	simm.s32 $0x1800;
	s17 =	simm.s32 $0x880  }
0x226: {  	[tilespmem:s19], [sflag:$0x2] =	stream.indirect.gather [hbm4b:s0+s4], $0x80, s9, s4, $0xb8;
	[tilespmem:$0x1DC00] =	vst v63  }
.LBB2_70:
0x227: {  	[spmem:s22] =	stream.indirect.scatter.add.f32 [tilespmem:s19], [sflag:$0x4], $0x80, s13, s4, $0xb8;
	[tilespmem:$0x1DC00] =	vst v63  }
.LBB2_72:
0x228: {  	_ =	swait.ge [sflag:s1], $0x4000  }
0x229: {  	[sflag:s1] =	ssyncset.done $0x0  }
0x22a: {  	[sflag:s1] =	ssyncadd.s32 $0xFFFFC000  }
0x22b: {  	_ =	swait.ge [sflag:s3], $0x4000  }
0x22c: {  	[sflag:s3] =	ssyncset.done $0x0  }
0x22d: {  	[sflag:s3] =	ssyncadd.s32 $0xFFFFC000  }
0x22e: {  	[tilespmem:s19], [sflag:$0x2] =	stream.indirect.gather [hbm4b:s0+s4], $0x80, s17, s4, $0xb8;
	[tilespmem:$0x1DC00] =	vst v63  }
0x22f: {  	_ = 	snop  }
0x230: {  	[spmem:s22] =	stream.indirect.scatter.add.f32 [tilespmem:s5], [sflag:$0x5], $0x80, s16, s4, $0xb8;
	[tilespmem:$0x1DC00] =	vst v63  }
.LBB2_73:
0x231: {  	s15 =	sadd.s32 $0x1, s15  }
0x232: {  	p1 =	sne.s32 s15, $0xF  }
.Ltmp68:
0x233: {  	_ = 	snop;
	(pc) =	sbr.rel @!p1 .LBB2_74-.Ltmp68, $2  }
0x234: {  	_ =	sdelay $0x2  }
0x235: {  	s16 =	sadd.s32 $0x80, s16;
	s17 =	sadd.s32 $0x80, s17  }
.LBB2_66:
0x236: {  	s18 =	sand.u32 $0x1, s15  }
0x237: {  	p1 =	seq.s32 s18, $0x1  }
.Ltmp69:
0x238: {  	_ = 	snop;
	(pc) =	sbr.rel @p1 .LBB2_72-.Ltmp69, $1  }
0x239: {  	_ =	sdelay $0x3  }
0x23a: {  	p1 =	seq.s32 s15, $0xF  }
.Ltmp70:
0x23b: {  	_ = 	snop;
	(pc) =	sbr.rel @p1 .LBB2_70-.Ltmp70, $4  }
0x23c: {  	_ = 	snop  }
0x23d: {  	_ =	swait.ge [sflag:s6], $0x4000  }
0x23e: {  	[sflag:s6] =	ssyncset.done $0x0  }
0x23f: {  	[sflag:s6] =	ssyncadd.s32 $0xFFFFC000  }
0x240: {  	p1 =	sne.s32 s15, $0x0  }
.Ltmp71:
0x241: {  	_ = 	snop;
	(pc) =	sbr.rel @p1 .LBB2_71-.Ltmp71, $1  }
0x242: {  	_ =	sdelay $0x3  }
.Ltmp72:
0x243: {  	(pc) =	sbr.rel .LBB2_73-.Ltmp72, $4  }
0x244: {  	_ = 	snop  }
0x245: {  	[tilespmem:s5], [sflag:$0x3] =	stream.indirect.gather [hbm4b:s0+s4], $0x80, s17, s4, $0xb8;
	[tilespmem:$0x1DC00] =	vst v63  }
0x246: {  	_ = 	snop  }
0x247: {  	[spmem:s22] =	stream.indirect.scatter.add.f32 [tilespmem:s19], [sflag:$0x4], $0x80, s16, s4, $0xb8;
	[tilespmem:$0x1DC00] =	vst v63  }
.LBB2_71:
0x248: {  	_ =	swait.ge [sflag:s8], $0x4000;
	p1 =	seq.s32 s18, $0x0  }
.Ltmp73:
0x249: {  	[sflag:s8] =	ssyncset.done $0x0;
	(pc) =	sbr.rel @p1 .LBB2_73-.Ltmp73, $4  }
.Ltmp74:
0x24a: {  	[sflag:s8] =	ssyncadd.s32 $0xFFFFC000;
	(pc) =	sbr.rel @!p1 .LBB2_72-.Ltmp74, $4  }
0x24b: {  	[tilespmem:s5], [sflag:$0x3] =	stream.indirect.gather [hbm4b:s0+s4], $0x80, s17, s4, $0xb8;
	[tilespmem:$0x1DC00] =	vst v63  }
0x24c: {  	_ = 	snop  }
0x24d: {  	[spmem:s22] =	stream.indirect.scatter.add.f32 [tilespmem:s19], [sflag:$0x4], $0x80, s16, s4, $0xb8;
	[tilespmem:$0x1DC00] =	vst v63  }
0x24e: {  	_ = 	snop  }
.LBB2_74:
0x24f: {  	_ =	swait.ge [sflag:s1], $0x4000  }
0x250: {  	[sflag:s1] =	ssyncset.done $0x0  }
0x251: {  	s15 =	simm.s32 $0x80;
	[sflag:s1] =	ssyncadd.s32 $0xFFFFC000  }
0x252: {  	[spmem:s22] =	stream.indirect.scatter.add.f32 [tilespmem:s5], [sflag:$0x5], $0x80, s13, s15, $0xb8;
	[tilespmem:$0x1DC00] =	vst v63  }
0x253: {  	_ =	swait.ge [sflag:s3], $0x4000  }
0x254: {  	[sflag:s3] =	ssyncset.done $0x0  }
0x255: {  	[sflag:s3] =	ssyncadd.s32 $0xFFFFC000  }
0x256: {  	_ =	swait.ge [sflag:s8], $0x4000  }
0x257: {  	[sflag:s8] =	ssyncset.done $0x0  }
0x258: {  	[sflag:s8] =	ssyncadd.s32 $0xFFFFC000  }
0x259: {  	_ =	swait.ge [sflag:s11], $0x800  }
0x25a: {  	[sflag:s11] =	ssyncset.done $0x0  }
.Ltmp75:
0x25b: {  	[sflag:s11] =	ssyncadd.s32 $0xFFFFF800;
	(pc) =	sbr.rel .LBB2_75-.Ltmp75, $4  }
0x25c: {  	_ =	swait.ge [sflag:s11], $0x800  }
0x25d: {  	[sflag:s11] =	ssyncset.done $0x0  }
0x25e: {  	s16 =	simm.s32 $0x0;
	s17 =	simm.s32 $0x1000;
	[sflag:s11] =	ssyncadd.s32 $0xFFFFF800  }
0x25f: {  	[tilespmem:s19], [sflag:$0x2] =	stream.indirect.gather [hbm4b:s0+s15], $0x80, s16, s15, $0xb8;
	[tilespmem:$0x1DC00] =	vst v63  }
.LBB2_79:
0x260: {  	[spmem:s22] =	stream.indirect.scatter.add.f32 [tilespmem:s19], [sflag:$0x4], $0x80, s7, s4, $0xb8;
	[tilespmem:$0x1DC00] =	vst v63  }
.LBB2_81:
0x261: {  	_ =	swait.ge [sflag:s1], $0x4000  }
0x262: {  	[sflag:s1] =	ssyncset.done $0x0  }
0x263: {  	[sflag:s1] =	ssyncadd.s32 $0xFFFFC000  }
0x264: {  	_ =	swait.ge [sflag:s3], $0x4000  }
0x265: {  	[sflag:s3] =	ssyncset.done $0x0  }
0x266: {  	[sflag:s3] =	ssyncadd.s32 $0xFFFFC000  }
0x267: {  	[tilespmem:s19], [sflag:$0x2] =	stream.indirect.gather [hbm4b:s0+s4], $0x80, s15, s4, $0xb8;
	[tilespmem:$0x1DC00] =	vst v63  }
0x268: {  	_ = 	snop  }
0x269: {  	[spmem:s22] =	stream.indirect.scatter.add.f32 [tilespmem:s5], [sflag:$0x5], $0x80, s17, s4, $0xb8;
	[tilespmem:$0x1DC00] =	vst v63  }
.LBB2_82:
0x26a: {  	s16 =	sadd.s32 $0x1, s16  }
0x26b: {  	p1 =	seq.s32 s16, $0xF  }
.Ltmp76:
0x26c: {  	_ = 	snop;
	(pc) =	sbr.rel @p1 .LBB2_92-.Ltmp76, $2  }
0x26d: {  	_ =	sdelay $0x2  }
0x26e: {  	s17 =	sadd.s32 $0x80, s17;
	s15 =	sadd.s32 $0x80, s15  }
.LBB2_75:
0x26f: {  	s18 =	sand.u32 $0x1, s16  }
0x270: {  	p1 =	seq.s32 s18, $0x1  }
.Ltmp77:
0x271: {  	_ = 	snop;
	(pc) =	sbr.rel @p1 .LBB2_81-.Ltmp77, $1  }
0x272: {  	_ =	sdelay $0x3  }
0x273: {  	p1 =	seq.s32 s16, $0xF  }
.Ltmp78:
0x274: {  	_ = 	snop;
	(pc) =	sbr.rel @p1 .LBB2_79-.Ltmp78, $4  }
0x275: {  	_ = 	snop  }
0x276: {  	_ =	swait.ge [sflag:s6], $0x4000  }
0x277: {  	[sflag:s6] =	ssyncset.done $0x0  }
0x278: {  	[sflag:s6] =	ssyncadd.s32 $0xFFFFC000  }
0x279: {  	p1 =	sne.s32 s16, $0x0  }
.Ltmp79:
0x27a: {  	_ = 	snop;
	(pc) =	sbr.rel @p1 .LBB2_80-.Ltmp79, $1  }
0x27b: {  	_ =	sdelay $0x3  }
.Ltmp80:
0x27c: {  	(pc) =	sbr.rel .LBB2_82-.Ltmp80, $4  }
0x27d: {  	_ = 	snop  }
0x27e: {  	[tilespmem:s5], [sflag:$0x3] =	stream.indirect.gather [hbm4b:s0+s4], $0x80, s15, s4, $0xb8;
	[tilespmem:$0x1DC00] =	vst v63  }
0x27f: {  	_ = 	snop  }
0x280: {  	[spmem:s22] =	stream.indirect.scatter.add.f32 [tilespmem:s19], [sflag:$0x4], $0x80, s17, s4, $0xb8;
	[tilespmem:$0x1DC00] =	vst v63  }
.LBB2_80:
0x281: {  	_ =	swait.ge [sflag:s8], $0x4000;
	p1 =	seq.s32 s18, $0x0  }
.Ltmp81:
0x282: {  	[sflag:s8] =	ssyncset.done $0x0;
	(pc) =	sbr.rel @p1 .LBB2_82-.Ltmp81, $4  }
.Ltmp82:
0x283: {  	[sflag:s8] =	ssyncadd.s32 $0xFFFFC000;
	(pc) =	sbr.rel @!p1 .LBB2_81-.Ltmp82, $4  }
0x284: {  	[tilespmem:s5], [sflag:$0x3] =	stream.indirect.gather [hbm4b:s0+s4], $0x80, s15, s4, $0xb8;
	[tilespmem:$0x1DC00] =	vst v63  }
0x285: {  	_ = 	snop  }
0x286: {  	[spmem:s22] =	stream.indirect.scatter.add.f32 [tilespmem:s19], [sflag:$0x4], $0x80, s17, s4, $0xb8;
	[tilespmem:$0x1DC00] =	vst v63  }
0x287: {  	_ = 	snop  }
.LBB2_93:
0x288: {  	_ =	sfence.sel $0x180000  }
0x289: {  	[bflag:$0x0] =	sbarrier.arrive $0xFFFF  }
0x28a: {  	_ =	strace $0x9000004D  }
0x28b: {  	s0 =	stileid.u32;
	[bflag:$0x2] =	sbarrier.arrive $0xFFFF  }
0x28c: {  	p0 =	sne.s32 s0, $0x0;
	s0 =	rddreg [dreg:$0x3]  }
0x28d: {  	s0 =	sadd.s32 @!p0 $0x100000, s0  }
0x28e: {  	[sflag:s0] =	ssyncadd.tile.s32 @!p0 $0x1;
	_ =	shalt  }
.Lfunc_end2:
_tile_overlayer_lowered:
.L_overlay_start_2:
0x28f: {  	(tag) =	ssettag $0x2  }
0x290: {  	s0 =	rddreg [dreg:$0x0];
	s2 =	stileid.u32  }
0x291: {  	s1 =	rddreg [dreg:$0x1];
	p0 =	sne.s32 s2, $0x0  }
0x292: {  	s3 =	rddreg [dreg:$0x2];
	[bflag:$0x3] =	sbarrier.arrive $0xFFFF;
	s2 =	simm.s32 @!p0 $0x1C06  }
0x293: {  	[timem:s3], [sflag:s2] =	dma.local @!p0 [hbm:s0], s1  }
0x294: {  	s0 =	simm.s32 @!p0 $0x6  }
0x295: {  	_ =	swait.ge @!p0 [sflag:s0], s1  }
0x296: {  	s1 =	ssub.s32 @!p0 $0x0, s1;
	[sflag:s0] =	ssyncset.done @!p0 $0x0  }
0x297: {  	[sflag:s0] =	ssyncadd.s32 @!p0 s1  }
0x298: {  	[bflag:$0x3] =	sbarrier.arrive $0xFFFF  }
0x299: {  	_ =	shalt  }

// kernel: kernel.8.cloned.1.call-start
scs
__scs_entry_jumppad:
0x0: {  	(pc) =	sbr.rel $0x88, $3  }
0x1: {  	(tag) =	ssettag $0x0;
	lr =	simm.s32 $0x1  }
0x2: {  	[smem:$0x3F9B] =	sst lr;
	_ =	strace $0xD0000000  }
0x3: {  	_ = 	snop  }
0x4: {  	_ = 	snop  }
0x5: {  	_ = 	snop  }
0x6: {  	_ = 	snop  }
0x7: {  	_ = 	snop  }
__scs_overlays_trampoline_lowered:
0x8: {  	[smem:$0x3FAA] =	sst s0  }
0x9: {  	[smem:$0x3FAB] =	sst s1  }
0xa: {  	[smem:$0x3FAC] =	sst s2  }
0xb: {  	[smem:$0x3FAD] =	sst s3  }
0xc: {  	[smem:$0x3FAE] =	sst s4  }
0xd: {  	[smem:$0x3FAF] =	sst s5  }
0xe: {  	[smem:$0x3FB0] =	sst s6  }
0xf: {  	[smem:$0x3FB1] =	sst s7  }
0x10: {  	[smem:$0x3FB2] =	sst s8  }
0x11: {  	[smem:$0x3FB3] =	sst s9;
	s0 =	simm.s32 @!p0 $0x0  }
0x12: {  	s1 =	sld [smem:$0x3F99];
	s0 =	simm.s32 @p0 $0x1  }
0x13: {  	[smem:$0x3FB4] =	sst s0;
	s0 =	simm.s32 @!p1 $0x0  }
0x14: {  	s2 =	sld [smem:$0x3F98];
	s0 =	simm.s32 @p1 $0x1  }
0x15: {  	[smem:$0x3FB5] =	sst s0;
	s0 =	simm.s32 @!p2 $0x0  }
0x16: {  	s3 =	sld [smem:$0x3FDB];
	s0 =	simm.s32 @p2 $0x1  }
0x17: {  	s4 =	simm.s32 $0x1BF5;
	[smem:$0x3FB7] =	sst s0  }
0x18: {  	s0 =	sld [smem:$0x3F9A];
	_ =	swait.ge [sflag:s4], $0x0  }
0x19: {  	s7 =	sld [smem:$0x3F9B]  }
0x1a: {  	s8 =	sadd.s32 $0xFFFFE003, lr  }
0x1b: {  	s9 =	sadd.s32 $0xFFFFFEF7, lr;
	s5 =	simm.s32 $0xFFFFFFFF;
	p2 =	slt.u32 s8, $0xFFFFF086  }
0x1c: {  	p1 =	slt.u32 s9, $0xF7A;
	s5 =	simm.s32 @!p2 $0x0  }
0x1d: {  	s5 =	simm.s32 @p1 $0x1;
	p0 =	seq.s32 s7, s2  }
0x1e: {  	s7 =	smul.u32 @!p0 $0xF7A, s2;
	p2 =	seq.s32 @!p0 s5, $0x0  }
0x1f: {  	s9 =	smul.u32 $0xF7A, s1;
	s8 =	simm.s32 @!p0 $0x1BF5;
	p2 =	por !p2, p0  }
0x20: {  	[sflag:s8] =	ssyncset.s32 @!p0 $0xFFFFF086;
	s6 =	sadd.s32 @!p0 s3, s7;
	s7 =	simm.s32 @!p0 $0x108  }
0x21: {  	s3 =	sadd.s32 s3, s9;
	s6 =	sadd.s32 @!p0 $0x88, s6;
	s7 =	simm.s32 @p2 $0x1082  }
0x22: {  	[simem:s7], [sflag:s8] =	dma.local @!p0 [hbm:s6], $0xF7A  }
0x23: {  	s9 =	sor.u32 $0xD0000000, s2;
	s6 =	simm.s32 $0x108;
	_ =	swait.ge @!p0 [sflag:s8], $0x0  }
0x24: {  	s3 =	sadd.s32 $0x88, s3;
	s6 =	simm.s32 @!p1 $0x1082;
	[sflag:s4] =	ssyncset.s32 $0xFFFFF086  }
0x25: {  	[simem:s6], [sflag:s4] =	dma.local [hbm:s3], $0xF7A  }
0x26: {  	[smem:$0x3F9B] =	sst s1;
	(tag) =	ssettag s2;
	_ =	strace s9  }
0x27: {  	s1 =	sld [smem:$0x3FAB]  }
0x28: {  	s2 =	sld [smem:$0x3FAC]  }
0x29: {  	s4 =	sld [smem:$0x3FAE]  }
0x2a: {  	p0 =	seq.s32 s5, $0x0;
	s5 =	sld [smem:$0x3FAF]  }
0x2b: {  	s6 =	sld [smem:$0x3FB0]  }
0x2c: {  	s7 =	sld [smem:$0x3FB1]  }
0x2d: {  	s3 =	simm.s32 $0x108;
	s8 =	sld [smem:$0x3FB2]  }
0x2e: {  	s3 =	simm.s32 @!p0 $0x1082;
	s9 =	sld [smem:$0x3FB3]  }
0x2f: {  	lr =	sadd.s32 s0, s3;
	s0 =	sld [smem:$0x3FAA]  }
0x30: {  	s3 =	sld [smem:$0x3FAD]  }
0x31: {  	[smem:$0x3FB6] =	sst s10  }
0x32: {  	s10 =	sld [smem:$0x3FB4];
	_ =	sdelay $0x3  }
0x33: {  	p0 =	seq.s32 s10, $0x1;
	s10 =	sld [smem:$0x3FB6];
	_ =	sdelay $0x3  }
0x34: {  	[smem:$0x3FB6] =	sst s10  }
0x35: {  	s10 =	sld [smem:$0x3FB5];
	_ =	sdelay $0x3  }
0x36: {  	p1 =	seq.s32 s10, $0x1;
	s10 =	sld [smem:$0x3FB6];
	_ =	sdelay $0x3  }
0x37: {  	[smem:$0x3FB6] =	sst s10  }
0x38: {  	s10 =	sld [smem:$0x3FB7]  }
0x39: {  	_ = 	snop;
	(pc) =	sbr.ind lr, $3  }
0x3a: {  	_ = 	snop  }
0x3b: {  	_ = 	snop  }
0x3c: {  	p2 =	seq.s32 s10, $0x1;
	s10 =	sld [smem:$0x3FB6]  }
0x3d: {  	_ =	shalt  }
0x3e: {  	_ =	shalt  }
0x3f: {  	_ =	shalt  }
0x40: {  	_ =	shalt  }
0x41: {  	_ =	shalt  }
0x42: {  	_ =	shalt  }
0x43: {  	_ =	shalt  }
0x44: {  	_ =	shalt  }
0x45: {  	_ =	shalt  }
0x46: {  	_ =	shalt  }
0x47: {  	_ =	shalt  }
0x48: {  	_ =	shalt  }
0x49: {  	_ =	shalt  }
0x4a: {  	_ =	shalt  }
0x4b: {  	_ =	shalt  }
0x4c: {  	_ =	shalt  }
0x4d: {  	_ =	shalt  }
0x4e: {  	_ =	shalt  }
0x4f: {  	_ =	shalt  }
0x50: {  	_ =	shalt  }
0x51: {  	_ =	shalt  }
0x52: {  	_ =	shalt  }
0x53: {  	_ =	shalt  }
0x54: {  	_ =	shalt  }
0x55: {  	_ =	shalt  }
0x56: {  	_ =	shalt  }
0x57: {  	_ =	shalt  }
0x58: {  	_ =	shalt  }
0x59: {  	_ =	shalt  }
0x5a: {  	_ =	shalt  }
0x5b: {  	_ =	shalt  }
0x5c: {  	_ =	shalt  }
0x5d: {  	_ =	shalt  }
0x5e: {  	_ =	shalt  }
0x5f: {  	_ =	shalt  }
0x60: {  	_ =	shalt  }
0x61: {  	_ =	shalt  }
0x62: {  	_ =	shalt  }
0x63: {  	_ =	shalt  }
0x64: {  	_ =	shalt  }
0x65: {  	_ =	shalt  }
0x66: {  	_ =	shalt  }
0x67: {  	_ =	shalt  }
0x68: {  	_ =	shalt  }
0x69: {  	_ =	shalt  }
0x6a: {  	_ =	shalt  }
0x6b: {  	_ =	shalt  }
0x6c: {  	_ =	shalt  }
0x6d: {  	_ =	shalt  }
0x6e: {  	_ =	shalt  }
0x6f: {  	_ =	shalt  }
0x70: {  	_ =	shalt  }
0x71: {  	_ =	shalt  }
0x72: {  	_ =	shalt  }
0x73: {  	_ =	shalt  }
0x74: {  	_ =	shalt  }
0x75: {  	_ =	shalt  }
0x76: {  	_ =	shalt  }
0x77: {  	_ =	shalt  }
0x78: {  	_ =	shalt  }
0x79: {  	_ =	shalt  }
0x7a: {  	_ =	shalt  }
0x7b: {  	_ =	shalt  }
0x7c: {  	_ =	shalt  }
0x7d: {  	_ =	shalt  }
0x7e: {  	_ =	shalt  }
0x7f: {  	_ =	shalt  }
0x80: {  	_ =	shalt  }
0x81: {  	_ =	shalt  }
0x82: {  	_ =	shalt  }
0x83: {  	_ =	shalt  }
0x84: {  	_ =	shalt  }
0x85: {  	_ =	shalt  }
0x86: {  	_ =	shalt  }
0x87: {  	_ =	shalt  }
.Lfunc_end0:
.L_simem_size_0:
called_computation_lowered:
.L_overlay_start_0:
0x88: {  	s2 =	sld [smem:$0x3FD9]  }
0x89: {  	s3 =	sld [smem:$0x3FFE];
	_ =	sdelay $0x1  }
0x8a: {  	s1 =	srdreg.scid  }
0x8b: {  	s0 =	sand.u32 $0x1, s1  }
0x8c: {  	s17 =	sshll.u32 s0, $0xA;
	s2 =	sadd.s32 s3, s2  }
0x8d: {  	s2 =	sadd.s32 s2, s17  }
0x8e: {  	[smem:$0x3FC2] =	sst s2  }
0x8f: {  	_ = 	snop  }
0x90: {  	s2 =	sld [smem:$0x3FD0];
	(tm) =	ssettm $0x1  }
0x91: {  	s18 =	sld [smem:$0x3FFB];
	_ =	sdelay $0x3  }
0x92: {  	_ =	strace s18  }
0x93: {  	s3 =	sld [smem:$0x3FFC];
	_ =	sdelay $0x3  }
0x94: {  	_ =	strace s3  }
0x95: {  	s3 =	sld [smem:$0x3FFD];
	_ =	sdelay $0x3  }
0x96: {  	_ =	strace s3  }
0x97: {  	_ =	strace $0x8FFFFFFF  }
0x98: {  	s19 =	sld [smem:$0x3FDB];
	_ =	sdelay $0x1  }
0x99: {  	s4 =	simm.s32 $_scs_section_size  }
0x9a: {  	s5 =	simm.s32 $_size__tile_overlayer_lowered;
	s6 =	simm.s32 $_tile_overlayer_lowered  }
0x9b: {  	s22 =	simm.s32 $0x1BFF;
	s21 =	sshll.u32 s6, $0x1;
	s3 =	sadd.s32 s4, s19  }
0x9c: {  	s7 =	simm.s32 $0x0;
	s20 =	sshll.u32 s5, $0x1;
	s5 =	sadd.s32 s21, s3  }
0x9d: {  	[timem:s7], [sflag:s22] =	dma.local [hbm:s5], s20  }
0x9e: {  	_ =	swait.ge [sflag:s22], s20  }
0x9f: {  	s4 =	ssub.s32 $0x0, s20;
	[sflag:s22] =	ssyncset.done $0x0  }
0xa0: {  	[sflag:s22] =	ssyncadd.s32 s4;
	_ =	sdelay $0x1  }
0xa1: {  	s23 =	simm.s32 $0x1B8B  }
0xa2: {  	_ =	swait.ge [sflag:s23], $0x1  }
0xa3: {  	[sflag:s23] =	ssyncset.done $0x0  }
0xa4: {  	s25 =	simm.s32 $0x1B8E;
	s24 =	sld [smem:$0x3FFE];
	[sflag:s23] =	ssyncadd.s32 $0xFFFFFFFF  }
0xa5: {  	s26 =	simm.s32 $execute0_lowered;
	[smem:$0x3FD2] =	sst s25  }
0xa6: {  	s5 =	sshll.u32 s26, $0x1;
	_ =	strace $0x80000046;
	[dreg:$0x1] =	wrdreg $0xFFFFFFFF  }
0xa7: {  	s28 =	simm.s32 $_size_execute0_lowered;
	s3 =	sadd.s32 s3, s5;
	[dreg:$0x0] =	wrdreg $0x0  }
0xa8: {  	s5 =	sshll.u32 s28, $0x1;
	[dreg:$0x2] =	wrdreg s3  }
0xa9: {  	[dreg:$0x3] =	wrdreg s5  }
0xaa: {  	[dreg:$0x4] =	wrdreg $0xC0  }
0xab: {  	_ =	task [dreg:s7], $0x5FFFF  }
0xac: {  	[dreg:$0x1] =	wrdreg $0xFFFFFFFF  }
0xad: {  	[dreg:$0x0] =	wrdreg $0x60  }
0xae: {  	[dreg:$0x2] =	wrdreg s24  }
0xaf: {  	[dreg:$0x3] =	wrdreg s2  }
0xb0: {  	[dreg:$0x4] =	wrdreg $0x68000  }
0xb1: {  	[dreg:$0x5] =	wrdreg $0x9  }
0xb2: {  	_ =	task.clear_ibuf [dreg:s7], $0x6FFFF;
	_ =	strace $0x90000046  }
0xb3: {  	s29 =	simm.s32 $0x9;
	_ =	strace $0x80000048  }
0xb4: {  	_ =	swait.ge [sflag:s29], $0x1  }
0xb5: {  	[sflag:s29] =	ssyncadd.s32 $0xFFFFFFFF  }
0xb6: {  	_ =	strace $0x90000048  }
0xb7: {  	_ =	sfence  }
0xb8: {  	s30 =	sld [smem:$0x0];
	_ =	sdelay $0x2  }
0xb9: {  	s31 =	sshll.u32 s1, $0xD;
	s1 =	sshrl.u32 s1, $0x2  }
0xba: {  	s3 =	sand.u32 $0x4000, s31;
	s1 =	sadd.s32 s1, s30  }
0xbb: {  	s0 =	sor.u32 s3, s0;
	s1 =	sshll.u32 s1, $0x11  }
0xbc: {  	s0 =	sor.u32 s1, s0  }
0xbd: {  	s0 =	sadd.s32 $0x8F2B, s0  }
0xbe: {  	[sflag:s0] =	ssyncadd.remote.s32 $0x1  }
0xbf: {  	_ =	sfence.sel $0xFFFF  }
0xc0: {  	[dreg:$0x0] =	wrdreg $0xFFFFFFFF;
	(pc) =	sbr.abs _section_cstart, $3  }
0xc1: {  	[dreg:$0x1] =	wrdreg $0xFFFFFFFF  }
0xc2: {  	_ =	task.clear_ibuf [dreg:s7], $0x2FFFF;
	_ =	strace $0x9FFFFFFF  }
0xc3: {  	(tm) =	ssettm $0x7FFFFFFF  }
tec
execute0_lowered:
.L_overlay_start_1:
0x0: {  	(tag) =	ssettag $0x1  }
0x1: {  	s7 =	rddreg [dreg:$0x0]  }
0x2: {  	s0 =	srdreg.scid;
	s2 =	rddreg [dreg:$0x1]  }
0x3: {  	s3 =	rddreg [dreg:$0x2];
	s4 =	simm.s32 $0x0;
	s6 =	sand.u32 $0x1, s0  }
0x4: {  	s13 =	simm.s32 $0x80;
	s0 =	stileid.u32;
	s8 =	smul.u32 $0x13C000, s6  }
0x5: {  	s14 =	simm.s32 $0x0;
	[smem:$0x7FF] =	sst s4;
	s9 =	smul.u32 $0x13C00, s0  }
0x6: {  	s1 =	sshll.u32 s6, $0x4;
	s29 =	smul.u32 $0x4F000, s0;
	s6 =	ssub.s32 $0x2, s6  }
0x7: {  	s31 =	sshll.u32 s0, $0x6;
	s1 =	sor.u32 s0, s1;
	s30 =	sshrl.u32 s6, $0x1  }
0x8: {  	s5 =	smul.u32 $0x500, s1;
	s1 =	rddreg [dreg:$0x3];
	_ =	strace $0x80000047  }
0x9: {  	s8 =	sadd.s32 s9, s8;
	s9 =	sshrl.u32 s29, $0x2;
	s11 =	ssub.s32 s6, s30  }
0xa: {  	s6 =	sor.u32 $0x1C01, s31;
	s8 =	sshrl.u32 s8, $0x3;
	s12 =	sadd.s32 s9, s3  }
0xb: {  	s9 =	smax.u32 s11, $0x1;
	s11 =	simm.s32 $0x1;
	s10 =	sadd.s32 s5, s7  }
0xc: {  	s5 =	sadd.s32 $0x16A00, s7;
	s8 =	sadd.s32 s8, s7;
	s7 =	sadd.s32 $0x2A00, s10  }
0xd: {  	s8 =	sadd.s32 $0x19200, s8;
	s10 =	sshrl.u32 s12, $0x3;
	s12 =	simm.s32 $0x2800  }
.LBB2_1:
0xe: {  	[spmem:s10], [sflag:s6] =	dma.local [hbm:s5], $0x2780  }
0xf: {  	_ =	swait.ge [sflag:s11], $0x2780  }
0x10: {  	[sflag:s11] =	ssyncset.done $0x0  }
0x11: {  	[sflag:s11] =	ssyncadd.s32 $0xFFFFD880  }
0x12: {  	[tilespmem:s12], [sflag:$0x1] =	stream.linear.gather [hbm4b:s2+s4], $0x4000, $0x38;
	[tilespmem:$0x1A400] =	vst v63  }
0x13: {  	_ =	swait.ge [sflag:s11], $0x4000  }
0x14: {  	[sflag:s11] =	ssyncset.done $0x0  }
0x15: {  	[sflag:s11] =	ssyncadd.s32 $0xFFFFC000  }
0x16: {  	[tilespmem:s4], [sflag:$0x1] =	stream.linear.gather [hbm4b:s7+s4], $0x2800, $0x38;
	[tilespmem:$0x1A400] =	vst v63  }
0x17: {  	_ =	swait.ge [sflag:s11], $0x2800  }
0x18: {  	[sflag:s11] =	ssyncset.done $0x0  }
0x19: {  	[sflag:s11] =	ssyncadd.s32 $0xFFFFD800  }
0x1a: {  	s15 =	simm.s32 $0x0;
	[bflag:$0x0] =	sbarrier.arrive $0xFFFF  }
0x1b: {  	[spmem:s3] =	stream.indirect.scatter.add.f32 [tilespmem:s12], [sflag:$0x1], $0x80, s15, s13, $0xb8;
	[tilespmem:$0x1A400] =	vst v63  }
0x1c: {  	_ =	swait.ge [sflag:s11], $0x4000  }
0x1d: {  	s15 =	simm.s32 $0x200;
	[sflag:s11] =	ssyncset.done $0x0  }
.LBB2_2:
0x1e: {  	s16 =	sshra.s32 s15, $0x2;
	[sflag:s11] =	ssyncadd.s32 $0xFFFFC000;
	p0 =	sne.s32 s15, $0x9E00  }
0x1f: {  	[spmem:s3] =	stream.indirect.scatter.add.f32 [tilespmem:s12], [sflag:$0x1], $0x80, s16, s13, $0xb8;
	[tilespmem:$0x1A400] =	vst v63  }
.Ltmp0:
0x20: {  	_ = 	snop;
	(pc) =	sbr.rel @p0 .LBB2_2-.Ltmp0, $4  }
0x21: {  	_ = 	snop  }
0x22: {  	s15 =	sadd.s32 $0x200, s15  }
0x23: {  	_ =	swait.ge [sflag:s11], $0x4000  }
0x24: {  	[sflag:s11] =	ssyncset.done $0x0  }
0x25: {  	s14 =	sadd.s32 $0x1, s14  }
0x26: {  	[sflag:s11] =	ssyncadd.s32 $0xFFFFC000;
	p0 =	sne.s32 s14, s9  }
.Ltmp1:
0x27: {  	[bflag:$0x0] =	sbarrier.arrive $0xFFFF;
	(pc) =	sbr.rel @p0 .LBB2_1-.Ltmp1, $4  }
0x28: {  	[hbm:s8], [sflag:s6] =	dma.local [spmem:s10], $0x2780  }
0x29: {  	_ =	swait.ge [sflag:s11], $0x2780  }
0x2a: {  	[sflag:s11] =	ssyncset.done $0x0  }
0x2b: {  	[sflag:s11] =	ssyncadd.s32 $0xFFFFD880  }
0x2c: {  	_ =	sfence.sel $0x180000  }
0x2d: {  	[bflag:$0x0] =	sbarrier.arrive $0xFFFF  }
0x2e: {  	p0 =	sne.s32 s0, $0x0;
	_ =	strace $0x90000047  }
0x2f: {  	s0 =	sadd.s32 @!p0 $0x100000, s1;
	[bflag:$0x2] =	sbarrier.arrive $0xFFFF  }
0x30: {  	[sflag:s0] =	ssyncadd.tile.s32 @!p0 $0x1;
	_ =	shalt  }
.Lfunc_end2:
_tile_overlayer_lowered:
.L_overlay_start_2:
0x31: {  	(tag) =	ssettag $0x2  }
0x32: {  	s0 =	rddreg [dreg:$0x0];
	s2 =	stileid.u32  }
0x33: {  	s1 =	rddreg [dreg:$0x1];
	p0 =	sne.s32 s2, $0x0  }
0x34: {  	s3 =	rddreg [dreg:$0x2];
	[bflag:$0x3] =	sbarrier.arrive $0xFFFF;
	s2 =	simm.s32 @!p0 $0x1C01  }
0x35: {  	[timem:s3], [sflag:s2] =	dma.local @!p0 [hbm:s0], s1  }
0x36: {  	s0 =	simm.s32 @!p0 $0x1  }
0x37: {  	_ =	swait.ge @!p0 [sflag:s0], s1  }
0x38: {  	s1 =	ssub.s32 @!p0 $0x0, s1;
	[sflag:s0] =	ssyncset.done @!p0 $0x0  }
0x39: {  	[sflag:s0] =	ssyncadd.s32 @!p0 s1  }
0x3a: {  	[bflag:$0x3] =	sbarrier.arrive $0xFFFF  }
0x3b: {  	_ =	shalt  }

</sc_bundles>
